<compile_context>
chip_gen: v7x
topology: tpu7x:2x2x1
jax: 0.10.2.dev20260603
libtpu: 0.0.44.dev20260713+nightly
codegen_flags: <defaults>
</compile_context>

<pallas_src>
import functools

import jax
import jax.numpy as jnp
from jax import lax
from jax.experimental import pallas as pl
from jax.experimental.pallas import tpu as pltpu
from jax.experimental.pallas import tpu_sc as plsc

_B, _C, _D = 16384, 26, 128
_NC, _NS = 2, 16
_NW = _NC * _NS
_RPW = _B // _NW
_NG = _RPW // 16
_K = 128
_CELL = _RPW + 16
_TRASH = _RPW + 32
_IDXN = _RPW + 48
_FULLN = _C * (_RPW + 16) + _K + 16


def _sc_body(x_hbm, mask_hbm, zrows_hbm, out_hbm,
             mask_v, idxt, idxf, fullt, fullf, bufa, bufb, bufc, zbuf,
             gsema, gsemb, gsemc, ssema, ssemb, ssemc, zsem, msem):
    wid = lax.axis_index("s") * _NC + lax.axis_index("c")
    base = wid * _RPW

    pltpu.make_async_copy(mask_hbm.at[pl.ds(base, _RPW)], mask_v, msem).start()
    pltpu.make_async_copy(zrows_hbm, zbuf, zsem).start()
    pltpu.make_async_copy(mask_hbm.at[pl.ds(base, _RPW)], mask_v, msem).wait()

    lanes = lax.iota(jnp.int32, 16)
    dnums = lax.GatherDimensionNumbers(
        offset_dims=(), collapsed_slice_dims=(0,), start_index_map=(0,))

    def _lane_gather(v, idx):
        return lax.gather(v, idx[:, None], dnums, slice_sizes=(1,),
                          mode=lax.GatherScatterMode.PROMISE_IN_BOUNDS)

    def _incl_cumsum(v):
        s = v
        for sh in (1, 2, 4, 8):
            g = _lane_gather(s, jnp.maximum(lanes - sh, 0))
            s = jnp.where(lanes >= sh, s + g, s)
        return s

    n_t = jnp.int32(0)
    n_f = jnp.int32(0)
    trash = lanes + _TRASH
    for g in range(_NG):
        mv = mask_v[pl.ds(g * 16, 16)]
        rows = lanes + (base + g * 16)
        m_i = jnp.where(mv != 0, 1, 0)
        incl = _incl_cumsum(m_i)
        pos_t = jnp.where(mv != 0, n_t + incl - 1, trash)
        pos_f = jnp.where(mv != 0, trash, n_f + lanes - incl)
        plsc.store_scatter(idxt, [pos_t], rows)
        plsc.store_scatter(idxf, [pos_f], rows)
        plsc.store_scatter(idxt, [jnp.where(mv != 0, _CELL, trash)], rows)
        plsc.store_scatter(idxf, [jnp.where(mv != 0, trash, _CELL)], rows)
        cnt = incl[15]
        n_t = n_t + cnt
        n_f = n_f + (16 - cnt)
    cell_t = jnp.full((16,), idxt[pl.ds(_CELL, 16)][0], jnp.int32)
    cell_f = jnp.full((16,), idxf[pl.ds(_CELL, 16)][0], jnp.int32)
    idxt[pl.ds(n_t, 16)] = cell_t
    idxf[pl.ds(n_f, 16)] = cell_f
    ntp = ((n_t + 15) >> 4) << 4
    nfp = ((n_f + 15) >> 4) << 4

    def _replicate(src, dst, npad):
        ngroups = npad >> 4

        def body(g, carry):
            v = src[pl.ds(g * 16, 16)]
            for c in range(_C):
                dst[pl.ds(c * npad + g * 16, 16)] = v + c * _B
            return carry

        lax.fori_loop(0, ngroups, body, jnp.int32(0))

    _replicate(idxt, fullt, ntp)
    _replicate(idxf, fullf, nfp)
    nft = _C * ntp
    nff = _C * nfp
    for j in range(_K // 16):
        fullt[pl.ds(nft + j * 16, 16)] = cell_t
        fullf[pl.ds(nff + j * 16, 16)] = cell_f

    ncht = (nft + (_K - 1)) // _K
    nchf = (nff + (_K - 1)) // _K

    pltpu.make_async_copy(zrows_hbm, zbuf, zsem).wait()
    pairs = jnp.maximum((ncht + 1) // 2, (nchf + 1) // 2)

    def pair_body(p, carry):
        c0 = 2 * p
        c1 = c0 + 1

        @pl.when(c0 < ncht)
        def _():
            pltpu.make_async_copy(
                x_hbm.at[fullt.at[pl.ds(c0 * _K, _K)]], bufa, gsema).start()

        @pl.when(c1 < ncht)
        def _():
            pltpu.make_async_copy(
                x_hbm.at[fullt.at[pl.ds(c1 * _K, _K)]], bufb, gsemb).start()

        @pl.when(c0 < nchf)
        def _():
            pltpu.make_async_copy(
                zbuf, out_hbm.at[fullf.at[pl.ds(c0 * _K, _K)]], gsemc).start()

        @pl.when(c1 < nchf)
        def _():
            pltpu.make_async_copy(
                zbuf, out_hbm.at[fullf.at[pl.ds(c1 * _K, _K)]], ssemc).start()

        @pl.when(c0 < ncht)
        def _():
            pltpu.make_async_copy(
                x_hbm.at[fullt.at[pl.ds(c0 * _K, _K)]], bufa, gsema).wait()
            pltpu.make_async_copy(
                bufa, out_hbm.at[fullt.at[pl.ds(c0 * _K, _K)]], ssema).start()

        @pl.when(c1 < ncht)
        def _():
            pltpu.make_async_copy(
                x_hbm.at[fullt.at[pl.ds(c1 * _K, _K)]], bufb, gsemb).wait()
            pltpu.make_async_copy(
                bufb, out_hbm.at[fullt.at[pl.ds(c1 * _K, _K)]], ssemb).start()

        @pl.when(c0 < ncht)
        def _():
            pltpu.make_async_copy(
                bufa, out_hbm.at[fullt.at[pl.ds(c0 * _K, _K)]], ssema).wait()

        @pl.when(c1 < ncht)
        def _():
            pltpu.make_async_copy(
                bufb, out_hbm.at[fullt.at[pl.ds(c1 * _K, _K)]], ssemb).wait()

        @pl.when(c0 < nchf)
        def _():
            pltpu.make_async_copy(
                zbuf, out_hbm.at[fullf.at[pl.ds(c0 * _K, _K)]], gsemc).wait()

        @pl.when(c1 < nchf)
        def _():
            pltpu.make_async_copy(
                zbuf, out_hbm.at[fullf.at[pl.ds(c1 * _K, _K)]], ssemc).wait()

        return carry

    lax.fori_loop(0, pairs, pair_body, jnp.int32(0))


_sc_call = functools.partial(
    pl.kernel,
    out_type=jax.ShapeDtypeStruct((_C * _B, _D), jnp.float32),
    mesh=plsc.VectorSubcoreMesh(core_axis_name="c", subcore_axis_name="s"),
    compiler_params=pltpu.CompilerParams(needs_layout_passes=False),
    scratch_types=[
        pltpu.VMEM((_RPW,), jnp.int32),
        pltpu.VMEM((_IDXN,), jnp.int32),
        pltpu.VMEM((_IDXN,), jnp.int32),
        pltpu.VMEM((_FULLN,), jnp.int32),
        pltpu.VMEM((_FULLN,), jnp.int32),
        pltpu.VMEM((_K, _D), jnp.float32),
        pltpu.VMEM((_K, _D), jnp.float32),
        pltpu.VMEM((_K, _D), jnp.float32),
        pltpu.VMEM((_K, _D), jnp.float32),
        pltpu.SemaphoreType.DMA,
        pltpu.SemaphoreType.DMA,
        pltpu.SemaphoreType.DMA,
        pltpu.SemaphoreType.DMA,
        pltpu.SemaphoreType.DMA,
        pltpu.SemaphoreType.DMA,
        pltpu.SemaphoreType.DMA,
        pltpu.SemaphoreType.DMA,
    ],
)(_sc_body)


def kernel(x, mask):
    x2 = jnp.transpose(x, (1, 0, 2)).reshape(_C * _B, _D)
    mask_i32 = mask.astype(jnp.int32)
    zrows = jnp.zeros((_K, _D), jnp.float32)
    y2 = _sc_call(x2, mask_i32, zrows)
    return jnp.transpose(y2.reshape(_C, _B, _D), (1, 0, 2))

# --- scband reference (transcript-rebuilt; emitter-appended) ---
"""Pipeline reference for scband-mask-modal-29987461660872 (READ-ONLY COPY).

The authoritative reference and input builder live on the scoring server;
editing this copy changes nothing except your own understanding.
"""

import jax, jax.numpy as jnp
import numpy as np


def setup_inputs(seed: int = 0) -> dict:
    key = jax.random.key(seed)
    k_x, k_m = jax.random.split(key, 2)
    x = jax.random.normal(k_x, (16384, 26, 128), dtype=jnp.float32)
    mask = jax.random.randint(k_m, (16384,), 0, 2).astype(jnp.bool_)
    return {"x": x, "mask": mask}


def reference(x, mask):
    # torch semantics:
    #   y = zeros_like(x); y[mask, ...] = x[mask, ...]; return y.view(B, C, D)
    # Boolean-mask scatter-overwrite along the batch dim == select rows where
    # mask is True, zero elsewhere.
    y = jnp.where(mask[:, None, None], x, jnp.zeros_like(x))
    return y

if __name__ == "__main__":
    import jax
    _d = setup_inputs()
    print(jax.jit(kernel)(*tuple(_d.values())))

</pallas_src>

<mosaic_0001>
#map = affine_map<(d0, d1) -> (0, 0)>
#map1 = affine_map<(d0, d1) -> (0)>
module attributes {stable_mosaic.version = 14 : i64} {
  func.func @_sc_body(%arg0: i32, %arg1: i32, %arg2: memref<425984x128xf32, #tpu.memory_space<hbm>>, %arg3: memref<16384xi32, #tpu.memory_space<hbm>>, %arg4: memref<128x128xf32, #tpu.memory_space<hbm>>, %arg5: memref<425984x128xf32, #tpu.memory_space<hbm>>, %arg6: memref<512xi32, #tpu.memory_space<vmem>>, %arg7: memref<560xi32, #tpu.memory_space<vmem>>, %arg8: memref<560xi32, #tpu.memory_space<vmem>>, %arg9: memref<13872xi32, #tpu.memory_space<vmem>>, %arg10: memref<13872xi32, #tpu.memory_space<vmem>>, %arg11: memref<128x128xf32, #tpu.memory_space<vmem>>, %arg12: memref<128x128xf32, #tpu.memory_space<vmem>>, %arg13: memref<128x128xf32, #tpu.memory_space<vmem>>, %arg14: memref<128x128xf32, #tpu.memory_space<vmem>>, %arg15: memref<!tpu.dma_semaphore, #tpu.memory_space<semaphore_mem>>, %arg16: memref<!tpu.dma_semaphore, #tpu.memory_space<semaphore_mem>>, %arg17: memref<!tpu.dma_semaphore, #tpu.memory_space<semaphore_mem>>, %arg18: memref<!tpu.dma_semaphore, #tpu.memory_space<semaphore_mem>>, %arg19: memref<!tpu.dma_semaphore, #tpu.memory_space<semaphore_mem>>, %arg20: memref<!tpu.dma_semaphore, #tpu.memory_space<semaphore_mem>>, %arg21: memref<!tpu.dma_semaphore, #tpu.memory_space<semaphore_mem>>, %arg22: memref<!tpu.dma_semaphore, #tpu.memory_space<semaphore_mem>>) attributes {dimension_semantics = [#tpu.dimension_semantics<core_parallel>, #tpu.dimension_semantics<subcore_parallel>], iteration_bounds = array<i64: 2, 16>, scalar_prefetch = 0 : i64, scratch_operands = 17 : i64, tpu.core_type = #tpu.core_type<sc_vector_subcore>, window_params = [{transform_indices = #map}, {transform_indices = #map1}, {transform_indices = #map}, {transform_indices = #map}]} {
    %mul3A = arith.constant 2 : i32
    %mul3A_0 = arith.muli %arg1, %mul3A : i32
    %add3A = arith.addi %mul3A_0, %arg0 : i32
    %mul3A_1 = arith.constant 512 : i32
    %mul3A_2 = arith.muli %add3A, %mul3A_1 : i32
    %dma_start3A = tpu.memref_slice %arg3[%mul3A_2] : memref<16384xi32, #tpu.memory_space<hbm>> -> memref<512xi32, #tpu.memory_space<hbm>>
    %dma_start3A_3 = tpu.memref_slice %arg3[%mul3A_2] : memref<16384xi32, #tpu.memory_space<hbm>> -> memref<512xi32, #tpu.memory_space<hbm>>
    tpu.enqueue_dma source(%dma_start3A_3 : memref<512xi32, #tpu.memory_space<hbm>>) target(%arg6 : memref<512xi32, #tpu.memory_space<vmem>>) target_semaphore(%arg22 : memref<!tpu.dma_semaphore, #tpu.memory_space<semaphore_mem>>)
    tpu.enqueue_dma source(%arg4 : memref<128x128xf32, #tpu.memory_space<hbm>>) target(%arg14 : memref<128x128xf32, #tpu.memory_space<vmem>>) target_semaphore(%arg21 : memref<!tpu.dma_semaphore, #tpu.memory_space<semaphore_mem>>)
    %dma_wait3A = tpu.memref_slice %arg3[%mul3A_2] : memref<16384xi32, #tpu.memory_space<hbm>> -> memref<512xi32, #tpu.memory_space<hbm>>
    %dma_wait3A_4 = tpu.memref_slice %arg3[%mul3A_2] : memref<16384xi32, #tpu.memory_space<hbm>> -> memref<512xi32, #tpu.memory_space<hbm>>
    tpu.wait_dma2 semaphore(%arg22 : memref<!tpu.dma_semaphore, #tpu.memory_space<semaphore_mem>>) src(%dma_wait3A_4 : memref<512xi32, #tpu.memory_space<hbm>>) dst(%arg6 : memref<512xi32, #tpu.memory_space<vmem>>)
    %iota3A = tpu.iota {dimensions = array<i32: 0>} : vector<16xi32>
    %add3A_5 = arith.constant 544 : i32
    %add3A_6 = vector.broadcast %add3A_5 : i32 to vector<16xi32>
    %add3A_7 = arith.addi %iota3A, %add3A_6 : vector<16xi32>
    %get3A = arith.constant 0 : index
    %get3A_8 = tpu.vector_load %arg6[%get3A] {strides = array<i32>} : memref<512xi32, #tpu.memory_space<vmem>>, vector<16xi32>,
    %add3A_9 = arith.constant 0 : i32
    %add3A_10 = arith.addi %mul3A_2, %add3A_9 : i32
    %add3A_11 = vector.broadcast %add3A_10 : i32 to vector<16xi32>
    %add3A_12 = arith.addi %iota3A, %add3A_11 : vector<16xi32>
    %ne3A = arith.constant 0 : i32
    %ne3A_13 = vector.broadcast %ne3A : i32 to vector<16xi32>
    %ne3A_14 = arith.cmpi ne, %get3A_8, %ne3A_13 : vector<16xi32>
    %jit3A = arith.constant 1 : i32
    %jit3A_15 = arith.constant 0 : i32
    %broadcast_in_dim3A = vector.broadcast %jit3A : i32 to vector<16xi32>
    %broadcast_in_dim3A_16 = vector.broadcast %jit3A_15 : i32 to vector<16xi32>
    %select_n3A = arith.select %ne3A_14, %broadcast_in_dim3A, %broadcast_in_dim3A_16 : vector<16xi1>, vector<16xi32>
    %sub3A = arith.constant 1 : i32
    %sub3A_17 = vector.broadcast %sub3A : i32 to vector<16xi32>
    %sub3A_18 = arith.subi %iota3A, %sub3A_17 : vector<16xi32>
    %max3A = arith.constant 0 : i32
    %max3A_19 = vector.broadcast %max3A : i32 to vector<16xi32>
    %max3A_20 = arith.maxsi %sub3A_18, %max3A_19 : vector<16xi32>
    %broadcast_in_dim3A_21 = vector.shape_cast %max3A_20 : vector<16xi32> to vector<16x1xi32>
    %gather3A = vector.shape_cast %broadcast_in_dim3A_21 : vector<16x1xi32> to vector<16xi32>
    %gather3A_22 = tpu.dynamic_gather %select_n3A[%gather3A] in [0] : vector<16xi32>, vector<16xi32> -> vector<16xi32>
    %ge3A = arith.constant 1 : i32
    %ge3A_23 = vector.broadcast %ge3A : i32 to vector<16xi32>
    %ge3A_24 = arith.cmpi sge, %iota3A, %ge3A_23 : vector<16xi32>
    %add3A_25 = arith.addi %select_n3A, %gather3A_22 : vector<16xi32>
    %select_n3A_26 = arith.select %ge3A_24, %add3A_25, %select_n3A : vector<16xi1>, vector<16xi32>
    %sub3A_27 = arith.constant 2 : i32
    %sub3A_28 = vector.broadcast %sub3A_27 : i32 to vector<16xi32>
    %sub3A_29 = arith.subi %iota3A, %sub3A_28 : vector<16xi32>
    %max3A_30 = arith.constant 0 : i32
    %max3A_31 = vector.broadcast %max3A_30 : i32 to vector<16xi32>
    %max3A_32 = arith.maxsi %sub3A_29, %max3A_31 : vector<16xi32>
    %broadcast_in_dim3A_33 = vector.shape_cast %max3A_32 : vector<16xi32> to vector<16x1xi32>
    %gather3A_34 = vector.shape_cast %broadcast_in_dim3A_33 : vector<16x1xi32> to vector<16xi32>
    %gather3A_35 = tpu.dynamic_gather %select_n3A_26[%gather3A_34] in [0] : vector<16xi32>, vector<16xi32> -> vector<16xi32>
    %ge3A_36 = arith.constant 2 : i32
    %ge3A_37 = vector.broadcast %ge3A_36 : i32 to vector<16xi32>
    %ge3A_38 = arith.cmpi sge, %iota3A, %ge3A_37 : vector<16xi32>
    %add3A_39 = arith.addi %select_n3A_26, %gather3A_35 : vector<16xi32>
    %select_n3A_40 = arith.select %ge3A_38, %add3A_39, %select_n3A_26 : vector<16xi1>, vector<16xi32>
    %sub3A_41 = arith.constant 4 : i32
    %sub3A_42 = vector.broadcast %sub3A_41 : i32 to vector<16xi32>
    %sub3A_43 = arith.subi %iota3A, %sub3A_42 : vector<16xi32>
    %max3A_44 = arith.constant 0 : i32
    %max3A_45 = vector.broadcast %max3A_44 : i32 to vector<16xi32>
    %max3A_46 = arith.maxsi %sub3A_43, %max3A_45 : vector<16xi32>
    %broadcast_in_dim3A_47 = vector.shape_cast %max3A_46 : vector<16xi32> to vector<16x1xi32>
    %gather3A_48 = vector.shape_cast %broadcast_in_dim3A_47 : vector<16x1xi32> to vector<16xi32>
    %gather3A_49 = tpu.dynamic_gather %select_n3A_40[%gather3A_48] in [0] : vector<16xi32>, vector<16xi32> -> vector<16xi32>
    %ge3A_50 = arith.constant 4 : i32
    %ge3A_51 = vector.broadcast %ge3A_50 : i32 to vector<16xi32>
    %ge3A_52 = arith.cmpi sge, %iota3A, %ge3A_51 : vector<16xi32>
    %add3A_53 = arith.addi %select_n3A_40, %gather3A_49 : vector<16xi32>
    %select_n3A_54 = arith.select %ge3A_52, %add3A_53, %select_n3A_40 : vector<16xi1>, vector<16xi32>
    %sub3A_55 = arith.constant 8 : i32
    %sub3A_56 = vector.broadcast %sub3A_55 : i32 to vector<16xi32>
    %sub3A_57 = arith.subi %iota3A, %sub3A_56 : vector<16xi32>
    %max3A_58 = arith.constant 0 : i32
    %max3A_59 = vector.broadcast %max3A_58 : i32 to vector<16xi32>
    %max3A_60 = arith.maxsi %sub3A_57, %max3A_59 : vector<16xi32>
    %broadcast_in_dim3A_61 = vector.shape_cast %max3A_60 : vector<16xi32> to vector<16x1xi32>
    %gather3A_62 = vector.shape_cast %broadcast_in_dim3A_61 : vector<16x1xi32> to vector<16xi32>
    %gather3A_63 = tpu.dynamic_gather %select_n3A_54[%gather3A_62] in [0] : vector<16xi32>, vector<16xi32> -> vector<16xi32>
    %ge3A_64 = arith.constant 8 : i32
    %ge3A_65 = vector.broadcast %ge3A_64 : i32 to vector<16xi32>
    %ge3A_66 = arith.cmpi sge, %iota3A, %ge3A_65 : vector<16xi32>
    %add3A_67 = arith.addi %select_n3A_54, %gather3A_63 : vector<16xi32>
    %select_n3A_68 = arith.select %ge3A_66, %add3A_67, %select_n3A_54 : vector<16xi1>, vector<16xi32>
    %ne3A_69 = arith.constant 0 : i32
    %ne3A_70 = vector.broadcast %ne3A_69 : i32 to vector<16xi32>
    %ne3A_71 = arith.cmpi ne, %get3A_8, %ne3A_70 : vector<16xi32>
    %add3A_72 = arith.constant 0 : i32
    %add3A_73 = vector.broadcast %add3A_72 : i32 to vector<16xi32>
    %add3A_74 = arith.addi %add3A_73, %select_n3A_68 : vector<16xi32>
    %sub3A_75 = arith.constant 1 : i32
    %sub3A_76 = vector.broadcast %sub3A_75 : i32 to vector<16xi32>
    %sub3A_77 = arith.subi %add3A_74, %sub3A_76 : vector<16xi32>
    %select_n3A_78 = arith.select %ne3A_71, %sub3A_77, %add3A_7 : vector<16xi1>, vector<16xi32>
    %ne3A_79 = arith.constant 0 : i32
    %ne3A_80 = vector.broadcast %ne3A_79 : i32 to vector<16xi32>
    %ne3A_81 = arith.cmpi ne, %get3A_8, %ne3A_80 : vector<16xi32>
    %add3A_82 = arith.constant 0 : i32
    %add3A_83 = vector.broadcast %add3A_82 : i32 to vector<16xi32>
    %add3A_84 = arith.addi %add3A_83, %iota3A : vector<16xi32>
    %sub3A_85 = arith.subi %add3A_84, %select_n3A_68 : vector<16xi32>
    %select_n3A_86 = arith.select %ne3A_81, %add3A_7, %sub3A_85 : vector<16xi1>, vector<16xi32>
    tpu.vector_store_idx %arg7[%select_n3A_78], %add3A_12 : memref<560xi32, #tpu.memory_space<vmem>>[vector<16xi32>], vector<16xi32>,
    tpu.vector_store_idx %arg8[%select_n3A_86], %add3A_12 : memref<560xi32, #tpu.memory_space<vmem>>[vector<16xi32>], vector<16xi32>,
    %ne3A_87 = arith.constant 0 : i32
    %ne3A_88 = vector.broadcast %ne3A_87 : i32 to vector<16xi32>
    %ne3A_89 = arith.cmpi ne, %get3A_8, %ne3A_88 : vector<16xi32>
    %jit3A_90 = arith.constant 528 : i32
    %broadcast_in_dim3A_91 = vector.broadcast %jit3A_90 : i32 to vector<16xi32>
    %select_n3A_92 = arith.select %ne3A_89, %broadcast_in_dim3A_91, %add3A_7 : vector<16xi1>, vector<16xi32>
    tpu.vector_store_idx %arg7[%select_n3A_92], %add3A_12 : memref<560xi32, #tpu.memory_space<vmem>>[vector<16xi32>], vector<16xi32>,
    %ne3A_93 = arith.constant 0 : i32
    %ne3A_94 = vector.broadcast %ne3A_93 : i32 to vector<16xi32>
    %ne3A_95 = arith.cmpi ne, %get3A_8, %ne3A_94 : vector<16xi32>
    %jit3A_96 = arith.constant 528 : i32
    %broadcast_in_dim3A_97 = vector.broadcast %jit3A_96 : i32 to vector<16xi32>
    %select_n3A_98 = arith.select %ne3A_95, %add3A_7, %broadcast_in_dim3A_97 : vector<16xi1>, vector<16xi32>
    tpu.vector_store_idx %arg8[%select_n3A_98], %add3A_12 : memref<560xi32, #tpu.memory_space<vmem>>[vector<16xi32>], vector<16xi32>,
    %slice3A = vector.extract_strided_slice %select_n3A_68 {offsets = [15], sizes = [1], strides = [1]} : vector<16xi32> to vector<1xi32>
    %squeeze3A = vector.extract %slice3A[0] : i32 from vector<1xi32>
    %add3A_99 = arith.constant 0 : i32
    %add3A_100 = arith.addi %add3A_99, %squeeze3A : i32
    %sub3A_101 = arith.constant 16 : i32
    %sub3A_102 = arith.subi %sub3A_101, %squeeze3A : i32
    %add3A_103 = arith.constant 0 : i32
    %add3A_104 = arith.addi %add3A_103, %sub3A_102 : i32
    %get3A_105 = arith.constant 16 : index
    %get3A_106 = tpu.vector_load %arg6[%get3A_105] {strides = array<i32>} : memref<512xi32, #tpu.memory_space<vmem>>, vector<16xi32>,
    %add3A_107 = arith.constant 16 : i32
    %add3A_108 = arith.addi %mul3A_2, %add3A_107 : i32
    %add3A_109 = vector.broadcast %add3A_108 : i32 to vector<16xi32>
    %add3A_110 = arith.addi %iota3A, %add3A_109 : vector<16xi32>
    %ne3A_111 = arith.constant 0 : i32
    %ne3A_112 = vector.broadcast %ne3A_111 : i32 to vector<16xi32>
    %ne3A_113 = arith.cmpi ne, %get3A_106, %ne3A_112 : vector<16xi32>
    %jit3A_114 = arith.constant 1 : i32
    %jit3A_115 = arith.constant 0 : i32
    %broadcast_in_dim3A_116 = vector.broadcast %jit3A_114 : i32 to vector<16xi32>
    %broadcast_in_dim3A_117 = vector.broadcast %jit3A_115 : i32 to vector<16xi32>
    %select_n3A_118 = arith.select %ne3A_113, %broadcast_in_dim3A_116, %broadcast_in_dim3A_117 : vector<16xi1>, vector<16xi32>
    %sub3A_119 = arith.constant 1 : i32
    %sub3A_120 = vector.broadcast %sub3A_119 : i32 to vector<16xi32>
    %sub3A_121 = arith.subi %iota3A, %sub3A_120 : vector<16xi32>
    %max3A_122 = arith.constant 0 : i32
    %max3A_123 = vector.broadcast %max3A_122 : i32 to vector<16xi32>
    %max3A_124 = arith.maxsi %sub3A_121, %max3A_123 : vector<16xi32>
    %broadcast_in_dim3A_125 = vector.shape_cast %max3A_124 : vector<16xi32> to vector<16x1xi32>
    %gather3A_126 = vector.shape_cast %broadcast_in_dim3A_125 : vector<16x1xi32> to vector<16xi32>
    %gather3A_127 = tpu.dynamic_gather %select_n3A_118[%gather3A_126] in [0] : vector<16xi32>, vector<16xi32> -> vector<16xi32>
    %ge3A_128 = arith.constant 1 : i32
    %ge3A_129 = vector.broadcast %ge3A_128 : i32 to vector<16xi32>
    %ge3A_130 = arith.cmpi sge, %iota3A, %ge3A_129 : vector<16xi32>
    %add3A_131 = arith.addi %select_n3A_118, %gather3A_127 : vector<16xi32>
    %select_n3A_132 = arith.select %ge3A_130, %add3A_131, %select_n3A_118 : vector<16xi1>, vector<16xi32>
    %sub3A_133 = arith.constant 2 : i32
    %sub3A_134 = vector.broadcast %sub3A_133 : i32 to vector<16xi32>
    %sub3A_135 = arith.subi %iota3A, %sub3A_134 : vector<16xi32>
    %max3A_136 = arith.constant 0 : i32
    %max3A_137 = vector.broadcast %max3A_136 : i32 to vector<16xi32>
    %max3A_138 = arith.maxsi %sub3A_135, %max3A_137 : vector<16xi32>
    %broadcast_in_dim3A_139 = vector.shape_cast %max3A_138 : vector<16xi32> to vector<16x1xi32>
    %gather3A_140 = vector.shape_cast %broadcast_in_dim3A_139 : vector<16x1xi32> to vector<16xi32>
    %gather3A_141 = tpu.dynamic_gather %select_n3A_132[%gather3A_140] in [0] : vector<16xi32>, vector<16xi32> -> vector<16xi32>
    %ge3A_142 = arith.constant 2 : i32
    %ge3A_143 = vector.broadcast %ge3A_142 : i32 to vector<16xi32>
    %ge3A_144 = arith.cmpi sge, %iota3A, %ge3A_143 : vector<16xi32>
    %add3A_145 = arith.addi %select_n3A_132, %gather3A_141 : vector<16xi32>
    %select_n3A_146 = arith.select %ge3A_144, %add3A_145, %select_n3A_132 : vector<16xi1>, vector<16xi32>
    %sub3A_147 = arith.constant 4 : i32
    %sub3A_148 = vector.broadcast %sub3A_147 : i32 to vector<16xi32>
    %sub3A_149 = arith.subi %iota3A, %sub3A_148 : vector<16xi32>
    %max3A_150 = arith.constant 0 : i32
    %max3A_151 = vector.broadcast %max3A_150 : i32 to vector<16xi32>
    %max3A_152 = arith.maxsi %sub3A_149, %max3A_151 : vector<16xi32>
    %broadcast_in_dim3A_153 = vector.shape_cast %max3A_152 : vector<16xi32> to vector<16x1xi32>
    %gather3A_154 = vector.shape_cast %broadcast_in_dim3A_153 : vector<16x1xi32> to vector<16xi32>
    %gather3A_155 = tpu.dynamic_gather %select_n3A_146[%gather3A_154] in [0] : vector<16xi32>, vector<16xi32> -> vector<16xi32>
    %ge3A_156 = arith.constant 4 : i32
    %ge3A_157 = vector.broadcast %ge3A_156 : i32 to vector<16xi32>
    %ge3A_158 = arith.cmpi sge, %iota3A, %ge3A_157 : vector<16xi32>
    %add3A_159 = arith.addi %select_n3A_146, %gather3A_155 : vector<16xi32>
    %select_n3A_160 = arith.select %ge3A_158, %add3A_159, %select_n3A_146 : vector<16xi1>, vector<16xi32>
    %sub3A_161 = arith.constant 8 : i32
    %sub3A_162 = vector.broadcast %sub3A_161 : i32 to vector<16xi32>
    %sub3A_163 = arith.subi %iota3A, %sub3A_162 : vector<16xi32>
    %max3A_164 = arith.constant 0 : i32
    %max3A_165 = vector.broadcast %max3A_164 : i32 to vector<16xi32>
    %max3A_166 = arith.maxsi %sub3A_163, %max3A_165 : vector<16xi32>
    %broadcast_in_dim3A_167 = vector.shape_cast %max3A_166 : vector<16xi32> to vector<16x1xi32>
    %gather3A_168 = vector.shape_cast %broadcast_in_dim3A_167 : vector<16x1xi32> to vector<16xi32>
    %gather3A_169 = tpu.dynamic_gather %select_n3A_160[%gather3A_168] in [0] : vector<16xi32>, vector<16xi32> -> vector<16xi32>
    %ge3A_170 = arith.constant 8 : i32
    %ge3A_171 = vector.broadcast %ge3A_170 : i32 to vector<16xi32>
    %ge3A_172 = arith.cmpi sge, %iota3A, %ge3A_171 : vector<16xi32>
    %add3A_173 = arith.addi %select_n3A_160, %gather3A_169 : vector<16xi32>
    %select_n3A_174 = arith.select %ge3A_172, %add3A_173, %select_n3A_160 : vector<16xi1>, vector<16xi32>
    %ne3A_175 = arith.constant 0 : i32
    %ne3A_176 = vector.broadcast %ne3A_175 : i32 to vector<16xi32>
    %ne3A_177 = arith.cmpi ne, %get3A_106, %ne3A_176 : vector<16xi32>
    %add3A_178 = vector.broadcast %add3A_100 : i32 to vector<16xi32>
    %add3A_179 = arith.addi %add3A_178, %select_n3A_174 : vector<16xi32>
    %sub3A_180 = arith.constant 1 : i32
    %sub3A_181 = vector.broadcast %sub3A_180 : i32 to vector<16xi32>
    %sub3A_182 = arith.subi %add3A_179, %sub3A_181 : vector<16xi32>
    %select_n3A_183 = arith.select %ne3A_177, %sub3A_182, %add3A_7 : vector<16xi1>, vector<16xi32>
    %ne3A_184 = arith.constant 0 : i32
    %ne3A_185 = vector.broadcast %ne3A_184 : i32 to vector<16xi32>
    %ne3A_186 = arith.cmpi ne, %get3A_106, %ne3A_185 : vector<16xi32>
    %add3A_187 = vector.broadcast %add3A_104 : i32 to vector<16xi32>
    %add3A_188 = arith.addi %add3A_187, %iota3A : vector<16xi32>
    %sub3A_189 = arith.subi %add3A_188, %select_n3A_174 : vector<16xi32>
    %select_n3A_190 = arith.select %ne3A_186, %add3A_7, %sub3A_189 : vector<16xi1>, vector<16xi32>
    tpu.vector_store_idx %arg7[%select_n3A_183], %add3A_110 : memref<560xi32, #tpu.memory_space<vmem>>[vector<16xi32>], vector<16xi32>,
    tpu.vector_store_idx %arg8[%select_n3A_190], %add3A_110 : memref<560xi32, #tpu.memory_space<vmem>>[vector<16xi32>], vector<16xi32>,
    %ne3A_191 = arith.constant 0 : i32
    %ne3A_192 = vector.broadcast %ne3A_191 : i32 to vector<16xi32>
    %ne3A_193 = arith.cmpi ne, %get3A_106, %ne3A_192 : vector<16xi32>
    %jit3A_194 = arith.constant 528 : i32
    %broadcast_in_dim3A_195 = vector.broadcast %jit3A_194 : i32 to vector<16xi32>
    %select_n3A_196 = arith.select %ne3A_193, %broadcast_in_dim3A_195, %add3A_7 : vector<16xi1>, vector<16xi32>
    tpu.vector_store_idx %arg7[%select_n3A_196], %add3A_110 : memref<560xi32, #tpu.memory_space<vmem>>[vector<16xi32>], vector<16xi32>,
    %ne3A_197 = arith.constant 0 : i32
    %ne3A_198 = vector.broadcast %ne3A_197 : i32 to vector<16xi32>
    %ne3A_199 = arith.cmpi ne, %get3A_106, %ne3A_198 : vector<16xi32>
    %jit3A_200 = arith.constant 528 : i32
    %broadcast_in_dim3A_201 = vector.broadcast %jit3A_200 : i32 to vector<16xi32>
    %select_n3A_202 = arith.select %ne3A_199, %add3A_7, %broadcast_in_dim3A_201 : vector<16xi1>, vector<16xi32>
    tpu.vector_store_idx %arg8[%select_n3A_202], %add3A_110 : memref<560xi32, #tpu.memory_space<vmem>>[vector<16xi32>], vector<16xi32>,
    %slice3A_203 = vector.extract_strided_slice %select_n3A_174 {offsets = [15], sizes = [1], strides = [1]} : vector<16xi32> to vector<1xi32>
    %squeeze3A_204 = vector.extract %slice3A_203[0] : i32 from vector<1xi32>
    %add3A_205 = arith.addi %add3A_100, %squeeze3A_204 : i32
    %sub3A_206 = arith.constant 16 : i32
    %sub3A_207 = arith.subi %sub3A_206, %squeeze3A_204 : i32
    %add3A_208 = arith.addi %add3A_104, %sub3A_207 : i32
    %get3A_209 = arith.constant 32 : index
    %get3A_210 = tpu.vector_load %arg6[%get3A_209] {strides = array<i32>} : memref<512xi32, #tpu.memory_space<vmem>>, vector<16xi32>,
    %add3A_211 = arith.constant 32 : i32
    %add3A_212 = arith.addi %mul3A_2, %add3A_211 : i32
    %add3A_213 = vector.broadcast %add3A_212 : i32 to vector<16xi32>
    %add3A_214 = arith.addi %iota3A, %add3A_213 : vector<16xi32>
    %ne3A_215 = arith.constant 0 : i32
    %ne3A_216 = vector.broadcast %ne3A_215 : i32 to vector<16xi32>
    %ne3A_217 = arith.cmpi ne, %get3A_210, %ne3A_216 : vector<16xi32>
    %jit3A_218 = arith.constant 1 : i32
    %jit3A_219 = arith.constant 0 : i32
    %broadcast_in_dim3A_220 = vector.broadcast %jit3A_218 : i32 to vector<16xi32>
    %broadcast_in_dim3A_221 = vector.broadcast %jit3A_219 : i32 to vector<16xi32>
    %select_n3A_222 = arith.select %ne3A_217, %broadcast_in_dim3A_220, %broadcast_in_dim3A_221 : vector<16xi1>, vector<16xi32>
    %sub3A_223 = arith.constant 1 : i32
    %sub3A_224 = vector.broadcast %sub3A_223 : i32 to vector<16xi32>
    %sub3A_225 = arith.subi %iota3A, %sub3A_224 : vector<16xi32>
    %max3A_226 = arith.constant 0 : i32
    %max3A_227 = vector.broadcast %max3A_226 : i32 to vector<16xi32>
    %max3A_228 = arith.maxsi %sub3A_225, %max3A_227 : vector<16xi32>
    %broadcast_in_dim3A_229 = vector.shape_cast %max3A_228 : vector<16xi32> to vector<16x1xi32>
    %gather3A_230 = vector.shape_cast %broadcast_in_dim3A_229 : vector<16x1xi32> to vector<16xi32>
    %gather3A_231 = tpu.dynamic_gather %select_n3A_222[%gather3A_230] in [0] : vector<16xi32>, vector<16xi32> -> vector<16xi32>
    %ge3A_232 = arith.constant 1 : i32
    %ge3A_233 = vector.broadcast %ge3A_232 : i32 to vector<16xi32>
    %ge3A_234 = arith.cmpi sge, %iota3A, %ge3A_233 : vector<16xi32>
    %add3A_235 = arith.addi %select_n3A_222, %gather3A_231 : vector<16xi32>
    %select_n3A_236 = arith.select %ge3A_234, %add3A_235, %select_n3A_222 : vector<16xi1>, vector<16xi32>
    %sub3A_237 = arith.constant 2 : i32
    %sub3A_238 = vector.broadcast %sub3A_237 : i32 to vector<16xi32>
    %sub3A_239 = arith.subi %iota3A, %sub3A_238 : vector<16xi32>
    %max3A_240 = arith.constant 0 : i32
    %max3A_241 = vector.broadcast %max3A_240 : i32 to vector<16xi32>
    %max3A_242 = arith.maxsi %sub3A_239, %max3A_241 : vector<16xi32>
    %broadcast_in_dim3A_243 = vector.shape_cast %max3A_242 : vector<16xi32> to vector<16x1xi32>
    %gather3A_244 = vector.shape_cast %broadcast_in_dim3A_243 : vector<16x1xi32> to vector<16xi32>
    %gather3A_245 = tpu.dynamic_gather %select_n3A_236[%gather3A_244] in [0] : vector<16xi32>, vector<16xi32> -> vector<16xi32>
    %ge3A_246 = arith.constant 2 : i32
    %ge3A_247 = vector.broadcast %ge3A_246 : i32 to vector<16xi32>
    %ge3A_248 = arith.cmpi sge, %iota3A, %ge3A_247 : vector<16xi32>
    %add3A_249 = arith.addi %select_n3A_236, %gather3A_245 : vector<16xi32>
    %select_n3A_250 = arith.select %ge3A_248, %add3A_249, %select_n3A_236 : vector<16xi1>, vector<16xi32>
    %sub3A_251 = arith.constant 4 : i32
    %sub3A_252 = vector.broadcast %sub3A_251 : i32 to vector<16xi32>
    %sub3A_253 = arith.subi %iota3A, %sub3A_252 : vector<16xi32>
    %max3A_254 = arith.constant 0 : i32
    %max3A_255 = vector.broadcast %max3A_254 : i32 to vector<16xi32>
    %max3A_256 = arith.maxsi %sub3A_253, %max3A_255 : vector<16xi32>
    %broadcast_in_dim3A_257 = vector.shape_cast %max3A_256 : vector<16xi32> to vector<16x1xi32>
    %gather3A_258 = vector.shape_cast %broadcast_in_dim3A_257 : vector<16x1xi32> to vector<16xi32>
    %gather3A_259 = tpu.dynamic_gather %select_n3A_250[%gather3A_258] in [0] : vector<16xi32>, vector<16xi32> -> vector<16xi32>
    %ge3A_260 = arith.constant 4 : i32
    %ge3A_261 = vector.broadcast %ge3A_260 : i32 to vector<16xi32>
    %ge3A_262 = arith.cmpi sge, %iota3A, %ge3A_261 : vector<16xi32>
    %add3A_263 = arith.addi %select_n3A_250, %gather3A_259 : vector<16xi32>
    %select_n3A_264 = arith.select %ge3A_262, %add3A_263, %select_n3A_250 : vector<16xi1>, vector<16xi32>
    %sub3A_265 = arith.constant 8 : i32
    %sub3A_266 = vector.broadcast %sub3A_265 : i32 to vector<16xi32>
    %sub3A_267 = arith.subi %iota3A, %sub3A_266 : vector<16xi32>
    %max3A_268 = arith.constant 0 : i32
    %max3A_269 = vector.broadcast %max3A_268 : i32 to vector<16xi32>
    %max3A_270 = arith.maxsi %sub3A_267, %max3A_269 : vector<16xi32>
    %broadcast_in_dim3A_271 = vector.shape_cast %max3A_270 : vector<16xi32> to vector<16x1xi32>
    %gather3A_272 = vector.shape_cast %broadcast_in_dim3A_271 : vector<16x1xi32> to vector<16xi32>
    %gather3A_273 = tpu.dynamic_gather %select_n3A_264[%gather3A_272] in [0] : vector<16xi32>, vector<16xi32> -> vector<16xi32>
    %ge3A_274 = arith.constant 8 : i32
    %ge3A_275 = vector.broadcast %ge3A_274 : i32 to vector<16xi32>
    %ge3A_276 = arith.cmpi sge, %iota3A, %ge3A_275 : vector<16xi32>
    %add3A_277 = arith.addi %select_n3A_264, %gather3A_273 : vector<16xi32>
    %select_n3A_278 = arith.select %ge3A_276, %add3A_277, %select_n3A_264 : vector<16xi1>, vector<16xi32>
    %ne3A_279 = arith.constant 0 : i32
    %ne3A_280 = vector.broadcast %ne3A_279 : i32 to vector<16xi32>
    %ne3A_281 = arith.cmpi ne, %get3A_210, %ne3A_280 : vector<16xi32>
    %add3A_282 = vector.broadcast %add3A_205 : i32 to vector<16xi32>
    %add3A_283 = arith.addi %add3A_282, %select_n3A_278 : vector<16xi32>
    %sub3A_284 = arith.constant 1 : i32
    %sub3A_285 = vector.broadcast %sub3A_284 : i32 to vector<16xi32>
    %sub3A_286 = arith.subi %add3A_283, %sub3A_285 : vector<16xi32>
    %select_n3A_287 = arith.select %ne3A_281, %sub3A_286, %add3A_7 : vector<16xi1>, vector<16xi32>
    %ne3A_288 = arith.constant 0 : i32
    %ne3A_289 = vector.broadcast %ne3A_288 : i32 to vector<16xi32>
    %ne3A_290 = arith.cmpi ne, %get3A_210, %ne3A_289 : vector<16xi32>
    %add3A_291 = vector.broadcast %add3A_208 : i32 to vector<16xi32>
    %add3A_292 = arith.addi %add3A_291, %iota3A : vector<16xi32>
    %sub3A_293 = arith.subi %add3A_292, %select_n3A_278 : vector<16xi32>
    %select_n3A_294 = arith.select %ne3A_290, %add3A_7, %sub3A_293 : vector<16xi1>, vector<16xi32>
    tpu.vector_store_idx %arg7[%select_n3A_287], %add3A_214 : memref<560xi32, #tpu.memory_space<vmem>>[vector<16xi32>], vector<16xi32>,
    tpu.vector_store_idx %arg8[%select_n3A_294], %add3A_214 : memref<560xi32, #tpu.memory_space<vmem>>[vector<16xi32>], vector<16xi32>,
    %ne3A_295 = arith.constant 0 : i32
    %ne3A_296 = vector.broadcast %ne3A_295 : i32 to vector<16xi32>
    %ne3A_297 = arith.cmpi ne, %get3A_210, %ne3A_296 : vector<16xi32>
    %jit3A_298 = arith.constant 528 : i32
    %broadcast_in_dim3A_299 = vector.broadcast %jit3A_298 : i32 to vector<16xi32>
    %select_n3A_300 = arith.select %ne3A_297, %broadcast_in_dim3A_299, %add3A_7 : vector<16xi1>, vector<16xi32>
    tpu.vector_store_idx %arg7[%select_n3A_300], %add3A_214 : memref<560xi32, #tpu.memory_space<vmem>>[vector<16xi32>], vector<16xi32>,
    %ne3A_301 = arith.constant 0 : i32
    %ne3A_302 = vector.broadcast %ne3A_301 : i32 to vector<16xi32>
    %ne3A_303 = arith.cmpi ne, %get3A_210, %ne3A_302 : vector<16xi32>
    %jit3A_304 = arith.constant 528 : i32
    %broadcast_in_dim3A_305 = vector.broadcast %jit3A_304 : i32 to vector<16xi32>
    %select_n3A_306 = arith.select %ne3A_303, %add3A_7, %broadcast_in_dim3A_305 : vector<16xi1>, vector<16xi32>
    tpu.vector_store_idx %arg8[%select_n3A_306], %add3A_214 : memref<560xi32, #tpu.memory_space<vmem>>[vector<16xi32>], vector<16xi32>,
    %slice3A_307 = vector.extract_strided_slice %select_n3A_278 {offsets = [15], sizes = [1], strides = [1]} : vector<16xi32> to vector<1xi32>
    %squeeze3A_308 = vector.extract %slice3A_307[0] : i32 from vector<1xi32>
    %add3A_309 = arith.addi %add3A_205, %squeeze3A_308 : i32
    %sub3A_310 = arith.constant 16 : i32
    %sub3A_311 = arith.subi %sub3A_310, %squeeze3A_308 : i32
    %add3A_312 = arith.addi %add3A_208, %sub3A_311 : i32
    %get3A_313 = arith.constant 48 : index
    %get3A_314 = tpu.vector_load %arg6[%get3A_313] {strides = array<i32>} : memref<512xi32, #tpu.memory_space<vmem>>, vector<16xi32>,
    %add3A_315 = arith.constant 48 : i32
    %add3A_316 = arith.addi %mul3A_2, %add3A_315 : i32
    %add3A_317 = vector.broadcast %add3A_316 : i32 to vector<16xi32>
    %add3A_318 = arith.addi %iota3A, %add3A_317 : vector<16xi32>
    %ne3A_319 = arith.constant 0 : i32
    %ne3A_320 = vector.broadcast %ne3A_319 : i32 to vector<16xi32>
    %ne3A_321 = arith.cmpi ne, %get3A_314, %ne3A_320 : vector<16xi32>
    %jit3A_322 = arith.constant 1 : i32
    %jit3A_323 = arith.constant 0 : i32
    %broadcast_in_dim3A_324 = vector.broadcast %jit3A_322 : i32 to vector<16xi32>
    %broadcast_in_dim3A_325 = vector.broadcast %jit3A_323 : i32 to vector<16xi32>
    %select_n3A_326 = arith.select %ne3A_321, %broadcast_in_dim3A_324, %broadcast_in_dim3A_325 : vector<16xi1>, vector<16xi32>
    %sub3A_327 = arith.constant 1 : i32
    %sub3A_328 = vector.broadcast %sub3A_327 : i32 to vector<16xi32>
    %sub3A_329 = arith.subi %iota3A, %sub3A_328 : vector<16xi32>
    %max3A_330 = arith.constant 0 : i32
    %max3A_331 = vector.broadcast %max3A_330 : i32 to vector<16xi32>
    %max3A_332 = arith.maxsi %sub3A_329, %max3A_331 : vector<16xi32>
    %broadcast_in_dim3A_333 = vector.shape_cast %max3A_332 : vector<16xi32> to vector<16x1xi32>
    %gather3A_334 = vector.shape_cast %broadcast_in_dim3A_333 : vector<16x1xi32> to vector<16xi32>
    %gather3A_335 = tpu.dynamic_gather %select_n3A_326[%gather3A_334] in [0] : vector<16xi32>, vector<16xi32> -> vector<16xi32>
    %ge3A_336 = arith.constant 1 : i32
    %ge3A_337 = vector.broadcast %ge3A_336 : i32 to vector<16xi32>
    %ge3A_338 = arith.cmpi sge, %iota3A, %ge3A_337 : vector<16xi32>
    %add3A_339 = arith.addi %select_n3A_326, %gather3A_335 : vector<16xi32>
    %select_n3A_340 = arith.select %ge3A_338, %add3A_339, %select_n3A_326 : vector<16xi1>, vector<16xi32>
    %sub3A_341 = arith.constant 2 : i32
    %sub3A_342 = vector.broadcast %sub3A_341 : i32 to vector<16xi32>
    %sub3A_343 = arith.subi %iota3A, %sub3A_342 : vector<16xi32>
    %max3A_344 = arith.constant 0 : i32
    %max3A_345 = vector.broadcast %max3A_344 : i32 to vector<16xi32>
    %max3A_346 = arith.maxsi %sub3A_343, %max3A_345 : vector<16xi32>
    %broadcast_in_dim3A_347 = vector.shape_cast %max3A_346 : vector<16xi32> to vector<16x1xi32>
    %gather3A_348 = vector.shape_cast %broadcast_in_dim3A_347 : vector<16x1xi32> to vector<16xi32>
    %gather3A_349 = tpu.dynamic_gather %select_n3A_340[%gather3A_348] in [0] : vector<16xi32>, vector<16xi32> -> vector<16xi32>
    %ge3A_350 = arith.constant 2 : i32
    %ge3A_351 = vector.broadcast %ge3A_350 : i32 to vector<16xi32>
    %ge3A_352 = arith.cmpi sge, %iota3A, %ge3A_351 : vector<16xi32>
    %add3A_353 = arith.addi %select_n3A_340, %gather3A_349 : vector<16xi32>
    %select_n3A_354 = arith.select %ge3A_352, %add3A_353, %select_n3A_340 : vector<16xi1>, vector<16xi32>
    %sub3A_355 = arith.constant 4 : i32
    %sub3A_356 = vector.broadcast %sub3A_355 : i32 to vector<16xi32>
    %sub3A_357 = arith.subi %iota3A, %sub3A_356 : vector<16xi32>
    %max3A_358 = arith.constant 0 : i32
    %max3A_359 = vector.broadcast %max3A_358 : i32 to vector<16xi32>
    %max3A_360 = arith.maxsi %sub3A_357, %max3A_359 : vector<16xi32>
    %broadcast_in_dim3A_361 = vector.shape_cast %max3A_360 : vector<16xi32> to vector<16x1xi32>
    %gather3A_362 = vector.shape_cast %broadcast_in_dim3A_361 : vector<16x1xi32> to vector<16xi32>
    %gather3A_363 = tpu.dynamic_gather %select_n3A_354[%gather3A_362] in [0] : vector<16xi32>, vector<16xi32> -> vector<16xi32>
    %ge3A_364 = arith.constant 4 : i32
    %ge3A_365 = vector.broadcast %ge3A_364 : i32 to vector<16xi32>
    %ge3A_366 = arith.cmpi sge, %iota3A, %ge3A_365 : vector<16xi32>
    %add3A_367 = arith.addi %select_n3A_354, %gather3A_363 : vector<16xi32>
    %select_n3A_368 = arith.select %ge3A_366, %add3A_367, %select_n3A_354 : vector<16xi1>, vector<16xi32>
    %sub3A_369 = arith.constant 8 : i32
    %sub3A_370 = vector.broadcast %sub3A_369 : i32 to vector<16xi32>
    %sub3A_371 = arith.subi %iota3A, %sub3A_370 : vector<16xi32>
    %max3A_372 = arith.constant 0 : i32
    %max3A_373 = vector.broadcast %max3A_372 : i32 to vector<16xi32>
    %max3A_374 = arith.maxsi %sub3A_371, %max3A_373 : vector<16xi32>
    %broadcast_in_dim3A_375 = vector.shape_cast %max3A_374 : vector<16xi32> to vector<16x1xi32>
    %gather3A_376 = vector.shape_cast %broadcast_in_dim3A_375 : vector<16x1xi32> to vector<16xi32>
    %gather3A_377 = tpu.dynamic_gather %select_n3A_368[%gather3A_376] in [0] : vector<16xi32>, vector<16xi32> -> vector<16xi32>
    %ge3A_378 = arith.constant 8 : i32
    %ge3A_379 = vector.broadcast %ge3A_378 : i32 to vector<16xi32>
    %ge3A_380 = arith.cmpi sge, %iota3A, %ge3A_379 : vector<16xi32>
    %add3A_381 = arith.addi %select_n3A_368, %gather3A_377 : vector<16xi32>
    %select_n3A_382 = arith.select %ge3A_380, %add3A_381, %select_n3A_368 : vector<16xi1>, vector<16xi32>
    %ne3A_383 = arith.constant 0 : i32
    %ne3A_384 = vector.broadcast %ne3A_383 : i32 to vector<16xi32>
    %ne3A_385 = arith.cmpi ne, %get3A_314, %ne3A_384 : vector<16xi32>
    %add3A_386 = vector.broadcast %add3A_309 : i32 to vector<16xi32>
    %add3A_387 = arith.addi %add3A_386, %select_n3A_382 : vector<16xi32>
    %sub3A_388 = arith.constant 1 : i32
    %sub3A_389 = vector.broadcast %sub3A_388 : i32 to vector<16xi32>
    %sub3A_390 = arith.subi %add3A_387, %sub3A_389 : vector<16xi32>
    %select_n3A_391 = arith.select %ne3A_385, %sub3A_390, %add3A_7 : vector<16xi1>, vector<16xi32>
    %ne3A_392 = arith.constant 0 : i32
    %ne3A_393 = vector.broadcast %ne3A_392 : i32 to vector<16xi32>
    %ne3A_394 = arith.cmpi ne, %get3A_314, %ne3A_393 : vector<16xi32>
    %add3A_395 = vector.broadcast %add3A_312 : i32 to vector<16xi32>
    %add3A_396 = arith.addi %add3A_395, %iota3A : vector<16xi32>
    %sub3A_397 = arith.subi %add3A_396, %select_n3A_382 : vector<16xi32>
    %select_n3A_398 = arith.select %ne3A_394, %add3A_7, %sub3A_397 : vector<16xi1>, vector<16xi32>
    tpu.vector_store_idx %arg7[%select_n3A_391], %add3A_318 : memref<560xi32, #tpu.memory_space<vmem>>[vector<16xi32>], vector<16xi32>,
    tpu.vector_store_idx %arg8[%select_n3A_398], %add3A_318 : memref<560xi32, #tpu.memory_space<vmem>>[vector<16xi32>], vector<16xi32>,
    %ne3A_399 = arith.constant 0 : i32
    %ne3A_400 = vector.broadcast %ne3A_399 : i32 to vector<16xi32>
    %ne3A_401 = arith.cmpi ne, %get3A_314, %ne3A_400 : vector<16xi32>
    %jit3A_402 = arith.constant 528 : i32
    %broadcast_in_dim3A_403 = vector.broadcast %jit3A_402 : i32 to vector<16xi32>
    %select_n3A_404 = arith.select %ne3A_401, %broadcast_in_dim3A_403, %add3A_7 : vector<16xi1>, vector<16xi32>
    tpu.vector_store_idx %arg7[%select_n3A_404], %add3A_318 : memref<560xi32, #tpu.memory_space<vmem>>[vector<16xi32>], vector<16xi32>,
    %ne3A_405 = arith.constant 0 : i32
    %ne3A_406 = vector.broadcast %ne3A_405 : i32 to vector<16xi32>
    %ne3A_407 = arith.cmpi ne, %get3A_314, %ne3A_406 : vector<16xi32>
    %jit3A_408 = arith.constant 528 : i32
    %broadcast_in_dim3A_409 = vector.broadcast %jit3A_408 : i32 to vector<16xi32>
    %select_n3A_410 = arith.select %ne3A_407, %add3A_7, %broadcast_in_dim3A_409 : vector<16xi1>, vector<16xi32>
    tpu.vector_store_idx %arg8[%select_n3A_410], %add3A_318 : memref<560xi32, #tpu.memory_space<vmem>>[vector<16xi32>], vector<16xi32>,
    %slice3A_411 = vector.extract_strided_slice %select_n3A_382 {offsets = [15], sizes = [1], strides = [1]} : vector<16xi32> to vector<1xi32>
    %squeeze3A_412 = vector.extract %slice3A_411[0] : i32 from vector<1xi32>
    %add3A_413 = arith.addi %add3A_309, %squeeze3A_412 : i32
    %sub3A_414 = arith.constant 16 : i32
    %sub3A_415 = arith.subi %sub3A_414, %squeeze3A_412 : i32
    %add3A_416 = arith.addi %add3A_312, %sub3A_415 : i32
    %get3A_417 = arith.constant 64 : index
    %get3A_418 = tpu.vector_load %arg6[%get3A_417] {strides = array<i32>} : memref<512xi32, #tpu.memory_space<vmem>>, vector<16xi32>,
    %add3A_419 = arith.constant 64 : i32
    %add3A_420 = arith.addi %mul3A_2, %add3A_419 : i32
    %add3A_421 = vector.broadcast %add3A_420 : i32 to vector<16xi32>
    %add3A_422 = arith.addi %iota3A, %add3A_421 : vector<16xi32>
    %ne3A_423 = arith.constant 0 : i32
    %ne3A_424 = vector.broadcast %ne3A_423 : i32 to vector<16xi32>
    %ne3A_425 = arith.cmpi ne, %get3A_418, %ne3A_424 : vector<16xi32>
    %jit3A_426 = arith.constant 1 : i32
    %jit3A_427 = arith.constant 0 : i32
    %broadcast_in_dim3A_428 = vector.broadcast %jit3A_426 : i32 to vector<16xi32>
    %broadcast_in_dim3A_429 = vector.broadcast %jit3A_427 : i32 to vector<16xi32>
    %select_n3A_430 = arith.select %ne3A_425, %broadcast_in_dim3A_428, %broadcast_in_dim3A_429 : vector<16xi1>, vector<16xi32>
    %sub3A_431 = arith.constant 1 : i32
    %sub3A_432 = vector.broadcast %sub3A_431 : i32 to vector<16xi32>
    %sub3A_433 = arith.subi %iota3A, %sub3A_432 : vector<16xi32>
    %max3A_434 = arith.constant 0 : i32
    %max3A_435 = vector.broadcast %max3A_434 : i32 to vector<16xi32>
    %max3A_436 = arith.maxsi %sub3A_433, %max3A_435 : vector<16xi32>
    %broadcast_in_dim3A_437 = vector.shape_cast %max3A_436 : vector<16xi32> to vector<16x1xi32>
    %gather3A_438 = vector.shape_cast %broadcast_in_dim3A_437 : vector<16x1xi32> to vector<16xi32>
    %gather3A_439 = tpu.dynamic_gather %select_n3A_430[%gather3A_438] in [0] : vector<16xi32>, vector<16xi32> -> vector<16xi32>
    %ge3A_440 = arith.constant 1 : i32
    %ge3A_441 = vector.broadcast %ge3A_440 : i32 to vector<16xi32>
    %ge3A_442 = arith.cmpi sge, %iota3A, %ge3A_441 : vector<16xi32>
    %add3A_443 = arith.addi %select_n3A_430, %gather3A_439 : vector<16xi32>
    %select_n3A_444 = arith.select %ge3A_442, %add3A_443, %select_n3A_430 : vector<16xi1>, vector<16xi32>
    %sub3A_445 = arith.constant 2 : i32
    %sub3A_446 = vector.broadcast %sub3A_445 : i32 to vector<16xi32>
    %sub3A_447 = arith.subi %iota3A, %sub3A_446 : vector<16xi32>
    %max3A_448 = arith.constant 0 : i32
    %max3A_449 = vector.broadcast %max3A_448 : i32 to vector<16xi32>
    %max3A_450 = arith.maxsi %sub3A_447, %max3A_449 : vector<16xi32>
    %broadcast_in_dim3A_451 = vector.shape_cast %max3A_450 : vector<16xi32> to vector<16x1xi32>
    %gather3A_452 = vector.shape_cast %broadcast_in_dim3A_451 : vector<16x1xi32> to vector<16xi32>
    %gather3A_453 = tpu.dynamic_gather %select_n3A_444[%gather3A_452] in [0] : vector<16xi32>, vector<16xi32> -> vector<16xi32>
    %ge3A_454 = arith.constant 2 : i32
    %ge3A_455 = vector.broadcast %ge3A_454 : i32 to vector<16xi32>
    %ge3A_456 = arith.cmpi sge, %iota3A, %ge3A_455 : vector<16xi32>
    %add3A_457 = arith.addi %select_n3A_444, %gather3A_453 : vector<16xi32>
    %select_n3A_458 = arith.select %ge3A_456, %add3A_457, %select_n3A_444 : vector<16xi1>, vector<16xi32>
    %sub3A_459 = arith.constant 4 : i32
    %sub3A_460 = vector.broadcast %sub3A_459 : i32 to vector<16xi32>
    %sub3A_461 = arith.subi %iota3A, %sub3A_460 : vector<16xi32>
    %max3A_462 = arith.constant 0 : i32
    %max3A_463 = vector.broadcast %max3A_462 : i32 to vector<16xi32>
    %max3A_464 = arith.maxsi %sub3A_461, %max3A_463 : vector<16xi32>
    %broadcast_in_dim3A_465 = vector.shape_cast %max3A_464 : vector<16xi32> to vector<16x1xi32>
    %gather3A_466 = vector.shape_cast %broadcast_in_dim3A_465 : vector<16x1xi32> to vector<16xi32>
    %gather3A_467 = tpu.dynamic_gather %select_n3A_458[%gather3A_466] in [0] : vector<16xi32>, vector<16xi32> -> vector<16xi32>
    %ge3A_468 = arith.constant 4 : i32
    %ge3A_469 = vector.broadcast %ge3A_468 : i32 to vector<16xi32>
    %ge3A_470 = arith.cmpi sge, %iota3A, %ge3A_469 : vector<16xi32>
    %add3A_471 = arith.addi %select_n3A_458, %gather3A_467 : vector<16xi32>
    %select_n3A_472 = arith.select %ge3A_470, %add3A_471, %select_n3A_458 : vector<16xi1>, vector<16xi32>
    %sub3A_473 = arith.constant 8 : i32
    %sub3A_474 = vector.broadcast %sub3A_473 : i32 to vector<16xi32>
    %sub3A_475 = arith.subi %iota3A, %sub3A_474 : vector<16xi32>
    %max3A_476 = arith.constant 0 : i32
    %max3A_477 = vector.broadcast %max3A_476 : i32 to vector<16xi32>
    %max3A_478 = arith.maxsi %sub3A_475, %max3A_477 : vector<16xi32>
    %broadcast_in_dim3A_479 = vector.shape_cast %max3A_478 : vector<16xi32> to vector<16x1xi32>
    %gather3A_480 = vector.shape_cast %broadcast_in_dim3A_479 : vector<16x1xi32> to vector<16xi32>
    %gather3A_481 = tpu.dynamic_gather %select_n3A_472[%gather3A_480] in [0] : vector<16xi32>, vector<16xi32> -> vector<16xi32>
    %ge3A_482 = arith.constant 8 : i32
    %ge3A_483 = vector.broadcast %ge3A_482 : i32 to vector<16xi32>
    %ge3A_484 = arith.cmpi sge, %iota3A, %ge3A_483 : vector<16xi32>
    %add3A_485 = arith.addi %select_n3A_472, %gather3A_481 : vector<16xi32>
    %select_n3A_486 = arith.select %ge3A_484, %add3A_485, %select_n3A_472 : vector<16xi1>, vector<16xi32>
    %ne3A_487 = arith.constant 0 : i32
    %ne3A_488 = vector.broadcast %ne3A_487 : i32 to vector<16xi32>
    %ne3A_489 = arith.cmpi ne, %get3A_418, %ne3A_488 : vector<16xi32>
    %add3A_490 = vector.broadcast %add3A_413 : i32 to vector<16xi32>
    %add3A_491 = arith.addi %add3A_490, %select_n3A_486 : vector<16xi32>
    %sub3A_492 = arith.constant 1 : i32
    %sub3A_493 = vector.broadcast %sub3A_492 : i32 to vector<16xi32>
    %sub3A_494 = arith.subi %add3A_491, %sub3A_493 : vector<16xi32>
    %select_n3A_495 = arith.select %ne3A_489, %sub3A_494, %add3A_7 : vector<16xi1>, vector<16xi32>
    %ne3A_496 = arith.constant 0 : i32
    %ne3A_497 = vector.broadcast %ne3A_496 : i32 to vector<16xi32>
    %ne3A_498 = arith.cmpi ne, %get3A_418, %ne3A_497 : vector<16xi32>
    %add3A_499 = vector.broadcast %add3A_416 : i32 to vector<16xi32>
    %add3A_500 = arith.addi %add3A_499, %iota3A : vector<16xi32>
    %sub3A_501 = arith.subi %add3A_500, %select_n3A_486 : vector<16xi32>
    %select_n3A_502 = arith.select %ne3A_498, %add3A_7, %sub3A_501 : vector<16xi1>, vector<16xi32>
    tpu.vector_store_idx %arg7[%select_n3A_495], %add3A_422 : memref<560xi32, #tpu.memory_space<vmem>>[vector<16xi32>], vector<16xi32>,
    tpu.vector_store_idx %arg8[%select_n3A_502], %add3A_422 : memref<560xi32, #tpu.memory_space<vmem>>[vector<16xi32>], vector<16xi32>,
    %ne3A_503 = arith.constant 0 : i32
    %ne3A_504 = vector.broadcast %ne3A_503 : i32 to vector<16xi32>
    %ne3A_505 = arith.cmpi ne, %get3A_418, %ne3A_504 : vector<16xi32>
    %jit3A_506 = arith.constant 528 : i32
    %broadcast_in_dim3A_507 = vector.broadcast %jit3A_506 : i32 to vector<16xi32>
    %select_n3A_508 = arith.select %ne3A_505, %broadcast_in_dim3A_507, %add3A_7 : vector<16xi1>, vector<16xi32>
    tpu.vector_store_idx %arg7[%select_n3A_508], %add3A_422 : memref<560xi32, #tpu.memory_space<vmem>>[vector<16xi32>], vector<16xi32>,
    %ne3A_509 = arith.constant 0 : i32
    %ne3A_510 = vector.broadcast %ne3A_509 : i32 to vector<16xi32>
    %ne3A_511 = arith.cmpi ne, %get3A_418, %ne3A_510 : vector<16xi32>
    %jit3A_512 = arith.constant 528 : i32
    %broadcast_in_dim3A_513 = vector.broadcast %jit3A_512 : i32 to vector<16xi32>
    %select_n3A_514 = arith.select %ne3A_511, %add3A_7, %broadcast_in_dim3A_513 : vector<16xi1>, vector<16xi32>
    tpu.vector_store_idx %arg8[%select_n3A_514], %add3A_422 : memref<560xi32, #tpu.memory_space<vmem>>[vector<16xi32>], vector<16xi32>,
    %slice3A_515 = vector.extract_strided_slice %select_n3A_486 {offsets = [15], sizes = [1], strides = [1]} : vector<16xi32> to vector<1xi32>
    %squeeze3A_516 = vector.extract %slice3A_515[0] : i32 from vector<1xi32>
    %add3A_517 = arith.addi %add3A_413, %squeeze3A_516 : i32
    %sub3A_518 = arith.constant 16 : i32
    %sub3A_519 = arith.subi %sub3A_518, %squeeze3A_516 : i32
    %add3A_520 = arith.addi %add3A_416, %sub3A_519 : i32
    %get3A_521 = arith.constant 80 : index
    %get3A_522 = tpu.vector_load %arg6[%get3A_521] {strides = array<i32>} : memref<512xi32, #tpu.memory_space<vmem>>, vector<16xi32>,
    %add3A_523 = arith.constant 80 : i32
    %add3A_524 = arith.addi %mul3A_2, %add3A_523 : i32
    %add3A_525 = vector.broadcast %add3A_524 : i32 to vector<16xi32>
    %add3A_526 = arith.addi %iota3A, %add3A_525 : vector<16xi32>
    %ne3A_527 = arith.constant 0 : i32
    %ne3A_528 = vector.broadcast %ne3A_527 : i32 to vector<16xi32>
    %ne3A_529 = arith.cmpi ne, %get3A_522, %ne3A_528 : vector<16xi32>
    %jit3A_530 = arith.constant 1 : i32
    %jit3A_531 = arith.constant 0 : i32
    %broadcast_in_dim3A_532 = vector.broadcast %jit3A_530 : i32 to vector<16xi32>
    %broadcast_in_dim3A_533 = vector.broadcast %jit3A_531 : i32 to vector<16xi32>
    %select_n3A_534 = arith.select %ne3A_529, %broadcast_in_dim3A_532, %broadcast_in_dim3A_533 : vector<16xi1>, vector<16xi32>
    %sub3A_535 = arith.constant 1 : i32
    %sub3A_536 = vector.broadcast %sub3A_535 : i32 to vector<16xi32>
    %sub3A_537 = arith.subi %iota3A, %sub3A_536 : vector<16xi32>
    %max3A_538 = arith.constant 0 : i32
    %max3A_539 = vector.broadcast %max3A_538 : i32 to vector<16xi32>
    %max3A_540 = arith.maxsi %sub3A_537, %max3A_539 : vector<16xi32>
    %broadcast_in_dim3A_541 = vector.shape_cast %max3A_540 : vector<16xi32> to vector<16x1xi32>
    %gather3A_542 = vector.shape_cast %broadcast_in_dim3A_541 : vector<16x1xi32> to vector<16xi32>
    %gather3A_543 = tpu.dynamic_gather %select_n3A_534[%gather3A_542] in [0] : vector<16xi32>, vector<16xi32> -> vector<16xi32>
    %ge3A_544 = arith.constant 1 : i32
    %ge3A_545 = vector.broadcast %ge3A_544 : i32 to vector<16xi32>
    %ge3A_546 = arith.cmpi sge, %iota3A, %ge3A_545 : vector<16xi32>
    %add3A_547 = arith.addi %select_n3A_534, %gather3A_543 : vector<16xi32>
    %select_n3A_548 = arith.select %ge3A_546, %add3A_547, %select_n3A_534 : vector<16xi1>, vector<16xi32>
    %sub3A_549 = arith.constant 2 : i32
    %sub3A_550 = vector.broadcast %sub3A_549 : i32 to vector<16xi32>
    %sub3A_551 = arith.subi %iota3A, %sub3A_550 : vector<16xi32>
    %max3A_552 = arith.constant 0 : i32
    %max3A_553 = vector.broadcast %max3A_552 : i32 to vector<16xi32>
    %max3A_554 = arith.maxsi %sub3A_551, %max3A_553 : vector<16xi32>
    %broadcast_in_dim3A_555 = vector.shape_cast %max3A_554 : vector<16xi32> to vector<16x1xi32>
    %gather3A_556 = vector.shape_cast %broadcast_in_dim3A_555 : vector<16x1xi32> to vector<16xi32>
    %gather3A_557 = tpu.dynamic_gather %select_n3A_548[%gather3A_556] in [0] : vector<16xi32>, vector<16xi32> -> vector<16xi32>
    %ge3A_558 = arith.constant 2 : i32
    %ge3A_559 = vector.broadcast %ge3A_558 : i32 to vector<16xi32>
    %ge3A_560 = arith.cmpi sge, %iota3A, %ge3A_559 : vector<16xi32>
    %add3A_561 = arith.addi %select_n3A_548, %gather3A_557 : vector<16xi32>
    %select_n3A_562 = arith.select %ge3A_560, %add3A_561, %select_n3A_548 : vector<16xi1>, vector<16xi32>
    %sub3A_563 = arith.constant 4 : i32
    %sub3A_564 = vector.broadcast %sub3A_563 : i32 to vector<16xi32>
    %sub3A_565 = arith.subi %iota3A, %sub3A_564 : vector<16xi32>
    %max3A_566 = arith.constant 0 : i32
    %max3A_567 = vector.broadcast %max3A_566 : i32 to vector<16xi32>
    %max3A_568 = arith.maxsi %sub3A_565, %max3A_567 : vector<16xi32>
    %broadcast_in_dim3A_569 = vector.shape_cast %max3A_568 : vector<16xi32> to vector<16x1xi32>
    %gather3A_570 = vector.shape_cast %broadcast_in_dim3A_569 : vector<16x1xi32> to vector<16xi32>
    %gather3A_571 = tpu.dynamic_gather %select_n3A_562[%gather3A_570] in [0] : vector<16xi32>, vector<16xi32> -> vector<16xi32>
    %ge3A_572 = arith.constant 4 : i32
    %ge3A_573 = vector.broadcast %ge3A_572 : i32 to vector<16xi32>
    %ge3A_574 = arith.cmpi sge, %iota3A, %ge3A_573 : vector<16xi32>
    %add3A_575 = arith.addi %select_n3A_562, %gather3A_571 : vector<16xi32>
    %select_n3A_576 = arith.select %ge3A_574, %add3A_575, %select_n3A_562 : vector<16xi1>, vector<16xi32>
    %sub3A_577 = arith.constant 8 : i32
    %sub3A_578 = vector.broadcast %sub3A_577 : i32 to vector<16xi32>
    %sub3A_579 = arith.subi %iota3A, %sub3A_578 : vector<16xi32>
    %max3A_580 = arith.constant 0 : i32
    %max3A_581 = vector.broadcast %max3A_580 : i32 to vector<16xi32>
    %max3A_582 = arith.maxsi %sub3A_579, %max3A_581 : vector<16xi32>
    %broadcast_in_dim3A_583 = vector.shape_cast %max3A_582 : vector<16xi32> to vector<16x1xi32>
    %gather3A_584 = vector.shape_cast %broadcast_in_dim3A_583 : vector<16x1xi32> to vector<16xi32>
    %gather3A_585 = tpu.dynamic_gather %select_n3A_576[%gather3A_584] in [0] : vector<16xi32>, vector<16xi32> -> vector<16xi32>
    %ge3A_586 = arith.constant 8 : i32
    %ge3A_587 = vector.broadcast %ge3A_586 : i32 to vector<16xi32>
    %ge3A_588 = arith.cmpi sge, %iota3A, %ge3A_587 : vector<16xi32>
    %add3A_589 = arith.addi %select_n3A_576, %gather3A_585 : vector<16xi32>
    %select_n3A_590 = arith.select %ge3A_588, %add3A_589, %select_n3A_576 : vector<16xi1>, vector<16xi32>
    %ne3A_591 = arith.constant 0 : i32
    %ne3A_592 = vector.broadcast %ne3A_591 : i32 to vector<16xi32>
    %ne3A_593 = arith.cmpi ne, %get3A_522, %ne3A_592 : vector<16xi32>
    %add3A_594 = vector.broadcast %add3A_517 : i32 to vector<16xi32>
    %add3A_595 = arith.addi %add3A_594, %select_n3A_590 : vector<16xi32>
    %sub3A_596 = arith.constant 1 : i32
    %sub3A_597 = vector.broadcast %sub3A_596 : i32 to vector<16xi32>
    %sub3A_598 = arith.subi %add3A_595, %sub3A_597 : vector<16xi32>
    %select_n3A_599 = arith.select %ne3A_593, %sub3A_598, %add3A_7 : vector<16xi1>, vector<16xi32>
    %ne3A_600 = arith.constant 0 : i32
    %ne3A_601 = vector.broadcast %ne3A_600 : i32 to vector<16xi32>
    %ne3A_602 = arith.cmpi ne, %get3A_522, %ne3A_601 : vector<16xi32>
    %add3A_603 = vector.broadcast %add3A_520 : i32 to vector<16xi32>
    %add3A_604 = arith.addi %add3A_603, %iota3A : vector<16xi32>
    %sub3A_605 = arith.subi %add3A_604, %select_n3A_590 : vector<16xi32>
    %select_n3A_606 = arith.select %ne3A_602, %add3A_7, %sub3A_605 : vector<16xi1>, vector<16xi32>
    tpu.vector_store_idx %arg7[%select_n3A_599], %add3A_526 : memref<560xi32, #tpu.memory_space<vmem>>[vector<16xi32>], vector<16xi32>,
    tpu.vector_store_idx %arg8[%select_n3A_606], %add3A_526 : memref<560xi32, #tpu.memory_space<vmem>>[vector<16xi32>], vector<16xi32>,
    %ne3A_607 = arith.constant 0 : i32
    %ne3A_608 = vector.broadcast %ne3A_607 : i32 to vector<16xi32>
    %ne3A_609 = arith.cmpi ne, %get3A_522, %ne3A_608 : vector<16xi32>
    %jit3A_610 = arith.constant 528 : i32
    %broadcast_in_dim3A_611 = vector.broadcast %jit3A_610 : i32 to vector<16xi32>
    %select_n3A_612 = arith.select %ne3A_609, %broadcast_in_dim3A_611, %add3A_7 : vector<16xi1>, vector<16xi32>
    tpu.vector_store_idx %arg7[%select_n3A_612], %add3A_526 : memref<560xi32, #tpu.memory_space<vmem>>[vector<16xi32>], vector<16xi32>,
    %ne3A_613 = arith.constant 0 : i32
    %ne3A_614 = vector.broadcast %ne3A_613 : i32 to vector<16xi32>
    %ne3A_615 = arith.cmpi ne, %get3A_522, %ne3A_614 : vector<16xi32>
    %jit3A_616 = arith.constant 528 : i32
    %broadcast_in_dim3A_617 = vector.broadcast %jit3A_616 : i32 to vector<16xi32>
    %select_n3A_618 = arith.select %ne3A_615, %add3A_7, %broadcast_in_dim3A_617 : vector<16xi1>, vector<16xi32>
    tpu.vector_store_idx %arg8[%select_n3A_618], %add3A_526 : memref<560xi32, #tpu.memory_space<vmem>>[vector<16xi32>], vector<16xi32>,
    %slice3A_619 = vector.extract_strided_slice %select_n3A_590 {offsets = [15], sizes = [1], strides = [1]} : vector<16xi32> to vector<1xi32>
    %squeeze3A_620 = vector.extract %slice3A_619[0] : i32 from vector<1xi32>
    %add3A_621 = arith.addi %add3A_517, %squeeze3A_620 : i32
    %sub3A_622 = arith.constant 16 : i32
    %sub3A_623 = arith.subi %sub3A_622, %squeeze3A_620 : i32
    %add3A_624 = arith.addi %add3A_520, %sub3A_623 : i32
    %get3A_625 = arith.constant 96 : index
    %get3A_626 = tpu.vector_load %arg6[%get3A_625] {strides = array<i32>} : memref<512xi32, #tpu.memory_space<vmem>>, vector<16xi32>,
    %add3A_627 = arith.constant 96 : i32
    %add3A_628 = arith.addi %mul3A_2, %add3A_627 : i32
    %add3A_629 = vector.broadcast %add3A_628 : i32 to vector<16xi32>
    %add3A_630 = arith.addi %iota3A, %add3A_629 : vector<16xi32>
    %ne3A_631 = arith.constant 0 : i32
    %ne3A_632 = vector.broadcast %ne3A_631 : i32 to vector<16xi32>
    %ne3A_633 = arith.cmpi ne, %get3A_626, %ne3A_632 : vector<16xi32>
    %jit3A_634 = arith.constant 1 : i32
    %jit3A_635 = arith.constant 0 : i32
    %broadcast_in_dim3A_636 = vector.broadcast %jit3A_634 : i32 to vector<16xi32>
    %broadcast_in_dim3A_637 = vector.broadcast %jit3A_635 : i32 to vector<16xi32>
    %select_n3A_638 = arith.select %ne3A_633, %broadcast_in_dim3A_636, %broadcast_in_dim3A_637 : vector<16xi1>, vector<16xi32>
    %sub3A_639 = arith.constant 1 : i32
    %sub3A_640 = vector.broadcast %sub3A_639 : i32 to vector<16xi32>
    %sub3A_641 = arith.subi %iota3A, %sub3A_640 : vector<16xi32>
    %max3A_642 = arith.constant 0 : i32
    %max3A_643 = vector.broadcast %max3A_642 : i32 to vector<16xi32>
    %max3A_644 = arith.maxsi %sub3A_641, %max3A_643 : vector<16xi32>
    %broadcast_in_dim3A_645 = vector.shape_cast %max3A_644 : vector<16xi32> to vector<16x1xi32>
    %gather3A_646 = vector.shape_cast %broadcast_in_dim3A_645 : vector<16x1xi32> to vector<16xi32>
    %gather3A_647 = tpu.dynamic_gather %select_n3A_638[%gather3A_646] in [0] : vector<16xi32>, vector<16xi32> -> vector<16xi32>
    %ge3A_648 = arith.constant 1 : i32
    %ge3A_649 = vector.broadcast %ge3A_648 : i32 to vector<16xi32>
    %ge3A_650 = arith.cmpi sge, %iota3A, %ge3A_649 : vector<16xi32>
    %add3A_651 = arith.addi %select_n3A_638, %gather3A_647 : vector<16xi32>
    %select_n3A_652 = arith.select %ge3A_650, %add3A_651, %select_n3A_638 : vector<16xi1>, vector<16xi32>
    %sub3A_653 = arith.constant 2 : i32
    %sub3A_654 = vector.broadcast %sub3A_653 : i32 to vector<16xi32>
    %sub3A_655 = arith.subi %iota3A, %sub3A_654 : vector<16xi32>
    %max3A_656 = arith.constant 0 : i32
    %max3A_657 = vector.broadcast %max3A_656 : i32 to vector<16xi32>
    %max3A_658 = arith.maxsi %sub3A_655, %max3A_657 : vector<16xi32>
    %broadcast_in_dim3A_659 = vector.shape_cast %max3A_658 : vector<16xi32> to vector<16x1xi32>
    %gather3A_660 = vector.shape_cast %broadcast_in_dim3A_659 : vector<16x1xi32> to vector<16xi32>
    %gather3A_661 = tpu.dynamic_gather %select_n3A_652[%gather3A_660] in [0] : vector<16xi32>, vector<16xi32> -> vector<16xi32>
    %ge3A_662 = arith.constant 2 : i32
    %ge3A_663 = vector.broadcast %ge3A_662 : i32 to vector<16xi32>
    %ge3A_664 = arith.cmpi sge, %iota3A, %ge3A_663 : vector<16xi32>
    %add3A_665 = arith.addi %select_n3A_652, %gather3A_661 : vector<16xi32>
    %select_n3A_666 = arith.select %ge3A_664, %add3A_665, %select_n3A_652 : vector<16xi1>, vector<16xi32>
    %sub3A_667 = arith.constant 4 : i32
    %sub3A_668 = vector.broadcast %sub3A_667 : i32 to vector<16xi32>
    %sub3A_669 = arith.subi %iota3A, %sub3A_668 : vector<16xi32>
    %max3A_670 = arith.constant 0 : i32
    %max3A_671 = vector.broadcast %max3A_670 : i32 to vector<16xi32>
    %max3A_672 = arith.maxsi %sub3A_669, %max3A_671 : vector<16xi32>
    %broadcast_in_dim3A_673 = vector.shape_cast %max3A_672 : vector<16xi32> to vector<16x1xi32>
    %gather3A_674 = vector.shape_cast %broadcast_in_dim3A_673 : vector<16x1xi32> to vector<16xi32>
    %gather3A_675 = tpu.dynamic_gather %select_n3A_666[%gather3A_674] in [0] : vector<16xi32>, vector<16xi32> -> vector<16xi32>
    %ge3A_676 = arith.constant 4 : i32
    %ge3A_677 = vector.broadcast %ge3A_676 : i32 to vector<16xi32>
    %ge3A_678 = arith.cmpi sge, %iota3A, %ge3A_677 : vector<16xi32>
    %add3A_679 = arith.addi %select_n3A_666, %gather3A_675 : vector<16xi32>
    %select_n3A_680 = arith.select %ge3A_678, %add3A_679, %select_n3A_666 : vector<16xi1>, vector<16xi32>
    %sub3A_681 = arith.constant 8 : i32
    %sub3A_682 = vector.broadcast %sub3A_681 : i32 to vector<16xi32>
    %sub3A_683 = arith.subi %iota3A, %sub3A_682 : vector<16xi32>
    %max3A_684 = arith.constant 0 : i32
    %max3A_685 = vector.broadcast %max3A_684 : i32 to vector<16xi32>
    %max3A_686 = arith.maxsi %sub3A_683, %max3A_685 : vector<16xi32>
    %broadcast_in_dim3A_687 = vector.shape_cast %max3A_686 : vector<16xi32> to vector<16x1xi32>
    %gather3A_688 = vector.shape_cast %broadcast_in_dim3A_687 : vector<16x1xi32> to vector<16xi32>
    %gather3A_689 = tpu.dynamic_gather %select_n3A_680[%gather3A_688] in [0] : vector<16xi32>, vector<16xi32> -> vector<16xi32>
    %ge3A_690 = arith.constant 8 : i32
    %ge3A_691 = vector.broadcast %ge3A_690 : i32 to vector<16xi32>
    %ge3A_692 = arith.cmpi sge, %iota3A, %ge3A_691 : vector<16xi32>
    %add3A_693 = arith.addi %select_n3A_680, %gather3A_689 : vector<16xi32>
    %select_n3A_694 = arith.select %ge3A_692, %add3A_693, %select_n3A_680 : vector<16xi1>, vector<16xi32>
    %ne3A_695 = arith.constant 0 : i32
    %ne3A_696 = vector.broadcast %ne3A_695 : i32 to vector<16xi32>
    %ne3A_697 = arith.cmpi ne, %get3A_626, %ne3A_696 : vector<16xi32>
    %add3A_698 = vector.broadcast %add3A_621 : i32 to vector<16xi32>
    %add3A_699 = arith.addi %add3A_698, %select_n3A_694 : vector<16xi32>
    %sub3A_700 = arith.constant 1 : i32
    %sub3A_701 = vector.broadcast %sub3A_700 : i32 to vector<16xi32>
    %sub3A_702 = arith.subi %add3A_699, %sub3A_701 : vector<16xi32>
    %select_n3A_703 = arith.select %ne3A_697, %sub3A_702, %add3A_7 : vector<16xi1>, vector<16xi32>
    %ne3A_704 = arith.constant 0 : i32
    %ne3A_705 = vector.broadcast %ne3A_704 : i32 to vector<16xi32>
    %ne3A_706 = arith.cmpi ne, %get3A_626, %ne3A_705 : vector<16xi32>
    %add3A_707 = vector.broadcast %add3A_624 : i32 to vector<16xi32>
    %add3A_708 = arith.addi %add3A_707, %iota3A : vector<16xi32>
    %sub3A_709 = arith.subi %add3A_708, %select_n3A_694 : vector<16xi32>
    %select_n3A_710 = arith.select %ne3A_706, %add3A_7, %sub3A_709 : vector<16xi1>, vector<16xi32>
    tpu.vector_store_idx %arg7[%select_n3A_703], %add3A_630 : memref<560xi32, #tpu.memory_space<vmem>>[vector<16xi32>], vector<16xi32>,
    tpu.vector_store_idx %arg8[%select_n3A_710], %add3A_630 : memref<560xi32, #tpu.memory_space<vmem>>[vector<16xi32>], vector<16xi32>,
    %ne3A_711 = arith.constant 0 : i32
    %ne3A_712 = vector.broadcast %ne3A_711 : i32 to vector<16xi32>
    %ne3A_713 = arith.cmpi ne, %get3A_626, %ne3A_712 : vector<16xi32>
    %jit3A_714 = arith.constant 528 : i32
    %broadcast_in_dim3A_715 = vector.broadcast %jit3A_714 : i32 to vector<16xi32>
    %select_n3A_716 = arith.select %ne3A_713, %broadcast_in_dim3A_715, %add3A_7 : vector<16xi1>, vector<16xi32>
    tpu.vector_store_idx %arg7[%select_n3A_716], %add3A_630 : memref<560xi32, #tpu.memory_space<vmem>>[vector<16xi32>], vector<16xi32>,
    %ne3A_717 = arith.constant 0 : i32
    %ne3A_718 = vector.broadcast %ne3A_717 : i32 to vector<16xi32>
    %ne3A_719 = arith.cmpi ne, %get3A_626, %ne3A_718 : vector<16xi32>
    %jit3A_720 = arith.constant 528 : i32
    %broadcast_in_dim3A_721 = vector.broadcast %jit3A_720 : i32 to vector<16xi32>
    %select_n3A_722 = arith.select %ne3A_719, %add3A_7, %broadcast_in_dim3A_721 : vector<16xi1>, vector<16xi32>
    tpu.vector_store_idx %arg8[%select_n3A_722], %add3A_630 : memref<560xi32, #tpu.memory_space<vmem>>[vector<16xi32>], vector<16xi32>,
    %slice3A_723 = vector.extract_strided_slice %select_n3A_694 {offsets = [15], sizes = [1], strides = [1]} : vector<16xi32> to vector<1xi32>
    %squeeze3A_724 = vector.extract %slice3A_723[0] : i32 from vector<1xi32>
    %add3A_725 = arith.addi %add3A_621, %squeeze3A_724 : i32
    %sub3A_726 = arith.constant 16 : i32
    %sub3A_727 = arith.subi %sub3A_726, %squeeze3A_724 : i32
    %add3A_728 = arith.addi %add3A_624, %sub3A_727 : i32
    %get3A_729 = arith.constant 112 : index
    %get3A_730 = tpu.vector_load %arg6[%get3A_729] {strides = array<i32>} : memref<512xi32, #tpu.memory_space<vmem>>, vector<16xi32>,
    %add3A_731 = arith.constant 112 : i32
    %add3A_732 = arith.addi %mul3A_2, %add3A_731 : i32
    %add3A_733 = vector.broadcast %add3A_732 : i32 to vector<16xi32>
    %add3A_734 = arith.addi %iota3A, %add3A_733 : vector<16xi32>
    %ne3A_735 = arith.constant 0 : i32
    %ne3A_736 = vector.broadcast %ne3A_735 : i32 to vector<16xi32>
    %ne3A_737 = arith.cmpi ne, %get3A_730, %ne3A_736 : vector<16xi32>
    %jit3A_738 = arith.constant 1 : i32
    %jit3A_739 = arith.constant 0 : i32
    %broadcast_in_dim3A_740 = vector.broadcast %jit3A_738 : i32 to vector<16xi32>
    %broadcast_in_dim3A_741 = vector.broadcast %jit3A_739 : i32 to vector<16xi32>
    %select_n3A_742 = arith.select %ne3A_737, %broadcast_in_dim3A_740, %broadcast_in_dim3A_741 : vector<16xi1>, vector<16xi32>
    %sub3A_743 = arith.constant 1 : i32
    %sub3A_744 = vector.broadcast %sub3A_743 : i32 to vector<16xi32>
    %sub3A_745 = arith.subi %iota3A, %sub3A_744 : vector<16xi32>
    %max3A_746 = arith.constant 0 : i32
    %max3A_747 = vector.broadcast %max3A_746 : i32 to vector<16xi32>
    %max3A_748 = arith.maxsi %sub3A_745, %max3A_747 : vector<16xi32>
    %broadcast_in_dim3A_749 = vector.shape_cast %max3A_748 : vector<16xi32> to vector<16x1xi32>
    %gather3A_750 = vector.shape_cast %broadcast_in_dim3A_749 : vector<16x1xi32> to vector<16xi32>
    %gather3A_751 = tpu.dynamic_gather %select_n3A_742[%gather3A_750] in [0] : vector<16xi32>, vector<16xi32> -> vector<16xi32>
    %ge3A_752 = arith.constant 1 : i32
    %ge3A_753 = vector.broadcast %ge3A_752 : i32 to vector<16xi32>
    %ge3A_754 = arith.cmpi sge, %iota3A, %ge3A_753 : vector<16xi32>
    %add3A_755 = arith.addi %select_n3A_742, %gather3A_751 : vector<16xi32>
    %select_n3A_756 = arith.select %ge3A_754, %add3A_755, %select_n3A_742 : vector<16xi1>, vector<16xi32>
    %sub3A_757 = arith.constant 2 : i32
    %sub3A_758 = vector.broadcast %sub3A_757 : i32 to vector<16xi32>
    %sub3A_759 = arith.subi %iota3A, %sub3A_758 : vector<16xi32>
    %max3A_760 = arith.constant 0 : i32
    %max3A_761 = vector.broadcast %max3A_760 : i32 to vector<16xi32>
    %max3A_762 = arith.maxsi %sub3A_759, %max3A_761 : vector<16xi32>
    %broadcast_in_dim3A_763 = vector.shape_cast %max3A_762 : vector<16xi32> to vector<16x1xi32>
    %gather3A_764 = vector.shape_cast %broadcast_in_dim3A_763 : vector<16x1xi32> to vector<16xi32>
    %gather3A_765 = tpu.dynamic_gather %select_n3A_756[%gather3A_764] in [0] : vector<16xi32>, vector<16xi32> -> vector<16xi32>
    %ge3A_766 = arith.constant 2 : i32
    %ge3A_767 = vector.broadcast %ge3A_766 : i32 to vector<16xi32>
    %ge3A_768 = arith.cmpi sge, %iota3A, %ge3A_767 : vector<16xi32>
    %add3A_769 = arith.addi %select_n3A_756, %gather3A_765 : vector<16xi32>
    %select_n3A_770 = arith.select %ge3A_768, %add3A_769, %select_n3A_756 : vector<16xi1>, vector<16xi32>
    %sub3A_771 = arith.constant 4 : i32
    %sub3A_772 = vector.broadcast %sub3A_771 : i32 to vector<16xi32>
    %sub3A_773 = arith.subi %iota3A, %sub3A_772 : vector<16xi32>
    %max3A_774 = arith.constant 0 : i32
    %max3A_775 = vector.broadcast %max3A_774 : i32 to vector<16xi32>
    %max3A_776 = arith.maxsi %sub3A_773, %max3A_775 : vector<16xi32>
    %broadcast_in_dim3A_777 = vector.shape_cast %max3A_776 : vector<16xi32> to vector<16x1xi32>
    %gather3A_778 = vector.shape_cast %broadcast_in_dim3A_777 : vector<16x1xi32> to vector<16xi32>
    %gather3A_779 = tpu.dynamic_gather %select_n3A_770[%gather3A_778] in [0] : vector<16xi32>, vector<16xi32> -> vector<16xi32>
    %ge3A_780 = arith.constant 4 : i32
    %ge3A_781 = vector.broadcast %ge3A_780 : i32 to vector<16xi32>
    %ge3A_782 = arith.cmpi sge, %iota3A, %ge3A_781 : vector<16xi32>
    %add3A_783 = arith.addi %select_n3A_770, %gather3A_779 : vector<16xi32>
    %select_n3A_784 = arith.select %ge3A_782, %add3A_783, %select_n3A_770 : vector<16xi1>, vector<16xi32>
    %sub3A_785 = arith.constant 8 : i32
    %sub3A_786 = vector.broadcast %sub3A_785 : i32 to vector<16xi32>
    %sub3A_787 = arith.subi %iota3A, %sub3A_786 : vector<16xi32>
    %max3A_788 = arith.constant 0 : i32
    %max3A_789 = vector.broadcast %max3A_788 : i32 to vector<16xi32>
    %max3A_790 = arith.maxsi %sub3A_787, %max3A_789 : vector<16xi32>
    %broadcast_in_dim3A_791 = vector.shape_cast %max3A_790 : vector<16xi32> to vector<16x1xi32>
    %gather3A_792 = vector.shape_cast %broadcast_in_dim3A_791 : vector<16x1xi32> to vector<16xi32>
    %gather3A_793 = tpu.dynamic_gather %select_n3A_784[%gather3A_792] in [0] : vector<16xi32>, vector<16xi32> -> vector<16xi32>
    %ge3A_794 = arith.constant 8 : i32
    %ge3A_795 = vector.broadcast %ge3A_794 : i32 to vector<16xi32>
    %ge3A_796 = arith.cmpi sge, %iota3A, %ge3A_795 : vector<16xi32>
    %add3A_797 = arith.addi %select_n3A_784, %gather3A_793 : vector<16xi32>
    %select_n3A_798 = arith.select %ge3A_796, %add3A_797, %select_n3A_784 : vector<16xi1>, vector<16xi32>
    %ne3A_799 = arith.constant 0 : i32
    %ne3A_800 = vector.broadcast %ne3A_799 : i32 to vector<16xi32>
    %ne3A_801 = arith.cmpi ne, %get3A_730, %ne3A_800 : vector<16xi32>
    %add3A_802 = vector.broadcast %add3A_725 : i32 to vector<16xi32>
    %add3A_803 = arith.addi %add3A_802, %select_n3A_798 : vector<16xi32>
    %sub3A_804 = arith.constant 1 : i32
    %sub3A_805 = vector.broadcast %sub3A_804 : i32 to vector<16xi32>
    %sub3A_806 = arith.subi %add3A_803, %sub3A_805 : vector<16xi32>
    %select_n3A_807 = arith.select %ne3A_801, %sub3A_806, %add3A_7 : vector<16xi1>, vector<16xi32>
    %ne3A_808 = arith.constant 0 : i32
    %ne3A_809 = vector.broadcast %ne3A_808 : i32 to vector<16xi32>
    %ne3A_810 = arith.cmpi ne, %get3A_730, %ne3A_809 : vector<16xi32>
    %add3A_811 = vector.broadcast %add3A_728 : i32 to vector<16xi32>
    %add3A_812 = arith.addi %add3A_811, %iota3A : vector<16xi32>
    %sub3A_813 = arith.subi %add3A_812, %select_n3A_798 : vector<16xi32>
    %select_n3A_814 = arith.select %ne3A_810, %add3A_7, %sub3A_813 : vector<16xi1>, vector<16xi32>
    tpu.vector_store_idx %arg7[%select_n3A_807], %add3A_734 : memref<560xi32, #tpu.memory_space<vmem>>[vector<16xi32>], vector<16xi32>,
    tpu.vector_store_idx %arg8[%select_n3A_814], %add3A_734 : memref<560xi32, #tpu.memory_space<vmem>>[vector<16xi32>], vector<16xi32>,
    %ne3A_815 = arith.constant 0 : i32
    %ne3A_816 = vector.broadcast %ne3A_815 : i32 to vector<16xi32>
    %ne3A_817 = arith.cmpi ne, %get3A_730, %ne3A_816 : vector<16xi32>
    %jit3A_818 = arith.constant 528 : i32
    %broadcast_in_dim3A_819 = vector.broadcast %jit3A_818 : i32 to vector<16xi32>
    %select_n3A_820 = arith.select %ne3A_817, %broadcast_in_dim3A_819, %add3A_7 : vector<16xi1>, vector<16xi32>
    tpu.vector_store_idx %arg7[%select_n3A_820], %add3A_734 : memref<560xi32, #tpu.memory_space<vmem>>[vector<16xi32>], vector<16xi32>,
    %ne3A_821 = arith.constant 0 : i32
    %ne3A_822 = vector.broadcast %ne3A_821 : i32 to vector<16xi32>
    %ne3A_823 = arith.cmpi ne, %get3A_730, %ne3A_822 : vector<16xi32>
    %jit3A_824 = arith.constant 528 : i32
    %broadcast_in_dim3A_825 = vector.broadcast %jit3A_824 : i32 to vector<16xi32>
    %select_n3A_826 = arith.select %ne3A_823, %add3A_7, %broadcast_in_dim3A_825 : vector<16xi1>, vector<16xi32>
    tpu.vector_store_idx %arg8[%select_n3A_826], %add3A_734 : memref<560xi32, #tpu.memory_space<vmem>>[vector<16xi32>], vector<16xi32>,
    %slice3A_827 = vector.extract_strided_slice %select_n3A_798 {offsets = [15], sizes = [1], strides = [1]} : vector<16xi32> to vector<1xi32>
    %squeeze3A_828 = vector.extract %slice3A_827[0] : i32 from vector<1xi32>
    %add3A_829 = arith.addi %add3A_725, %squeeze3A_828 : i32
    %sub3A_830 = arith.constant 16 : i32
    %sub3A_831 = arith.subi %sub3A_830, %squeeze3A_828 : i32
    %add3A_832 = arith.addi %add3A_728, %sub3A_831 : i32
    %get3A_833 = arith.constant 128 : index
    %get3A_834 = tpu.vector_load %arg6[%get3A_833] {strides = array<i32>} : memref<512xi32, #tpu.memory_space<vmem>>, vector<16xi32>,
    %add3A_835 = arith.constant 128 : i32
    %add3A_836 = arith.addi %mul3A_2, %add3A_835 : i32
    %add3A_837 = vector.broadcast %add3A_836 : i32 to vector<16xi32>
    %add3A_838 = arith.addi %iota3A, %add3A_837 : vector<16xi32>
    %ne3A_839 = arith.constant 0 : i32
    %ne3A_840 = vector.broadcast %ne3A_839 : i32 to vector<16xi32>
    %ne3A_841 = arith.cmpi ne, %get3A_834, %ne3A_840 : vector<16xi32>
    %jit3A_842 = arith.constant 1 : i32
    %jit3A_843 = arith.constant 0 : i32
    %broadcast_in_dim3A_844 = vector.broadcast %jit3A_842 : i32 to vector<16xi32>
    %broadcast_in_dim3A_845 = vector.broadcast %jit3A_843 : i32 to vector<16xi32>
    %select_n3A_846 = arith.select %ne3A_841, %broadcast_in_dim3A_844, %broadcast_in_dim3A_845 : vector<16xi1>, vector<16xi32>
    %sub3A_847 = arith.constant 1 : i32
    %sub3A_848 = vector.broadcast %sub3A_847 : i32 to vector<16xi32>
    %sub3A_849 = arith.subi %iota3A, %sub3A_848 : vector<16xi32>
    %max3A_850 = arith.constant 0 : i32
    %max3A_851 = vector.broadcast %max3A_850 : i32 to vector<16xi32>
    %max3A_852 = arith.maxsi %sub3A_849, %max3A_851 : vector<16xi32>
    %broadcast_in_dim3A_853 = vector.shape_cast %max3A_852 : vector<16xi32> to vector<16x1xi32>
    %gather3A_854 = vector.shape_cast %broadcast_in_dim3A_853 : vector<16x1xi32> to vector<16xi32>
    %gather3A_855 = tpu.dynamic_gather %select_n3A_846[%gather3A_854] in [0] : vector<16xi32>, vector<16xi32> -> vector<16xi32>
    %ge3A_856 = arith.constant 1 : i32
    %ge3A_857 = vector.broadcast %ge3A_856 : i32 to vector<16xi32>
    %ge3A_858 = arith.cmpi sge, %iota3A, %ge3A_857 : vector<16xi32>
    %add3A_859 = arith.addi %select_n3A_846, %gather3A_855 : vector<16xi32>
    %select_n3A_860 = arith.select %ge3A_858, %add3A_859, %select_n3A_846 : vector<16xi1>, vector<16xi32>
    %sub3A_861 = arith.constant 2 : i32
    %sub3A_862 = vector.broadcast %sub3A_861 : i32 to vector<16xi32>
    %sub3A_863 = arith.subi %iota3A, %sub3A_862 : vector<16xi32>
    %max3A_864 = arith.constant 0 : i32
    %max3A_865 = vector.broadcast %max3A_864 : i32 to vector<16xi32>
    %max3A_866 = arith.maxsi %sub3A_863, %max3A_865 : vector<16xi32>
    %broadcast_in_dim3A_867 = vector.shape_cast %max3A_866 : vector<16xi32> to vector<16x1xi32>
    %gather3A_868 = vector.shape_cast %broadcast_in_dim3A_867 : vector<16x1xi32> to vector<16xi32>
    %gather3A_869 = tpu.dynamic_gather %select_n3A_860[%gather3A_868] in [0] : vector<16xi32>, vector<16xi32> -> vector<16xi32>
    %ge3A_870 = arith.constant 2 : i32
    %ge3A_871 = vector.broadcast %ge3A_870 : i32 to vector<16xi32>
    %ge3A_872 = arith.cmpi sge, %iota3A, %ge3A_871 : vector<16xi32>
    %add3A_873 = arith.addi %select_n3A_860, %gather3A_869 : vector<16xi32>
    %select_n3A_874 = arith.select %ge3A_872, %add3A_873, %select_n3A_860 : vector<16xi1>, vector<16xi32>
    %sub3A_875 = arith.constant 4 : i32
    %sub3A_876 = vector.broadcast %sub3A_875 : i32 to vector<16xi32>
    %sub3A_877 = arith.subi %iota3A, %sub3A_876 : vector<16xi32>
    %max3A_878 = arith.constant 0 : i32
    %max3A_879 = vector.broadcast %max3A_878 : i32 to vector<16xi32>
    %max3A_880 = arith.maxsi %sub3A_877, %max3A_879 : vector<16xi32>
    %broadcast_in_dim3A_881 = vector.shape_cast %max3A_880 : vector<16xi32> to vector<16x1xi32>
    %gather3A_882 = vector.shape_cast %broadcast_in_dim3A_881 : vector<16x1xi32> to vector<16xi32>
    %gather3A_883 = tpu.dynamic_gather %select_n3A_874[%gather3A_882] in [0] : vector<16xi32>, vector<16xi32> -> vector<16xi32>
    %ge3A_884 = arith.constant 4 : i32
    %ge3A_885 = vector.broadcast %ge3A_884 : i32 to vector<16xi32>
    %ge3A_886 = arith.cmpi sge, %iota3A, %ge3A_885 : vector<16xi32>
    %add3A_887 = arith.addi %select_n3A_874, %gather3A_883 : vector<16xi32>
    %select_n3A_888 = arith.select %ge3A_886, %add3A_887, %select_n3A_874 : vector<16xi1>, vector<16xi32>
    %sub3A_889 = arith.constant 8 : i32
    %sub3A_890 = vector.broadcast %sub3A_889 : i32 to vector<16xi32>
    %sub3A_891 = arith.subi %iota3A, %sub3A_890 : vector<16xi32>
    %max3A_892 = arith.constant 0 : i32
    %max3A_893 = vector.broadcast %max3A_892 : i32 to vector<16xi32>
    %max3A_894 = arith.maxsi %sub3A_891, %max3A_893 : vector<16xi32>
    %broadcast_in_dim3A_895 = vector.shape_cast %max3A_894 : vector<16xi32> to vector<16x1xi32>
    %gather3A_896 = vector.shape_cast %broadcast_in_dim3A_895 : vector<16x1xi32> to vector<16xi32>
    %gather3A_897 = tpu.dynamic_gather %select_n3A_888[%gather3A_896] in [0] : vector<16xi32>, vector<16xi32> -> vector<16xi32>
    %ge3A_898 = arith.constant 8 : i32
    %ge3A_899 = vector.broadcast %ge3A_898 : i32 to vector<16xi32>
    %ge3A_900 = arith.cmpi sge, %iota3A, %ge3A_899 : vector<16xi32>
    %add3A_901 = arith.addi %select_n3A_888, %gather3A_897 : vector<16xi32>
    %select_n3A_902 = arith.select %ge3A_900, %add3A_901, %select_n3A_888 : vector<16xi1>, vector<16xi32>
    %ne3A_903 = arith.constant 0 : i32
    %ne3A_904 = vector.broadcast %ne3A_903 : i32 to vector<16xi32>
    %ne3A_905 = arith.cmpi ne, %get3A_834, %ne3A_904 : vector<16xi32>
    %add3A_906 = vector.broadcast %add3A_829 : i32 to vector<16xi32>
    %add3A_907 = arith.addi %add3A_906, %select_n3A_902 : vector<16xi32>
    %sub3A_908 = arith.constant 1 : i32
    %sub3A_909 = vector.broadcast %sub3A_908 : i32 to vector<16xi32>
    %sub3A_910 = arith.subi %add3A_907, %sub3A_909 : vector<16xi32>
    %select_n3A_911 = arith.select %ne3A_905, %sub3A_910, %add3A_7 : vector<16xi1>, vector<16xi32>
    %ne3A_912 = arith.constant 0 : i32
    %ne3A_913 = vector.broadcast %ne3A_912 : i32 to vector<16xi32>
    %ne3A_914 = arith.cmpi ne, %get3A_834, %ne3A_913 : vector<16xi32>
    %add3A_915 = vector.broadcast %add3A_832 : i32 to vector<16xi32>
    %add3A_916 = arith.addi %add3A_915, %iota3A : vector<16xi32>
    %sub3A_917 = arith.subi %add3A_916, %select_n3A_902 : vector<16xi32>
    %select_n3A_918 = arith.select %ne3A_914, %add3A_7, %sub3A_917 : vector<16xi1>, vector<16xi32>
    tpu.vector_store_idx %arg7[%select_n3A_911], %add3A_838 : memref<560xi32, #tpu.memory_space<vmem>>[vector<16xi32>], vector<16xi32>,
    tpu.vector_store_idx %arg8[%select_n3A_918], %add3A_838 : memref<560xi32, #tpu.memory_space<vmem>>[vector<16xi32>], vector<16xi32>,
    %ne3A_919 = arith.constant 0 : i32
    %ne3A_920 = vector.broadcast %ne3A_919 : i32 to vector<16xi32>
    %ne3A_921 = arith.cmpi ne, %get3A_834, %ne3A_920 : vector<16xi32>
    %jit3A_922 = arith.constant 528 : i32
    %broadcast_in_dim3A_923 = vector.broadcast %jit3A_922 : i32 to vector<16xi32>
    %select_n3A_924 = arith.select %ne3A_921, %broadcast_in_dim3A_923, %add3A_7 : vector<16xi1>, vector<16xi32>
    tpu.vector_store_idx %arg7[%select_n3A_924], %add3A_838 : memref<560xi32, #tpu.memory_space<vmem>>[vector<16xi32>], vector<16xi32>,
    %ne3A_925 = arith.constant 0 : i32
    %ne3A_926 = vector.broadcast %ne3A_925 : i32 to vector<16xi32>
    %ne3A_927 = arith.cmpi ne, %get3A_834, %ne3A_926 : vector<16xi32>
    %jit3A_928 = arith.constant 528 : i32
    %broadcast_in_dim3A_929 = vector.broadcast %jit3A_928 : i32 to vector<16xi32>
    %select_n3A_930 = arith.select %ne3A_927, %add3A_7, %broadcast_in_dim3A_929 : vector<16xi1>, vector<16xi32>
    tpu.vector_store_idx %arg8[%select_n3A_930], %add3A_838 : memref<560xi32, #tpu.memory_space<vmem>>[vector<16xi32>], vector<16xi32>,
    %slice3A_931 = vector.extract_strided_slice %select_n3A_902 {offsets = [15], sizes = [1], strides = [1]} : vector<16xi32> to vector<1xi32>
    %squeeze3A_932 = vector.extract %slice3A_931[0] : i32 from vector<1xi32>
    %add3A_933 = arith.addi %add3A_829, %squeeze3A_932 : i32
    %sub3A_934 = arith.constant 16 : i32
    %sub3A_935 = arith.subi %sub3A_934, %squeeze3A_932 : i32
    %add3A_936 = arith.addi %add3A_832, %sub3A_935 : i32
    %get3A_937 = arith.constant 144 : index
    %get3A_938 = tpu.vector_load %arg6[%get3A_937] {strides = array<i32>} : memref<512xi32, #tpu.memory_space<vmem>>, vector<16xi32>,
    %add3A_939 = arith.constant 144 : i32
    %add3A_940 = arith.addi %mul3A_2, %add3A_939 : i32
    %add3A_941 = vector.broadcast %add3A_940 : i32 to vector<16xi32>
    %add3A_942 = arith.addi %iota3A, %add3A_941 : vector<16xi32>
    %ne3A_943 = arith.constant 0 : i32
    %ne3A_944 = vector.broadcast %ne3A_943 : i32 to vector<16xi32>
    %ne3A_945 = arith.cmpi ne, %get3A_938, %ne3A_944 : vector<16xi32>
    %jit3A_946 = arith.constant 1 : i32
    %jit3A_947 = arith.constant 0 : i32
    %broadcast_in_dim3A_948 = vector.broadcast %jit3A_946 : i32 to vector<16xi32>
    %broadcast_in_dim3A_949 = vector.broadcast %jit3A_947 : i32 to vector<16xi32>
    %select_n3A_950 = arith.select %ne3A_945, %broadcast_in_dim3A_948, %broadcast_in_dim3A_949 : vector<16xi1>, vector<16xi32>
    %sub3A_951 = arith.constant 1 : i32
    %sub3A_952 = vector.broadcast %sub3A_951 : i32 to vector<16xi32>
    %sub3A_953 = arith.subi %iota3A, %sub3A_952 : vector<16xi32>
    %max3A_954 = arith.constant 0 : i32
    %max3A_955 = vector.broadcast %max3A_954 : i32 to vector<16xi32>
    %max3A_956 = arith.maxsi %sub3A_953, %max3A_955 : vector<16xi32>
    %broadcast_in_dim3A_957 = vector.shape_cast %max3A_956 : vector<16xi32> to vector<16x1xi32>
    %gather3A_958 = vector.shape_cast %broadcast_in_dim3A_957 : vector<16x1xi32> to vector<16xi32>
    %gather3A_959 = tpu.dynamic_gather %select_n3A_950[%gather3A_958] in [0] : vector<16xi32>, vector<16xi32> -> vector<16xi32>
    %ge3A_960 = arith.constant 1 : i32
    %ge3A_961 = vector.broadcast %ge3A_960 : i32 to vector<16xi32>
    %ge3A_962 = arith.cmpi sge, %iota3A, %ge3A_961 : vector<16xi32>
    %add3A_963 = arith.addi %select_n3A_950, %gather3A_959 : vector<16xi32>
    %select_n3A_964 = arith.select %ge3A_962, %add3A_963, %select_n3A_950 : vector<16xi1>, vector<16xi32>
    %sub3A_965 = arith.constant 2 : i32
    %sub3A_966 = vector.broadcast %sub3A_965 : i32 to vector<16xi32>
    %sub3A_967 = arith.subi %iota3A, %sub3A_966 : vector<16xi32>
    %max3A_968 = arith.constant 0 : i32
    %max3A_969 = vector.broadcast %max3A_968 : i32 to vector<16xi32>
    %max3A_970 = arith.maxsi %sub3A_967, %max3A_969 : vector<16xi32>
    %broadcast_in_dim3A_971 = vector.shape_cast %max3A_970 : vector<16xi32> to vector<16x1xi32>
    %gather3A_972 = vector.shape_cast %broadcast_in_dim3A_971 : vector<16x1xi32> to vector<16xi32>
    %gather3A_973 = tpu.dynamic_gather %select_n3A_964[%gather3A_972] in [0] : vector<16xi32>, vector<16xi32> -> vector<16xi32>
    %ge3A_974 = arith.constant 2 : i32
    %ge3A_975 = vector.broadcast %ge3A_974 : i32 to vector<16xi32>
    %ge3A_976 = arith.cmpi sge, %iota3A, %ge3A_975 : vector<16xi32>
    %add3A_977 = arith.addi %select_n3A_964, %gather3A_973 : vector<16xi32>
    %select_n3A_978 = arith.select %ge3A_976, %add3A_977, %select_n3A_964 : vector<16xi1>, vector<16xi32>
    %sub3A_979 = arith.constant 4 : i32
    %sub3A_980 = vector.broadcast %sub3A_979 : i32 to vector<16xi32>
    %sub3A_981 = arith.subi %iota3A, %sub3A_980 : vector<16xi32>
    %max3A_982 = arith.constant 0 : i32
    %max3A_983 = vector.broadcast %max3A_982 : i32 to vector<16xi32>
    %max3A_984 = arith.maxsi %sub3A_981, %max3A_983 : vector<16xi32>
    %broadcast_in_dim3A_985 = vector.shape_cast %max3A_984 : vector<16xi32> to vector<16x1xi32>
    %gather3A_986 = vector.shape_cast %broadcast_in_dim3A_985 : vector<16x1xi32> to vector<16xi32>
    %gather3A_987 = tpu.dynamic_gather %select_n3A_978[%gather3A_986] in [0] : vector<16xi32>, vector<16xi32> -> vector<16xi32>
    %ge3A_988 = arith.constant 4 : i32
    %ge3A_989 = vector.broadcast %ge3A_988 : i32 to vector<16xi32>
    %ge3A_990 = arith.cmpi sge, %iota3A, %ge3A_989 : vector<16xi32>
    %add3A_991 = arith.addi %select_n3A_978, %gather3A_987 : vector<16xi32>
    %select_n3A_992 = arith.select %ge3A_990, %add3A_991, %select_n3A_978 : vector<16xi1>, vector<16xi32>
    %sub3A_993 = arith.constant 8 : i32
    %sub3A_994 = vector.broadcast %sub3A_993 : i32 to vector<16xi32>
    %sub3A_995 = arith.subi %iota3A, %sub3A_994 : vector<16xi32>
    %max3A_996 = arith.constant 0 : i32
    %max3A_997 = vector.broadcast %max3A_996 : i32 to vector<16xi32>
    %max3A_998 = arith.maxsi %sub3A_995, %max3A_997 : vector<16xi32>
    %broadcast_in_dim3A_999 = vector.shape_cast %max3A_998 : vector<16xi32> to vector<16x1xi32>
    %gather3A_1000 = vector.shape_cast %broadcast_in_dim3A_999 : vector<16x1xi32> to vector<16xi32>
    %gather3A_1001 = tpu.dynamic_gather %select_n3A_992[%gather3A_1000] in [0] : vector<16xi32>, vector<16xi32> -> vector<16xi32>
    %ge3A_1002 = arith.constant 8 : i32
    %ge3A_1003 = vector.broadcast %ge3A_1002 : i32 to vector<16xi32>
    %ge3A_1004 = arith.cmpi sge, %iota3A, %ge3A_1003 : vector<16xi32>
    %add3A_1005 = arith.addi %select_n3A_992, %gather3A_1001 : vector<16xi32>
    %select_n3A_1006 = arith.select %ge3A_1004, %add3A_1005, %select_n3A_992 : vector<16xi1>, vector<16xi32>
    %ne3A_1007 = arith.constant 0 : i32
    %ne3A_1008 = vector.broadcast %ne3A_1007 : i32 to vector<16xi32>
    %ne3A_1009 = arith.cmpi ne, %get3A_938, %ne3A_1008 : vector<16xi32>
    %add3A_1010 = vector.broadcast %add3A_933 : i32 to vector<16xi32>
    %add3A_1011 = arith.addi %add3A_1010, %select_n3A_1006 : vector<16xi32>
    %sub3A_1012 = arith.constant 1 : i32
    %sub3A_1013 = vector.broadcast %sub3A_1012 : i32 to vector<16xi32>
    %sub3A_1014 = arith.subi %add3A_1011, %sub3A_1013 : vector<16xi32>
    %select_n3A_1015 = arith.select %ne3A_1009, %sub3A_1014, %add3A_7 : vector<16xi1>, vector<16xi32>
    %ne3A_1016 = arith.constant 0 : i32
    %ne3A_1017 = vector.broadcast %ne3A_1016 : i32 to vector<16xi32>
    %ne3A_1018 = arith.cmpi ne, %get3A_938, %ne3A_1017 : vector<16xi32>
    %add3A_1019 = vector.broadcast %add3A_936 : i32 to vector<16xi32>
    %add3A_1020 = arith.addi %add3A_1019, %iota3A : vector<16xi32>
    %sub3A_1021 = arith.subi %add3A_1020, %select_n3A_1006 : vector<16xi32>
    %select_n3A_1022 = arith.select %ne3A_1018, %add3A_7, %sub3A_1021 : vector<16xi1>, vector<16xi32>
    tpu.vector_store_idx %arg7[%select_n3A_1015], %add3A_942 : memref<560xi32, #tpu.memory_space<vmem>>[vector<16xi32>], vector<16xi32>,
    tpu.vector_store_idx %arg8[%select_n3A_1022], %add3A_942 : memref<560xi32, #tpu.memory_space<vmem>>[vector<16xi32>], vector<16xi32>,
    %ne3A_1023 = arith.constant 0 : i32
    %ne3A_1024 = vector.broadcast %ne3A_1023 : i32 to vector<16xi32>
    %ne3A_1025 = arith.cmpi ne, %get3A_938, %ne3A_1024 : vector<16xi32>
    %jit3A_1026 = arith.constant 528 : i32
    %broadcast_in_dim3A_1027 = vector.broadcast %jit3A_1026 : i32 to vector<16xi32>
    %select_n3A_1028 = arith.select %ne3A_1025, %broadcast_in_dim3A_1027, %add3A_7 : vector<16xi1>, vector<16xi32>
    tpu.vector_store_idx %arg7[%select_n3A_1028], %add3A_942 : memref<560xi32, #tpu.memory_space<vmem>>[vector<16xi32>], vector<16xi32>,
    %ne3A_1029 = arith.constant 0 : i32
    %ne3A_1030 = vector.broadcast %ne3A_1029 : i32 to vector<16xi32>
    %ne3A_1031 = arith.cmpi ne, %get3A_938, %ne3A_1030 : vector<16xi32>
    %jit3A_1032 = arith.constant 528 : i32
    %broadcast_in_dim3A_1033 = vector.broadcast %jit3A_1032 : i32 to vector<16xi32>
    %select_n3A_1034 = arith.select %ne3A_1031, %add3A_7, %broadcast_in_dim3A_1033 : vector<16xi1>, vector<16xi32>
    tpu.vector_store_idx %arg8[%select_n3A_1034], %add3A_942 : memref<560xi32, #tpu.memory_space<vmem>>[vector<16xi32>], vector<16xi32>,
    %slice3A_1035 = vector.extract_strided_slice %select_n3A_1006 {offsets = [15], sizes = [1], strides = [1]} : vector<16xi32> to vector<1xi32>
    %squeeze3A_1036 = vector.extract %slice3A_1035[0] : i32 from vector<1xi32>
    %add3A_1037 = arith.addi %add3A_933, %squeeze3A_1036 : i32
    %sub3A_1038 = arith.constant 16 : i32
    %sub3A_1039 = arith.subi %sub3A_1038, %squeeze3A_1036 : i32
    %add3A_1040 = arith.addi %add3A_936, %sub3A_1039 : i32
    %get3A_1041 = arith.constant 160 : index
    %get3A_1042 = tpu.vector_load %arg6[%get3A_1041] {strides = array<i32>} : memref<512xi32, #tpu.memory_space<vmem>>, vector<16xi32>,
    %add3A_1043 = arith.constant 160 : i32
    %add3A_1044 = arith.addi %mul3A_2, %add3A_1043 : i32
    %add3A_1045 = vector.broadcast %add3A_1044 : i32 to vector<16xi32>
    %add3A_1046 = arith.addi %iota3A, %add3A_1045 : vector<16xi32>
    %ne3A_1047 = arith.constant 0 : i32
    %ne3A_1048 = vector.broadcast %ne3A_1047 : i32 to vector<16xi32>
    %ne3A_1049 = arith.cmpi ne, %get3A_1042, %ne3A_1048 : vector<16xi32>
    %jit3A_1050 = arith.constant 1 : i32
    %jit3A_1051 = arith.constant 0 : i32
    %broadcast_in_dim3A_1052 = vector.broadcast %jit3A_1050 : i32 to vector<16xi32>
    %broadcast_in_dim3A_1053 = vector.broadcast %jit3A_1051 : i32 to vector<16xi32>
    %select_n3A_1054 = arith.select %ne3A_1049, %broadcast_in_dim3A_1052, %broadcast_in_dim3A_1053 : vector<16xi1>, vector<16xi32>
    %sub3A_1055 = arith.constant 1 : i32
    %sub3A_1056 = vector.broadcast %sub3A_1055 : i32 to vector<16xi32>
    %sub3A_1057 = arith.subi %iota3A, %sub3A_1056 : vector<16xi32>
    %max3A_1058 = arith.constant 0 : i32
    %max3A_1059 = vector.broadcast %max3A_1058 : i32 to vector<16xi32>
    %max3A_1060 = arith.maxsi %sub3A_1057, %max3A_1059 : vector<16xi32>
    %broadcast_in_dim3A_1061 = vector.shape_cast %max3A_1060 : vector<16xi32> to vector<16x1xi32>
    %gather3A_1062 = vector.shape_cast %broadcast_in_dim3A_1061 : vector<16x1xi32> to vector<16xi32>
    %gather3A_1063 = tpu.dynamic_gather %select_n3A_1054[%gather3A_1062] in [0] : vector<16xi32>, vector<16xi32> -> vector<16xi32>
    %ge3A_1064 = arith.constant 1 : i32
    %ge3A_1065 = vector.broadcast %ge3A_1064 : i32 to vector<16xi32>
    %ge3A_1066 = arith.cmpi sge, %iota3A, %ge3A_1065 : vector<16xi32>
    %add3A_1067 = arith.addi %select_n3A_1054, %gather3A_1063 : vector<16xi32>
    %select_n3A_1068 = arith.select %ge3A_1066, %add3A_1067, %select_n3A_1054 : vector<16xi1>, vector<16xi32>
    %sub3A_1069 = arith.constant 2 : i32
    %sub3A_1070 = vector.broadcast %sub3A_1069 : i32 to vector<16xi32>
    %sub3A_1071 = arith.subi %iota3A, %sub3A_1070 : vector<16xi32>
    %max3A_1072 = arith.constant 0 : i32
    %max3A_1073 = vector.broadcast %max3A_1072 : i32 to vector<16xi32>
    %max3A_1074 = arith.maxsi %sub3A_1071, %max3A_1073 : vector<16xi32>
    %broadcast_in_dim3A_1075 = vector.shape_cast %max3A_1074 : vector<16xi32> to vector<16x1xi32>
    %gather3A_1076 = vector.shape_cast %broadcast_in_dim3A_1075 : vector<16x1xi32> to vector<16xi32>
    %gather3A_1077 = tpu.dynamic_gather %select_n3A_1068[%gather3A_1076] in [0] : vector<16xi32>, vector<16xi32> -> vector<16xi32>
    %ge3A_1078 = arith.constant 2 : i32
    %ge3A_1079 = vector.broadcast %ge3A_1078 : i32 to vector<16xi32>
    %ge3A_1080 = arith.cmpi sge, %iota3A, %ge3A_1079 : vector<16xi32>
    %add3A_1081 = arith.addi %select_n3A_1068, %gather3A_1077 : vector<16xi32>
    %select_n3A_1082 = arith.select %ge3A_1080, %add3A_1081, %select_n3A_1068 : vector<16xi1>, vector<16xi32>
    %sub3A_1083 = arith.constant 4 : i32
    %sub3A_1084 = vector.broadcast %sub3A_1083 : i32 to vector<16xi32>
    %sub3A_1085 = arith.subi %iota3A, %sub3A_1084 : vector<16xi32>
    %max3A_1086 = arith.constant 0 : i32
    %max3A_1087 = vector.broadcast %max3A_1086 : i32 to vector<16xi32>
    %max3A_1088 = arith.maxsi %sub3A_1085, %max3A_1087 : vector<16xi32>
    %broadcast_in_dim3A_1089 = vector.shape_cast %max3A_1088 : vector<16xi32> to vector<16x1xi32>
    %gather3A_1090 = vector.shape_cast %broadcast_in_dim3A_1089 : vector<16x1xi32> to vector<16xi32>
    %gather3A_1091 = tpu.dynamic_gather %select_n3A_1082[%gather3A_1090] in [0] : vector<16xi32>, vector<16xi32> -> vector<16xi32>
    %ge3A_1092 = arith.constant 4 : i32
    %ge3A_1093 = vector.broadcast %ge3A_1092 : i32 to vector<16xi32>
    %ge3A_1094 = arith.cmpi sge, %iota3A, %ge3A_1093 : vector<16xi32>
    %add3A_1095 = arith.addi %select_n3A_1082, %gather3A_1091 : vector<16xi32>
    %select_n3A_1096 = arith.select %ge3A_1094, %add3A_1095, %select_n3A_1082 : vector<16xi1>, vector<16xi32>
    %sub3A_1097 = arith.constant 8 : i32
    %sub3A_1098 = vector.broadcast %sub3A_1097 : i32 to vector<16xi32>
    %sub3A_1099 = arith.subi %iota3A, %sub3A_1098 : vector<16xi32>
    %max3A_1100 = arith.constant 0 : i32
    %max3A_1101 = vector.broadcast %max3A_1100 : i32 to vector<16xi32>
    %max3A_1102 = arith.maxsi %sub3A_1099, %max3A_1101 : vector<16xi32>
    %broadcast_in_dim3A_1103 = vector.shape_cast %max3A_1102 : vector<16xi32> to vector<16x1xi32>
    %gather3A_1104 = vector.shape_cast %broadcast_in_dim3A_1103 : vector<16x1xi32> to vector<16xi32>
    %gather3A_1105 = tpu.dynamic_gather %select_n3A_1096[%gather3A_1104] in [0] : vector<16xi32>, vector<16xi32> -> vector<16xi32>
    %ge3A_1106 = arith.constant 8 : i32
    %ge3A_1107 = vector.broadcast %ge3A_1106 : i32 to vector<16xi32>
    %ge3A_1108 = arith.cmpi sge, %iota3A, %ge3A_1107 : vector<16xi32>
    %add3A_1109 = arith.addi %select_n3A_1096, %gather3A_1105 : vector<16xi32>
    %select_n3A_1110 = arith.select %ge3A_1108, %add3A_1109, %select_n3A_1096 : vector<16xi1>, vector<16xi32>
    %ne3A_1111 = arith.constant 0 : i32
    %ne3A_1112 = vector.broadcast %ne3A_1111 : i32 to vector<16xi32>
    %ne3A_1113 = arith.cmpi ne, %get3A_1042, %ne3A_1112 : vector<16xi32>
    %add3A_1114 = vector.broadcast %add3A_1037 : i32 to vector<16xi32>
    %add3A_1115 = arith.addi %add3A_1114, %select_n3A_1110 : vector<16xi32>
    %sub3A_1116 = arith.constant 1 : i32
    %sub3A_1117 = vector.broadcast %sub3A_1116 : i32 to vector<16xi32>
    %sub3A_1118 = arith.subi %add3A_1115, %sub3A_1117 : vector<16xi32>
    %select_n3A_1119 = arith.select %ne3A_1113, %sub3A_1118, %add3A_7 : vector<16xi1>, vector<16xi32>
    %ne3A_1120 = arith.constant 0 : i32
    %ne3A_1121 = vector.broadcast %ne3A_1120 : i32 to vector<16xi32>
    %ne3A_1122 = arith.cmpi ne, %get3A_1042, %ne3A_1121 : vector<16xi32>
    %add3A_1123 = vector.broadcast %add3A_1040 : i32 to vector<16xi32>
    %add3A_1124 = arith.addi %add3A_1123, %iota3A : vector<16xi32>
    %sub3A_1125 = arith.subi %add3A_1124, %select_n3A_1110 : vector<16xi32>
    %select_n3A_1126 = arith.select %ne3A_1122, %add3A_7, %sub3A_1125 : vector<16xi1>, vector<16xi32>
    tpu.vector_store_idx %arg7[%select_n3A_1119], %add3A_1046 : memref<560xi32, #tpu.memory_space<vmem>>[vector<16xi32>], vector<16xi32>,
    tpu.vector_store_idx %arg8[%select_n3A_1126], %add3A_1046 : memref<560xi32, #tpu.memory_space<vmem>>[vector<16xi32>], vector<16xi32>,
    %ne3A_1127 = arith.constant 0 : i32
    %ne3A_1128 = vector.broadcast %ne3A_1127 : i32 to vector<16xi32>
    %ne3A_1129 = arith.cmpi ne, %get3A_1042, %ne3A_1128 : vector<16xi32>
    %jit3A_1130 = arith.constant 528 : i32
    %broadcast_in_dim3A_1131 = vector.broadcast %jit3A_1130 : i32 to vector<16xi32>
    %select_n3A_1132 = arith.select %ne3A_1129, %broadcast_in_dim3A_1131, %add3A_7 : vector<16xi1>, vector<16xi32>
    tpu.vector_store_idx %arg7[%select_n3A_1132], %add3A_1046 : memref<560xi32, #tpu.memory_space<vmem>>[vector<16xi32>], vector<16xi32>,
    %ne3A_1133 = arith.constant 0 : i32
    %ne3A_1134 = vector.broadcast %ne3A_1133 : i32 to vector<16xi32>
    %ne3A_1135 = arith.cmpi ne, %get3A_1042, %ne3A_1134 : vector<16xi32>
    %jit3A_1136 = arith.constant 528 : i32
    %broadcast_in_dim3A_1137 = vector.broadcast %jit3A_1136 : i32 to vector<16xi32>
    %select_n3A_1138 = arith.select %ne3A_1135, %add3A_7, %broadcast_in_dim3A_1137 : vector<16xi1>, vector<16xi32>
    tpu.vector_store_idx %arg8[%select_n3A_1138], %add3A_1046 : memref<560xi32, #tpu.memory_space<vmem>>[vector<16xi32>], vector<16xi32>,
    %slice3A_1139 = vector.extract_strided_slice %select_n3A_1110 {offsets = [15], sizes = [1], strides = [1]} : vector<16xi32> to vector<1xi32>
    %squeeze3A_1140 = vector.extract %slice3A_1139[0] : i32 from vector<1xi32>
    %add3A_1141 = arith.addi %add3A_1037, %squeeze3A_1140 : i32
    %sub3A_1142 = arith.constant 16 : i32
    %sub3A_1143 = arith.subi %sub3A_1142, %squeeze3A_1140 : i32
    %add3A_1144 = arith.addi %add3A_1040, %sub3A_1143 : i32
    %get3A_1145 = arith.constant 176 : index
    %get3A_1146 = tpu.vector_load %arg6[%get3A_1145] {strides = array<i32>} : memref<512xi32, #tpu.memory_space<vmem>>, vector<16xi32>,
    %add3A_1147 = arith.constant 176 : i32
    %add3A_1148 = arith.addi %mul3A_2, %add3A_1147 : i32
    %add3A_1149 = vector.broadcast %add3A_1148 : i32 to vector<16xi32>
    %add3A_1150 = arith.addi %iota3A, %add3A_1149 : vector<16xi32>
    %ne3A_1151 = arith.constant 0 : i32
    %ne3A_1152 = vector.broadcast %ne3A_1151 : i32 to vector<16xi32>
    %ne3A_1153 = arith.cmpi ne, %get3A_1146, %ne3A_1152 : vector<16xi32>
    %jit3A_1154 = arith.constant 1 : i32
    %jit3A_1155 = arith.constant 0 : i32
    %broadcast_in_dim3A_1156 = vector.broadcast %jit3A_1154 : i32 to vector<16xi32>
    %broadcast_in_dim3A_1157 = vector.broadcast %jit3A_1155 : i32 to vector<16xi32>
    %select_n3A_1158 = arith.select %ne3A_1153, %broadcast_in_dim3A_1156, %broadcast_in_dim3A_1157 : vector<16xi1>, vector<16xi32>
    %sub3A_1159 = arith.constant 1 : i32
    %sub3A_1160 = vector.broadcast %sub3A_1159 : i32 to vector<16xi32>
    %sub3A_1161 = arith.subi %iota3A, %sub3A_1160 : vector<16xi32>
    %max3A_1162 = arith.constant 0 : i32
    %max3A_1163 = vector.broadcast %max3A_1162 : i32 to vector<16xi32>
    %max3A_1164 = arith.maxsi %sub3A_1161, %max3A_1163 : vector<16xi32>
    %broadcast_in_dim3A_1165 = vector.shape_cast %max3A_1164 : vector<16xi32> to vector<16x1xi32>
    %gather3A_1166 = vector.shape_cast %broadcast_in_dim3A_1165 : vector<16x1xi32> to vector<16xi32>
    %gather3A_1167 = tpu.dynamic_gather %select_n3A_1158[%gather3A_1166] in [0] : vector<16xi32>, vector<16xi32> -> vector<16xi32>
    %ge3A_1168 = arith.constant 1 : i32
    %ge3A_1169 = vector.broadcast %ge3A_1168 : i32 to vector<16xi32>
    %ge3A_1170 = arith.cmpi sge, %iota3A, %ge3A_1169 : vector<16xi32>
    %add3A_1171 = arith.addi %select_n3A_1158, %gather3A_1167 : vector<16xi32>
    %select_n3A_1172 = arith.select %ge3A_1170, %add3A_1171, %select_n3A_1158 : vector<16xi1>, vector<16xi32>
    %sub3A_1173 = arith.constant 2 : i32
    %sub3A_1174 = vector.broadcast %sub3A_1173 : i32 to vector<16xi32>
    %sub3A_1175 = arith.subi %iota3A, %sub3A_1174 : vector<16xi32>
    %max3A_1176 = arith.constant 0 : i32
    %max3A_1177 = vector.broadcast %max3A_1176 : i32 to vector<16xi32>
    %max3A_1178 = arith.maxsi %sub3A_1175, %max3A_1177 : vector<16xi32>
    %broadcast_in_dim3A_1179 = vector.shape_cast %max3A_1178 : vector<16xi32> to vector<16x1xi32>
    %gather3A_1180 = vector.shape_cast %broadcast_in_dim3A_1179 : vector<16x1xi32> to vector<16xi32>
    %gather3A_1181 = tpu.dynamic_gather %select_n3A_1172[%gather3A_1180] in [0] : vector<16xi32>, vector<16xi32> -> vector<16xi32>
    %ge3A_1182 = arith.constant 2 : i32
    %ge3A_1183 = vector.broadcast %ge3A_1182 : i32 to vector<16xi32>
    %ge3A_1184 = arith.cmpi sge, %iota3A, %ge3A_1183 : vector<16xi32>
    %add3A_1185 = arith.addi %select_n3A_1172, %gather3A_1181 : vector<16xi32>
    %select_n3A_1186 = arith.select %ge3A_1184, %add3A_1185, %select_n3A_1172 : vector<16xi1>, vector<16xi32>
    %sub3A_1187 = arith.constant 4 : i32
    %sub3A_1188 = vector.broadcast %sub3A_1187 : i32 to vector<16xi32>
    %sub3A_1189 = arith.subi %iota3A, %sub3A_1188 : vector<16xi32>
    %max3A_1190 = arith.constant 0 : i32
    %max3A_1191 = vector.broadcast %max3A_1190 : i32 to vector<16xi32>
    %max3A_1192 = arith.maxsi %sub3A_1189, %max3A_1191 : vector<16xi32>
    %broadcast_in_dim3A_1193 = vector.shape_cast %max3A_1192 : vector<16xi32> to vector<16x1xi32>
    %gather3A_1194 = vector.shape_cast %broadcast_in_dim3A_1193 : vector<16x1xi32> to vector<16xi32>
    %gather3A_1195 = tpu.dynamic_gather %select_n3A_1186[%gather3A_1194] in [0] : vector<16xi32>, vector<16xi32> -> vector<16xi32>
    %ge3A_1196 = arith.constant 4 : i32
    %ge3A_1197 = vector.broadcast %ge3A_1196 : i32 to vector<16xi32>
    %ge3A_1198 = arith.cmpi sge, %iota3A, %ge3A_1197 : vector<16xi32>
    %add3A_1199 = arith.addi %select_n3A_1186, %gather3A_1195 : vector<16xi32>
    %select_n3A_1200 = arith.select %ge3A_1198, %add3A_1199, %select_n3A_1186 : vector<16xi1>, vector<16xi32>
    %sub3A_1201 = arith.constant 8 : i32
    %sub3A_1202 = vector.broadcast %sub3A_1201 : i32 to vector<16xi32>
    %sub3A_1203 = arith.subi %iota3A, %sub3A_1202 : vector<16xi32>
    %max3A_1204 = arith.constant 0 : i32
    %max3A_1205 = vector.broadcast %max3A_1204 : i32 to vector<16xi32>
    %max3A_1206 = arith.maxsi %sub3A_1203, %max3A_1205 : vector<16xi32>
    %broadcast_in_dim3A_1207 = vector.shape_cast %max3A_1206 : vector<16xi32> to vector<16x1xi32>
    %gather3A_1208 = vector.shape_cast %broadcast_in_dim3A_1207 : vector<16x1xi32> to vector<16xi32>
    %gather3A_1209 = tpu.dynamic_gather %select_n3A_1200[%gather3A_1208] in [0] : vector<16xi32>, vector<16xi32> -> vector<16xi32>
    %ge3A_1210 = arith.constant 8 : i32
    %ge3A_1211 = vector.broadcast %ge3A_1210 : i32 to vector<16xi32>
    %ge3A_1212 = arith.cmpi sge, %iota3A, %ge3A_1211 : vector<16xi32>
    %add3A_1213 = arith.addi %select_n3A_1200, %gather3A_1209 : vector<16xi32>
    %select_n3A_1214 = arith.select %ge3A_1212, %add3A_1213, %select_n3A_1200 : vector<16xi1>, vector<16xi32>
    %ne3A_1215 = arith.constant 0 : i32
    %ne3A_1216 = vector.broadcast %ne3A_1215 : i32 to vector<16xi32>
    %ne3A_1217 = arith.cmpi ne, %get3A_1146, %ne3A_1216 : vector<16xi32>
    %add3A_1218 = vector.broadcast %add3A_1141 : i32 to vector<16xi32>
    %add3A_1219 = arith.addi %add3A_1218, %select_n3A_1214 : vector<16xi32>
    %sub3A_1220 = arith.constant 1 : i32
    %sub3A_1221 = vector.broadcast %sub3A_1220 : i32 to vector<16xi32>
    %sub3A_1222 = arith.subi %add3A_1219, %sub3A_1221 : vector<16xi32>
    %select_n3A_1223 = arith.select %ne3A_1217, %sub3A_1222, %add3A_7 : vector<16xi1>, vector<16xi32>
    %ne3A_1224 = arith.constant 0 : i32
    %ne3A_1225 = vector.broadcast %ne3A_1224 : i32 to vector<16xi32>
    %ne3A_1226 = arith.cmpi ne, %get3A_1146, %ne3A_1225 : vector<16xi32>
    %add3A_1227 = vector.broadcast %add3A_1144 : i32 to vector<16xi32>
    %add3A_1228 = arith.addi %add3A_1227, %iota3A : vector<16xi32>
    %sub3A_1229 = arith.subi %add3A_1228, %select_n3A_1214 : vector<16xi32>
    %select_n3A_1230 = arith.select %ne3A_1226, %add3A_7, %sub3A_1229 : vector<16xi1>, vector<16xi32>
    tpu.vector_store_idx %arg7[%select_n3A_1223], %add3A_1150 : memref<560xi32, #tpu.memory_space<vmem>>[vector<16xi32>], vector<16xi32>,
    tpu.vector_store_idx %arg8[%select_n3A_1230], %add3A_1150 : memref<560xi32, #tpu.memory_space<vmem>>[vector<16xi32>], vector<16xi32>,
    %ne3A_1231 = arith.constant 0 : i32
    %ne3A_1232 = vector.broadcast %ne3A_1231 : i32 to vector<16xi32>
    %ne3A_1233 = arith.cmpi ne, %get3A_1146, %ne3A_1232 : vector<16xi32>
    %jit3A_1234 = arith.constant 528 : i32
    %broadcast_in_dim3A_1235 = vector.broadcast %jit3A_1234 : i32 to vector<16xi32>
    %select_n3A_1236 = arith.select %ne3A_1233, %broadcast_in_dim3A_1235, %add3A_7 : vector<16xi1>, vector<16xi32>
    tpu.vector_store_idx %arg7[%select_n3A_1236], %add3A_1150 : memref<560xi32, #tpu.memory_space<vmem>>[vector<16xi32>], vector<16xi32>,
    %ne3A_1237 = arith.constant 0 : i32
    %ne3A_1238 = vector.broadcast %ne3A_1237 : i32 to vector<16xi32>
    %ne3A_1239 = arith.cmpi ne, %get3A_1146, %ne3A_1238 : vector<16xi32>
    %jit3A_1240 = arith.constant 528 : i32
    %broadcast_in_dim3A_1241 = vector.broadcast %jit3A_1240 : i32 to vector<16xi32>
    %select_n3A_1242 = arith.select %ne3A_1239, %add3A_7, %broadcast_in_dim3A_1241 : vector<16xi1>, vector<16xi32>
    tpu.vector_store_idx %arg8[%select_n3A_1242], %add3A_1150 : memref<560xi32, #tpu.memory_space<vmem>>[vector<16xi32>], vector<16xi32>,
    %slice3A_1243 = vector.extract_strided_slice %select_n3A_1214 {offsets = [15], sizes = [1], strides = [1]} : vector<16xi32> to vector<1xi32>
    %squeeze3A_1244 = vector.extract %slice3A_1243[0] : i32 from vector<1xi32>
    %add3A_1245 = arith.addi %add3A_1141, %squeeze3A_1244 : i32
    %sub3A_1246 = arith.constant 16 : i32
    %sub3A_1247 = arith.subi %sub3A_1246, %squeeze3A_1244 : i32
    %add3A_1248 = arith.addi %add3A_1144, %sub3A_1247 : i32
    %get3A_1249 = arith.constant 192 : index
    %get3A_1250 = tpu.vector_load %arg6[%get3A_1249] {strides = array<i32>} : memref<512xi32, #tpu.memory_space<vmem>>, vector<16xi32>,
    %add3A_1251 = arith.constant 192 : i32
    %add3A_1252 = arith.addi %mul3A_2, %add3A_1251 : i32
    %add3A_1253 = vector.broadcast %add3A_1252 : i32 to vector<16xi32>
    %add3A_1254 = arith.addi %iota3A, %add3A_1253 : vector<16xi32>
    %ne3A_1255 = arith.constant 0 : i32
    %ne3A_1256 = vector.broadcast %ne3A_1255 : i32 to vector<16xi32>
    %ne3A_1257 = arith.cmpi ne, %get3A_1250, %ne3A_1256 : vector<16xi32>
    %jit3A_1258 = arith.constant 1 : i32
    %jit3A_1259 = arith.constant 0 : i32
    %broadcast_in_dim3A_1260 = vector.broadcast %jit3A_1258 : i32 to vector<16xi32>
    %broadcast_in_dim3A_1261 = vector.broadcast %jit3A_1259 : i32 to vector<16xi32>
    %select_n3A_1262 = arith.select %ne3A_1257, %broadcast_in_dim3A_1260, %broadcast_in_dim3A_1261 : vector<16xi1>, vector<16xi32>
    %sub3A_1263 = arith.constant 1 : i32
    %sub3A_1264 = vector.broadcast %sub3A_1263 : i32 to vector<16xi32>
    %sub3A_1265 = arith.subi %iota3A, %sub3A_1264 : vector<16xi32>
    %max3A_1266 = arith.constant 0 : i32
    %max3A_1267 = vector.broadcast %max3A_1266 : i32 to vector<16xi32>
    %max3A_1268 = arith.maxsi %sub3A_1265, %max3A_1267 : vector<16xi32>
    %broadcast_in_dim3A_1269 = vector.shape_cast %max3A_1268 : vector<16xi32> to vector<16x1xi32>
    %gather3A_1270 = vector.shape_cast %broadcast_in_dim3A_1269 : vector<16x1xi32> to vector<16xi32>
    %gather3A_1271 = tpu.dynamic_gather %select_n3A_1262[%gather3A_1270] in [0] : vector<16xi32>, vector<16xi32> -> vector<16xi32>
    %ge3A_1272 = arith.constant 1 : i32
    %ge3A_1273 = vector.broadcast %ge3A_1272 : i32 to vector<16xi32>
    %ge3A_1274 = arith.cmpi sge, %iota3A, %ge3A_1273 : vector<16xi32>
    %add3A_1275 = arith.addi %select_n3A_1262, %gather3A_1271 : vector<16xi32>
    %select_n3A_1276 = arith.select %ge3A_1274, %add3A_1275, %select_n3A_1262 : vector<16xi1>, vector<16xi32>
    %sub3A_1277 = arith.constant 2 : i32
    %sub3A_1278 = vector.broadcast %sub3A_1277 : i32 to vector<16xi32>
    %sub3A_1279 = arith.subi %iota3A, %sub3A_1278 : vector<16xi32>
    %max3A_1280 = arith.constant 0 : i32
    %max3A_1281 = vector.broadcast %max3A_1280 : i32 to vector<16xi32>
    %max3A_1282 = arith.maxsi %sub3A_1279, %max3A_1281 : vector<16xi32>
    %broadcast_in_dim3A_1283 = vector.shape_cast %max3A_1282 : vector<16xi32> to vector<16x1xi32>
    %gather3A_1284 = vector.shape_cast %broadcast_in_dim3A_1283 : vector<16x1xi32> to vector<16xi32>
    %gather3A_1285 = tpu.dynamic_gather %select_n3A_1276[%gather3A_1284] in [0] : vector<16xi32>, vector<16xi32> -> vector<16xi32>
    %ge3A_1286 = arith.constant 2 : i32
    %ge3A_1287 = vector.broadcast %ge3A_1286 : i32 to vector<16xi32>
    %ge3A_1288 = arith.cmpi sge, %iota3A, %ge3A_1287 : vector<16xi32>
    %add3A_1289 = arith.addi %select_n3A_1276, %gather3A_1285 : vector<16xi32>
    %select_n3A_1290 = arith.select %ge3A_1288, %add3A_1289, %select_n3A_1276 : vector<16xi1>, vector<16xi32>
    %sub3A_1291 = arith.constant 4 : i32
    %sub3A_1292 = vector.broadcast %sub3A_1291 : i32 to vector<16xi32>
    %sub3A_1293 = arith.subi %iota3A, %sub3A_1292 : vector<16xi32>
    %max3A_1294 = arith.constant 0 : i32
    %max3A_1295 = vector.broadcast %max3A_1294 : i32 to vector<16xi32>
    %max3A_1296 = arith.maxsi %sub3A_1293, %max3A_1295 : vector<16xi32>
    %broadcast_in_dim3A_1297 = vector.shape_cast %max3A_1296 : vector<16xi32> to vector<16x1xi32>
    %gather3A_1298 = vector.shape_cast %broadcast_in_dim3A_1297 : vector<16x1xi32> to vector<16xi32>
    %gather3A_1299 = tpu.dynamic_gather %select_n3A_1290[%gather3A_1298] in [0] : vector<16xi32>, vector<16xi32> -> vector<16xi32>
    %ge3A_1300 = arith.constant 4 : i32
    %ge3A_1301 = vector.broadcast %ge3A_1300 : i32 to vector<16xi32>
    %ge3A_1302 = arith.cmpi sge, %iota3A, %ge3A_1301 : vector<16xi32>
    %add3A_1303 = arith.addi %select_n3A_1290, %gather3A_1299 : vector<16xi32>
    %select_n3A_1304 = arith.select %ge3A_1302, %add3A_1303, %select_n3A_1290 : vector<16xi1>, vector<16xi32>
    %sub3A_1305 = arith.constant 8 : i32
    %sub3A_1306 = vector.broadcast %sub3A_1305 : i32 to vector<16xi32>
    %sub3A_1307 = arith.subi %iota3A, %sub3A_1306 : vector<16xi32>
    %max3A_1308 = arith.constant 0 : i32
    %max3A_1309 = vector.broadcast %max3A_1308 : i32 to vector<16xi32>
    %max3A_1310 = arith.maxsi %sub3A_1307, %max3A_1309 : vector<16xi32>
    %broadcast_in_dim3A_1311 = vector.shape_cast %max3A_1310 : vector<16xi32> to vector<16x1xi32>
    %gather3A_1312 = vector.shape_cast %broadcast_in_dim3A_1311 : vector<16x1xi32> to vector<16xi32>
    %gather3A_1313 = tpu.dynamic_gather %select_n3A_1304[%gather3A_1312] in [0] : vector<16xi32>, vector<16xi32> -> vector<16xi32>
    %ge3A_1314 = arith.constant 8 : i32
    %ge3A_1315 = vector.broadcast %ge3A_1314 : i32 to vector<16xi32>
    %ge3A_1316 = arith.cmpi sge, %iota3A, %ge3A_1315 : vector<16xi32>
    %add3A_1317 = arith.addi %select_n3A_1304, %gather3A_1313 : vector<16xi32>
    %select_n3A_1318 = arith.select %ge3A_1316, %add3A_1317, %select_n3A_1304 : vector<16xi1>, vector<16xi32>
    %ne3A_1319 = arith.constant 0 : i32
    %ne3A_1320 = vector.broadcast %ne3A_1319 : i32 to vector<16xi32>
    %ne3A_1321 = arith.cmpi ne, %get3A_1250, %ne3A_1320 : vector<16xi32>
    %add3A_1322 = vector.broadcast %add3A_1245 : i32 to vector<16xi32>
    %add3A_1323 = arith.addi %add3A_1322, %select_n3A_1318 : vector<16xi32>
    %sub3A_1324 = arith.constant 1 : i32
    %sub3A_1325 = vector.broadcast %sub3A_1324 : i32 to vector<16xi32>
    %sub3A_1326 = arith.subi %add3A_1323, %sub3A_1325 : vector<16xi32>
    %select_n3A_1327 = arith.select %ne3A_1321, %sub3A_1326, %add3A_7 : vector<16xi1>, vector<16xi32>
    %ne3A_1328 = arith.constant 0 : i32
    %ne3A_1329 = vector.broadcast %ne3A_1328 : i32 to vector<16xi32>
    %ne3A_1330 = arith.cmpi ne, %get3A_1250, %ne3A_1329 : vector<16xi32>
    %add3A_1331 = vector.broadcast %add3A_1248 : i32 to vector<16xi32>
    %add3A_1332 = arith.addi %add3A_1331, %iota3A : vector<16xi32>
    %sub3A_1333 = arith.subi %add3A_1332, %select_n3A_1318 : vector<16xi32>
    %select_n3A_1334 = arith.select %ne3A_1330, %add3A_7, %sub3A_1333 : vector<16xi1>, vector<16xi32>
    tpu.vector_store_idx %arg7[%select_n3A_1327], %add3A_1254 : memref<560xi32, #tpu.memory_space<vmem>>[vector<16xi32>], vector<16xi32>,
    tpu.vector_store_idx %arg8[%select_n3A_1334], %add3A_1254 : memref<560xi32, #tpu.memory_space<vmem>>[vector<16xi32>], vector<16xi32>,
    %ne3A_1335 = arith.constant 0 : i32
    %ne3A_1336 = vector.broadcast %ne3A_1335 : i32 to vector<16xi32>
    %ne3A_1337 = arith.cmpi ne, %get3A_1250, %ne3A_1336 : vector<16xi32>
    %jit3A_1338 = arith.constant 528 : i32
    %broadcast_in_dim3A_1339 = vector.broadcast %jit3A_1338 : i32 to vector<16xi32>
    %select_n3A_1340 = arith.select %ne3A_1337, %broadcast_in_dim3A_1339, %add3A_7 : vector<16xi1>, vector<16xi32>
    tpu.vector_store_idx %arg7[%select_n3A_1340], %add3A_1254 : memref<560xi32, #tpu.memory_space<vmem>>[vector<16xi32>], vector<16xi32>,
    %ne3A_1341 = arith.constant 0 : i32
    %ne3A_1342 = vector.broadcast %ne3A_1341 : i32 to vector<16xi32>
    %ne3A_1343 = arith.cmpi ne, %get3A_1250, %ne3A_1342 : vector<16xi32>
    %jit3A_1344 = arith.constant 528 : i32
    %broadcast_in_dim3A_1345 = vector.broadcast %jit3A_1344 : i32 to vector<16xi32>
    %select_n3A_1346 = arith.select %ne3A_1343, %add3A_7, %broadcast_in_dim3A_1345 : vector<16xi1>, vector<16xi32>
    tpu.vector_store_idx %arg8[%select_n3A_1346], %add3A_1254 : memref<560xi32, #tpu.memory_space<vmem>>[vector<16xi32>], vector<16xi32>,
    %slice3A_1347 = vector.extract_strided_slice %select_n3A_1318 {offsets = [15], sizes = [1], strides = [1]} : vector<16xi32> to vector<1xi32>
    %squeeze3A_1348 = vector.extract %slice3A_1347[0] : i32 from vector<1xi32>
    %add3A_1349 = arith.addi %add3A_1245, %squeeze3A_1348 : i32
    %sub3A_1350 = arith.constant 16 : i32
    %sub3A_1351 = arith.subi %sub3A_1350, %squeeze3A_1348 : i32
    %add3A_1352 = arith.addi %add3A_1248, %sub3A_1351 : i32
    %get3A_1353 = arith.constant 208 : index
    %get3A_1354 = tpu.vector_load %arg6[%get3A_1353] {strides = array<i32>} : memref<512xi32, #tpu.memory_space<vmem>>, vector<16xi32>,
    %add3A_1355 = arith.constant 208 : i32
    %add3A_1356 = arith.addi %mul3A_2, %add3A_1355 : i32
    %add3A_1357 = vector.broadcast %add3A_1356 : i32 to vector<16xi32>
    %add3A_1358 = arith.addi %iota3A, %add3A_1357 : vector<16xi32>
    %ne3A_1359 = arith.constant 0 : i32
    %ne3A_1360 = vector.broadcast %ne3A_1359 : i32 to vector<16xi32>
    %ne3A_1361 = arith.cmpi ne, %get3A_1354, %ne3A_1360 : vector<16xi32>
    %jit3A_1362 = arith.constant 1 : i32
    %jit3A_1363 = arith.constant 0 : i32
    %broadcast_in_dim3A_1364 = vector.broadcast %jit3A_1362 : i32 to vector<16xi32>
    %broadcast_in_dim3A_1365 = vector.broadcast %jit3A_1363 : i32 to vector<16xi32>
    %select_n3A_1366 = arith.select %ne3A_1361, %broadcast_in_dim3A_1364, %broadcast_in_dim3A_1365 : vector<16xi1>, vector<16xi32>
    %sub3A_1367 = arith.constant 1 : i32
    %sub3A_1368 = vector.broadcast %sub3A_1367 : i32 to vector<16xi32>
    %sub3A_1369 = arith.subi %iota3A, %sub3A_1368 : vector<16xi32>
    %max3A_1370 = arith.constant 0 : i32
    %max3A_1371 = vector.broadcast %max3A_1370 : i32 to vector<16xi32>
    %max3A_1372 = arith.maxsi %sub3A_1369, %max3A_1371 : vector<16xi32>
    %broadcast_in_dim3A_1373 = vector.shape_cast %max3A_1372 : vector<16xi32> to vector<16x1xi32>
    %gather3A_1374 = vector.shape_cast %broadcast_in_dim3A_1373 : vector<16x1xi32> to vector<16xi32>
    %gather3A_1375 = tpu.dynamic_gather %select_n3A_1366[%gather3A_1374] in [0] : vector<16xi32>, vector<16xi32> -> vector<16xi32>
    %ge3A_1376 = arith.constant 1 : i32
    %ge3A_1377 = vector.broadcast %ge3A_1376 : i32 to vector<16xi32>
    %ge3A_1378 = arith.cmpi sge, %iota3A, %ge3A_1377 : vector<16xi32>
    %add3A_1379 = arith.addi %select_n3A_1366, %gather3A_1375 : vector<16xi32>
    %select_n3A_1380 = arith.select %ge3A_1378, %add3A_1379, %select_n3A_1366 : vector<16xi1>, vector<16xi32>
    %sub3A_1381 = arith.constant 2 : i32
    %sub3A_1382 = vector.broadcast %sub3A_1381 : i32 to vector<16xi32>
    %sub3A_1383 = arith.subi %iota3A, %sub3A_1382 : vector<16xi32>
    %max3A_1384 = arith.constant 0 : i32
    %max3A_1385 = vector.broadcast %max3A_1384 : i32 to vector<16xi32>
    %max3A_1386 = arith.maxsi %sub3A_1383, %max3A_1385 : vector<16xi32>
    %broadcast_in_dim3A_1387 = vector.shape_cast %max3A_1386 : vector<16xi32> to vector<16x1xi32>
    %gather3A_1388 = vector.shape_cast %broadcast_in_dim3A_1387 : vector<16x1xi32> to vector<16xi32>
    %gather3A_1389 = tpu.dynamic_gather %select_n3A_1380[%gather3A_1388] in [0] : vector<16xi32>, vector<16xi32> -> vector<16xi32>
    %ge3A_1390 = arith.constant 2 : i32
    %ge3A_1391 = vector.broadcast %ge3A_1390 : i32 to vector<16xi32>
    %ge3A_1392 = arith.cmpi sge, %iota3A, %ge3A_1391 : vector<16xi32>
    %add3A_1393 = arith.addi %select_n3A_1380, %gather3A_1389 : vector<16xi32>
    %select_n3A_1394 = arith.select %ge3A_1392, %add3A_1393, %select_n3A_1380 : vector<16xi1>, vector<16xi32>
    %sub3A_1395 = arith.constant 4 : i32
    %sub3A_1396 = vector.broadcast %sub3A_1395 : i32 to vector<16xi32>
    %sub3A_1397 = arith.subi %iota3A, %sub3A_1396 : vector<16xi32>
    %max3A_1398 = arith.constant 0 : i32
    %max3A_1399 = vector.broadcast %max3A_1398 : i32 to vector<16xi32>
    %max3A_1400 = arith.maxsi %sub3A_1397, %max3A_1399 : vector<16xi32>
    %broadcast_in_dim3A_1401 = vector.shape_cast %max3A_1400 : vector<16xi32> to vector<16x1xi32>
    %gather3A_1402 = vector.shape_cast %broadcast_in_dim3A_1401 : vector<16x1xi32> to vector<16xi32>
    %gather3A_1403 = tpu.dynamic_gather %select_n3A_1394[%gather3A_1402] in [0] : vector<16xi32>, vector<16xi32> -> vector<16xi32>
    %ge3A_1404 = arith.constant 4 : i32
    %ge3A_1405 = vector.broadcast %ge3A_1404 : i32 to vector<16xi32>
    %ge3A_1406 = arith.cmpi sge, %iota3A, %ge3A_1405 : vector<16xi32>
    %add3A_1407 = arith.addi %select_n3A_1394, %gather3A_1403 : vector<16xi32>
    %select_n3A_1408 = arith.select %ge3A_1406, %add3A_1407, %select_n3A_1394 : vector<16xi1>, vector<16xi32>
    %sub3A_1409 = arith.constant 8 : i32
    %sub3A_1410 = vector.broadcast %sub3A_1409 : i32 to vector<16xi32>
    %sub3A_1411 = arith.subi %iota3A, %sub3A_1410 : vector<16xi32>
    %max3A_1412 = arith.constant 0 : i32
    %max3A_1413 = vector.broadcast %max3A_1412 : i32 to vector<16xi32>
    %max3A_1414 = arith.maxsi %sub3A_1411, %max3A_1413 : vector<16xi32>
    %broadcast_in_dim3A_1415 = vector.shape_cast %max3A_1414 : vector<16xi32> to vector<16x1xi32>
    %gather3A_1416 = vector.shape_cast %broadcast_in_dim3A_1415 : vector<16x1xi32> to vector<16xi32>
    %gather3A_1417 = tpu.dynamic_gather %select_n3A_1408[%gather3A_1416] in [0] : vector<16xi32>, vector<16xi32> -> vector<16xi32>
    %ge3A_1418 = arith.constant 8 : i32
    %ge3A_1419 = vector.broadcast %ge3A_1418 : i32 to vector<16xi32>
    %ge3A_1420 = arith.cmpi sge, %iota3A, %ge3A_1419 : vector<16xi32>
    %add3A_1421 = arith.addi %select_n3A_1408, %gather3A_1417 : vector<16xi32>
    %select_n3A_1422 = arith.select %ge3A_1420, %add3A_1421, %select_n3A_1408 : vector<16xi1>, vector<16xi32>
    %ne3A_1423 = arith.constant 0 : i32
    %ne3A_1424 = vector.broadcast %ne3A_1423 : i32 to vector<16xi32>
    %ne3A_1425 = arith.cmpi ne, %get3A_1354, %ne3A_1424 : vector<16xi32>
    %add3A_1426 = vector.broadcast %add3A_1349 : i32 to vector<16xi32>
    %add3A_1427 = arith.addi %add3A_1426, %select_n3A_1422 : vector<16xi32>
    %sub3A_1428 = arith.constant 1 : i32
    %sub3A_1429 = vector.broadcast %sub3A_1428 : i32 to vector<16xi32>
    %sub3A_1430 = arith.subi %add3A_1427, %sub3A_1429 : vector<16xi32>
    %select_n3A_1431 = arith.select %ne3A_1425, %sub3A_1430, %add3A_7 : vector<16xi1>, vector<16xi32>
    %ne3A_1432 = arith.constant 0 : i32
    %ne3A_1433 = vector.broadcast %ne3A_1432 : i32 to vector<16xi32>
    %ne3A_1434 = arith.cmpi ne, %get3A_1354, %ne3A_1433 : vector<16xi32>
    %add3A_1435 = vector.broadcast %add3A_1352 : i32 to vector<16xi32>
    %add3A_1436 = arith.addi %add3A_1435, %iota3A : vector<16xi32>
    %sub3A_1437 = arith.subi %add3A_1436, %select_n3A_1422 : vector<16xi32>
    %select_n3A_1438 = arith.select %ne3A_1434, %add3A_7, %sub3A_1437 : vector<16xi1>, vector<16xi32>
    tpu.vector_store_idx %arg7[%select_n3A_1431], %add3A_1358 : memref<560xi32, #tpu.memory_space<vmem>>[vector<16xi32>], vector<16xi32>,
    tpu.vector_store_idx %arg8[%select_n3A_1438], %add3A_1358 : memref<560xi32, #tpu.memory_space<vmem>>[vector<16xi32>], vector<16xi32>,
    %ne3A_1439 = arith.constant 0 : i32
    %ne3A_1440 = vector.broadcast %ne3A_1439 : i32 to vector<16xi32>
    %ne3A_1441 = arith.cmpi ne, %get3A_1354, %ne3A_1440 : vector<16xi32>
    %jit3A_1442 = arith.constant 528 : i32
    %broadcast_in_dim3A_1443 = vector.broadcast %jit3A_1442 : i32 to vector<16xi32>
    %select_n3A_1444 = arith.select %ne3A_1441, %broadcast_in_dim3A_1443, %add3A_7 : vector<16xi1>, vector<16xi32>
    tpu.vector_store_idx %arg7[%select_n3A_1444], %add3A_1358 : memref<560xi32, #tpu.memory_space<vmem>>[vector<16xi32>], vector<16xi32>,
    %ne3A_1445 = arith.constant 0 : i32
    %ne3A_1446 = vector.broadcast %ne3A_1445 : i32 to vector<16xi32>
    %ne3A_1447 = arith.cmpi ne, %get3A_1354, %ne3A_1446 : vector<16xi32>
    %jit3A_1448 = arith.constant 528 : i32
    %broadcast_in_dim3A_1449 = vector.broadcast %jit3A_1448 : i32 to vector<16xi32>
    %select_n3A_1450 = arith.select %ne3A_1447, %add3A_7, %broadcast_in_dim3A_1449 : vector<16xi1>, vector<16xi32>
    tpu.vector_store_idx %arg8[%select_n3A_1450], %add3A_1358 : memref<560xi32, #tpu.memory_space<vmem>>[vector<16xi32>], vector<16xi32>,
    %slice3A_1451 = vector.extract_strided_slice %select_n3A_1422 {offsets = [15], sizes = [1], strides = [1]} : vector<16xi32> to vector<1xi32>
    %squeeze3A_1452 = vector.extract %slice3A_1451[0] : i32 from vector<1xi32>
    %add3A_1453 = arith.addi %add3A_1349, %squeeze3A_1452 : i32
    %sub3A_1454 = arith.constant 16 : i32
    %sub3A_1455 = arith.subi %sub3A_1454, %squeeze3A_1452 : i32
    %add3A_1456 = arith.addi %add3A_1352, %sub3A_1455 : i32
    %get3A_1457 = arith.constant 224 : index
    %get3A_1458 = tpu.vector_load %arg6[%get3A_1457] {strides = array<i32>} : memref<512xi32, #tpu.memory_space<vmem>>, vector<16xi32>,
    %add3A_1459 = arith.constant 224 : i32
    %add3A_1460 = arith.addi %mul3A_2, %add3A_1459 : i32
    %add3A_1461 = vector.broadcast %add3A_1460 : i32 to vector<16xi32>
    %add3A_1462 = arith.addi %iota3A, %add3A_1461 : vector<16xi32>
    %ne3A_1463 = arith.constant 0 : i32
    %ne3A_1464 = vector.broadcast %ne3A_1463 : i32 to vector<16xi32>
    %ne3A_1465 = arith.cmpi ne, %get3A_1458, %ne3A_1464 : vector<16xi32>
    %jit3A_1466 = arith.constant 1 : i32
    %jit3A_1467 = arith.constant 0 : i32
    %broadcast_in_dim3A_1468 = vector.broadcast %jit3A_1466 : i32 to vector<16xi32>
    %broadcast_in_dim3A_1469 = vector.broadcast %jit3A_1467 : i32 to vector<16xi32>
    %select_n3A_1470 = arith.select %ne3A_1465, %broadcast_in_dim3A_1468, %broadcast_in_dim3A_1469 : vector<16xi1>, vector<16xi32>
    %sub3A_1471 = arith.constant 1 : i32
    %sub3A_1472 = vector.broadcast %sub3A_1471 : i32 to vector<16xi32>
    %sub3A_1473 = arith.subi %iota3A, %sub3A_1472 : vector<16xi32>
    %max3A_1474 = arith.constant 0 : i32
    %max3A_1475 = vector.broadcast %max3A_1474 : i32 to vector<16xi32>
    %max3A_1476 = arith.maxsi %sub3A_1473, %max3A_1475 : vector<16xi32>
    %broadcast_in_dim3A_1477 = vector.shape_cast %max3A_1476 : vector<16xi32> to vector<16x1xi32>
    %gather3A_1478 = vector.shape_cast %broadcast_in_dim3A_1477 : vector<16x1xi32> to vector<16xi32>
    %gather3A_1479 = tpu.dynamic_gather %select_n3A_1470[%gather3A_1478] in [0] : vector<16xi32>, vector<16xi32> -> vector<16xi32>
    %ge3A_1480 = arith.constant 1 : i32
    %ge3A_1481 = vector.broadcast %ge3A_1480 : i32 to vector<16xi32>
    %ge3A_1482 = arith.cmpi sge, %iota3A, %ge3A_1481 : vector<16xi32>
    %add3A_1483 = arith.addi %select_n3A_1470, %gather3A_1479 : vector<16xi32>
    %select_n3A_1484 = arith.select %ge3A_1482, %add3A_1483, %select_n3A_1470 : vector<16xi1>, vector<16xi32>
    %sub3A_1485 = arith.constant 2 : i32
    %sub3A_1486 = vector.broadcast %sub3A_1485 : i32 to vector<16xi32>
    %sub3A_1487 = arith.subi %iota3A, %sub3A_1486 : vector<16xi32>
    %max3A_1488 = arith.constant 0 : i32
    %max3A_1489 = vector.broadcast %max3A_1488 : i32 to vector<16xi32>
    %max3A_1490 = arith.maxsi %sub3A_1487, %max3A_1489 : vector<16xi32>
    %broadcast_in_dim3A_1491 = vector.shape_cast %max3A_1490 : vector<16xi32> to vector<16x1xi32>
    %gather3A_1492 = vector.shape_cast %broadcast_in_dim3A_1491 : vector<16x1xi32> to vector<16xi32>
    %gather3A_1493 = tpu.dynamic_gather %select_n3A_1484[%gather3A_1492] in [0] : vector<16xi32>, vector<16xi32> -> vector<16xi32>
    %ge3A_1494 = arith.constant 2 : i32
    %ge3A_1495 = vector.broadcast %ge3A_1494 : i32 to vector<16xi32>
    %ge3A_1496 = arith.cmpi sge, %iota3A, %ge3A_1495 : vector<16xi32>
    %add3A_1497 = arith.addi %select_n3A_1484, %gather3A_1493 : vector<16xi32>
    %select_n3A_1498 = arith.select %ge3A_1496, %add3A_1497, %select_n3A_1484 : vector<16xi1>, vector<16xi32>
    %sub3A_1499 = arith.constant 4 : i32
    %sub3A_1500 = vector.broadcast %sub3A_1499 : i32 to vector<16xi32>
    %sub3A_1501 = arith.subi %iota3A, %sub3A_1500 : vector<16xi32>
    %max3A_1502 = arith.constant 0 : i32
    %max3A_1503 = vector.broadcast %max3A_1502 : i32 to vector<16xi32>
    %max3A_1504 = arith.maxsi %sub3A_1501, %max3A_1503 : vector<16xi32>
    %broadcast_in_dim3A_1505 = vector.shape_cast %max3A_1504 : vector<16xi32> to vector<16x1xi32>
    %gather3A_1506 = vector.shape_cast %broadcast_in_dim3A_1505 : vector<16x1xi32> to vector<16xi32>
    %gather3A_1507 = tpu.dynamic_gather %select_n3A_1498[%gather3A_1506] in [0] : vector<16xi32>, vector<16xi32> -> vector<16xi32>
    %ge3A_1508 = arith.constant 4 : i32
    %ge3A_1509 = vector.broadcast %ge3A_1508 : i32 to vector<16xi32>
    %ge3A_1510 = arith.cmpi sge, %iota3A, %ge3A_1509 : vector<16xi32>
    %add3A_1511 = arith.addi %select_n3A_1498, %gather3A_1507 : vector<16xi32>
    %select_n3A_1512 = arith.select %ge3A_1510, %add3A_1511, %select_n3A_1498 : vector<16xi1>, vector<16xi32>
    %sub3A_1513 = arith.constant 8 : i32
    %sub3A_1514 = vector.broadcast %sub3A_1513 : i32 to vector<16xi32>
    %sub3A_1515 = arith.subi %iota3A, %sub3A_1514 : vector<16xi32>
    %max3A_1516 = arith.constant 0 : i32
    %max3A_1517 = vector.broadcast %max3A_1516 : i32 to vector<16xi32>
    %max3A_1518 = arith.maxsi %sub3A_1515, %max3A_1517 : vector<16xi32>
    %broadcast_in_dim3A_1519 = vector.shape_cast %max3A_1518 : vector<16xi32> to vector<16x1xi32>
    %gather3A_1520 = vector.shape_cast %broadcast_in_dim3A_1519 : vector<16x1xi32> to vector<16xi32>
    %gather3A_1521 = tpu.dynamic_gather %select_n3A_1512[%gather3A_1520] in [0] : vector<16xi32>, vector<16xi32> -> vector<16xi32>
    %ge3A_1522 = arith.constant 8 : i32
    %ge3A_1523 = vector.broadcast %ge3A_1522 : i32 to vector<16xi32>
    %ge3A_1524 = arith.cmpi sge, %iota3A, %ge3A_1523 : vector<16xi32>
    %add3A_1525 = arith.addi %select_n3A_1512, %gather3A_1521 : vector<16xi32>
    %select_n3A_1526 = arith.select %ge3A_1524, %add3A_1525, %select_n3A_1512 : vector<16xi1>, vector<16xi32>
    %ne3A_1527 = arith.constant 0 : i32
    %ne3A_1528 = vector.broadcast %ne3A_1527 : i32 to vector<16xi32>
    %ne3A_1529 = arith.cmpi ne, %get3A_1458, %ne3A_1528 : vector<16xi32>
    %add3A_1530 = vector.broadcast %add3A_1453 : i32 to vector<16xi32>
    %add3A_1531 = arith.addi %add3A_1530, %select_n3A_1526 : vector<16xi32>
    %sub3A_1532 = arith.constant 1 : i32
    %sub3A_1533 = vector.broadcast %sub3A_1532 : i32 to vector<16xi32>
    %sub3A_1534 = arith.subi %add3A_1531, %sub3A_1533 : vector<16xi32>
    %select_n3A_1535 = arith.select %ne3A_1529, %sub3A_1534, %add3A_7 : vector<16xi1>, vector<16xi32>
    %ne3A_1536 = arith.constant 0 : i32
    %ne3A_1537 = vector.broadcast %ne3A_1536 : i32 to vector<16xi32>
    %ne3A_1538 = arith.cmpi ne, %get3A_1458, %ne3A_1537 : vector<16xi32>
    %add3A_1539 = vector.broadcast %add3A_1456 : i32 to vector<16xi32>
    %add3A_1540 = arith.addi %add3A_1539, %iota3A : vector<16xi32>
    %sub3A_1541 = arith.subi %add3A_1540, %select_n3A_1526 : vector<16xi32>
    %select_n3A_1542 = arith.select %ne3A_1538, %add3A_7, %sub3A_1541 : vector<16xi1>, vector<16xi32>
    tpu.vector_store_idx %arg7[%select_n3A_1535], %add3A_1462 : memref<560xi32, #tpu.memory_space<vmem>>[vector<16xi32>], vector<16xi32>,
    tpu.vector_store_idx %arg8[%select_n3A_1542], %add3A_1462 : memref<560xi32, #tpu.memory_space<vmem>>[vector<16xi32>], vector<16xi32>,
    %ne3A_1543 = arith.constant 0 : i32
    %ne3A_1544 = vector.broadcast %ne3A_1543 : i32 to vector<16xi32>
    %ne3A_1545 = arith.cmpi ne, %get3A_1458, %ne3A_1544 : vector<16xi32>
    %jit3A_1546 = arith.constant 528 : i32
    %broadcast_in_dim3A_1547 = vector.broadcast %jit3A_1546 : i32 to vector<16xi32>
    %select_n3A_1548 = arith.select %ne3A_1545, %broadcast_in_dim3A_1547, %add3A_7 : vector<16xi1>, vector<16xi32>
    tpu.vector_store_idx %arg7[%select_n3A_1548], %add3A_1462 : memref<560xi32, #tpu.memory_space<vmem>>[vector<16xi32>], vector<16xi32>,
    %ne3A_1549 = arith.constant 0 : i32
    %ne3A_1550 = vector.broadcast %ne3A_1549 : i32 to vector<16xi32>
    %ne3A_1551 = arith.cmpi ne, %get3A_1458, %ne3A_1550 : vector<16xi32>
    %jit3A_1552 = arith.constant 528 : i32
    %broadcast_in_dim3A_1553 = vector.broadcast %jit3A_1552 : i32 to vector<16xi32>
    %select_n3A_1554 = arith.select %ne3A_1551, %add3A_7, %broadcast_in_dim3A_1553 : vector<16xi1>, vector<16xi32>
    tpu.vector_store_idx %arg8[%select_n3A_1554], %add3A_1462 : memref<560xi32, #tpu.memory_space<vmem>>[vector<16xi32>], vector<16xi32>,
    %slice3A_1555 = vector.extract_strided_slice %select_n3A_1526 {offsets = [15], sizes = [1], strides = [1]} : vector<16xi32> to vector<1xi32>
    %squeeze3A_1556 = vector.extract %slice3A_1555[0] : i32 from vector<1xi32>
    %add3A_1557 = arith.addi %add3A_1453, %squeeze3A_1556 : i32
    %sub3A_1558 = arith.constant 16 : i32
    %sub3A_1559 = arith.subi %sub3A_1558, %squeeze3A_1556 : i32
    %add3A_1560 = arith.addi %add3A_1456, %sub3A_1559 : i32
    %get3A_1561 = arith.constant 240 : index
    %get3A_1562 = tpu.vector_load %arg6[%get3A_1561] {strides = array<i32>} : memref<512xi32, #tpu.memory_space<vmem>>, vector<16xi32>,
    %add3A_1563 = arith.constant 240 : i32
    %add3A_1564 = arith.addi %mul3A_2, %add3A_1563 : i32
    %add3A_1565 = vector.broadcast %add3A_1564 : i32 to vector<16xi32>
    %add3A_1566 = arith.addi %iota3A, %add3A_1565 : vector<16xi32>
    %ne3A_1567 = arith.constant 0 : i32
    %ne3A_1568 = vector.broadcast %ne3A_1567 : i32 to vector<16xi32>
    %ne3A_1569 = arith.cmpi ne, %get3A_1562, %ne3A_1568 : vector<16xi32>
    %jit3A_1570 = arith.constant 1 : i32
    %jit3A_1571 = arith.constant 0 : i32
    %broadcast_in_dim3A_1572 = vector.broadcast %jit3A_1570 : i32 to vector<16xi32>
    %broadcast_in_dim3A_1573 = vector.broadcast %jit3A_1571 : i32 to vector<16xi32>
    %select_n3A_1574 = arith.select %ne3A_1569, %broadcast_in_dim3A_1572, %broadcast_in_dim3A_1573 : vector<16xi1>, vector<16xi32>
    %sub3A_1575 = arith.constant 1 : i32
    %sub3A_1576 = vector.broadcast %sub3A_1575 : i32 to vector<16xi32>
    %sub3A_1577 = arith.subi %iota3A, %sub3A_1576 : vector<16xi32>
    %max3A_1578 = arith.constant 0 : i32
    %max3A_1579 = vector.broadcast %max3A_1578 : i32 to vector<16xi32>
    %max3A_1580 = arith.maxsi %sub3A_1577, %max3A_1579 : vector<16xi32>
    %broadcast_in_dim3A_1581 = vector.shape_cast %max3A_1580 : vector<16xi32> to vector<16x1xi32>
    %gather3A_1582 = vector.shape_cast %broadcast_in_dim3A_1581 : vector<16x1xi32> to vector<16xi32>
    %gather3A_1583 = tpu.dynamic_gather %select_n3A_1574[%gather3A_1582] in [0] : vector<16xi32>, vector<16xi32> -> vector<16xi32>
    %ge3A_1584 = arith.constant 1 : i32
    %ge3A_1585 = vector.broadcast %ge3A_1584 : i32 to vector<16xi32>
    %ge3A_1586 = arith.cmpi sge, %iota3A, %ge3A_1585 : vector<16xi32>
    %add3A_1587 = arith.addi %select_n3A_1574, %gather3A_1583 : vector<16xi32>
    %select_n3A_1588 = arith.select %ge3A_1586, %add3A_1587, %select_n3A_1574 : vector<16xi1>, vector<16xi32>
    %sub3A_1589 = arith.constant 2 : i32
    %sub3A_1590 = vector.broadcast %sub3A_1589 : i32 to vector<16xi32>
    %sub3A_1591 = arith.subi %iota3A, %sub3A_1590 : vector<16xi32>
    %max3A_1592 = arith.constant 0 : i32
    %max3A_1593 = vector.broadcast %max3A_1592 : i32 to vector<16xi32>
    %max3A_1594 = arith.maxsi %sub3A_1591, %max3A_1593 : vector<16xi32>
    %broadcast_in_dim3A_1595 = vector.shape_cast %max3A_1594 : vector<16xi32> to vector<16x1xi32>
    %gather3A_1596 = vector.shape_cast %broadcast_in_dim3A_1595 : vector<16x1xi32> to vector<16xi32>
    %gather3A_1597 = tpu.dynamic_gather %select_n3A_1588[%gather3A_1596] in [0] : vector<16xi32>, vector<16xi32> -> vector<16xi32>
    %ge3A_1598 = arith.constant 2 : i32
    %ge3A_1599 = vector.broadcast %ge3A_1598 : i32 to vector<16xi32>
    %ge3A_1600 = arith.cmpi sge, %iota3A, %ge3A_1599 : vector<16xi32>
    %add3A_1601 = arith.addi %select_n3A_1588, %gather3A_1597 : vector<16xi32>
    %select_n3A_1602 = arith.select %ge3A_1600, %add3A_1601, %select_n3A_1588 : vector<16xi1>, vector<16xi32>
    %sub3A_1603 = arith.constant 4 : i32
    %sub3A_1604 = vector.broadcast %sub3A_1603 : i32 to vector<16xi32>
    %sub3A_1605 = arith.subi %iota3A, %sub3A_1604 : vector<16xi32>
    %max3A_1606 = arith.constant 0 : i32
    %max3A_1607 = vector.broadcast %max3A_1606 : i32 to vector<16xi32>
    %max3A_1608 = arith.maxsi %sub3A_1605, %max3A_1607 : vector<16xi32>
    %broadcast_in_dim3A_1609 = vector.shape_cast %max3A_1608 : vector<16xi32> to vector<16x1xi32>
    %gather3A_1610 = vector.shape_cast %broadcast_in_dim3A_1609 : vector<16x1xi32> to vector<16xi32>
    %gather3A_1611 = tpu.dynamic_gather %select_n3A_1602[%gather3A_1610] in [0] : vector<16xi32>, vector<16xi32> -> vector<16xi32>
    %ge3A_1612 = arith.constant 4 : i32
    %ge3A_1613 = vector.broadcast %ge3A_1612 : i32 to vector<16xi32>
    %ge3A_1614 = arith.cmpi sge, %iota3A, %ge3A_1613 : vector<16xi32>
    %add3A_1615 = arith.addi %select_n3A_1602, %gather3A_1611 : vector<16xi32>
    %select_n3A_1616 = arith.select %ge3A_1614, %add3A_1615, %select_n3A_1602 : vector<16xi1>, vector<16xi32>
    %sub3A_1617 = arith.constant 8 : i32
    %sub3A_1618 = vector.broadcast %sub3A_1617 : i32 to vector<16xi32>
    %sub3A_1619 = arith.subi %iota3A, %sub3A_1618 : vector<16xi32>
    %max3A_1620 = arith.constant 0 : i32
    %max3A_1621 = vector.broadcast %max3A_1620 : i32 to vector<16xi32>
    %max3A_1622 = arith.maxsi %sub3A_1619, %max3A_1621 : vector<16xi32>
    %broadcast_in_dim3A_1623 = vector.shape_cast %max3A_1622 : vector<16xi32> to vector<16x1xi32>
    %gather3A_1624 = vector.shape_cast %broadcast_in_dim3A_1623 : vector<16x1xi32> to vector<16xi32>
    %gather3A_1625 = tpu.dynamic_gather %select_n3A_1616[%gather3A_1624] in [0] : vector<16xi32>, vector<16xi32> -> vector<16xi32>
    %ge3A_1626 = arith.constant 8 : i32
    %ge3A_1627 = vector.broadcast %ge3A_1626 : i32 to vector<16xi32>
    %ge3A_1628 = arith.cmpi sge, %iota3A, %ge3A_1627 : vector<16xi32>
    %add3A_1629 = arith.addi %select_n3A_1616, %gather3A_1625 : vector<16xi32>
    %select_n3A_1630 = arith.select %ge3A_1628, %add3A_1629, %select_n3A_1616 : vector<16xi1>, vector<16xi32>
    %ne3A_1631 = arith.constant 0 : i32
    %ne3A_1632 = vector.broadcast %ne3A_1631 : i32 to vector<16xi32>
    %ne3A_1633 = arith.cmpi ne, %get3A_1562, %ne3A_1632 : vector<16xi32>
    %add3A_1634 = vector.broadcast %add3A_1557 : i32 to vector<16xi32>
    %add3A_1635 = arith.addi %add3A_1634, %select_n3A_1630 : vector<16xi32>
    %sub3A_1636 = arith.constant 1 : i32
    %sub3A_1637 = vector.broadcast %sub3A_1636 : i32 to vector<16xi32>
    %sub3A_1638 = arith.subi %add3A_1635, %sub3A_1637 : vector<16xi32>
    %select_n3A_1639 = arith.select %ne3A_1633, %sub3A_1638, %add3A_7 : vector<16xi1>, vector<16xi32>
    %ne3A_1640 = arith.constant 0 : i32
    %ne3A_1641 = vector.broadcast %ne3A_1640 : i32 to vector<16xi32>
    %ne3A_1642 = arith.cmpi ne, %get3A_1562, %ne3A_1641 : vector<16xi32>
    %add3A_1643 = vector.broadcast %add3A_1560 : i32 to vector<16xi32>
    %add3A_1644 = arith.addi %add3A_1643, %iota3A : vector<16xi32>
    %sub3A_1645 = arith.subi %add3A_1644, %select_n3A_1630 : vector<16xi32>
    %select_n3A_1646 = arith.select %ne3A_1642, %add3A_7, %sub3A_1645 : vector<16xi1>, vector<16xi32>
    tpu.vector_store_idx %arg7[%select_n3A_1639], %add3A_1566 : memref<560xi32, #tpu.memory_space<vmem>>[vector<16xi32>], vector<16xi32>,
    tpu.vector_store_idx %arg8[%select_n3A_1646], %add3A_1566 : memref<560xi32, #tpu.memory_space<vmem>>[vector<16xi32>], vector<16xi32>,
    %ne3A_1647 = arith.constant 0 : i32
    %ne3A_1648 = vector.broadcast %ne3A_1647 : i32 to vector<16xi32>
    %ne3A_1649 = arith.cmpi ne, %get3A_1562, %ne3A_1648 : vector<16xi32>
    %jit3A_1650 = arith.constant 528 : i32
    %broadcast_in_dim3A_1651 = vector.broadcast %jit3A_1650 : i32 to vector<16xi32>
    %select_n3A_1652 = arith.select %ne3A_1649, %broadcast_in_dim3A_1651, %add3A_7 : vector<16xi1>, vector<16xi32>
    tpu.vector_store_idx %arg7[%select_n3A_1652], %add3A_1566 : memref<560xi32, #tpu.memory_space<vmem>>[vector<16xi32>], vector<16xi32>,
    %ne3A_1653 = arith.constant 0 : i32
    %ne3A_1654 = vector.broadcast %ne3A_1653 : i32 to vector<16xi32>
    %ne3A_1655 = arith.cmpi ne, %get3A_1562, %ne3A_1654 : vector<16xi32>
    %jit3A_1656 = arith.constant 528 : i32
    %broadcast_in_dim3A_1657 = vector.broadcast %jit3A_1656 : i32 to vector<16xi32>
    %select_n3A_1658 = arith.select %ne3A_1655, %add3A_7, %broadcast_in_dim3A_1657 : vector<16xi1>, vector<16xi32>
    tpu.vector_store_idx %arg8[%select_n3A_1658], %add3A_1566 : memref<560xi32, #tpu.memory_space<vmem>>[vector<16xi32>], vector<16xi32>,
    %slice3A_1659 = vector.extract_strided_slice %select_n3A_1630 {offsets = [15], sizes = [1], strides = [1]} : vector<16xi32> to vector<1xi32>
    %squeeze3A_1660 = vector.extract %slice3A_1659[0] : i32 from vector<1xi32>
    %add3A_1661 = arith.addi %add3A_1557, %squeeze3A_1660 : i32
    %sub3A_1662 = arith.constant 16 : i32
    %sub3A_1663 = arith.subi %sub3A_1662, %squeeze3A_1660 : i32
    %add3A_1664 = arith.addi %add3A_1560, %sub3A_1663 : i32
    %get3A_1665 = arith.constant 256 : index
    %get3A_1666 = tpu.vector_load %arg6[%get3A_1665] {strides = array<i32>} : memref<512xi32, #tpu.memory_space<vmem>>, vector<16xi32>,
    %add3A_1667 = arith.constant 256 : i32
    %add3A_1668 = arith.addi %mul3A_2, %add3A_1667 : i32
    %add3A_1669 = vector.broadcast %add3A_1668 : i32 to vector<16xi32>
    %add3A_1670 = arith.addi %iota3A, %add3A_1669 : vector<16xi32>
    %ne3A_1671 = arith.constant 0 : i32
    %ne3A_1672 = vector.broadcast %ne3A_1671 : i32 to vector<16xi32>
    %ne3A_1673 = arith.cmpi ne, %get3A_1666, %ne3A_1672 : vector<16xi32>
    %jit3A_1674 = arith.constant 1 : i32
    %jit3A_1675 = arith.constant 0 : i32
    %broadcast_in_dim3A_1676 = vector.broadcast %jit3A_1674 : i32 to vector<16xi32>
    %broadcast_in_dim3A_1677 = vector.broadcast %jit3A_1675 : i32 to vector<16xi32>
    %select_n3A_1678 = arith.select %ne3A_1673, %broadcast_in_dim3A_1676, %broadcast_in_dim3A_1677 : vector<16xi1>, vector<16xi32>
    %sub3A_1679 = arith.constant 1 : i32
    %sub3A_1680 = vector.broadcast %sub3A_1679 : i32 to vector<16xi32>
    %sub3A_1681 = arith.subi %iota3A, %sub3A_1680 : vector<16xi32>
    %max3A_1682 = arith.constant 0 : i32
    %max3A_1683 = vector.broadcast %max3A_1682 : i32 to vector<16xi32>
    %max3A_1684 = arith.maxsi %sub3A_1681, %max3A_1683 : vector<16xi32>
    %broadcast_in_dim3A_1685 = vector.shape_cast %max3A_1684 : vector<16xi32> to vector<16x1xi32>
    %gather3A_1686 = vector.shape_cast %broadcast_in_dim3A_1685 : vector<16x1xi32> to vector<16xi32>
    %gather3A_1687 = tpu.dynamic_gather %select_n3A_1678[%gather3A_1686] in [0] : vector<16xi32>, vector<16xi32> -> vector<16xi32>
    %ge3A_1688 = arith.constant 1 : i32
    %ge3A_1689 = vector.broadcast %ge3A_1688 : i32 to vector<16xi32>
    %ge3A_1690 = arith.cmpi sge, %iota3A, %ge3A_1689 : vector<16xi32>
    %add3A_1691 = arith.addi %select_n3A_1678, %gather3A_1687 : vector<16xi32>
    %select_n3A_1692 = arith.select %ge3A_1690, %add3A_1691, %select_n3A_1678 : vector<16xi1>, vector<16xi32>
    %sub3A_1693 = arith.constant 2 : i32
    %sub3A_1694 = vector.broadcast %sub3A_1693 : i32 to vector<16xi32>
    %sub3A_1695 = arith.subi %iota3A, %sub3A_1694 : vector<16xi32>
    %max3A_1696 = arith.constant 0 : i32
    %max3A_1697 = vector.broadcast %max3A_1696 : i32 to vector<16xi32>
    %max3A_1698 = arith.maxsi %sub3A_1695, %max3A_1697 : vector<16xi32>
    %broadcast_in_dim3A_1699 = vector.shape_cast %max3A_1698 : vector<16xi32> to vector<16x1xi32>
    %gather3A_1700 = vector.shape_cast %broadcast_in_dim3A_1699 : vector<16x1xi32> to vector<16xi32>
    %gather3A_1701 = tpu.dynamic_gather %select_n3A_1692[%gather3A_1700] in [0] : vector<16xi32>, vector<16xi32> -> vector<16xi32>
    %ge3A_1702 = arith.constant 2 : i32
    %ge3A_1703 = vector.broadcast %ge3A_1702 : i32 to vector<16xi32>
    %ge3A_1704 = arith.cmpi sge, %iota3A, %ge3A_1703 : vector<16xi32>
    %add3A_1705 = arith.addi %select_n3A_1692, %gather3A_1701 : vector<16xi32>
    %select_n3A_1706 = arith.select %ge3A_1704, %add3A_1705, %select_n3A_1692 : vector<16xi1>, vector<16xi32>
    %sub3A_1707 = arith.constant 4 : i32
    %sub3A_1708 = vector.broadcast %sub3A_1707 : i32 to vector<16xi32>
    %sub3A_1709 = arith.subi %iota3A, %sub3A_1708 : vector<16xi32>
    %max3A_1710 = arith.constant 0 : i32
    %max3A_1711 = vector.broadcast %max3A_1710 : i32 to vector<16xi32>
    %max3A_1712 = arith.maxsi %sub3A_1709, %max3A_1711 : vector<16xi32>
    %broadcast_in_dim3A_1713 = vector.shape_cast %max3A_1712 : vector<16xi32> to vector<16x1xi32>
    %gather3A_1714 = vector.shape_cast %broadcast_in_dim3A_1713 : vector<16x1xi32> to vector<16xi32>
    %gather3A_1715 = tpu.dynamic_gather %select_n3A_1706[%gather3A_1714] in [0] : vector<16xi32>, vector<16xi32> -> vector<16xi32>
    %ge3A_1716 = arith.constant 4 : i32
    %ge3A_1717 = vector.broadcast %ge3A_1716 : i32 to vector<16xi32>
    %ge3A_1718 = arith.cmpi sge, %iota3A, %ge3A_1717 : vector<16xi32>
    %add3A_1719 = arith.addi %select_n3A_1706, %gather3A_1715 : vector<16xi32>
    %select_n3A_1720 = arith.select %ge3A_1718, %add3A_1719, %select_n3A_1706 : vector<16xi1>, vector<16xi32>
    %sub3A_1721 = arith.constant 8 : i32
    %sub3A_1722 = vector.broadcast %sub3A_1721 : i32 to vector<16xi32>
    %sub3A_1723 = arith.subi %iota3A, %sub3A_1722 : vector<16xi32>
    %max3A_1724 = arith.constant 0 : i32
    %max3A_1725 = vector.broadcast %max3A_1724 : i32 to vector<16xi32>
    %max3A_1726 = arith.maxsi %sub3A_1723, %max3A_1725 : vector<16xi32>
    %broadcast_in_dim3A_1727 = vector.shape_cast %max3A_1726 : vector<16xi32> to vector<16x1xi32>
    %gather3A_1728 = vector.shape_cast %broadcast_in_dim3A_1727 : vector<16x1xi32> to vector<16xi32>
    %gather3A_1729 = tpu.dynamic_gather %select_n3A_1720[%gather3A_1728] in [0] : vector<16xi32>, vector<16xi32> -> vector<16xi32>
    %ge3A_1730 = arith.constant 8 : i32
    %ge3A_1731 = vector.broadcast %ge3A_1730 : i32 to vector<16xi32>
    %ge3A_1732 = arith.cmpi sge, %iota3A, %ge3A_1731 : vector<16xi32>
    %add3A_1733 = arith.addi %select_n3A_1720, %gather3A_1729 : vector<16xi32>
    %select_n3A_1734 = arith.select %ge3A_1732, %add3A_1733, %select_n3A_1720 : vector<16xi1>, vector<16xi32>
    %ne3A_1735 = arith.constant 0 : i32
    %ne3A_1736 = vector.broadcast %ne3A_1735 : i32 to vector<16xi32>
    %ne3A_1737 = arith.cmpi ne, %get3A_1666, %ne3A_1736 : vector<16xi32>
    %add3A_1738 = vector.broadcast %add3A_1661 : i32 to vector<16xi32>
    %add3A_1739 = arith.addi %add3A_1738, %select_n3A_1734 : vector<16xi32>
    %sub3A_1740 = arith.constant 1 : i32
    %sub3A_1741 = vector.broadcast %sub3A_1740 : i32 to vector<16xi32>
    %sub3A_1742 = arith.subi %add3A_1739, %sub3A_1741 : vector<16xi32>
    %select_n3A_1743 = arith.select %ne3A_1737, %sub3A_1742, %add3A_7 : vector<16xi1>, vector<16xi32>
    %ne3A_1744 = arith.constant 0 : i32
    %ne3A_1745 = vector.broadcast %ne3A_1744 : i32 to vector<16xi32>
    %ne3A_1746 = arith.cmpi ne, %get3A_1666, %ne3A_1745 : vector<16xi32>
    %add3A_1747 = vector.broadcast %add3A_1664 : i32 to vector<16xi32>
    %add3A_1748 = arith.addi %add3A_1747, %iota3A : vector<16xi32>
    %sub3A_1749 = arith.subi %add3A_1748, %select_n3A_1734 : vector<16xi32>
    %select_n3A_1750 = arith.select %ne3A_1746, %add3A_7, %sub3A_1749 : vector<16xi1>, vector<16xi32>
    tpu.vector_store_idx %arg7[%select_n3A_1743], %add3A_1670 : memref<560xi32, #tpu.memory_space<vmem>>[vector<16xi32>], vector<16xi32>,
    tpu.vector_store_idx %arg8[%select_n3A_1750], %add3A_1670 : memref<560xi32, #tpu.memory_space<vmem>>[vector<16xi32>], vector<16xi32>,
    %ne3A_1751 = arith.constant 0 : i32
    %ne3A_1752 = vector.broadcast %ne3A_1751 : i32 to vector<16xi32>
    %ne3A_1753 = arith.cmpi ne, %get3A_1666, %ne3A_1752 : vector<16xi32>
    %jit3A_1754 = arith.constant 528 : i32
    %broadcast_in_dim3A_1755 = vector.broadcast %jit3A_1754 : i32 to vector<16xi32>
    %select_n3A_1756 = arith.select %ne3A_1753, %broadcast_in_dim3A_1755, %add3A_7 : vector<16xi1>, vector<16xi32>
    tpu.vector_store_idx %arg7[%select_n3A_1756], %add3A_1670 : memref<560xi32, #tpu.memory_space<vmem>>[vector<16xi32>], vector<16xi32>,
    %ne3A_1757 = arith.constant 0 : i32
    %ne3A_1758 = vector.broadcast %ne3A_1757 : i32 to vector<16xi32>
    %ne3A_1759 = arith.cmpi ne, %get3A_1666, %ne3A_1758 : vector<16xi32>
    %jit3A_1760 = arith.constant 528 : i32
    %broadcast_in_dim3A_1761 = vector.broadcast %jit3A_1760 : i32 to vector<16xi32>
    %select_n3A_1762 = arith.select %ne3A_1759, %add3A_7, %broadcast_in_dim3A_1761 : vector<16xi1>, vector<16xi32>
    tpu.vector_store_idx %arg8[%select_n3A_1762], %add3A_1670 : memref<560xi32, #tpu.memory_space<vmem>>[vector<16xi32>], vector<16xi32>,
    %slice3A_1763 = vector.extract_strided_slice %select_n3A_1734 {offsets = [15], sizes = [1], strides = [1]} : vector<16xi32> to vector<1xi32>
    %squeeze3A_1764 = vector.extract %slice3A_1763[0] : i32 from vector<1xi32>
    %add3A_1765 = arith.addi %add3A_1661, %squeeze3A_1764 : i32
    %sub3A_1766 = arith.constant 16 : i32
    %sub3A_1767 = arith.subi %sub3A_1766, %squeeze3A_1764 : i32
    %add3A_1768 = arith.addi %add3A_1664, %sub3A_1767 : i32
    %get3A_1769 = arith.constant 272 : index
    %get3A_1770 = tpu.vector_load %arg6[%get3A_1769] {strides = array<i32>} : memref<512xi32, #tpu.memory_space<vmem>>, vector<16xi32>,
    %add3A_1771 = arith.constant 272 : i32
    %add3A_1772 = arith.addi %mul3A_2, %add3A_1771 : i32
    %add3A_1773 = vector.broadcast %add3A_1772 : i32 to vector<16xi32>
    %add3A_1774 = arith.addi %iota3A, %add3A_1773 : vector<16xi32>
    %ne3A_1775 = arith.constant 0 : i32
    %ne3A_1776 = vector.broadcast %ne3A_1775 : i32 to vector<16xi32>
    %ne3A_1777 = arith.cmpi ne, %get3A_1770, %ne3A_1776 : vector<16xi32>
    %jit3A_1778 = arith.constant 1 : i32
    %jit3A_1779 = arith.constant 0 : i32
    %broadcast_in_dim3A_1780 = vector.broadcast %jit3A_1778 : i32 to vector<16xi32>
    %broadcast_in_dim3A_1781 = vector.broadcast %jit3A_1779 : i32 to vector<16xi32>
    %select_n3A_1782 = arith.select %ne3A_1777, %broadcast_in_dim3A_1780, %broadcast_in_dim3A_1781 : vector<16xi1>, vector<16xi32>
    %sub3A_1783 = arith.constant 1 : i32
    %sub3A_1784 = vector.broadcast %sub3A_1783 : i32 to vector<16xi32>
    %sub3A_1785 = arith.subi %iota3A, %sub3A_1784 : vector<16xi32>
    %max3A_1786 = arith.constant 0 : i32
    %max3A_1787 = vector.broadcast %max3A_1786 : i32 to vector<16xi32>
    %max3A_1788 = arith.maxsi %sub3A_1785, %max3A_1787 : vector<16xi32>
    %broadcast_in_dim3A_1789 = vector.shape_cast %max3A_1788 : vector<16xi32> to vector<16x1xi32>
    %gather3A_1790 = vector.shape_cast %broadcast_in_dim3A_1789 : vector<16x1xi32> to vector<16xi32>
    %gather3A_1791 = tpu.dynamic_gather %select_n3A_1782[%gather3A_1790] in [0] : vector<16xi32>, vector<16xi32> -> vector<16xi32>
    %ge3A_1792 = arith.constant 1 : i32
    %ge3A_1793 = vector.broadcast %ge3A_1792 : i32 to vector<16xi32>
    %ge3A_1794 = arith.cmpi sge, %iota3A, %ge3A_1793 : vector<16xi32>
    %add3A_1795 = arith.addi %select_n3A_1782, %gather3A_1791 : vector<16xi32>
    %select_n3A_1796 = arith.select %ge3A_1794, %add3A_1795, %select_n3A_1782 : vector<16xi1>, vector<16xi32>
    %sub3A_1797 = arith.constant 2 : i32
    %sub3A_1798 = vector.broadcast %sub3A_1797 : i32 to vector<16xi32>
    %sub3A_1799 = arith.subi %iota3A, %sub3A_1798 : vector<16xi32>
    %max3A_1800 = arith.constant 0 : i32
    %max3A_1801 = vector.broadcast %max3A_1800 : i32 to vector<16xi32>
    %max3A_1802 = arith.maxsi %sub3A_1799, %max3A_1801 : vector<16xi32>
    %broadcast_in_dim3A_1803 = vector.shape_cast %max3A_1802 : vector<16xi32> to vector<16x1xi32>
    %gather3A_1804 = vector.shape_cast %broadcast_in_dim3A_1803 : vector<16x1xi32> to vector<16xi32>
    %gather3A_1805 = tpu.dynamic_gather %select_n3A_1796[%gather3A_1804] in [0] : vector<16xi32>, vector<16xi32> -> vector<16xi32>
    %ge3A_1806 = arith.constant 2 : i32
    %ge3A_1807 = vector.broadcast %ge3A_1806 : i32 to vector<16xi32>
    %ge3A_1808 = arith.cmpi sge, %iota3A, %ge3A_1807 : vector<16xi32>
    %add3A_1809 = arith.addi %select_n3A_1796, %gather3A_1805 : vector<16xi32>
    %select_n3A_1810 = arith.select %ge3A_1808, %add3A_1809, %select_n3A_1796 : vector<16xi1>, vector<16xi32>
    %sub3A_1811 = arith.constant 4 : i32
    %sub3A_1812 = vector.broadcast %sub3A_1811 : i32 to vector<16xi32>
    %sub3A_1813 = arith.subi %iota3A, %sub3A_1812 : vector<16xi32>
    %max3A_1814 = arith.constant 0 : i32
    %max3A_1815 = vector.broadcast %max3A_1814 : i32 to vector<16xi32>
    %max3A_1816 = arith.maxsi %sub3A_1813, %max3A_1815 : vector<16xi32>
    %broadcast_in_dim3A_1817 = vector.shape_cast %max3A_1816 : vector<16xi32> to vector<16x1xi32>
    %gather3A_1818 = vector.shape_cast %broadcast_in_dim3A_1817 : vector<16x1xi32> to vector<16xi32>
    %gather3A_1819 = tpu.dynamic_gather %select_n3A_1810[%gather3A_1818] in [0] : vector<16xi32>, vector<16xi32> -> vector<16xi32>
    %ge3A_1820 = arith.constant 4 : i32
    %ge3A_1821 = vector.broadcast %ge3A_1820 : i32 to vector<16xi32>
    %ge3A_1822 = arith.cmpi sge, %iota3A, %ge3A_1821 : vector<16xi32>
    %add3A_1823 = arith.addi %select_n3A_1810, %gather3A_1819 : vector<16xi32>
    %select_n3A_1824 = arith.select %ge3A_1822, %add3A_1823, %select_n3A_1810 : vector<16xi1>, vector<16xi32>
    %sub3A_1825 = arith.constant 8 : i32
    %sub3A_1826 = vector.broadcast %sub3A_1825 : i32 to vector<16xi32>
    %sub3A_1827 = arith.subi %iota3A, %sub3A_1826 : vector<16xi32>
    %max3A_1828 = arith.constant 0 : i32
    %max3A_1829 = vector.broadcast %max3A_1828 : i32 to vector<16xi32>
    %max3A_1830 = arith.maxsi %sub3A_1827, %max3A_1829 : vector<16xi32>
    %broadcast_in_dim3A_1831 = vector.shape_cast %max3A_1830 : vector<16xi32> to vector<16x1xi32>
    %gather3A_1832 = vector.shape_cast %broadcast_in_dim3A_1831 : vector<16x1xi32> to vector<16xi32>
    %gather3A_1833 = tpu.dynamic_gather %select_n3A_1824[%gather3A_1832] in [0] : vector<16xi32>, vector<16xi32> -> vector<16xi32>
    %ge3A_1834 = arith.constant 8 : i32
    %ge3A_1835 = vector.broadcast %ge3A_1834 : i32 to vector<16xi32>
    %ge3A_1836 = arith.cmpi sge, %iota3A, %ge3A_1835 : vector<16xi32>
    %add3A_1837 = arith.addi %select_n3A_1824, %gather3A_1833 : vector<16xi32>
    %select_n3A_1838 = arith.select %ge3A_1836, %add3A_1837, %select_n3A_1824 : vector<16xi1>, vector<16xi32>
    %ne3A_1839 = arith.constant 0 : i32
    %ne3A_1840 = vector.broadcast %ne3A_1839 : i32 to vector<16xi32>
    %ne3A_1841 = arith.cmpi ne, %get3A_1770, %ne3A_1840 : vector<16xi32>
    %add3A_1842 = vector.broadcast %add3A_1765 : i32 to vector<16xi32>
    %add3A_1843 = arith.addi %add3A_1842, %select_n3A_1838 : vector<16xi32>
    %sub3A_1844 = arith.constant 1 : i32
    %sub3A_1845 = vector.broadcast %sub3A_1844 : i32 to vector<16xi32>
    %sub3A_1846 = arith.subi %add3A_1843, %sub3A_1845 : vector<16xi32>
    %select_n3A_1847 = arith.select %ne3A_1841, %sub3A_1846, %add3A_7 : vector<16xi1>, vector<16xi32>
    %ne3A_1848 = arith.constant 0 : i32
    %ne3A_1849 = vector.broadcast %ne3A_1848 : i32 to vector<16xi32>
    %ne3A_1850 = arith.cmpi ne, %get3A_1770, %ne3A_1849 : vector<16xi32>
    %add3A_1851 = vector.broadcast %add3A_1768 : i32 to vector<16xi32>
    %add3A_1852 = arith.addi %add3A_1851, %iota3A : vector<16xi32>
    %sub3A_1853 = arith.subi %add3A_1852, %select_n3A_1838 : vector<16xi32>
    %select_n3A_1854 = arith.select %ne3A_1850, %add3A_7, %sub3A_1853 : vector<16xi1>, vector<16xi32>
    tpu.vector_store_idx %arg7[%select_n3A_1847], %add3A_1774 : memref<560xi32, #tpu.memory_space<vmem>>[vector<16xi32>], vector<16xi32>,
    tpu.vector_store_idx %arg8[%select_n3A_1854], %add3A_1774 : memref<560xi32, #tpu.memory_space<vmem>>[vector<16xi32>], vector<16xi32>,
    %ne3A_1855 = arith.constant 0 : i32
    %ne3A_1856 = vector.broadcast %ne3A_1855 : i32 to vector<16xi32>
    %ne3A_1857 = arith.cmpi ne, %get3A_1770, %ne3A_1856 : vector<16xi32>
    %jit3A_1858 = arith.constant 528 : i32
    %broadcast_in_dim3A_1859 = vector.broadcast %jit3A_1858 : i32 to vector<16xi32>
    %select_n3A_1860 = arith.select %ne3A_1857, %broadcast_in_dim3A_1859, %add3A_7 : vector<16xi1>, vector<16xi32>
    tpu.vector_store_idx %arg7[%select_n3A_1860], %add3A_1774 : memref<560xi32, #tpu.memory_space<vmem>>[vector<16xi32>], vector<16xi32>,
    %ne3A_1861 = arith.constant 0 : i32
    %ne3A_1862 = vector.broadcast %ne3A_1861 : i32 to vector<16xi32>
    %ne3A_1863 = arith.cmpi ne, %get3A_1770, %ne3A_1862 : vector<16xi32>
    %jit3A_1864 = arith.constant 528 : i32
    %broadcast_in_dim3A_1865 = vector.broadcast %jit3A_1864 : i32 to vector<16xi32>
    %select_n3A_1866 = arith.select %ne3A_1863, %add3A_7, %broadcast_in_dim3A_1865 : vector<16xi1>, vector<16xi32>
    tpu.vector_store_idx %arg8[%select_n3A_1866], %add3A_1774 : memref<560xi32, #tpu.memory_space<vmem>>[vector<16xi32>], vector<16xi32>,
    %slice3A_1867 = vector.extract_strided_slice %select_n3A_1838 {offsets = [15], sizes = [1], strides = [1]} : vector<16xi32> to vector<1xi32>
    %squeeze3A_1868 = vector.extract %slice3A_1867[0] : i32 from vector<1xi32>
    %add3A_1869 = arith.addi %add3A_1765, %squeeze3A_1868 : i32
    %sub3A_1870 = arith.constant 16 : i32
    %sub3A_1871 = arith.subi %sub3A_1870, %squeeze3A_1868 : i32
    %add3A_1872 = arith.addi %add3A_1768, %sub3A_1871 : i32
    %get3A_1873 = arith.constant 288 : index
    %get3A_1874 = tpu.vector_load %arg6[%get3A_1873] {strides = array<i32>} : memref<512xi32, #tpu.memory_space<vmem>>, vector<16xi32>,
    %add3A_1875 = arith.constant 288 : i32
    %add3A_1876 = arith.addi %mul3A_2, %add3A_1875 : i32
    %add3A_1877 = vector.broadcast %add3A_1876 : i32 to vector<16xi32>
    %add3A_1878 = arith.addi %iota3A, %add3A_1877 : vector<16xi32>
    %ne3A_1879 = arith.constant 0 : i32
    %ne3A_1880 = vector.broadcast %ne3A_1879 : i32 to vector<16xi32>
    %ne3A_1881 = arith.cmpi ne, %get3A_1874, %ne3A_1880 : vector<16xi32>
    %jit3A_1882 = arith.constant 1 : i32
    %jit3A_1883 = arith.constant 0 : i32
    %broadcast_in_dim3A_1884 = vector.broadcast %jit3A_1882 : i32 to vector<16xi32>
    %broadcast_in_dim3A_1885 = vector.broadcast %jit3A_1883 : i32 to vector<16xi32>
    %select_n3A_1886 = arith.select %ne3A_1881, %broadcast_in_dim3A_1884, %broadcast_in_dim3A_1885 : vector<16xi1>, vector<16xi32>
    %sub3A_1887 = arith.constant 1 : i32
    %sub3A_1888 = vector.broadcast %sub3A_1887 : i32 to vector<16xi32>
    %sub3A_1889 = arith.subi %iota3A, %sub3A_1888 : vector<16xi32>
    %max3A_1890 = arith.constant 0 : i32
    %max3A_1891 = vector.broadcast %max3A_1890 : i32 to vector<16xi32>
    %max3A_1892 = arith.maxsi %sub3A_1889, %max3A_1891 : vector<16xi32>
    %broadcast_in_dim3A_1893 = vector.shape_cast %max3A_1892 : vector<16xi32> to vector<16x1xi32>
    %gather3A_1894 = vector.shape_cast %broadcast_in_dim3A_1893 : vector<16x1xi32> to vector<16xi32>
    %gather3A_1895 = tpu.dynamic_gather %select_n3A_1886[%gather3A_1894] in [0] : vector<16xi32>, vector<16xi32> -> vector<16xi32>
    %ge3A_1896 = arith.constant 1 : i32
    %ge3A_1897 = vector.broadcast %ge3A_1896 : i32 to vector<16xi32>
    %ge3A_1898 = arith.cmpi sge, %iota3A, %ge3A_1897 : vector<16xi32>
    %add3A_1899 = arith.addi %select_n3A_1886, %gather3A_1895 : vector<16xi32>
    %select_n3A_1900 = arith.select %ge3A_1898, %add3A_1899, %select_n3A_1886 : vector<16xi1>, vector<16xi32>
    %sub3A_1901 = arith.constant 2 : i32
    %sub3A_1902 = vector.broadcast %sub3A_1901 : i32 to vector<16xi32>
    %sub3A_1903 = arith.subi %iota3A, %sub3A_1902 : vector<16xi32>
    %max3A_1904 = arith.constant 0 : i32
    %max3A_1905 = vector.broadcast %max3A_1904 : i32 to vector<16xi32>
    %max3A_1906 = arith.maxsi %sub3A_1903, %max3A_1905 : vector<16xi32>
    %broadcast_in_dim3A_1907 = vector.shape_cast %max3A_1906 : vector<16xi32> to vector<16x1xi32>
    %gather3A_1908 = vector.shape_cast %broadcast_in_dim3A_1907 : vector<16x1xi32> to vector<16xi32>
    %gather3A_1909 = tpu.dynamic_gather %select_n3A_1900[%gather3A_1908] in [0] : vector<16xi32>, vector<16xi32> -> vector<16xi32>
    %ge3A_1910 = arith.constant 2 : i32
    %ge3A_1911 = vector.broadcast %ge3A_1910 : i32 to vector<16xi32>
    %ge3A_1912 = arith.cmpi sge, %iota3A, %ge3A_1911 : vector<16xi32>
    %add3A_1913 = arith.addi %select_n3A_1900, %gather3A_1909 : vector<16xi32>
    %select_n3A_1914 = arith.select %ge3A_1912, %add3A_1913, %select_n3A_1900 : vector<16xi1>, vector<16xi32>
    %sub3A_1915 = arith.constant 4 : i32
    %sub3A_1916 = vector.broadcast %sub3A_1915 : i32 to vector<16xi32>
    %sub3A_1917 = arith.subi %iota3A, %sub3A_1916 : vector<16xi32>
    %max3A_1918 = arith.constant 0 : i32
    %max3A_1919 = vector.broadcast %max3A_1918 : i32 to vector<16xi32>
    %max3A_1920 = arith.maxsi %sub3A_1917, %max3A_1919 : vector<16xi32>
    %broadcast_in_dim3A_1921 = vector.shape_cast %max3A_1920 : vector<16xi32> to vector<16x1xi32>
    %gather3A_1922 = vector.shape_cast %broadcast_in_dim3A_1921 : vector<16x1xi32> to vector<16xi32>
    %gather3A_1923 = tpu.dynamic_gather %select_n3A_1914[%gather3A_1922] in [0] : vector<16xi32>, vector<16xi32> -> vector<16xi32>
    %ge3A_1924 = arith.constant 4 : i32
    %ge3A_1925 = vector.broadcast %ge3A_1924 : i32 to vector<16xi32>
    %ge3A_1926 = arith.cmpi sge, %iota3A, %ge3A_1925 : vector<16xi32>
    %add3A_1927 = arith.addi %select_n3A_1914, %gather3A_1923 : vector<16xi32>
    %select_n3A_1928 = arith.select %ge3A_1926, %add3A_1927, %select_n3A_1914 : vector<16xi1>, vector<16xi32>
    %sub3A_1929 = arith.constant 8 : i32
    %sub3A_1930 = vector.broadcast %sub3A_1929 : i32 to vector<16xi32>
    %sub3A_1931 = arith.subi %iota3A, %sub3A_1930 : vector<16xi32>
    %max3A_1932 = arith.constant 0 : i32
    %max3A_1933 = vector.broadcast %max3A_1932 : i32 to vector<16xi32>
    %max3A_1934 = arith.maxsi %sub3A_1931, %max3A_1933 : vector<16xi32>
    %broadcast_in_dim3A_1935 = vector.shape_cast %max3A_1934 : vector<16xi32> to vector<16x1xi32>
    %gather3A_1936 = vector.shape_cast %broadcast_in_dim3A_1935 : vector<16x1xi32> to vector<16xi32>
    %gather3A_1937 = tpu.dynamic_gather %select_n3A_1928[%gather3A_1936] in [0] : vector<16xi32>, vector<16xi32> -> vector<16xi32>
    %ge3A_1938 = arith.constant 8 : i32
    %ge3A_1939 = vector.broadcast %ge3A_1938 : i32 to vector<16xi32>
    %ge3A_1940 = arith.cmpi sge, %iota3A, %ge3A_1939 : vector<16xi32>
    %add3A_1941 = arith.addi %select_n3A_1928, %gather3A_1937 : vector<16xi32>
    %select_n3A_1942 = arith.select %ge3A_1940, %add3A_1941, %select_n3A_1928 : vector<16xi1>, vector<16xi32>
    %ne3A_1943 = arith.constant 0 : i32
    %ne3A_1944 = vector.broadcast %ne3A_1943 : i32 to vector<16xi32>
    %ne3A_1945 = arith.cmpi ne, %get3A_1874, %ne3A_1944 : vector<16xi32>
    %add3A_1946 = vector.broadcast %add3A_1869 : i32 to vector<16xi32>
    %add3A_1947 = arith.addi %add3A_1946, %select_n3A_1942 : vector<16xi32>
    %sub3A_1948 = arith.constant 1 : i32
    %sub3A_1949 = vector.broadcast %sub3A_1948 : i32 to vector<16xi32>
    %sub3A_1950 = arith.subi %add3A_1947, %sub3A_1949 : vector<16xi32>
    %select_n3A_1951 = arith.select %ne3A_1945, %sub3A_1950, %add3A_7 : vector<16xi1>, vector<16xi32>
    %ne3A_1952 = arith.constant 0 : i32
    %ne3A_1953 = vector.broadcast %ne3A_1952 : i32 to vector<16xi32>
    %ne3A_1954 = arith.cmpi ne, %get3A_1874, %ne3A_1953 : vector<16xi32>
    %add3A_1955 = vector.broadcast %add3A_1872 : i32 to vector<16xi32>
    %add3A_1956 = arith.addi %add3A_1955, %iota3A : vector<16xi32>
    %sub3A_1957 = arith.subi %add3A_1956, %select_n3A_1942 : vector<16xi32>
    %select_n3A_1958 = arith.select %ne3A_1954, %add3A_7, %sub3A_1957 : vector<16xi1>, vector<16xi32>
    tpu.vector_store_idx %arg7[%select_n3A_1951], %add3A_1878 : memref<560xi32, #tpu.memory_space<vmem>>[vector<16xi32>], vector<16xi32>,
    tpu.vector_store_idx %arg8[%select_n3A_1958], %add3A_1878 : memref<560xi32, #tpu.memory_space<vmem>>[vector<16xi32>], vector<16xi32>,
    %ne3A_1959 = arith.constant 0 : i32
    %ne3A_1960 = vector.broadcast %ne3A_1959 : i32 to vector<16xi32>
    %ne3A_1961 = arith.cmpi ne, %get3A_1874, %ne3A_1960 : vector<16xi32>
    %jit3A_1962 = arith.constant 528 : i32
    %broadcast_in_dim3A_1963 = vector.broadcast %jit3A_1962 : i32 to vector<16xi32>
    %select_n3A_1964 = arith.select %ne3A_1961, %broadcast_in_dim3A_1963, %add3A_7 : vector<16xi1>, vector<16xi32>
    tpu.vector_store_idx %arg7[%select_n3A_1964], %add3A_1878 : memref<560xi32, #tpu.memory_space<vmem>>[vector<16xi32>], vector<16xi32>,
    %ne3A_1965 = arith.constant 0 : i32
    %ne3A_1966 = vector.broadcast %ne3A_1965 : i32 to vector<16xi32>
    %ne3A_1967 = arith.cmpi ne, %get3A_1874, %ne3A_1966 : vector<16xi32>
    %jit3A_1968 = arith.constant 528 : i32
    %broadcast_in_dim3A_1969 = vector.broadcast %jit3A_1968 : i32 to vector<16xi32>
    %select_n3A_1970 = arith.select %ne3A_1967, %add3A_7, %broadcast_in_dim3A_1969 : vector<16xi1>, vector<16xi32>
    tpu.vector_store_idx %arg8[%select_n3A_1970], %add3A_1878 : memref<560xi32, #tpu.memory_space<vmem>>[vector<16xi32>], vector<16xi32>,
    %slice3A_1971 = vector.extract_strided_slice %select_n3A_1942 {offsets = [15], sizes = [1], strides = [1]} : vector<16xi32> to vector<1xi32>
    %squeeze3A_1972 = vector.extract %slice3A_1971[0] : i32 from vector<1xi32>
    %add3A_1973 = arith.addi %add3A_1869, %squeeze3A_1972 : i32
    %sub3A_1974 = arith.constant 16 : i32
    %sub3A_1975 = arith.subi %sub3A_1974, %squeeze3A_1972 : i32
    %add3A_1976 = arith.addi %add3A_1872, %sub3A_1975 : i32
    %get3A_1977 = arith.constant 304 : index
    %get3A_1978 = tpu.vector_load %arg6[%get3A_1977] {strides = array<i32>} : memref<512xi32, #tpu.memory_space<vmem>>, vector<16xi32>,
    %add3A_1979 = arith.constant 304 : i32
    %add3A_1980 = arith.addi %mul3A_2, %add3A_1979 : i32
    %add3A_1981 = vector.broadcast %add3A_1980 : i32 to vector<16xi32>
    %add3A_1982 = arith.addi %iota3A, %add3A_1981 : vector<16xi32>
    %ne3A_1983 = arith.constant 0 : i32
    %ne3A_1984 = vector.broadcast %ne3A_1983 : i32 to vector<16xi32>
    %ne3A_1985 = arith.cmpi ne, %get3A_1978, %ne3A_1984 : vector<16xi32>
    %jit3A_1986 = arith.constant 1 : i32
    %jit3A_1987 = arith.constant 0 : i32
    %broadcast_in_dim3A_1988 = vector.broadcast %jit3A_1986 : i32 to vector<16xi32>
    %broadcast_in_dim3A_1989 = vector.broadcast %jit3A_1987 : i32 to vector<16xi32>
    %select_n3A_1990 = arith.select %ne3A_1985, %broadcast_in_dim3A_1988, %broadcast_in_dim3A_1989 : vector<16xi1>, vector<16xi32>
    %sub3A_1991 = arith.constant 1 : i32
    %sub3A_1992 = vector.broadcast %sub3A_1991 : i32 to vector<16xi32>
    %sub3A_1993 = arith.subi %iota3A, %sub3A_1992 : vector<16xi32>
    %max3A_1994 = arith.constant 0 : i32
    %max3A_1995 = vector.broadcast %max3A_1994 : i32 to vector<16xi32>
    %max3A_1996 = arith.maxsi %sub3A_1993, %max3A_1995 : vector<16xi32>
    %broadcast_in_dim3A_1997 = vector.shape_cast %max3A_1996 : vector<16xi32> to vector<16x1xi32>
    %gather3A_1998 = vector.shape_cast %broadcast_in_dim3A_1997 : vector<16x1xi32> to vector<16xi32>
    %gather3A_1999 = tpu.dynamic_gather %select_n3A_1990[%gather3A_1998] in [0] : vector<16xi32>, vector<16xi32> -> vector<16xi32>
    %ge3A_2000 = arith.constant 1 : i32
    %ge3A_2001 = vector.broadcast %ge3A_2000 : i32 to vector<16xi32>
    %ge3A_2002 = arith.cmpi sge, %iota3A, %ge3A_2001 : vector<16xi32>
    %add3A_2003 = arith.addi %select_n3A_1990, %gather3A_1999 : vector<16xi32>
    %select_n3A_2004 = arith.select %ge3A_2002, %add3A_2003, %select_n3A_1990 : vector<16xi1>, vector<16xi32>
    %sub3A_2005 = arith.constant 2 : i32
    %sub3A_2006 = vector.broadcast %sub3A_2005 : i32 to vector<16xi32>
    %sub3A_2007 = arith.subi %iota3A, %sub3A_2006 : vector<16xi32>
    %max3A_2008 = arith.constant 0 : i32
    %max3A_2009 = vector.broadcast %max3A_2008 : i32 to vector<16xi32>
    %max3A_2010 = arith.maxsi %sub3A_2007, %max3A_2009 : vector<16xi32>
    %broadcast_in_dim3A_2011 = vector.shape_cast %max3A_2010 : vector<16xi32> to vector<16x1xi32>
    %gather3A_2012 = vector.shape_cast %broadcast_in_dim3A_2011 : vector<16x1xi32> to vector<16xi32>
    %gather3A_2013 = tpu.dynamic_gather %select_n3A_2004[%gather3A_2012] in [0] : vector<16xi32>, vector<16xi32> -> vector<16xi32>
    %ge3A_2014 = arith.constant 2 : i32
    %ge3A_2015 = vector.broadcast %ge3A_2014 : i32 to vector<16xi32>
    %ge3A_2016 = arith.cmpi sge, %iota3A, %ge3A_2015 : vector<16xi32>
    %add3A_2017 = arith.addi %select_n3A_2004, %gather3A_2013 : vector<16xi32>
    %select_n3A_2018 = arith.select %ge3A_2016, %add3A_2017, %select_n3A_2004 : vector<16xi1>, vector<16xi32>
    %sub3A_2019 = arith.constant 4 : i32
    %sub3A_2020 = vector.broadcast %sub3A_2019 : i32 to vector<16xi32>
    %sub3A_2021 = arith.subi %iota3A, %sub3A_2020 : vector<16xi32>
    %max3A_2022 = arith.constant 0 : i32
    %max3A_2023 = vector.broadcast %max3A_2022 : i32 to vector<16xi32>
    %max3A_2024 = arith.maxsi %sub3A_2021, %max3A_2023 : vector<16xi32>
    %broadcast_in_dim3A_2025 = vector.shape_cast %max3A_2024 : vector<16xi32> to vector<16x1xi32>
    %gather3A_2026 = vector.shape_cast %broadcast_in_dim3A_2025 : vector<16x1xi32> to vector<16xi32>
    %gather3A_2027 = tpu.dynamic_gather %select_n3A_2018[%gather3A_2026] in [0] : vector<16xi32>, vector<16xi32> -> vector<16xi32>
    %ge3A_2028 = arith.constant 4 : i32
    %ge3A_2029 = vector.broadcast %ge3A_2028 : i32 to vector<16xi32>
    %ge3A_2030 = arith.cmpi sge, %iota3A, %ge3A_2029 : vector<16xi32>
    %add3A_2031 = arith.addi %select_n3A_2018, %gather3A_2027 : vector<16xi32>
    %select_n3A_2032 = arith.select %ge3A_2030, %add3A_2031, %select_n3A_2018 : vector<16xi1>, vector<16xi32>
    %sub3A_2033 = arith.constant 8 : i32
    %sub3A_2034 = vector.broadcast %sub3A_2033 : i32 to vector<16xi32>
    %sub3A_2035 = arith.subi %iota3A, %sub3A_2034 : vector<16xi32>
    %max3A_2036 = arith.constant 0 : i32
    %max3A_2037 = vector.broadcast %max3A_2036 : i32 to vector<16xi32>
    %max3A_2038 = arith.maxsi %sub3A_2035, %max3A_2037 : vector<16xi32>
    %broadcast_in_dim3A_2039 = vector.shape_cast %max3A_2038 : vector<16xi32> to vector<16x1xi32>
    %gather3A_2040 = vector.shape_cast %broadcast_in_dim3A_2039 : vector<16x1xi32> to vector<16xi32>
    %gather3A_2041 = tpu.dynamic_gather %select_n3A_2032[%gather3A_2040] in [0] : vector<16xi32>, vector<16xi32> -> vector<16xi32>
    %ge3A_2042 = arith.constant 8 : i32
    %ge3A_2043 = vector.broadcast %ge3A_2042 : i32 to vector<16xi32>
    %ge3A_2044 = arith.cmpi sge, %iota3A, %ge3A_2043 : vector<16xi32>
    %add3A_2045 = arith.addi %select_n3A_2032, %gather3A_2041 : vector<16xi32>
    %select_n3A_2046 = arith.select %ge3A_2044, %add3A_2045, %select_n3A_2032 : vector<16xi1>, vector<16xi32>
    %ne3A_2047 = arith.constant 0 : i32
    %ne3A_2048 = vector.broadcast %ne3A_2047 : i32 to vector<16xi32>
    %ne3A_2049 = arith.cmpi ne, %get3A_1978, %ne3A_2048 : vector<16xi32>
    %add3A_2050 = vector.broadcast %add3A_1973 : i32 to vector<16xi32>
    %add3A_2051 = arith.addi %add3A_2050, %select_n3A_2046 : vector<16xi32>
    %sub3A_2052 = arith.constant 1 : i32
    %sub3A_2053 = vector.broadcast %sub3A_2052 : i32 to vector<16xi32>
    %sub3A_2054 = arith.subi %add3A_2051, %sub3A_2053 : vector<16xi32>
    %select_n3A_2055 = arith.select %ne3A_2049, %sub3A_2054, %add3A_7 : vector<16xi1>, vector<16xi32>
    %ne3A_2056 = arith.constant 0 : i32
    %ne3A_2057 = vector.broadcast %ne3A_2056 : i32 to vector<16xi32>
    %ne3A_2058 = arith.cmpi ne, %get3A_1978, %ne3A_2057 : vector<16xi32>
    %add3A_2059 = vector.broadcast %add3A_1976 : i32 to vector<16xi32>
    %add3A_2060 = arith.addi %add3A_2059, %iota3A : vector<16xi32>
    %sub3A_2061 = arith.subi %add3A_2060, %select_n3A_2046 : vector<16xi32>
    %select_n3A_2062 = arith.select %ne3A_2058, %add3A_7, %sub3A_2061 : vector<16xi1>, vector<16xi32>
    tpu.vector_store_idx %arg7[%select_n3A_2055], %add3A_1982 : memref<560xi32, #tpu.memory_space<vmem>>[vector<16xi32>], vector<16xi32>,
    tpu.vector_store_idx %arg8[%select_n3A_2062], %add3A_1982 : memref<560xi32, #tpu.memory_space<vmem>>[vector<16xi32>], vector<16xi32>,
    %ne3A_2063 = arith.constant 0 : i32
    %ne3A_2064 = vector.broadcast %ne3A_2063 : i32 to vector<16xi32>
    %ne3A_2065 = arith.cmpi ne, %get3A_1978, %ne3A_2064 : vector<16xi32>
    %jit3A_2066 = arith.constant 528 : i32
    %broadcast_in_dim3A_2067 = vector.broadcast %jit3A_2066 : i32 to vector<16xi32>
    %select_n3A_2068 = arith.select %ne3A_2065, %broadcast_in_dim3A_2067, %add3A_7 : vector<16xi1>, vector<16xi32>
    tpu.vector_store_idx %arg7[%select_n3A_2068], %add3A_1982 : memref<560xi32, #tpu.memory_space<vmem>>[vector<16xi32>], vector<16xi32>,
    %ne3A_2069 = arith.constant 0 : i32
    %ne3A_2070 = vector.broadcast %ne3A_2069 : i32 to vector<16xi32>
    %ne3A_2071 = arith.cmpi ne, %get3A_1978, %ne3A_2070 : vector<16xi32>
    %jit3A_2072 = arith.constant 528 : i32
    %broadcast_in_dim3A_2073 = vector.broadcast %jit3A_2072 : i32 to vector<16xi32>
    %select_n3A_2074 = arith.select %ne3A_2071, %add3A_7, %broadcast_in_dim3A_2073 : vector<16xi1>, vector<16xi32>
    tpu.vector_store_idx %arg8[%select_n3A_2074], %add3A_1982 : memref<560xi32, #tpu.memory_space<vmem>>[vector<16xi32>], vector<16xi32>,
    %slice3A_2075 = vector.extract_strided_slice %select_n3A_2046 {offsets = [15], sizes = [1], strides = [1]} : vector<16xi32> to vector<1xi32>
    %squeeze3A_2076 = vector.extract %slice3A_2075[0] : i32 from vector<1xi32>
    %add3A_2077 = arith.addi %add3A_1973, %squeeze3A_2076 : i32
    %sub3A_2078 = arith.constant 16 : i32
    %sub3A_2079 = arith.subi %sub3A_2078, %squeeze3A_2076 : i32
    %add3A_2080 = arith.addi %add3A_1976, %sub3A_2079 : i32
    %get3A_2081 = arith.constant 320 : index
    %get3A_2082 = tpu.vector_load %arg6[%get3A_2081] {strides = array<i32>} : memref<512xi32, #tpu.memory_space<vmem>>, vector<16xi32>,
    %add3A_2083 = arith.constant 320 : i32
    %add3A_2084 = arith.addi %mul3A_2, %add3A_2083 : i32
    %add3A_2085 = vector.broadcast %add3A_2084 : i32 to vector<16xi32>
    %add3A_2086 = arith.addi %iota3A, %add3A_2085 : vector<16xi32>
    %ne3A_2087 = arith.constant 0 : i32
    %ne3A_2088 = vector.broadcast %ne3A_2087 : i32 to vector<16xi32>
    %ne3A_2089 = arith.cmpi ne, %get3A_2082, %ne3A_2088 : vector<16xi32>
    %jit3A_2090 = arith.constant 1 : i32
    %jit3A_2091 = arith.constant 0 : i32
    %broadcast_in_dim3A_2092 = vector.broadcast %jit3A_2090 : i32 to vector<16xi32>
    %broadcast_in_dim3A_2093 = vector.broadcast %jit3A_2091 : i32 to vector<16xi32>
    %select_n3A_2094 = arith.select %ne3A_2089, %broadcast_in_dim3A_2092, %broadcast_in_dim3A_2093 : vector<16xi1>, vector<16xi32>
    %sub3A_2095 = arith.constant 1 : i32
    %sub3A_2096 = vector.broadcast %sub3A_2095 : i32 to vector<16xi32>
    %sub3A_2097 = arith.subi %iota3A, %sub3A_2096 : vector<16xi32>
    %max3A_2098 = arith.constant 0 : i32
    %max3A_2099 = vector.broadcast %max3A_2098 : i32 to vector<16xi32>
    %max3A_2100 = arith.maxsi %sub3A_2097, %max3A_2099 : vector<16xi32>
    %broadcast_in_dim3A_2101 = vector.shape_cast %max3A_2100 : vector<16xi32> to vector<16x1xi32>
    %gather3A_2102 = vector.shape_cast %broadcast_in_dim3A_2101 : vector<16x1xi32> to vector<16xi32>
    %gather3A_2103 = tpu.dynamic_gather %select_n3A_2094[%gather3A_2102] in [0] : vector<16xi32>, vector<16xi32> -> vector<16xi32>
    %ge3A_2104 = arith.constant 1 : i32
    %ge3A_2105 = vector.broadcast %ge3A_2104 : i32 to vector<16xi32>
    %ge3A_2106 = arith.cmpi sge, %iota3A, %ge3A_2105 : vector<16xi32>
    %add3A_2107 = arith.addi %select_n3A_2094, %gather3A_2103 : vector<16xi32>
    %select_n3A_2108 = arith.select %ge3A_2106, %add3A_2107, %select_n3A_2094 : vector<16xi1>, vector<16xi32>
    %sub3A_2109 = arith.constant 2 : i32
    %sub3A_2110 = vector.broadcast %sub3A_2109 : i32 to vector<16xi32>
    %sub3A_2111 = arith.subi %iota3A, %sub3A_2110 : vector<16xi32>
    %max3A_2112 = arith.constant 0 : i32
    %max3A_2113 = vector.broadcast %max3A_2112 : i32 to vector<16xi32>
    %max3A_2114 = arith.maxsi %sub3A_2111, %max3A_2113 : vector<16xi32>
    %broadcast_in_dim3A_2115 = vector.shape_cast %max3A_2114 : vector<16xi32> to vector<16x1xi32>
    %gather3A_2116 = vector.shape_cast %broadcast_in_dim3A_2115 : vector<16x1xi32> to vector<16xi32>
    %gather3A_2117 = tpu.dynamic_gather %select_n3A_2108[%gather3A_2116] in [0] : vector<16xi32>, vector<16xi32> -> vector<16xi32>
    %ge3A_2118 = arith.constant 2 : i32
    %ge3A_2119 = vector.broadcast %ge3A_2118 : i32 to vector<16xi32>
    %ge3A_2120 = arith.cmpi sge, %iota3A, %ge3A_2119 : vector<16xi32>
    %add3A_2121 = arith.addi %select_n3A_2108, %gather3A_2117 : vector<16xi32>
    %select_n3A_2122 = arith.select %ge3A_2120, %add3A_2121, %select_n3A_2108 : vector<16xi1>, vector<16xi32>
    %sub3A_2123 = arith.constant 4 : i32
    %sub3A_2124 = vector.broadcast %sub3A_2123 : i32 to vector<16xi32>
    %sub3A_2125 = arith.subi %iota3A, %sub3A_2124 : vector<16xi32>
    %max3A_2126 = arith.constant 0 : i32
    %max3A_2127 = vector.broadcast %max3A_2126 : i32 to vector<16xi32>
    %max3A_2128 = arith.maxsi %sub3A_2125, %max3A_2127 : vector<16xi32>
    %broadcast_in_dim3A_2129 = vector.shape_cast %max3A_2128 : vector<16xi32> to vector<16x1xi32>
    %gather3A_2130 = vector.shape_cast %broadcast_in_dim3A_2129 : vector<16x1xi32> to vector<16xi32>
    %gather3A_2131 = tpu.dynamic_gather %select_n3A_2122[%gather3A_2130] in [0] : vector<16xi32>, vector<16xi32> -> vector<16xi32>
    %ge3A_2132 = arith.constant 4 : i32
    %ge3A_2133 = vector.broadcast %ge3A_2132 : i32 to vector<16xi32>
    %ge3A_2134 = arith.cmpi sge, %iota3A, %ge3A_2133 : vector<16xi32>
    %add3A_2135 = arith.addi %select_n3A_2122, %gather3A_2131 : vector<16xi32>
    %select_n3A_2136 = arith.select %ge3A_2134, %add3A_2135, %select_n3A_2122 : vector<16xi1>, vector<16xi32>
    %sub3A_2137 = arith.constant 8 : i32
    %sub3A_2138 = vector.broadcast %sub3A_2137 : i32 to vector<16xi32>
    %sub3A_2139 = arith.subi %iota3A, %sub3A_2138 : vector<16xi32>
    %max3A_2140 = arith.constant 0 : i32
    %max3A_2141 = vector.broadcast %max3A_2140 : i32 to vector<16xi32>
    %max3A_2142 = arith.maxsi %sub3A_2139, %max3A_2141 : vector<16xi32>
    %broadcast_in_dim3A_2143 = vector.shape_cast %max3A_2142 : vector<16xi32> to vector<16x1xi32>
    %gather3A_2144 = vector.shape_cast %broadcast_in_dim3A_2143 : vector<16x1xi32> to vector<16xi32>
    %gather3A_2145 = tpu.dynamic_gather %select_n3A_2136[%gather3A_2144] in [0] : vector<16xi32>, vector<16xi32> -> vector<16xi32>
    %ge3A_2146 = arith.constant 8 : i32
    %ge3A_2147 = vector.broadcast %ge3A_2146 : i32 to vector<16xi32>
    %ge3A_2148 = arith.cmpi sge, %iota3A, %ge3A_2147 : vector<16xi32>
    %add3A_2149 = arith.addi %select_n3A_2136, %gather3A_2145 : vector<16xi32>
    %select_n3A_2150 = arith.select %ge3A_2148, %add3A_2149, %select_n3A_2136 : vector<16xi1>, vector<16xi32>
    %ne3A_2151 = arith.constant 0 : i32
    %ne3A_2152 = vector.broadcast %ne3A_2151 : i32 to vector<16xi32>
    %ne3A_2153 = arith.cmpi ne, %get3A_2082, %ne3A_2152 : vector<16xi32>
    %add3A_2154 = vector.broadcast %add3A_2077 : i32 to vector<16xi32>
    %add3A_2155 = arith.addi %add3A_2154, %select_n3A_2150 : vector<16xi32>
    %sub3A_2156 = arith.constant 1 : i32
    %sub3A_2157 = vector.broadcast %sub3A_2156 : i32 to vector<16xi32>
    %sub3A_2158 = arith.subi %add3A_2155, %sub3A_2157 : vector<16xi32>
    %select_n3A_2159 = arith.select %ne3A_2153, %sub3A_2158, %add3A_7 : vector<16xi1>, vector<16xi32>
    %ne3A_2160 = arith.constant 0 : i32
    %ne3A_2161 = vector.broadcast %ne3A_2160 : i32 to vector<16xi32>
    %ne3A_2162 = arith.cmpi ne, %get3A_2082, %ne3A_2161 : vector<16xi32>
    %add3A_2163 = vector.broadcast %add3A_2080 : i32 to vector<16xi32>
    %add3A_2164 = arith.addi %add3A_2163, %iota3A : vector<16xi32>
    %sub3A_2165 = arith.subi %add3A_2164, %select_n3A_2150 : vector<16xi32>
    %select_n3A_2166 = arith.select %ne3A_2162, %add3A_7, %sub3A_2165 : vector<16xi1>, vector<16xi32>
    tpu.vector_store_idx %arg7[%select_n3A_2159], %add3A_2086 : memref<560xi32, #tpu.memory_space<vmem>>[vector<16xi32>], vector<16xi32>,
    tpu.vector_store_idx %arg8[%select_n3A_2166], %add3A_2086 : memref<560xi32, #tpu.memory_space<vmem>>[vector<16xi32>], vector<16xi32>,
    %ne3A_2167 = arith.constant 0 : i32
    %ne3A_2168 = vector.broadcast %ne3A_2167 : i32 to vector<16xi32>
    %ne3A_2169 = arith.cmpi ne, %get3A_2082, %ne3A_2168 : vector<16xi32>
    %jit3A_2170 = arith.constant 528 : i32
    %broadcast_in_dim3A_2171 = vector.broadcast %jit3A_2170 : i32 to vector<16xi32>
    %select_n3A_2172 = arith.select %ne3A_2169, %broadcast_in_dim3A_2171, %add3A_7 : vector<16xi1>, vector<16xi32>
    tpu.vector_store_idx %arg7[%select_n3A_2172], %add3A_2086 : memref<560xi32, #tpu.memory_space<vmem>>[vector<16xi32>], vector<16xi32>,
    %ne3A_2173 = arith.constant 0 : i32
    %ne3A_2174 = vector.broadcast %ne3A_2173 : i32 to vector<16xi32>
    %ne3A_2175 = arith.cmpi ne, %get3A_2082, %ne3A_2174 : vector<16xi32>
    %jit3A_2176 = arith.constant 528 : i32
    %broadcast_in_dim3A_2177 = vector.broadcast %jit3A_2176 : i32 to vector<16xi32>
    %select_n3A_2178 = arith.select %ne3A_2175, %add3A_7, %broadcast_in_dim3A_2177 : vector<16xi1>, vector<16xi32>
    tpu.vector_store_idx %arg8[%select_n3A_2178], %add3A_2086 : memref<560xi32, #tpu.memory_space<vmem>>[vector<16xi32>], vector<16xi32>,
    %slice3A_2179 = vector.extract_strided_slice %select_n3A_2150 {offsets = [15], sizes = [1], strides = [1]} : vector<16xi32> to vector<1xi32>
    %squeeze3A_2180 = vector.extract %slice3A_2179[0] : i32 from vector<1xi32>
    %add3A_2181 = arith.addi %add3A_2077, %squeeze3A_2180 : i32
    %sub3A_2182 = arith.constant 16 : i32
    %sub3A_2183 = arith.subi %sub3A_2182, %squeeze3A_2180 : i32
    %add3A_2184 = arith.addi %add3A_2080, %sub3A_2183 : i32
    %get3A_2185 = arith.constant 336 : index
    %get3A_2186 = tpu.vector_load %arg6[%get3A_2185] {strides = array<i32>} : memref<512xi32, #tpu.memory_space<vmem>>, vector<16xi32>,
    %add3A_2187 = arith.constant 336 : i32
    %add3A_2188 = arith.addi %mul3A_2, %add3A_2187 : i32
    %add3A_2189 = vector.broadcast %add3A_2188 : i32 to vector<16xi32>
    %add3A_2190 = arith.addi %iota3A, %add3A_2189 : vector<16xi32>
    %ne3A_2191 = arith.constant 0 : i32
    %ne3A_2192 = vector.broadcast %ne3A_2191 : i32 to vector<16xi32>
    %ne3A_2193 = arith.cmpi ne, %get3A_2186, %ne3A_2192 : vector<16xi32>
    %jit3A_2194 = arith.constant 1 : i32
    %jit3A_2195 = arith.constant 0 : i32
    %broadcast_in_dim3A_2196 = vector.broadcast %jit3A_2194 : i32 to vector<16xi32>
    %broadcast_in_dim3A_2197 = vector.broadcast %jit3A_2195 : i32 to vector<16xi32>
    %select_n3A_2198 = arith.select %ne3A_2193, %broadcast_in_dim3A_2196, %broadcast_in_dim3A_2197 : vector<16xi1>, vector<16xi32>
    %sub3A_2199 = arith.constant 1 : i32
    %sub3A_2200 = vector.broadcast %sub3A_2199 : i32 to vector<16xi32>
    %sub3A_2201 = arith.subi %iota3A, %sub3A_2200 : vector<16xi32>
    %max3A_2202 = arith.constant 0 : i32
    %max3A_2203 = vector.broadcast %max3A_2202 : i32 to vector<16xi32>
    %max3A_2204 = arith.maxsi %sub3A_2201, %max3A_2203 : vector<16xi32>
    %broadcast_in_dim3A_2205 = vector.shape_cast %max3A_2204 : vector<16xi32> to vector<16x1xi32>
    %gather3A_2206 = vector.shape_cast %broadcast_in_dim3A_2205 : vector<16x1xi32> to vector<16xi32>
    %gather3A_2207 = tpu.dynamic_gather %select_n3A_2198[%gather3A_2206] in [0] : vector<16xi32>, vector<16xi32> -> vector<16xi32>
    %ge3A_2208 = arith.constant 1 : i32
    %ge3A_2209 = vector.broadcast %ge3A_2208 : i32 to vector<16xi32>
    %ge3A_2210 = arith.cmpi sge, %iota3A, %ge3A_2209 : vector<16xi32>
    %add3A_2211 = arith.addi %select_n3A_2198, %gather3A_2207 : vector<16xi32>
    %select_n3A_2212 = arith.select %ge3A_2210, %add3A_2211, %select_n3A_2198 : vector<16xi1>, vector<16xi32>
    %sub3A_2213 = arith.constant 2 : i32
    %sub3A_2214 = vector.broadcast %sub3A_2213 : i32 to vector<16xi32>
    %sub3A_2215 = arith.subi %iota3A, %sub3A_2214 : vector<16xi32>
    %max3A_2216 = arith.constant 0 : i32
    %max3A_2217 = vector.broadcast %max3A_2216 : i32 to vector<16xi32>
    %max3A_2218 = arith.maxsi %sub3A_2215, %max3A_2217 : vector<16xi32>
    %broadcast_in_dim3A_2219 = vector.shape_cast %max3A_2218 : vector<16xi32> to vector<16x1xi32>
    %gather3A_2220 = vector.shape_cast %broadcast_in_dim3A_2219 : vector<16x1xi32> to vector<16xi32>
    %gather3A_2221 = tpu.dynamic_gather %select_n3A_2212[%gather3A_2220] in [0] : vector<16xi32>, vector<16xi32> -> vector<16xi32>
    %ge3A_2222 = arith.constant 2 : i32
    %ge3A_2223 = vector.broadcast %ge3A_2222 : i32 to vector<16xi32>
    %ge3A_2224 = arith.cmpi sge, %iota3A, %ge3A_2223 : vector<16xi32>
    %add3A_2225 = arith.addi %select_n3A_2212, %gather3A_2221 : vector<16xi32>
    %select_n3A_2226 = arith.select %ge3A_2224, %add3A_2225, %select_n3A_2212 : vector<16xi1>, vector<16xi32>
    %sub3A_2227 = arith.constant 4 : i32
    %sub3A_2228 = vector.broadcast %sub3A_2227 : i32 to vector<16xi32>
    %sub3A_2229 = arith.subi %iota3A, %sub3A_2228 : vector<16xi32>
    %max3A_2230 = arith.constant 0 : i32
    %max3A_2231 = vector.broadcast %max3A_2230 : i32 to vector<16xi32>
    %max3A_2232 = arith.maxsi %sub3A_2229, %max3A_2231 : vector<16xi32>
    %broadcast_in_dim3A_2233 = vector.shape_cast %max3A_2232 : vector<16xi32> to vector<16x1xi32>
    %gather3A_2234 = vector.shape_cast %broadcast_in_dim3A_2233 : vector<16x1xi32> to vector<16xi32>
    %gather3A_2235 = tpu.dynamic_gather %select_n3A_2226[%gather3A_2234] in [0] : vector<16xi32>, vector<16xi32> -> vector<16xi32>
    %ge3A_2236 = arith.constant 4 : i32
    %ge3A_2237 = vector.broadcast %ge3A_2236 : i32 to vector<16xi32>
    %ge3A_2238 = arith.cmpi sge, %iota3A, %ge3A_2237 : vector<16xi32>
    %add3A_2239 = arith.addi %select_n3A_2226, %gather3A_2235 : vector<16xi32>
    %select_n3A_2240 = arith.select %ge3A_2238, %add3A_2239, %select_n3A_2226 : vector<16xi1>, vector<16xi32>
    %sub3A_2241 = arith.constant 8 : i32
    %sub3A_2242 = vector.broadcast %sub3A_2241 : i32 to vector<16xi32>
    %sub3A_2243 = arith.subi %iota3A, %sub3A_2242 : vector<16xi32>
    %max3A_2244 = arith.constant 0 : i32
    %max3A_2245 = vector.broadcast %max3A_2244 : i32 to vector<16xi32>
    %max3A_2246 = arith.maxsi %sub3A_2243, %max3A_2245 : vector<16xi32>
    %broadcast_in_dim3A_2247 = vector.shape_cast %max3A_2246 : vector<16xi32> to vector<16x1xi32>
    %gather3A_2248 = vector.shape_cast %broadcast_in_dim3A_2247 : vector<16x1xi32> to vector<16xi32>
    %gather3A_2249 = tpu.dynamic_gather %select_n3A_2240[%gather3A_2248] in [0] : vector<16xi32>, vector<16xi32> -> vector<16xi32>
    %ge3A_2250 = arith.constant 8 : i32
    %ge3A_2251 = vector.broadcast %ge3A_2250 : i32 to vector<16xi32>
    %ge3A_2252 = arith.cmpi sge, %iota3A, %ge3A_2251 : vector<16xi32>
    %add3A_2253 = arith.addi %select_n3A_2240, %gather3A_2249 : vector<16xi32>
    %select_n3A_2254 = arith.select %ge3A_2252, %add3A_2253, %select_n3A_2240 : vector<16xi1>, vector<16xi32>
    %ne3A_2255 = arith.constant 0 : i32
    %ne3A_2256 = vector.broadcast %ne3A_2255 : i32 to vector<16xi32>
    %ne3A_2257 = arith.cmpi ne, %get3A_2186, %ne3A_2256 : vector<16xi32>
    %add3A_2258 = vector.broadcast %add3A_2181 : i32 to vector<16xi32>
    %add3A_2259 = arith.addi %add3A_2258, %select_n3A_2254 : vector<16xi32>
    %sub3A_2260 = arith.constant 1 : i32
    %sub3A_2261 = vector.broadcast %sub3A_2260 : i32 to vector<16xi32>
    %sub3A_2262 = arith.subi %add3A_2259, %sub3A_2261 : vector<16xi32>
    %select_n3A_2263 = arith.select %ne3A_2257, %sub3A_2262, %add3A_7 : vector<16xi1>, vector<16xi32>
    %ne3A_2264 = arith.constant 0 : i32
    %ne3A_2265 = vector.broadcast %ne3A_2264 : i32 to vector<16xi32>
    %ne3A_2266 = arith.cmpi ne, %get3A_2186, %ne3A_2265 : vector<16xi32>
    %add3A_2267 = vector.broadcast %add3A_2184 : i32 to vector<16xi32>
    %add3A_2268 = arith.addi %add3A_2267, %iota3A : vector<16xi32>
    %sub3A_2269 = arith.subi %add3A_2268, %select_n3A_2254 : vector<16xi32>
    %select_n3A_2270 = arith.select %ne3A_2266, %add3A_7, %sub3A_2269 : vector<16xi1>, vector<16xi32>
    tpu.vector_store_idx %arg7[%select_n3A_2263], %add3A_2190 : memref<560xi32, #tpu.memory_space<vmem>>[vector<16xi32>], vector<16xi32>,
    tpu.vector_store_idx %arg8[%select_n3A_2270], %add3A_2190 : memref<560xi32, #tpu.memory_space<vmem>>[vector<16xi32>], vector<16xi32>,
    %ne3A_2271 = arith.constant 0 : i32
    %ne3A_2272 = vector.broadcast %ne3A_2271 : i32 to vector<16xi32>
    %ne3A_2273 = arith.cmpi ne, %get3A_2186, %ne3A_2272 : vector<16xi32>
    %jit3A_2274 = arith.constant 528 : i32
    %broadcast_in_dim3A_2275 = vector.broadcast %jit3A_2274 : i32 to vector<16xi32>
    %select_n3A_2276 = arith.select %ne3A_2273, %broadcast_in_dim3A_2275, %add3A_7 : vector<16xi1>, vector<16xi32>
    tpu.vector_store_idx %arg7[%select_n3A_2276], %add3A_2190 : memref<560xi32, #tpu.memory_space<vmem>>[vector<16xi32>], vector<16xi32>,
    %ne3A_2277 = arith.constant 0 : i32
    %ne3A_2278 = vector.broadcast %ne3A_2277 : i32 to vector<16xi32>
    %ne3A_2279 = arith.cmpi ne, %get3A_2186, %ne3A_2278 : vector<16xi32>
    %jit3A_2280 = arith.constant 528 : i32
    %broadcast_in_dim3A_2281 = vector.broadcast %jit3A_2280 : i32 to vector<16xi32>
    %select_n3A_2282 = arith.select %ne3A_2279, %add3A_7, %broadcast_in_dim3A_2281 : vector<16xi1>, vector<16xi32>
    tpu.vector_store_idx %arg8[%select_n3A_2282], %add3A_2190 : memref<560xi32, #tpu.memory_space<vmem>>[vector<16xi32>], vector<16xi32>,
    %slice3A_2283 = vector.extract_strided_slice %select_n3A_2254 {offsets = [15], sizes = [1], strides = [1]} : vector<16xi32> to vector<1xi32>
    %squeeze3A_2284 = vector.extract %slice3A_2283[0] : i32 from vector<1xi32>
    %add3A_2285 = arith.addi %add3A_2181, %squeeze3A_2284 : i32
    %sub3A_2286 = arith.constant 16 : i32
    %sub3A_2287 = arith.subi %sub3A_2286, %squeeze3A_2284 : i32
    %add3A_2288 = arith.addi %add3A_2184, %sub3A_2287 : i32
    %get3A_2289 = arith.constant 352 : index
    %get3A_2290 = tpu.vector_load %arg6[%get3A_2289] {strides = array<i32>} : memref<512xi32, #tpu.memory_space<vmem>>, vector<16xi32>,
    %add3A_2291 = arith.constant 352 : i32
    %add3A_2292 = arith.addi %mul3A_2, %add3A_2291 : i32
    %add3A_2293 = vector.broadcast %add3A_2292 : i32 to vector<16xi32>
    %add3A_2294 = arith.addi %iota3A, %add3A_2293 : vector<16xi32>
    %ne3A_2295 = arith.constant 0 : i32
    %ne3A_2296 = vector.broadcast %ne3A_2295 : i32 to vector<16xi32>
    %ne3A_2297 = arith.cmpi ne, %get3A_2290, %ne3A_2296 : vector<16xi32>
    %jit3A_2298 = arith.constant 1 : i32
    %jit3A_2299 = arith.constant 0 : i32
    %broadcast_in_dim3A_2300 = vector.broadcast %jit3A_2298 : i32 to vector<16xi32>
    %broadcast_in_dim3A_2301 = vector.broadcast %jit3A_2299 : i32 to vector<16xi32>
    %select_n3A_2302 = arith.select %ne3A_2297, %broadcast_in_dim3A_2300, %broadcast_in_dim3A_2301 : vector<16xi1>, vector<16xi32>
    %sub3A_2303 = arith.constant 1 : i32
    %sub3A_2304 = vector.broadcast %sub3A_2303 : i32 to vector<16xi32>
    %sub3A_2305 = arith.subi %iota3A, %sub3A_2304 : vector<16xi32>
    %max3A_2306 = arith.constant 0 : i32
    %max3A_2307 = vector.broadcast %max3A_2306 : i32 to vector<16xi32>
    %max3A_2308 = arith.maxsi %sub3A_2305, %max3A_2307 : vector<16xi32>
    %broadcast_in_dim3A_2309 = vector.shape_cast %max3A_2308 : vector<16xi32> to vector<16x1xi32>
    %gather3A_2310 = vector.shape_cast %broadcast_in_dim3A_2309 : vector<16x1xi32> to vector<16xi32>
    %gather3A_2311 = tpu.dynamic_gather %select_n3A_2302[%gather3A_2310] in [0] : vector<16xi32>, vector<16xi32> -> vector<16xi32>
    %ge3A_2312 = arith.constant 1 : i32
    %ge3A_2313 = vector.broadcast %ge3A_2312 : i32 to vector<16xi32>
    %ge3A_2314 = arith.cmpi sge, %iota3A, %ge3A_2313 : vector<16xi32>
    %add3A_2315 = arith.addi %select_n3A_2302, %gather3A_2311 : vector<16xi32>
    %select_n3A_2316 = arith.select %ge3A_2314, %add3A_2315, %select_n3A_2302 : vector<16xi1>, vector<16xi32>
    %sub3A_2317 = arith.constant 2 : i32
    %sub3A_2318 = vector.broadcast %sub3A_2317 : i32 to vector<16xi32>
    %sub3A_2319 = arith.subi %iota3A, %sub3A_2318 : vector<16xi32>
    %max3A_2320 = arith.constant 0 : i32
    %max3A_2321 = vector.broadcast %max3A_2320 : i32 to vector<16xi32>
    %max3A_2322 = arith.maxsi %sub3A_2319, %max3A_2321 : vector<16xi32>
    %broadcast_in_dim3A_2323 = vector.shape_cast %max3A_2322 : vector<16xi32> to vector<16x1xi32>
    %gather3A_2324 = vector.shape_cast %broadcast_in_dim3A_2323 : vector<16x1xi32> to vector<16xi32>
    %gather3A_2325 = tpu.dynamic_gather %select_n3A_2316[%gather3A_2324] in [0] : vector<16xi32>, vector<16xi32> -> vector<16xi32>
    %ge3A_2326 = arith.constant 2 : i32
    %ge3A_2327 = vector.broadcast %ge3A_2326 : i32 to vector<16xi32>
    %ge3A_2328 = arith.cmpi sge, %iota3A, %ge3A_2327 : vector<16xi32>
    %add3A_2329 = arith.addi %select_n3A_2316, %gather3A_2325 : vector<16xi32>
    %select_n3A_2330 = arith.select %ge3A_2328, %add3A_2329, %select_n3A_2316 : vector<16xi1>, vector<16xi32>
    %sub3A_2331 = arith.constant 4 : i32
    %sub3A_2332 = vector.broadcast %sub3A_2331 : i32 to vector<16xi32>
    %sub3A_2333 = arith.subi %iota3A, %sub3A_2332 : vector<16xi32>
    %max3A_2334 = arith.constant 0 : i32
    %max3A_2335 = vector.broadcast %max3A_2334 : i32 to vector<16xi32>
    %max3A_2336 = arith.maxsi %sub3A_2333, %max3A_2335 : vector<16xi32>
    %broadcast_in_dim3A_2337 = vector.shape_cast %max3A_2336 : vector<16xi32> to vector<16x1xi32>
    %gather3A_2338 = vector.shape_cast %broadcast_in_dim3A_2337 : vector<16x1xi32> to vector<16xi32>
    %gather3A_2339 = tpu.dynamic_gather %select_n3A_2330[%gather3A_2338] in [0] : vector<16xi32>, vector<16xi32> -> vector<16xi32>
    %ge3A_2340 = arith.constant 4 : i32
    %ge3A_2341 = vector.broadcast %ge3A_2340 : i32 to vector<16xi32>
    %ge3A_2342 = arith.cmpi sge, %iota3A, %ge3A_2341 : vector<16xi32>
    %add3A_2343 = arith.addi %select_n3A_2330, %gather3A_2339 : vector<16xi32>
    %select_n3A_2344 = arith.select %ge3A_2342, %add3A_2343, %select_n3A_2330 : vector<16xi1>, vector<16xi32>
    %sub3A_2345 = arith.constant 8 : i32
    %sub3A_2346 = vector.broadcast %sub3A_2345 : i32 to vector<16xi32>
    %sub3A_2347 = arith.subi %iota3A, %sub3A_2346 : vector<16xi32>
    %max3A_2348 = arith.constant 0 : i32
    %max3A_2349 = vector.broadcast %max3A_2348 : i32 to vector<16xi32>
    %max3A_2350 = arith.maxsi %sub3A_2347, %max3A_2349 : vector<16xi32>
    %broadcast_in_dim3A_2351 = vector.shape_cast %max3A_2350 : vector<16xi32> to vector<16x1xi32>
    %gather3A_2352 = vector.shape_cast %broadcast_in_dim3A_2351 : vector<16x1xi32> to vector<16xi32>
    %gather3A_2353 = tpu.dynamic_gather %select_n3A_2344[%gather3A_2352] in [0] : vector<16xi32>, vector<16xi32> -> vector<16xi32>
    %ge3A_2354 = arith.constant 8 : i32
    %ge3A_2355 = vector.broadcast %ge3A_2354 : i32 to vector<16xi32>
    %ge3A_2356 = arith.cmpi sge, %iota3A, %ge3A_2355 : vector<16xi32>
    %add3A_2357 = arith.addi %select_n3A_2344, %gather3A_2353 : vector<16xi32>
    %select_n3A_2358 = arith.select %ge3A_2356, %add3A_2357, %select_n3A_2344 : vector<16xi1>, vector<16xi32>
    %ne3A_2359 = arith.constant 0 : i32
    %ne3A_2360 = vector.broadcast %ne3A_2359 : i32 to vector<16xi32>
    %ne3A_2361 = arith.cmpi ne, %get3A_2290, %ne3A_2360 : vector<16xi32>
    %add3A_2362 = vector.broadcast %add3A_2285 : i32 to vector<16xi32>
    %add3A_2363 = arith.addi %add3A_2362, %select_n3A_2358 : vector<16xi32>
    %sub3A_2364 = arith.constant 1 : i32
    %sub3A_2365 = vector.broadcast %sub3A_2364 : i32 to vector<16xi32>
    %sub3A_2366 = arith.subi %add3A_2363, %sub3A_2365 : vector<16xi32>
    %select_n3A_2367 = arith.select %ne3A_2361, %sub3A_2366, %add3A_7 : vector<16xi1>, vector<16xi32>
    %ne3A_2368 = arith.constant 0 : i32
    %ne3A_2369 = vector.broadcast %ne3A_2368 : i32 to vector<16xi32>
    %ne3A_2370 = arith.cmpi ne, %get3A_2290, %ne3A_2369 : vector<16xi32>
    %add3A_2371 = vector.broadcast %add3A_2288 : i32 to vector<16xi32>
    %add3A_2372 = arith.addi %add3A_2371, %iota3A : vector<16xi32>
    %sub3A_2373 = arith.subi %add3A_2372, %select_n3A_2358 : vector<16xi32>
    %select_n3A_2374 = arith.select %ne3A_2370, %add3A_7, %sub3A_2373 : vector<16xi1>, vector<16xi32>
    tpu.vector_store_idx %arg7[%select_n3A_2367], %add3A_2294 : memref<560xi32, #tpu.memory_space<vmem>>[vector<16xi32>], vector<16xi32>,
    tpu.vector_store_idx %arg8[%select_n3A_2374], %add3A_2294 : memref<560xi32, #tpu.memory_space<vmem>>[vector<16xi32>], vector<16xi32>,
    %ne3A_2375 = arith.constant 0 : i32
    %ne3A_2376 = vector.broadcast %ne3A_2375 : i32 to vector<16xi32>
    %ne3A_2377 = arith.cmpi ne, %get3A_2290, %ne3A_2376 : vector<16xi32>
    %jit3A_2378 = arith.constant 528 : i32
    %broadcast_in_dim3A_2379 = vector.broadcast %jit3A_2378 : i32 to vector<16xi32>
    %select_n3A_2380 = arith.select %ne3A_2377, %broadcast_in_dim3A_2379, %add3A_7 : vector<16xi1>, vector<16xi32>
    tpu.vector_store_idx %arg7[%select_n3A_2380], %add3A_2294 : memref<560xi32, #tpu.memory_space<vmem>>[vector<16xi32>], vector<16xi32>,
    %ne3A_2381 = arith.constant 0 : i32
    %ne3A_2382 = vector.broadcast %ne3A_2381 : i32 to vector<16xi32>
    %ne3A_2383 = arith.cmpi ne, %get3A_2290, %ne3A_2382 : vector<16xi32>
    %jit3A_2384 = arith.constant 528 : i32
    %broadcast_in_dim3A_2385 = vector.broadcast %jit3A_2384 : i32 to vector<16xi32>
    %select_n3A_2386 = arith.select %ne3A_2383, %add3A_7, %broadcast_in_dim3A_2385 : vector<16xi1>, vector<16xi32>
    tpu.vector_store_idx %arg8[%select_n3A_2386], %add3A_2294 : memref<560xi32, #tpu.memory_space<vmem>>[vector<16xi32>], vector<16xi32>,
    %slice3A_2387 = vector.extract_strided_slice %select_n3A_2358 {offsets = [15], sizes = [1], strides = [1]} : vector<16xi32> to vector<1xi32>
    %squeeze3A_2388 = vector.extract %slice3A_2387[0] : i32 from vector<1xi32>
    %add3A_2389 = arith.addi %add3A_2285, %squeeze3A_2388 : i32
    %sub3A_2390 = arith.constant 16 : i32
    %sub3A_2391 = arith.subi %sub3A_2390, %squeeze3A_2388 : i32
    %add3A_2392 = arith.addi %add3A_2288, %sub3A_2391 : i32
    %get3A_2393 = arith.constant 368 : index
    %get3A_2394 = tpu.vector_load %arg6[%get3A_2393] {strides = array<i32>} : memref<512xi32, #tpu.memory_space<vmem>>, vector<16xi32>,
    %add3A_2395 = arith.constant 368 : i32
    %add3A_2396 = arith.addi %mul3A_2, %add3A_2395 : i32
    %add3A_2397 = vector.broadcast %add3A_2396 : i32 to vector<16xi32>
    %add3A_2398 = arith.addi %iota3A, %add3A_2397 : vector<16xi32>
    %ne3A_2399 = arith.constant 0 : i32
    %ne3A_2400 = vector.broadcast %ne3A_2399 : i32 to vector<16xi32>
    %ne3A_2401 = arith.cmpi ne, %get3A_2394, %ne3A_2400 : vector<16xi32>
    %jit3A_2402 = arith.constant 1 : i32
    %jit3A_2403 = arith.constant 0 : i32
    %broadcast_in_dim3A_2404 = vector.broadcast %jit3A_2402 : i32 to vector<16xi32>
    %broadcast_in_dim3A_2405 = vector.broadcast %jit3A_2403 : i32 to vector<16xi32>
    %select_n3A_2406 = arith.select %ne3A_2401, %broadcast_in_dim3A_2404, %broadcast_in_dim3A_2405 : vector<16xi1>, vector<16xi32>
    %sub3A_2407 = arith.constant 1 : i32
    %sub3A_2408 = vector.broadcast %sub3A_2407 : i32 to vector<16xi32>
    %sub3A_2409 = arith.subi %iota3A, %sub3A_2408 : vector<16xi32>
    %max3A_2410 = arith.constant 0 : i32
    %max3A_2411 = vector.broadcast %max3A_2410 : i32 to vector<16xi32>
    %max3A_2412 = arith.maxsi %sub3A_2409, %max3A_2411 : vector<16xi32>
    %broadcast_in_dim3A_2413 = vector.shape_cast %max3A_2412 : vector<16xi32> to vector<16x1xi32>
    %gather3A_2414 = vector.shape_cast %broadcast_in_dim3A_2413 : vector<16x1xi32> to vector<16xi32>
    %gather3A_2415 = tpu.dynamic_gather %select_n3A_2406[%gather3A_2414] in [0] : vector<16xi32>, vector<16xi32> -> vector<16xi32>
    %ge3A_2416 = arith.constant 1 : i32
    %ge3A_2417 = vector.broadcast %ge3A_2416 : i32 to vector<16xi32>
    %ge3A_2418 = arith.cmpi sge, %iota3A, %ge3A_2417 : vector<16xi32>
    %add3A_2419 = arith.addi %select_n3A_2406, %gather3A_2415 : vector<16xi32>
    %select_n3A_2420 = arith.select %ge3A_2418, %add3A_2419, %select_n3A_2406 : vector<16xi1>, vector<16xi32>
    %sub3A_2421 = arith.constant 2 : i32
    %sub3A_2422 = vector.broadcast %sub3A_2421 : i32 to vector<16xi32>
    %sub3A_2423 = arith.subi %iota3A, %sub3A_2422 : vector<16xi32>
    %max3A_2424 = arith.constant 0 : i32
    %max3A_2425 = vector.broadcast %max3A_2424 : i32 to vector<16xi32>
    %max3A_2426 = arith.maxsi %sub3A_2423, %max3A_2425 : vector<16xi32>
    %broadcast_in_dim3A_2427 = vector.shape_cast %max3A_2426 : vector<16xi32> to vector<16x1xi32>
    %gather3A_2428 = vector.shape_cast %broadcast_in_dim3A_2427 : vector<16x1xi32> to vector<16xi32>
    %gather3A_2429 = tpu.dynamic_gather %select_n3A_2420[%gather3A_2428] in [0] : vector<16xi32>, vector<16xi32> -> vector<16xi32>
    %ge3A_2430 = arith.constant 2 : i32
    %ge3A_2431 = vector.broadcast %ge3A_2430 : i32 to vector<16xi32>
    %ge3A_2432 = arith.cmpi sge, %iota3A, %ge3A_2431 : vector<16xi32>
    %add3A_2433 = arith.addi %select_n3A_2420, %gather3A_2429 : vector<16xi32>
    %select_n3A_2434 = arith.select %ge3A_2432, %add3A_2433, %select_n3A_2420 : vector<16xi1>, vector<16xi32>
    %sub3A_2435 = arith.constant 4 : i32
    %sub3A_2436 = vector.broadcast %sub3A_2435 : i32 to vector<16xi32>
    %sub3A_2437 = arith.subi %iota3A, %sub3A_2436 : vector<16xi32>
    %max3A_2438 = arith.constant 0 : i32
    %max3A_2439 = vector.broadcast %max3A_2438 : i32 to vector<16xi32>
    %max3A_2440 = arith.maxsi %sub3A_2437, %max3A_2439 : vector<16xi32>
    %broadcast_in_dim3A_2441 = vector.shape_cast %max3A_2440 : vector<16xi32> to vector<16x1xi32>
    %gather3A_2442 = vector.shape_cast %broadcast_in_dim3A_2441 : vector<16x1xi32> to vector<16xi32>
    %gather3A_2443 = tpu.dynamic_gather %select_n3A_2434[%gather3A_2442] in [0] : vector<16xi32>, vector<16xi32> -> vector<16xi32>
    %ge3A_2444 = arith.constant 4 : i32
    %ge3A_2445 = vector.broadcast %ge3A_2444 : i32 to vector<16xi32>
    %ge3A_2446 = arith.cmpi sge, %iota3A, %ge3A_2445 : vector<16xi32>
    %add3A_2447 = arith.addi %select_n3A_2434, %gather3A_2443 : vector<16xi32>
    %select_n3A_2448 = arith.select %ge3A_2446, %add3A_2447, %select_n3A_2434 : vector<16xi1>, vector<16xi32>
    %sub3A_2449 = arith.constant 8 : i32
    %sub3A_2450 = vector.broadcast %sub3A_2449 : i32 to vector<16xi32>
    %sub3A_2451 = arith.subi %iota3A, %sub3A_2450 : vector<16xi32>
    %max3A_2452 = arith.constant 0 : i32
    %max3A_2453 = vector.broadcast %max3A_2452 : i32 to vector<16xi32>
    %max3A_2454 = arith.maxsi %sub3A_2451, %max3A_2453 : vector<16xi32>
    %broadcast_in_dim3A_2455 = vector.shape_cast %max3A_2454 : vector<16xi32> to vector<16x1xi32>
    %gather3A_2456 = vector.shape_cast %broadcast_in_dim3A_2455 : vector<16x1xi32> to vector<16xi32>
    %gather3A_2457 = tpu.dynamic_gather %select_n3A_2448[%gather3A_2456] in [0] : vector<16xi32>, vector<16xi32> -> vector<16xi32>
    %ge3A_2458 = arith.constant 8 : i32
    %ge3A_2459 = vector.broadcast %ge3A_2458 : i32 to vector<16xi32>
    %ge3A_2460 = arith.cmpi sge, %iota3A, %ge3A_2459 : vector<16xi32>
    %add3A_2461 = arith.addi %select_n3A_2448, %gather3A_2457 : vector<16xi32>
    %select_n3A_2462 = arith.select %ge3A_2460, %add3A_2461, %select_n3A_2448 : vector<16xi1>, vector<16xi32>
    %ne3A_2463 = arith.constant 0 : i32
    %ne3A_2464 = vector.broadcast %ne3A_2463 : i32 to vector<16xi32>
    %ne3A_2465 = arith.cmpi ne, %get3A_2394, %ne3A_2464 : vector<16xi32>
    %add3A_2466 = vector.broadcast %add3A_2389 : i32 to vector<16xi32>
    %add3A_2467 = arith.addi %add3A_2466, %select_n3A_2462 : vector<16xi32>
    %sub3A_2468 = arith.constant 1 : i32
    %sub3A_2469 = vector.broadcast %sub3A_2468 : i32 to vector<16xi32>
    %sub3A_2470 = arith.subi %add3A_2467, %sub3A_2469 : vector<16xi32>
    %select_n3A_2471 = arith.select %ne3A_2465, %sub3A_2470, %add3A_7 : vector<16xi1>, vector<16xi32>
    %ne3A_2472 = arith.constant 0 : i32
    %ne3A_2473 = vector.broadcast %ne3A_2472 : i32 to vector<16xi32>
    %ne3A_2474 = arith.cmpi ne, %get3A_2394, %ne3A_2473 : vector<16xi32>
    %add3A_2475 = vector.broadcast %add3A_2392 : i32 to vector<16xi32>
    %add3A_2476 = arith.addi %add3A_2475, %iota3A : vector<16xi32>
    %sub3A_2477 = arith.subi %add3A_2476, %select_n3A_2462 : vector<16xi32>
    %select_n3A_2478 = arith.select %ne3A_2474, %add3A_7, %sub3A_2477 : vector<16xi1>, vector<16xi32>
    tpu.vector_store_idx %arg7[%select_n3A_2471], %add3A_2398 : memref<560xi32, #tpu.memory_space<vmem>>[vector<16xi32>], vector<16xi32>,
    tpu.vector_store_idx %arg8[%select_n3A_2478], %add3A_2398 : memref<560xi32, #tpu.memory_space<vmem>>[vector<16xi32>], vector<16xi32>,
    %ne3A_2479 = arith.constant 0 : i32
    %ne3A_2480 = vector.broadcast %ne3A_2479 : i32 to vector<16xi32>
    %ne3A_2481 = arith.cmpi ne, %get3A_2394, %ne3A_2480 : vector<16xi32>
    %jit3A_2482 = arith.constant 528 : i32
    %broadcast_in_dim3A_2483 = vector.broadcast %jit3A_2482 : i32 to vector<16xi32>
    %select_n3A_2484 = arith.select %ne3A_2481, %broadcast_in_dim3A_2483, %add3A_7 : vector<16xi1>, vector<16xi32>
    tpu.vector_store_idx %arg7[%select_n3A_2484], %add3A_2398 : memref<560xi32, #tpu.memory_space<vmem>>[vector<16xi32>], vector<16xi32>,
    %ne3A_2485 = arith.constant 0 : i32
    %ne3A_2486 = vector.broadcast %ne3A_2485 : i32 to vector<16xi32>
    %ne3A_2487 = arith.cmpi ne, %get3A_2394, %ne3A_2486 : vector<16xi32>
    %jit3A_2488 = arith.constant 528 : i32
    %broadcast_in_dim3A_2489 = vector.broadcast %jit3A_2488 : i32 to vector<16xi32>
    %select_n3A_2490 = arith.select %ne3A_2487, %add3A_7, %broadcast_in_dim3A_2489 : vector<16xi1>, vector<16xi32>
    tpu.vector_store_idx %arg8[%select_n3A_2490], %add3A_2398 : memref<560xi32, #tpu.memory_space<vmem>>[vector<16xi32>], vector<16xi32>,
    %slice3A_2491 = vector.extract_strided_slice %select_n3A_2462 {offsets = [15], sizes = [1], strides = [1]} : vector<16xi32> to vector<1xi32>
    %squeeze3A_2492 = vector.extract %slice3A_2491[0] : i32 from vector<1xi32>
    %add3A_2493 = arith.addi %add3A_2389, %squeeze3A_2492 : i32
    %sub3A_2494 = arith.constant 16 : i32
    %sub3A_2495 = arith.subi %sub3A_2494, %squeeze3A_2492 : i32
    %add3A_2496 = arith.addi %add3A_2392, %sub3A_2495 : i32
    %get3A_2497 = arith.constant 384 : index
    %get3A_2498 = tpu.vector_load %arg6[%get3A_2497] {strides = array<i32>} : memref<512xi32, #tpu.memory_space<vmem>>, vector<16xi32>,
    %add3A_2499 = arith.constant 384 : i32
    %add3A_2500 = arith.addi %mul3A_2, %add3A_2499 : i32
    %add3A_2501 = vector.broadcast %add3A_2500 : i32 to vector<16xi32>
    %add3A_2502 = arith.addi %iota3A, %add3A_2501 : vector<16xi32>
    %ne3A_2503 = arith.constant 0 : i32
    %ne3A_2504 = vector.broadcast %ne3A_2503 : i32 to vector<16xi32>
    %ne3A_2505 = arith.cmpi ne, %get3A_2498, %ne3A_2504 : vector<16xi32>
    %jit3A_2506 = arith.constant 1 : i32
    %jit3A_2507 = arith.constant 0 : i32
    %broadcast_in_dim3A_2508 = vector.broadcast %jit3A_2506 : i32 to vector<16xi32>
    %broadcast_in_dim3A_2509 = vector.broadcast %jit3A_2507 : i32 to vector<16xi32>
    %select_n3A_2510 = arith.select %ne3A_2505, %broadcast_in_dim3A_2508, %broadcast_in_dim3A_2509 : vector<16xi1>, vector<16xi32>
    %sub3A_2511 = arith.constant 1 : i32
    %sub3A_2512 = vector.broadcast %sub3A_2511 : i32 to vector<16xi32>
    %sub3A_2513 = arith.subi %iota3A, %sub3A_2512 : vector<16xi32>
    %max3A_2514 = arith.constant 0 : i32
    %max3A_2515 = vector.broadcast %max3A_2514 : i32 to vector<16xi32>
    %max3A_2516 = arith.maxsi %sub3A_2513, %max3A_2515 : vector<16xi32>
    %broadcast_in_dim3A_2517 = vector.shape_cast %max3A_2516 : vector<16xi32> to vector<16x1xi32>
    %gather3A_2518 = vector.shape_cast %broadcast_in_dim3A_2517 : vector<16x1xi32> to vector<16xi32>
    %gather3A_2519 = tpu.dynamic_gather %select_n3A_2510[%gather3A_2518] in [0] : vector<16xi32>, vector<16xi32> -> vector<16xi32>
    %ge3A_2520 = arith.constant 1 : i32
    %ge3A_2521 = vector.broadcast %ge3A_2520 : i32 to vector<16xi32>
    %ge3A_2522 = arith.cmpi sge, %iota3A, %ge3A_2521 : vector<16xi32>
    %add3A_2523 = arith.addi %select_n3A_2510, %gather3A_2519 : vector<16xi32>
    %select_n3A_2524 = arith.select %ge3A_2522, %add3A_2523, %select_n3A_2510 : vector<16xi1>, vector<16xi32>
    %sub3A_2525 = arith.constant 2 : i32
    %sub3A_2526 = vector.broadcast %sub3A_2525 : i32 to vector<16xi32>
    %sub3A_2527 = arith.subi %iota3A, %sub3A_2526 : vector<16xi32>
    %max3A_2528 = arith.constant 0 : i32
    %max3A_2529 = vector.broadcast %max3A_2528 : i32 to vector<16xi32>
    %max3A_2530 = arith.maxsi %sub3A_2527, %max3A_2529 : vector<16xi32>
    %broadcast_in_dim3A_2531 = vector.shape_cast %max3A_2530 : vector<16xi32> to vector<16x1xi32>
    %gather3A_2532 = vector.shape_cast %broadcast_in_dim3A_2531 : vector<16x1xi32> to vector<16xi32>
    %gather3A_2533 = tpu.dynamic_gather %select_n3A_2524[%gather3A_2532] in [0] : vector<16xi32>, vector<16xi32> -> vector<16xi32>
    %ge3A_2534 = arith.constant 2 : i32
    %ge3A_2535 = vector.broadcast %ge3A_2534 : i32 to vector<16xi32>
    %ge3A_2536 = arith.cmpi sge, %iota3A, %ge3A_2535 : vector<16xi32>
    %add3A_2537 = arith.addi %select_n3A_2524, %gather3A_2533 : vector<16xi32>
    %select_n3A_2538 = arith.select %ge3A_2536, %add3A_2537, %select_n3A_2524 : vector<16xi1>, vector<16xi32>
    %sub3A_2539 = arith.constant 4 : i32
    %sub3A_2540 = vector.broadcast %sub3A_2539 : i32 to vector<16xi32>
    %sub3A_2541 = arith.subi %iota3A, %sub3A_2540 : vector<16xi32>
    %max3A_2542 = arith.constant 0 : i32
    %max3A_2543 = vector.broadcast %max3A_2542 : i32 to vector<16xi32>
    %max3A_2544 = arith.maxsi %sub3A_2541, %max3A_2543 : vector<16xi32>
    %broadcast_in_dim3A_2545 = vector.shape_cast %max3A_2544 : vector<16xi32> to vector<16x1xi32>
    %gather3A_2546 = vector.shape_cast %broadcast_in_dim3A_2545 : vector<16x1xi32> to vector<16xi32>
    %gather3A_2547 = tpu.dynamic_gather %select_n3A_2538[%gather3A_2546] in [0] : vector<16xi32>, vector<16xi32> -> vector<16xi32>
    %ge3A_2548 = arith.constant 4 : i32
    %ge3A_2549 = vector.broadcast %ge3A_2548 : i32 to vector<16xi32>
    %ge3A_2550 = arith.cmpi sge, %iota3A, %ge3A_2549 : vector<16xi32>
    %add3A_2551 = arith.addi %select_n3A_2538, %gather3A_2547 : vector<16xi32>
    %select_n3A_2552 = arith.select %ge3A_2550, %add3A_2551, %select_n3A_2538 : vector<16xi1>, vector<16xi32>
    %sub3A_2553 = arith.constant 8 : i32
    %sub3A_2554 = vector.broadcast %sub3A_2553 : i32 to vector<16xi32>
    %sub3A_2555 = arith.subi %iota3A, %sub3A_2554 : vector<16xi32>
    %max3A_2556 = arith.constant 0 : i32
    %max3A_2557 = vector.broadcast %max3A_2556 : i32 to vector<16xi32>
    %max3A_2558 = arith.maxsi %sub3A_2555, %max3A_2557 : vector<16xi32>
    %broadcast_in_dim3A_2559 = vector.shape_cast %max3A_2558 : vector<16xi32> to vector<16x1xi32>
    %gather3A_2560 = vector.shape_cast %broadcast_in_dim3A_2559 : vector<16x1xi32> to vector<16xi32>
    %gather3A_2561 = tpu.dynamic_gather %select_n3A_2552[%gather3A_2560] in [0] : vector<16xi32>, vector<16xi32> -> vector<16xi32>
    %ge3A_2562 = arith.constant 8 : i32
    %ge3A_2563 = vector.broadcast %ge3A_2562 : i32 to vector<16xi32>
    %ge3A_2564 = arith.cmpi sge, %iota3A, %ge3A_2563 : vector<16xi32>
    %add3A_2565 = arith.addi %select_n3A_2552, %gather3A_2561 : vector<16xi32>
    %select_n3A_2566 = arith.select %ge3A_2564, %add3A_2565, %select_n3A_2552 : vector<16xi1>, vector<16xi32>
    %ne3A_2567 = arith.constant 0 : i32
    %ne3A_2568 = vector.broadcast %ne3A_2567 : i32 to vector<16xi32>
    %ne3A_2569 = arith.cmpi ne, %get3A_2498, %ne3A_2568 : vector<16xi32>
    %add3A_2570 = vector.broadcast %add3A_2493 : i32 to vector<16xi32>
    %add3A_2571 = arith.addi %add3A_2570, %select_n3A_2566 : vector<16xi32>
    %sub3A_2572 = arith.constant 1 : i32
    %sub3A_2573 = vector.broadcast %sub3A_2572 : i32 to vector<16xi32>
    %sub3A_2574 = arith.subi %add3A_2571, %sub3A_2573 : vector<16xi32>
    %select_n3A_2575 = arith.select %ne3A_2569, %sub3A_2574, %add3A_7 : vector<16xi1>, vector<16xi32>
    %ne3A_2576 = arith.constant 0 : i32
    %ne3A_2577 = vector.broadcast %ne3A_2576 : i32 to vector<16xi32>
    %ne3A_2578 = arith.cmpi ne, %get3A_2498, %ne3A_2577 : vector<16xi32>
    %add3A_2579 = vector.broadcast %add3A_2496 : i32 to vector<16xi32>
    %add3A_2580 = arith.addi %add3A_2579, %iota3A : vector<16xi32>
    %sub3A_2581 = arith.subi %add3A_2580, %select_n3A_2566 : vector<16xi32>
    %select_n3A_2582 = arith.select %ne3A_2578, %add3A_7, %sub3A_2581 : vector<16xi1>, vector<16xi32>
    tpu.vector_store_idx %arg7[%select_n3A_2575], %add3A_2502 : memref<560xi32, #tpu.memory_space<vmem>>[vector<16xi32>], vector<16xi32>,
    tpu.vector_store_idx %arg8[%select_n3A_2582], %add3A_2502 : memref<560xi32, #tpu.memory_space<vmem>>[vector<16xi32>], vector<16xi32>,
    %ne3A_2583 = arith.constant 0 : i32
    %ne3A_2584 = vector.broadcast %ne3A_2583 : i32 to vector<16xi32>
    %ne3A_2585 = arith.cmpi ne, %get3A_2498, %ne3A_2584 : vector<16xi32>
    %jit3A_2586 = arith.constant 528 : i32
    %broadcast_in_dim3A_2587 = vector.broadcast %jit3A_2586 : i32 to vector<16xi32>
    %select_n3A_2588 = arith.select %ne3A_2585, %broadcast_in_dim3A_2587, %add3A_7 : vector<16xi1>, vector<16xi32>
    tpu.vector_store_idx %arg7[%select_n3A_2588], %add3A_2502 : memref<560xi32, #tpu.memory_space<vmem>>[vector<16xi32>], vector<16xi32>,
    %ne3A_2589 = arith.constant 0 : i32
    %ne3A_2590 = vector.broadcast %ne3A_2589 : i32 to vector<16xi32>
    %ne3A_2591 = arith.cmpi ne, %get3A_2498, %ne3A_2590 : vector<16xi32>
    %jit3A_2592 = arith.constant 528 : i32
    %broadcast_in_dim3A_2593 = vector.broadcast %jit3A_2592 : i32 to vector<16xi32>
    %select_n3A_2594 = arith.select %ne3A_2591, %add3A_7, %broadcast_in_dim3A_2593 : vector<16xi1>, vector<16xi32>
    tpu.vector_store_idx %arg8[%select_n3A_2594], %add3A_2502 : memref<560xi32, #tpu.memory_space<vmem>>[vector<16xi32>], vector<16xi32>,
    %slice3A_2595 = vector.extract_strided_slice %select_n3A_2566 {offsets = [15], sizes = [1], strides = [1]} : vector<16xi32> to vector<1xi32>
    %squeeze3A_2596 = vector.extract %slice3A_2595[0] : i32 from vector<1xi32>
    %add3A_2597 = arith.addi %add3A_2493, %squeeze3A_2596 : i32
    %sub3A_2598 = arith.constant 16 : i32
    %sub3A_2599 = arith.subi %sub3A_2598, %squeeze3A_2596 : i32
    %add3A_2600 = arith.addi %add3A_2496, %sub3A_2599 : i32
    %get3A_2601 = arith.constant 400 : index
    %get3A_2602 = tpu.vector_load %arg6[%get3A_2601] {strides = array<i32>} : memref<512xi32, #tpu.memory_space<vmem>>, vector<16xi32>,
    %add3A_2603 = arith.constant 400 : i32
    %add3A_2604 = arith.addi %mul3A_2, %add3A_2603 : i32
    %add3A_2605 = vector.broadcast %add3A_2604 : i32 to vector<16xi32>
    %add3A_2606 = arith.addi %iota3A, %add3A_2605 : vector<16xi32>
    %ne3A_2607 = arith.constant 0 : i32
    %ne3A_2608 = vector.broadcast %ne3A_2607 : i32 to vector<16xi32>
    %ne3A_2609 = arith.cmpi ne, %get3A_2602, %ne3A_2608 : vector<16xi32>
    %jit3A_2610 = arith.constant 1 : i32
    %jit3A_2611 = arith.constant 0 : i32
    %broadcast_in_dim3A_2612 = vector.broadcast %jit3A_2610 : i32 to vector<16xi32>
    %broadcast_in_dim3A_2613 = vector.broadcast %jit3A_2611 : i32 to vector<16xi32>
    %select_n3A_2614 = arith.select %ne3A_2609, %broadcast_in_dim3A_2612, %broadcast_in_dim3A_2613 : vector<16xi1>, vector<16xi32>
    %sub3A_2615 = arith.constant 1 : i32
    %sub3A_2616 = vector.broadcast %sub3A_2615 : i32 to vector<16xi32>
    %sub3A_2617 = arith.subi %iota3A, %sub3A_2616 : vector<16xi32>
    %max3A_2618 = arith.constant 0 : i32
    %max3A_2619 = vector.broadcast %max3A_2618 : i32 to vector<16xi32>
    %max3A_2620 = arith.maxsi %sub3A_2617, %max3A_2619 : vector<16xi32>
    %broadcast_in_dim3A_2621 = vector.shape_cast %max3A_2620 : vector<16xi32> to vector<16x1xi32>
    %gather3A_2622 = vector.shape_cast %broadcast_in_dim3A_2621 : vector<16x1xi32> to vector<16xi32>
    %gather3A_2623 = tpu.dynamic_gather %select_n3A_2614[%gather3A_2622] in [0] : vector<16xi32>, vector<16xi32> -> vector<16xi32>
    %ge3A_2624 = arith.constant 1 : i32
    %ge3A_2625 = vector.broadcast %ge3A_2624 : i32 to vector<16xi32>
    %ge3A_2626 = arith.cmpi sge, %iota3A, %ge3A_2625 : vector<16xi32>
    %add3A_2627 = arith.addi %select_n3A_2614, %gather3A_2623 : vector<16xi32>
    %select_n3A_2628 = arith.select %ge3A_2626, %add3A_2627, %select_n3A_2614 : vector<16xi1>, vector<16xi32>
    %sub3A_2629 = arith.constant 2 : i32
    %sub3A_2630 = vector.broadcast %sub3A_2629 : i32 to vector<16xi32>
    %sub3A_2631 = arith.subi %iota3A, %sub3A_2630 : vector<16xi32>
    %max3A_2632 = arith.constant 0 : i32
    %max3A_2633 = vector.broadcast %max3A_2632 : i32 to vector<16xi32>
    %max3A_2634 = arith.maxsi %sub3A_2631, %max3A_2633 : vector<16xi32>
    %broadcast_in_dim3A_2635 = vector.shape_cast %max3A_2634 : vector<16xi32> to vector<16x1xi32>
    %gather3A_2636 = vector.shape_cast %broadcast_in_dim3A_2635 : vector<16x1xi32> to vector<16xi32>
    %gather3A_2637 = tpu.dynamic_gather %select_n3A_2628[%gather3A_2636] in [0] : vector<16xi32>, vector<16xi32> -> vector<16xi32>
    %ge3A_2638 = arith.constant 2 : i32
    %ge3A_2639 = vector.broadcast %ge3A_2638 : i32 to vector<16xi32>
    %ge3A_2640 = arith.cmpi sge, %iota3A, %ge3A_2639 : vector<16xi32>
    %add3A_2641 = arith.addi %select_n3A_2628, %gather3A_2637 : vector<16xi32>
    %select_n3A_2642 = arith.select %ge3A_2640, %add3A_2641, %select_n3A_2628 : vector<16xi1>, vector<16xi32>
    %sub3A_2643 = arith.constant 4 : i32
    %sub3A_2644 = vector.broadcast %sub3A_2643 : i32 to vector<16xi32>
    %sub3A_2645 = arith.subi %iota3A, %sub3A_2644 : vector<16xi32>
    %max3A_2646 = arith.constant 0 : i32
    %max3A_2647 = vector.broadcast %max3A_2646 : i32 to vector<16xi32>
    %max3A_2648 = arith.maxsi %sub3A_2645, %max3A_2647 : vector<16xi32>
    %broadcast_in_dim3A_2649 = vector.shape_cast %max3A_2648 : vector<16xi32> to vector<16x1xi32>
    %gather3A_2650 = vector.shape_cast %broadcast_in_dim3A_2649 : vector<16x1xi32> to vector<16xi32>
    %gather3A_2651 = tpu.dynamic_gather %select_n3A_2642[%gather3A_2650] in [0] : vector<16xi32>, vector<16xi32> -> vector<16xi32>
    %ge3A_2652 = arith.constant 4 : i32
    %ge3A_2653 = vector.broadcast %ge3A_2652 : i32 to vector<16xi32>
    %ge3A_2654 = arith.cmpi sge, %iota3A, %ge3A_2653 : vector<16xi32>
    %add3A_2655 = arith.addi %select_n3A_2642, %gather3A_2651 : vector<16xi32>
    %select_n3A_2656 = arith.select %ge3A_2654, %add3A_2655, %select_n3A_2642 : vector<16xi1>, vector<16xi32>
    %sub3A_2657 = arith.constant 8 : i32
    %sub3A_2658 = vector.broadcast %sub3A_2657 : i32 to vector<16xi32>
    %sub3A_2659 = arith.subi %iota3A, %sub3A_2658 : vector<16xi32>
    %max3A_2660 = arith.constant 0 : i32
    %max3A_2661 = vector.broadcast %max3A_2660 : i32 to vector<16xi32>
    %max3A_2662 = arith.maxsi %sub3A_2659, %max3A_2661 : vector<16xi32>
    %broadcast_in_dim3A_2663 = vector.shape_cast %max3A_2662 : vector<16xi32> to vector<16x1xi32>
    %gather3A_2664 = vector.shape_cast %broadcast_in_dim3A_2663 : vector<16x1xi32> to vector<16xi32>
    %gather3A_2665 = tpu.dynamic_gather %select_n3A_2656[%gather3A_2664] in [0] : vector<16xi32>, vector<16xi32> -> vector<16xi32>
    %ge3A_2666 = arith.constant 8 : i32
    %ge3A_2667 = vector.broadcast %ge3A_2666 : i32 to vector<16xi32>
    %ge3A_2668 = arith.cmpi sge, %iota3A, %ge3A_2667 : vector<16xi32>
    %add3A_2669 = arith.addi %select_n3A_2656, %gather3A_2665 : vector<16xi32>
    %select_n3A_2670 = arith.select %ge3A_2668, %add3A_2669, %select_n3A_2656 : vector<16xi1>, vector<16xi32>
    %ne3A_2671 = arith.constant 0 : i32
    %ne3A_2672 = vector.broadcast %ne3A_2671 : i32 to vector<16xi32>
    %ne3A_2673 = arith.cmpi ne, %get3A_2602, %ne3A_2672 : vector<16xi32>
    %add3A_2674 = vector.broadcast %add3A_2597 : i32 to vector<16xi32>
    %add3A_2675 = arith.addi %add3A_2674, %select_n3A_2670 : vector<16xi32>
    %sub3A_2676 = arith.constant 1 : i32
    %sub3A_2677 = vector.broadcast %sub3A_2676 : i32 to vector<16xi32>
    %sub3A_2678 = arith.subi %add3A_2675, %sub3A_2677 : vector<16xi32>
    %select_n3A_2679 = arith.select %ne3A_2673, %sub3A_2678, %add3A_7 : vector<16xi1>, vector<16xi32>
    %ne3A_2680 = arith.constant 0 : i32
    %ne3A_2681 = vector.broadcast %ne3A_2680 : i32 to vector<16xi32>
    %ne3A_2682 = arith.cmpi ne, %get3A_2602, %ne3A_2681 : vector<16xi32>
    %add3A_2683 = vector.broadcast %add3A_2600 : i32 to vector<16xi32>
    %add3A_2684 = arith.addi %add3A_2683, %iota3A : vector<16xi32>
    %sub3A_2685 = arith.subi %add3A_2684, %select_n3A_2670 : vector<16xi32>
    %select_n3A_2686 = arith.select %ne3A_2682, %add3A_7, %sub3A_2685 : vector<16xi1>, vector<16xi32>
    tpu.vector_store_idx %arg7[%select_n3A_2679], %add3A_2606 : memref<560xi32, #tpu.memory_space<vmem>>[vector<16xi32>], vector<16xi32>,
    tpu.vector_store_idx %arg8[%select_n3A_2686], %add3A_2606 : memref<560xi32, #tpu.memory_space<vmem>>[vector<16xi32>], vector<16xi32>,
    %ne3A_2687 = arith.constant 0 : i32
    %ne3A_2688 = vector.broadcast %ne3A_2687 : i32 to vector<16xi32>
    %ne3A_2689 = arith.cmpi ne, %get3A_2602, %ne3A_2688 : vector<16xi32>
    %jit3A_2690 = arith.constant 528 : i32
    %broadcast_in_dim3A_2691 = vector.broadcast %jit3A_2690 : i32 to vector<16xi32>
    %select_n3A_2692 = arith.select %ne3A_2689, %broadcast_in_dim3A_2691, %add3A_7 : vector<16xi1>, vector<16xi32>
    tpu.vector_store_idx %arg7[%select_n3A_2692], %add3A_2606 : memref<560xi32, #tpu.memory_space<vmem>>[vector<16xi32>], vector<16xi32>,
    %ne3A_2693 = arith.constant 0 : i32
    %ne3A_2694 = vector.broadcast %ne3A_2693 : i32 to vector<16xi32>
    %ne3A_2695 = arith.cmpi ne, %get3A_2602, %ne3A_2694 : vector<16xi32>
    %jit3A_2696 = arith.constant 528 : i32
    %broadcast_in_dim3A_2697 = vector.broadcast %jit3A_2696 : i32 to vector<16xi32>
    %select_n3A_2698 = arith.select %ne3A_2695, %add3A_7, %broadcast_in_dim3A_2697 : vector<16xi1>, vector<16xi32>
    tpu.vector_store_idx %arg8[%select_n3A_2698], %add3A_2606 : memref<560xi32, #tpu.memory_space<vmem>>[vector<16xi32>], vector<16xi32>,
    %slice3A_2699 = vector.extract_strided_slice %select_n3A_2670 {offsets = [15], sizes = [1], strides = [1]} : vector<16xi32> to vector<1xi32>
    %squeeze3A_2700 = vector.extract %slice3A_2699[0] : i32 from vector<1xi32>
    %add3A_2701 = arith.addi %add3A_2597, %squeeze3A_2700 : i32
    %sub3A_2702 = arith.constant 16 : i32
    %sub3A_2703 = arith.subi %sub3A_2702, %squeeze3A_2700 : i32
    %add3A_2704 = arith.addi %add3A_2600, %sub3A_2703 : i32
    %get3A_2705 = arith.constant 416 : index
    %get3A_2706 = tpu.vector_load %arg6[%get3A_2705] {strides = array<i32>} : memref<512xi32, #tpu.memory_space<vmem>>, vector<16xi32>,
    %add3A_2707 = arith.constant 416 : i32
    %add3A_2708 = arith.addi %mul3A_2, %add3A_2707 : i32
    %add3A_2709 = vector.broadcast %add3A_2708 : i32 to vector<16xi32>
    %add3A_2710 = arith.addi %iota3A, %add3A_2709 : vector<16xi32>
    %ne3A_2711 = arith.constant 0 : i32
    %ne3A_2712 = vector.broadcast %ne3A_2711 : i32 to vector<16xi32>
    %ne3A_2713 = arith.cmpi ne, %get3A_2706, %ne3A_2712 : vector<16xi32>
    %jit3A_2714 = arith.constant 1 : i32
    %jit3A_2715 = arith.constant 0 : i32
    %broadcast_in_dim3A_2716 = vector.broadcast %jit3A_2714 : i32 to vector<16xi32>
    %broadcast_in_dim3A_2717 = vector.broadcast %jit3A_2715 : i32 to vector<16xi32>
    %select_n3A_2718 = arith.select %ne3A_2713, %broadcast_in_dim3A_2716, %broadcast_in_dim3A_2717 : vector<16xi1>, vector<16xi32>
    %sub3A_2719 = arith.constant 1 : i32
    %sub3A_2720 = vector.broadcast %sub3A_2719 : i32 to vector<16xi32>
    %sub3A_2721 = arith.subi %iota3A, %sub3A_2720 : vector<16xi32>
    %max3A_2722 = arith.constant 0 : i32
    %max3A_2723 = vector.broadcast %max3A_2722 : i32 to vector<16xi32>
    %max3A_2724 = arith.maxsi %sub3A_2721, %max3A_2723 : vector<16xi32>
    %broadcast_in_dim3A_2725 = vector.shape_cast %max3A_2724 : vector<16xi32> to vector<16x1xi32>
    %gather3A_2726 = vector.shape_cast %broadcast_in_dim3A_2725 : vector<16x1xi32> to vector<16xi32>
    %gather3A_2727 = tpu.dynamic_gather %select_n3A_2718[%gather3A_2726] in [0] : vector<16xi32>, vector<16xi32> -> vector<16xi32>
    %ge3A_2728 = arith.constant 1 : i32
    %ge3A_2729 = vector.broadcast %ge3A_2728 : i32 to vector<16xi32>
    %ge3A_2730 = arith.cmpi sge, %iota3A, %ge3A_2729 : vector<16xi32>
    %add3A_2731 = arith.addi %select_n3A_2718, %gather3A_2727 : vector<16xi32>
    %select_n3A_2732 = arith.select %ge3A_2730, %add3A_2731, %select_n3A_2718 : vector<16xi1>, vector<16xi32>
    %sub3A_2733 = arith.constant 2 : i32
    %sub3A_2734 = vector.broadcast %sub3A_2733 : i32 to vector<16xi32>
    %sub3A_2735 = arith.subi %iota3A, %sub3A_2734 : vector<16xi32>
    %max3A_2736 = arith.constant 0 : i32
    %max3A_2737 = vector.broadcast %max3A_2736 : i32 to vector<16xi32>
    %max3A_2738 = arith.maxsi %sub3A_2735, %max3A_2737 : vector<16xi32>
    %broadcast_in_dim3A_2739 = vector.shape_cast %max3A_2738 : vector<16xi32> to vector<16x1xi32>
    %gather3A_2740 = vector.shape_cast %broadcast_in_dim3A_2739 : vector<16x1xi32> to vector<16xi32>
    %gather3A_2741 = tpu.dynamic_gather %select_n3A_2732[%gather3A_2740] in [0] : vector<16xi32>, vector<16xi32> -> vector<16xi32>
    %ge3A_2742 = arith.constant 2 : i32
    %ge3A_2743 = vector.broadcast %ge3A_2742 : i32 to vector<16xi32>
    %ge3A_2744 = arith.cmpi sge, %iota3A, %ge3A_2743 : vector<16xi32>
    %add3A_2745 = arith.addi %select_n3A_2732, %gather3A_2741 : vector<16xi32>
    %select_n3A_2746 = arith.select %ge3A_2744, %add3A_2745, %select_n3A_2732 : vector<16xi1>, vector<16xi32>
    %sub3A_2747 = arith.constant 4 : i32
    %sub3A_2748 = vector.broadcast %sub3A_2747 : i32 to vector<16xi32>
    %sub3A_2749 = arith.subi %iota3A, %sub3A_2748 : vector<16xi32>
    %max3A_2750 = arith.constant 0 : i32
    %max3A_2751 = vector.broadcast %max3A_2750 : i32 to vector<16xi32>
    %max3A_2752 = arith.maxsi %sub3A_2749, %max3A_2751 : vector<16xi32>
    %broadcast_in_dim3A_2753 = vector.shape_cast %max3A_2752 : vector<16xi32> to vector<16x1xi32>
    %gather3A_2754 = vector.shape_cast %broadcast_in_dim3A_2753 : vector<16x1xi32> to vector<16xi32>
    %gather3A_2755 = tpu.dynamic_gather %select_n3A_2746[%gather3A_2754] in [0] : vector<16xi32>, vector<16xi32> -> vector<16xi32>
    %ge3A_2756 = arith.constant 4 : i32
    %ge3A_2757 = vector.broadcast %ge3A_2756 : i32 to vector<16xi32>
    %ge3A_2758 = arith.cmpi sge, %iota3A, %ge3A_2757 : vector<16xi32>
    %add3A_2759 = arith.addi %select_n3A_2746, %gather3A_2755 : vector<16xi32>
    %select_n3A_2760 = arith.select %ge3A_2758, %add3A_2759, %select_n3A_2746 : vector<16xi1>, vector<16xi32>
    %sub3A_2761 = arith.constant 8 : i32
    %sub3A_2762 = vector.broadcast %sub3A_2761 : i32 to vector<16xi32>
    %sub3A_2763 = arith.subi %iota3A, %sub3A_2762 : vector<16xi32>
    %max3A_2764 = arith.constant 0 : i32
    %max3A_2765 = vector.broadcast %max3A_2764 : i32 to vector<16xi32>
    %max3A_2766 = arith.maxsi %sub3A_2763, %max3A_2765 : vector<16xi32>
    %broadcast_in_dim3A_2767 = vector.shape_cast %max3A_2766 : vector<16xi32> to vector<16x1xi32>
    %gather3A_2768 = vector.shape_cast %broadcast_in_dim3A_2767 : vector<16x1xi32> to vector<16xi32>
    %gather3A_2769 = tpu.dynamic_gather %select_n3A_2760[%gather3A_2768] in [0] : vector<16xi32>, vector<16xi32> -> vector<16xi32>
    %ge3A_2770 = arith.constant 8 : i32
    %ge3A_2771 = vector.broadcast %ge3A_2770 : i32 to vector<16xi32>
    %ge3A_2772 = arith.cmpi sge, %iota3A, %ge3A_2771 : vector<16xi32>
    %add3A_2773 = arith.addi %select_n3A_2760, %gather3A_2769 : vector<16xi32>
    %select_n3A_2774 = arith.select %ge3A_2772, %add3A_2773, %select_n3A_2760 : vector<16xi1>, vector<16xi32>
    %ne3A_2775 = arith.constant 0 : i32
    %ne3A_2776 = vector.broadcast %ne3A_2775 : i32 to vector<16xi32>
    %ne3A_2777 = arith.cmpi ne, %get3A_2706, %ne3A_2776 : vector<16xi32>
    %add3A_2778 = vector.broadcast %add3A_2701 : i32 to vector<16xi32>
    %add3A_2779 = arith.addi %add3A_2778, %select_n3A_2774 : vector<16xi32>
    %sub3A_2780 = arith.constant 1 : i32
    %sub3A_2781 = vector.broadcast %sub3A_2780 : i32 to vector<16xi32>
    %sub3A_2782 = arith.subi %add3A_2779, %sub3A_2781 : vector<16xi32>
    %select_n3A_2783 = arith.select %ne3A_2777, %sub3A_2782, %add3A_7 : vector<16xi1>, vector<16xi32>
    %ne3A_2784 = arith.constant 0 : i32
    %ne3A_2785 = vector.broadcast %ne3A_2784 : i32 to vector<16xi32>
    %ne3A_2786 = arith.cmpi ne, %get3A_2706, %ne3A_2785 : vector<16xi32>
    %add3A_2787 = vector.broadcast %add3A_2704 : i32 to vector<16xi32>
    %add3A_2788 = arith.addi %add3A_2787, %iota3A : vector<16xi32>
    %sub3A_2789 = arith.subi %add3A_2788, %select_n3A_2774 : vector<16xi32>
    %select_n3A_2790 = arith.select %ne3A_2786, %add3A_7, %sub3A_2789 : vector<16xi1>, vector<16xi32>
    tpu.vector_store_idx %arg7[%select_n3A_2783], %add3A_2710 : memref<560xi32, #tpu.memory_space<vmem>>[vector<16xi32>], vector<16xi32>,
    tpu.vector_store_idx %arg8[%select_n3A_2790], %add3A_2710 : memref<560xi32, #tpu.memory_space<vmem>>[vector<16xi32>], vector<16xi32>,
    %ne3A_2791 = arith.constant 0 : i32
    %ne3A_2792 = vector.broadcast %ne3A_2791 : i32 to vector<16xi32>
    %ne3A_2793 = arith.cmpi ne, %get3A_2706, %ne3A_2792 : vector<16xi32>
    %jit3A_2794 = arith.constant 528 : i32
    %broadcast_in_dim3A_2795 = vector.broadcast %jit3A_2794 : i32 to vector<16xi32>
    %select_n3A_2796 = arith.select %ne3A_2793, %broadcast_in_dim3A_2795, %add3A_7 : vector<16xi1>, vector<16xi32>
    tpu.vector_store_idx %arg7[%select_n3A_2796], %add3A_2710 : memref<560xi32, #tpu.memory_space<vmem>>[vector<16xi32>], vector<16xi32>,
    %ne3A_2797 = arith.constant 0 : i32
    %ne3A_2798 = vector.broadcast %ne3A_2797 : i32 to vector<16xi32>
    %ne3A_2799 = arith.cmpi ne, %get3A_2706, %ne3A_2798 : vector<16xi32>
    %jit3A_2800 = arith.constant 528 : i32
    %broadcast_in_dim3A_2801 = vector.broadcast %jit3A_2800 : i32 to vector<16xi32>
    %select_n3A_2802 = arith.select %ne3A_2799, %add3A_7, %broadcast_in_dim3A_2801 : vector<16xi1>, vector<16xi32>
    tpu.vector_store_idx %arg8[%select_n3A_2802], %add3A_2710 : memref<560xi32, #tpu.memory_space<vmem>>[vector<16xi32>], vector<16xi32>,
    %slice3A_2803 = vector.extract_strided_slice %select_n3A_2774 {offsets = [15], sizes = [1], strides = [1]} : vector<16xi32> to vector<1xi32>
    %squeeze3A_2804 = vector.extract %slice3A_2803[0] : i32 from vector<1xi32>
    %add3A_2805 = arith.addi %add3A_2701, %squeeze3A_2804 : i32
    %sub3A_2806 = arith.constant 16 : i32
    %sub3A_2807 = arith.subi %sub3A_2806, %squeeze3A_2804 : i32
    %add3A_2808 = arith.addi %add3A_2704, %sub3A_2807 : i32
    %get3A_2809 = arith.constant 432 : index
    %get3A_2810 = tpu.vector_load %arg6[%get3A_2809] {strides = array<i32>} : memref<512xi32, #tpu.memory_space<vmem>>, vector<16xi32>,
    %add3A_2811 = arith.constant 432 : i32
    %add3A_2812 = arith.addi %mul3A_2, %add3A_2811 : i32
    %add3A_2813 = vector.broadcast %add3A_2812 : i32 to vector<16xi32>
    %add3A_2814 = arith.addi %iota3A, %add3A_2813 : vector<16xi32>
    %ne3A_2815 = arith.constant 0 : i32
    %ne3A_2816 = vector.broadcast %ne3A_2815 : i32 to vector<16xi32>
    %ne3A_2817 = arith.cmpi ne, %get3A_2810, %ne3A_2816 : vector<16xi32>
    %jit3A_2818 = arith.constant 1 : i32
    %jit3A_2819 = arith.constant 0 : i32
    %broadcast_in_dim3A_2820 = vector.broadcast %jit3A_2818 : i32 to vector<16xi32>
    %broadcast_in_dim3A_2821 = vector.broadcast %jit3A_2819 : i32 to vector<16xi32>
    %select_n3A_2822 = arith.select %ne3A_2817, %broadcast_in_dim3A_2820, %broadcast_in_dim3A_2821 : vector<16xi1>, vector<16xi32>
    %sub3A_2823 = arith.constant 1 : i32
    %sub3A_2824 = vector.broadcast %sub3A_2823 : i32 to vector<16xi32>
    %sub3A_2825 = arith.subi %iota3A, %sub3A_2824 : vector<16xi32>
    %max3A_2826 = arith.constant 0 : i32
    %max3A_2827 = vector.broadcast %max3A_2826 : i32 to vector<16xi32>
    %max3A_2828 = arith.maxsi %sub3A_2825, %max3A_2827 : vector<16xi32>
    %broadcast_in_dim3A_2829 = vector.shape_cast %max3A_2828 : vector<16xi32> to vector<16x1xi32>
    %gather3A_2830 = vector.shape_cast %broadcast_in_dim3A_2829 : vector<16x1xi32> to vector<16xi32>
    %gather3A_2831 = tpu.dynamic_gather %select_n3A_2822[%gather3A_2830] in [0] : vector<16xi32>, vector<16xi32> -> vector<16xi32>
    %ge3A_2832 = arith.constant 1 : i32
    %ge3A_2833 = vector.broadcast %ge3A_2832 : i32 to vector<16xi32>
    %ge3A_2834 = arith.cmpi sge, %iota3A, %ge3A_2833 : vector<16xi32>
    %add3A_2835 = arith.addi %select_n3A_2822, %gather3A_2831 : vector<16xi32>
    %select_n3A_2836 = arith.select %ge3A_2834, %add3A_2835, %select_n3A_2822 : vector<16xi1>, vector<16xi32>
    %sub3A_2837 = arith.constant 2 : i32
    %sub3A_2838 = vector.broadcast %sub3A_2837 : i32 to vector<16xi32>
    %sub3A_2839 = arith.subi %iota3A, %sub3A_2838 : vector<16xi32>
    %max3A_2840 = arith.constant 0 : i32
    %max3A_2841 = vector.broadcast %max3A_2840 : i32 to vector<16xi32>
    %max3A_2842 = arith.maxsi %sub3A_2839, %max3A_2841 : vector<16xi32>
    %broadcast_in_dim3A_2843 = vector.shape_cast %max3A_2842 : vector<16xi32> to vector<16x1xi32>
    %gather3A_2844 = vector.shape_cast %broadcast_in_dim3A_2843 : vector<16x1xi32> to vector<16xi32>
    %gather3A_2845 = tpu.dynamic_gather %select_n3A_2836[%gather3A_2844] in [0] : vector<16xi32>, vector<16xi32> -> vector<16xi32>
    %ge3A_2846 = arith.constant 2 : i32
    %ge3A_2847 = vector.broadcast %ge3A_2846 : i32 to vector<16xi32>
    %ge3A_2848 = arith.cmpi sge, %iota3A, %ge3A_2847 : vector<16xi32>
    %add3A_2849 = arith.addi %select_n3A_2836, %gather3A_2845 : vector<16xi32>
    %select_n3A_2850 = arith.select %ge3A_2848, %add3A_2849, %select_n3A_2836 : vector<16xi1>, vector<16xi32>
    %sub3A_2851 = arith.constant 4 : i32
    %sub3A_2852 = vector.broadcast %sub3A_2851 : i32 to vector<16xi32>
    %sub3A_2853 = arith.subi %iota3A, %sub3A_2852 : vector<16xi32>
    %max3A_2854 = arith.constant 0 : i32
    %max3A_2855 = vector.broadcast %max3A_2854 : i32 to vector<16xi32>
    %max3A_2856 = arith.maxsi %sub3A_2853, %max3A_2855 : vector<16xi32>
    %broadcast_in_dim3A_2857 = vector.shape_cast %max3A_2856 : vector<16xi32> to vector<16x1xi32>
    %gather3A_2858 = vector.shape_cast %broadcast_in_dim3A_2857 : vector<16x1xi32> to vector<16xi32>
    %gather3A_2859 = tpu.dynamic_gather %select_n3A_2850[%gather3A_2858] in [0] : vector<16xi32>, vector<16xi32> -> vector<16xi32>
    %ge3A_2860 = arith.constant 4 : i32
    %ge3A_2861 = vector.broadcast %ge3A_2860 : i32 to vector<16xi32>
    %ge3A_2862 = arith.cmpi sge, %iota3A, %ge3A_2861 : vector<16xi32>
    %add3A_2863 = arith.addi %select_n3A_2850, %gather3A_2859 : vector<16xi32>
    %select_n3A_2864 = arith.select %ge3A_2862, %add3A_2863, %select_n3A_2850 : vector<16xi1>, vector<16xi32>
    %sub3A_2865 = arith.constant 8 : i32
    %sub3A_2866 = vector.broadcast %sub3A_2865 : i32 to vector<16xi32>
    %sub3A_2867 = arith.subi %iota3A, %sub3A_2866 : vector<16xi32>
    %max3A_2868 = arith.constant 0 : i32
    %max3A_2869 = vector.broadcast %max3A_2868 : i32 to vector<16xi32>
    %max3A_2870 = arith.maxsi %sub3A_2867, %max3A_2869 : vector<16xi32>
    %broadcast_in_dim3A_2871 = vector.shape_cast %max3A_2870 : vector<16xi32> to vector<16x1xi32>
    %gather3A_2872 = vector.shape_cast %broadcast_in_dim3A_2871 : vector<16x1xi32> to vector<16xi32>
    %gather3A_2873 = tpu.dynamic_gather %select_n3A_2864[%gather3A_2872] in [0] : vector<16xi32>, vector<16xi32> -> vector<16xi32>
    %ge3A_2874 = arith.constant 8 : i32
    %ge3A_2875 = vector.broadcast %ge3A_2874 : i32 to vector<16xi32>
    %ge3A_2876 = arith.cmpi sge, %iota3A, %ge3A_2875 : vector<16xi32>
    %add3A_2877 = arith.addi %select_n3A_2864, %gather3A_2873 : vector<16xi32>
    %select_n3A_2878 = arith.select %ge3A_2876, %add3A_2877, %select_n3A_2864 : vector<16xi1>, vector<16xi32>
    %ne3A_2879 = arith.constant 0 : i32
    %ne3A_2880 = vector.broadcast %ne3A_2879 : i32 to vector<16xi32>
    %ne3A_2881 = arith.cmpi ne, %get3A_2810, %ne3A_2880 : vector<16xi32>
    %add3A_2882 = vector.broadcast %add3A_2805 : i32 to vector<16xi32>
    %add3A_2883 = arith.addi %add3A_2882, %select_n3A_2878 : vector<16xi32>
    %sub3A_2884 = arith.constant 1 : i32
    %sub3A_2885 = vector.broadcast %sub3A_2884 : i32 to vector<16xi32>
    %sub3A_2886 = arith.subi %add3A_2883, %sub3A_2885 : vector<16xi32>
    %select_n3A_2887 = arith.select %ne3A_2881, %sub3A_2886, %add3A_7 : vector<16xi1>, vector<16xi32>
    %ne3A_2888 = arith.constant 0 : i32
    %ne3A_2889 = vector.broadcast %ne3A_2888 : i32 to vector<16xi32>
    %ne3A_2890 = arith.cmpi ne, %get3A_2810, %ne3A_2889 : vector<16xi32>
    %add3A_2891 = vector.broadcast %add3A_2808 : i32 to vector<16xi32>
    %add3A_2892 = arith.addi %add3A_2891, %iota3A : vector<16xi32>
    %sub3A_2893 = arith.subi %add3A_2892, %select_n3A_2878 : vector<16xi32>
    %select_n3A_2894 = arith.select %ne3A_2890, %add3A_7, %sub3A_2893 : vector<16xi1>, vector<16xi32>
    tpu.vector_store_idx %arg7[%select_n3A_2887], %add3A_2814 : memref<560xi32, #tpu.memory_space<vmem>>[vector<16xi32>], vector<16xi32>,
    tpu.vector_store_idx %arg8[%select_n3A_2894], %add3A_2814 : memref<560xi32, #tpu.memory_space<vmem>>[vector<16xi32>], vector<16xi32>,
    %ne3A_2895 = arith.constant 0 : i32
    %ne3A_2896 = vector.broadcast %ne3A_2895 : i32 to vector<16xi32>
    %ne3A_2897 = arith.cmpi ne, %get3A_2810, %ne3A_2896 : vector<16xi32>
    %jit3A_2898 = arith.constant 528 : i32
    %broadcast_in_dim3A_2899 = vector.broadcast %jit3A_2898 : i32 to vector<16xi32>
    %select_n3A_2900 = arith.select %ne3A_2897, %broadcast_in_dim3A_2899, %add3A_7 : vector<16xi1>, vector<16xi32>
    tpu.vector_store_idx %arg7[%select_n3A_2900], %add3A_2814 : memref<560xi32, #tpu.memory_space<vmem>>[vector<16xi32>], vector<16xi32>,
    %ne3A_2901 = arith.constant 0 : i32
    %ne3A_2902 = vector.broadcast %ne3A_2901 : i32 to vector<16xi32>
    %ne3A_2903 = arith.cmpi ne, %get3A_2810, %ne3A_2902 : vector<16xi32>
    %jit3A_2904 = arith.constant 528 : i32
    %broadcast_in_dim3A_2905 = vector.broadcast %jit3A_2904 : i32 to vector<16xi32>
    %select_n3A_2906 = arith.select %ne3A_2903, %add3A_7, %broadcast_in_dim3A_2905 : vector<16xi1>, vector<16xi32>
    tpu.vector_store_idx %arg8[%select_n3A_2906], %add3A_2814 : memref<560xi32, #tpu.memory_space<vmem>>[vector<16xi32>], vector<16xi32>,
    %slice3A_2907 = vector.extract_strided_slice %select_n3A_2878 {offsets = [15], sizes = [1], strides = [1]} : vector<16xi32> to vector<1xi32>
    %squeeze3A_2908 = vector.extract %slice3A_2907[0] : i32 from vector<1xi32>
    %add3A_2909 = arith.addi %add3A_2805, %squeeze3A_2908 : i32
    %sub3A_2910 = arith.constant 16 : i32
    %sub3A_2911 = arith.subi %sub3A_2910, %squeeze3A_2908 : i32
    %add3A_2912 = arith.addi %add3A_2808, %sub3A_2911 : i32
    %get3A_2913 = arith.constant 448 : index
    %get3A_2914 = tpu.vector_load %arg6[%get3A_2913] {strides = array<i32>} : memref<512xi32, #tpu.memory_space<vmem>>, vector<16xi32>,
    %add3A_2915 = arith.constant 448 : i32
    %add3A_2916 = arith.addi %mul3A_2, %add3A_2915 : i32
    %add3A_2917 = vector.broadcast %add3A_2916 : i32 to vector<16xi32>
    %add3A_2918 = arith.addi %iota3A, %add3A_2917 : vector<16xi32>
    %ne3A_2919 = arith.constant 0 : i32
    %ne3A_2920 = vector.broadcast %ne3A_2919 : i32 to vector<16xi32>
    %ne3A_2921 = arith.cmpi ne, %get3A_2914, %ne3A_2920 : vector<16xi32>
    %jit3A_2922 = arith.constant 1 : i32
    %jit3A_2923 = arith.constant 0 : i32
    %broadcast_in_dim3A_2924 = vector.broadcast %jit3A_2922 : i32 to vector<16xi32>
    %broadcast_in_dim3A_2925 = vector.broadcast %jit3A_2923 : i32 to vector<16xi32>
    %select_n3A_2926 = arith.select %ne3A_2921, %broadcast_in_dim3A_2924, %broadcast_in_dim3A_2925 : vector<16xi1>, vector<16xi32>
    %sub3A_2927 = arith.constant 1 : i32
    %sub3A_2928 = vector.broadcast %sub3A_2927 : i32 to vector<16xi32>
    %sub3A_2929 = arith.subi %iota3A, %sub3A_2928 : vector<16xi32>
    %max3A_2930 = arith.constant 0 : i32
    %max3A_2931 = vector.broadcast %max3A_2930 : i32 to vector<16xi32>
    %max3A_2932 = arith.maxsi %sub3A_2929, %max3A_2931 : vector<16xi32>
    %broadcast_in_dim3A_2933 = vector.shape_cast %max3A_2932 : vector<16xi32> to vector<16x1xi32>
    %gather3A_2934 = vector.shape_cast %broadcast_in_dim3A_2933 : vector<16x1xi32> to vector<16xi32>
    %gather3A_2935 = tpu.dynamic_gather %select_n3A_2926[%gather3A_2934] in [0] : vector<16xi32>, vector<16xi32> -> vector<16xi32>
    %ge3A_2936 = arith.constant 1 : i32
    %ge3A_2937 = vector.broadcast %ge3A_2936 : i32 to vector<16xi32>
    %ge3A_2938 = arith.cmpi sge, %iota3A, %ge3A_2937 : vector<16xi32>
    %add3A_2939 = arith.addi %select_n3A_2926, %gather3A_2935 : vector<16xi32>
    %select_n3A_2940 = arith.select %ge3A_2938, %add3A_2939, %select_n3A_2926 : vector<16xi1>, vector<16xi32>
    %sub3A_2941 = arith.constant 2 : i32
    %sub3A_2942 = vector.broadcast %sub3A_2941 : i32 to vector<16xi32>
    %sub3A_2943 = arith.subi %iota3A, %sub3A_2942 : vector<16xi32>
    %max3A_2944 = arith.constant 0 : i32
    %max3A_2945 = vector.broadcast %max3A_2944 : i32 to vector<16xi32>
    %max3A_2946 = arith.maxsi %sub3A_2943, %max3A_2945 : vector<16xi32>
    %broadcast_in_dim3A_2947 = vector.shape_cast %max3A_2946 : vector<16xi32> to vector<16x1xi32>
    %gather3A_2948 = vector.shape_cast %broadcast_in_dim3A_2947 : vector<16x1xi32> to vector<16xi32>
    %gather3A_2949 = tpu.dynamic_gather %select_n3A_2940[%gather3A_2948] in [0] : vector<16xi32>, vector<16xi32> -> vector<16xi32>
    %ge3A_2950 = arith.constant 2 : i32
    %ge3A_2951 = vector.broadcast %ge3A_2950 : i32 to vector<16xi32>
    %ge3A_2952 = arith.cmpi sge, %iota3A, %ge3A_2951 : vector<16xi32>
    %add3A_2953 = arith.addi %select_n3A_2940, %gather3A_2949 : vector<16xi32>
    %select_n3A_2954 = arith.select %ge3A_2952, %add3A_2953, %select_n3A_2940 : vector<16xi1>, vector<16xi32>
    %sub3A_2955 = arith.constant 4 : i32
    %sub3A_2956 = vector.broadcast %sub3A_2955 : i32 to vector<16xi32>
    %sub3A_2957 = arith.subi %iota3A, %sub3A_2956 : vector<16xi32>
    %max3A_2958 = arith.constant 0 : i32
    %max3A_2959 = vector.broadcast %max3A_2958 : i32 to vector<16xi32>
    %max3A_2960 = arith.maxsi %sub3A_2957, %max3A_2959 : vector<16xi32>
    %broadcast_in_dim3A_2961 = vector.shape_cast %max3A_2960 : vector<16xi32> to vector<16x1xi32>
    %gather3A_2962 = vector.shape_cast %broadcast_in_dim3A_2961 : vector<16x1xi32> to vector<16xi32>
    %gather3A_2963 = tpu.dynamic_gather %select_n3A_2954[%gather3A_2962] in [0] : vector<16xi32>, vector<16xi32> -> vector<16xi32>
    %ge3A_2964 = arith.constant 4 : i32
    %ge3A_2965 = vector.broadcast %ge3A_2964 : i32 to vector<16xi32>
    %ge3A_2966 = arith.cmpi sge, %iota3A, %ge3A_2965 : vector<16xi32>
    %add3A_2967 = arith.addi %select_n3A_2954, %gather3A_2963 : vector<16xi32>
    %select_n3A_2968 = arith.select %ge3A_2966, %add3A_2967, %select_n3A_2954 : vector<16xi1>, vector<16xi32>
    %sub3A_2969 = arith.constant 8 : i32
    %sub3A_2970 = vector.broadcast %sub3A_2969 : i32 to vector<16xi32>
    %sub3A_2971 = arith.subi %iota3A, %sub3A_2970 : vector<16xi32>
    %max3A_2972 = arith.constant 0 : i32
    %max3A_2973 = vector.broadcast %max3A_2972 : i32 to vector<16xi32>
    %max3A_2974 = arith.maxsi %sub3A_2971, %max3A_2973 : vector<16xi32>
    %broadcast_in_dim3A_2975 = vector.shape_cast %max3A_2974 : vector<16xi32> to vector<16x1xi32>
    %gather3A_2976 = vector.shape_cast %broadcast_in_dim3A_2975 : vector<16x1xi32> to vector<16xi32>
    %gather3A_2977 = tpu.dynamic_gather %select_n3A_2968[%gather3A_2976] in [0] : vector<16xi32>, vector<16xi32> -> vector<16xi32>
    %ge3A_2978 = arith.constant 8 : i32
    %ge3A_2979 = vector.broadcast %ge3A_2978 : i32 to vector<16xi32>
    %ge3A_2980 = arith.cmpi sge, %iota3A, %ge3A_2979 : vector<16xi32>
    %add3A_2981 = arith.addi %select_n3A_2968, %gather3A_2977 : vector<16xi32>
    %select_n3A_2982 = arith.select %ge3A_2980, %add3A_2981, %select_n3A_2968 : vector<16xi1>, vector<16xi32>
    %ne3A_2983 = arith.constant 0 : i32
    %ne3A_2984 = vector.broadcast %ne3A_2983 : i32 to vector<16xi32>
    %ne3A_2985 = arith.cmpi ne, %get3A_2914, %ne3A_2984 : vector<16xi32>
    %add3A_2986 = vector.broadcast %add3A_2909 : i32 to vector<16xi32>
    %add3A_2987 = arith.addi %add3A_2986, %select_n3A_2982 : vector<16xi32>
    %sub3A_2988 = arith.constant 1 : i32
    %sub3A_2989 = vector.broadcast %sub3A_2988 : i32 to vector<16xi32>
    %sub3A_2990 = arith.subi %add3A_2987, %sub3A_2989 : vector<16xi32>
    %select_n3A_2991 = arith.select %ne3A_2985, %sub3A_2990, %add3A_7 : vector<16xi1>, vector<16xi32>
    %ne3A_2992 = arith.constant 0 : i32
    %ne3A_2993 = vector.broadcast %ne3A_2992 : i32 to vector<16xi32>
    %ne3A_2994 = arith.cmpi ne, %get3A_2914, %ne3A_2993 : vector<16xi32>
    %add3A_2995 = vector.broadcast %add3A_2912 : i32 to vector<16xi32>
    %add3A_2996 = arith.addi %add3A_2995, %iota3A : vector<16xi32>
    %sub3A_2997 = arith.subi %add3A_2996, %select_n3A_2982 : vector<16xi32>
    %select_n3A_2998 = arith.select %ne3A_2994, %add3A_7, %sub3A_2997 : vector<16xi1>, vector<16xi32>
    tpu.vector_store_idx %arg7[%select_n3A_2991], %add3A_2918 : memref<560xi32, #tpu.memory_space<vmem>>[vector<16xi32>], vector<16xi32>,
    tpu.vector_store_idx %arg8[%select_n3A_2998], %add3A_2918 : memref<560xi32, #tpu.memory_space<vmem>>[vector<16xi32>], vector<16xi32>,
    %ne3A_2999 = arith.constant 0 : i32
    %ne3A_3000 = vector.broadcast %ne3A_2999 : i32 to vector<16xi32>
    %ne3A_3001 = arith.cmpi ne, %get3A_2914, %ne3A_3000 : vector<16xi32>
    %jit3A_3002 = arith.constant 528 : i32
    %broadcast_in_dim3A_3003 = vector.broadcast %jit3A_3002 : i32 to vector<16xi32>
    %select_n3A_3004 = arith.select %ne3A_3001, %broadcast_in_dim3A_3003, %add3A_7 : vector<16xi1>, vector<16xi32>
    tpu.vector_store_idx %arg7[%select_n3A_3004], %add3A_2918 : memref<560xi32, #tpu.memory_space<vmem>>[vector<16xi32>], vector<16xi32>,
    %ne3A_3005 = arith.constant 0 : i32
    %ne3A_3006 = vector.broadcast %ne3A_3005 : i32 to vector<16xi32>
    %ne3A_3007 = arith.cmpi ne, %get3A_2914, %ne3A_3006 : vector<16xi32>
    %jit3A_3008 = arith.constant 528 : i32
    %broadcast_in_dim3A_3009 = vector.broadcast %jit3A_3008 : i32 to vector<16xi32>
    %select_n3A_3010 = arith.select %ne3A_3007, %add3A_7, %broadcast_in_dim3A_3009 : vector<16xi1>, vector<16xi32>
    tpu.vector_store_idx %arg8[%select_n3A_3010], %add3A_2918 : memref<560xi32, #tpu.memory_space<vmem>>[vector<16xi32>], vector<16xi32>,
    %slice3A_3011 = vector.extract_strided_slice %select_n3A_2982 {offsets = [15], sizes = [1], strides = [1]} : vector<16xi32> to vector<1xi32>
    %squeeze3A_3012 = vector.extract %slice3A_3011[0] : i32 from vector<1xi32>
    %add3A_3013 = arith.addi %add3A_2909, %squeeze3A_3012 : i32
    %sub3A_3014 = arith.constant 16 : i32
    %sub3A_3015 = arith.subi %sub3A_3014, %squeeze3A_3012 : i32
    %add3A_3016 = arith.addi %add3A_2912, %sub3A_3015 : i32
    %get3A_3017 = arith.constant 464 : index
    %get3A_3018 = tpu.vector_load %arg6[%get3A_3017] {strides = array<i32>} : memref<512xi32, #tpu.memory_space<vmem>>, vector<16xi32>,
    %add3A_3019 = arith.constant 464 : i32
    %add3A_3020 = arith.addi %mul3A_2, %add3A_3019 : i32
    %add3A_3021 = vector.broadcast %add3A_3020 : i32 to vector<16xi32>
    %add3A_3022 = arith.addi %iota3A, %add3A_3021 : vector<16xi32>
    %ne3A_3023 = arith.constant 0 : i32
    %ne3A_3024 = vector.broadcast %ne3A_3023 : i32 to vector<16xi32>
    %ne3A_3025 = arith.cmpi ne, %get3A_3018, %ne3A_3024 : vector<16xi32>
    %jit3A_3026 = arith.constant 1 : i32
    %jit3A_3027 = arith.constant 0 : i32
    %broadcast_in_dim3A_3028 = vector.broadcast %jit3A_3026 : i32 to vector<16xi32>
    %broadcast_in_dim3A_3029 = vector.broadcast %jit3A_3027 : i32 to vector<16xi32>
    %select_n3A_3030 = arith.select %ne3A_3025, %broadcast_in_dim3A_3028, %broadcast_in_dim3A_3029 : vector<16xi1>, vector<16xi32>
    %sub3A_3031 = arith.constant 1 : i32
    %sub3A_3032 = vector.broadcast %sub3A_3031 : i32 to vector<16xi32>
    %sub3A_3033 = arith.subi %iota3A, %sub3A_3032 : vector<16xi32>
    %max3A_3034 = arith.constant 0 : i32
    %max3A_3035 = vector.broadcast %max3A_3034 : i32 to vector<16xi32>
    %max3A_3036 = arith.maxsi %sub3A_3033, %max3A_3035 : vector<16xi32>
    %broadcast_in_dim3A_3037 = vector.shape_cast %max3A_3036 : vector<16xi32> to vector<16x1xi32>
    %gather3A_3038 = vector.shape_cast %broadcast_in_dim3A_3037 : vector<16x1xi32> to vector<16xi32>
    %gather3A_3039 = tpu.dynamic_gather %select_n3A_3030[%gather3A_3038] in [0] : vector<16xi32>, vector<16xi32> -> vector<16xi32>
    %ge3A_3040 = arith.constant 1 : i32
    %ge3A_3041 = vector.broadcast %ge3A_3040 : i32 to vector<16xi32>
    %ge3A_3042 = arith.cmpi sge, %iota3A, %ge3A_3041 : vector<16xi32>
    %add3A_3043 = arith.addi %select_n3A_3030, %gather3A_3039 : vector<16xi32>
    %select_n3A_3044 = arith.select %ge3A_3042, %add3A_3043, %select_n3A_3030 : vector<16xi1>, vector<16xi32>
    %sub3A_3045 = arith.constant 2 : i32
    %sub3A_3046 = vector.broadcast %sub3A_3045 : i32 to vector<16xi32>
    %sub3A_3047 = arith.subi %iota3A, %sub3A_3046 : vector<16xi32>
    %max3A_3048 = arith.constant 0 : i32
    %max3A_3049 = vector.broadcast %max3A_3048 : i32 to vector<16xi32>
    %max3A_3050 = arith.maxsi %sub3A_3047, %max3A_3049 : vector<16xi32>
    %broadcast_in_dim3A_3051 = vector.shape_cast %max3A_3050 : vector<16xi32> to vector<16x1xi32>
    %gather3A_3052 = vector.shape_cast %broadcast_in_dim3A_3051 : vector<16x1xi32> to vector<16xi32>
    %gather3A_3053 = tpu.dynamic_gather %select_n3A_3044[%gather3A_3052] in [0] : vector<16xi32>, vector<16xi32> -> vector<16xi32>
    %ge3A_3054 = arith.constant 2 : i32
    %ge3A_3055 = vector.broadcast %ge3A_3054 : i32 to vector<16xi32>
    %ge3A_3056 = arith.cmpi sge, %iota3A, %ge3A_3055 : vector<16xi32>
    %add3A_3057 = arith.addi %select_n3A_3044, %gather3A_3053 : vector<16xi32>
    %select_n3A_3058 = arith.select %ge3A_3056, %add3A_3057, %select_n3A_3044 : vector<16xi1>, vector<16xi32>
    %sub3A_3059 = arith.constant 4 : i32
    %sub3A_3060 = vector.broadcast %sub3A_3059 : i32 to vector<16xi32>
    %sub3A_3061 = arith.subi %iota3A, %sub3A_3060 : vector<16xi32>
    %max3A_3062 = arith.constant 0 : i32
    %max3A_3063 = vector.broadcast %max3A_3062 : i32 to vector<16xi32>
    %max3A_3064 = arith.maxsi %sub3A_3061, %max3A_3063 : vector<16xi32>
    %broadcast_in_dim3A_3065 = vector.shape_cast %max3A_3064 : vector<16xi32> to vector<16x1xi32>
    %gather3A_3066 = vector.shape_cast %broadcast_in_dim3A_3065 : vector<16x1xi32> to vector<16xi32>
    %gather3A_3067 = tpu.dynamic_gather %select_n3A_3058[%gather3A_3066] in [0] : vector<16xi32>, vector<16xi32> -> vector<16xi32>
    %ge3A_3068 = arith.constant 4 : i32
    %ge3A_3069 = vector.broadcast %ge3A_3068 : i32 to vector<16xi32>
    %ge3A_3070 = arith.cmpi sge, %iota3A, %ge3A_3069 : vector<16xi32>
    %add3A_3071 = arith.addi %select_n3A_3058, %gather3A_3067 : vector<16xi32>
    %select_n3A_3072 = arith.select %ge3A_3070, %add3A_3071, %select_n3A_3058 : vector<16xi1>, vector<16xi32>
    %sub3A_3073 = arith.constant 8 : i32
    %sub3A_3074 = vector.broadcast %sub3A_3073 : i32 to vector<16xi32>
    %sub3A_3075 = arith.subi %iota3A, %sub3A_3074 : vector<16xi32>
    %max3A_3076 = arith.constant 0 : i32
    %max3A_3077 = vector.broadcast %max3A_3076 : i32 to vector<16xi32>
    %max3A_3078 = arith.maxsi %sub3A_3075, %max3A_3077 : vector<16xi32>
    %broadcast_in_dim3A_3079 = vector.shape_cast %max3A_3078 : vector<16xi32> to vector<16x1xi32>
    %gather3A_3080 = vector.shape_cast %broadcast_in_dim3A_3079 : vector<16x1xi32> to vector<16xi32>
    %gather3A_3081 = tpu.dynamic_gather %select_n3A_3072[%gather3A_3080] in [0] : vector<16xi32>, vector<16xi32> -> vector<16xi32>
    %ge3A_3082 = arith.constant 8 : i32
    %ge3A_3083 = vector.broadcast %ge3A_3082 : i32 to vector<16xi32>
    %ge3A_3084 = arith.cmpi sge, %iota3A, %ge3A_3083 : vector<16xi32>
    %add3A_3085 = arith.addi %select_n3A_3072, %gather3A_3081 : vector<16xi32>
    %select_n3A_3086 = arith.select %ge3A_3084, %add3A_3085, %select_n3A_3072 : vector<16xi1>, vector<16xi32>
    %ne3A_3087 = arith.constant 0 : i32
    %ne3A_3088 = vector.broadcast %ne3A_3087 : i32 to vector<16xi32>
    %ne3A_3089 = arith.cmpi ne, %get3A_3018, %ne3A_3088 : vector<16xi32>
    %add3A_3090 = vector.broadcast %add3A_3013 : i32 to vector<16xi32>
    %add3A_3091 = arith.addi %add3A_3090, %select_n3A_3086 : vector<16xi32>
    %sub3A_3092 = arith.constant 1 : i32
    %sub3A_3093 = vector.broadcast %sub3A_3092 : i32 to vector<16xi32>
    %sub3A_3094 = arith.subi %add3A_3091, %sub3A_3093 : vector<16xi32>
    %select_n3A_3095 = arith.select %ne3A_3089, %sub3A_3094, %add3A_7 : vector<16xi1>, vector<16xi32>
    %ne3A_3096 = arith.constant 0 : i32
    %ne3A_3097 = vector.broadcast %ne3A_3096 : i32 to vector<16xi32>
    %ne3A_3098 = arith.cmpi ne, %get3A_3018, %ne3A_3097 : vector<16xi32>
    %add3A_3099 = vector.broadcast %add3A_3016 : i32 to vector<16xi32>
    %add3A_3100 = arith.addi %add3A_3099, %iota3A : vector<16xi32>
    %sub3A_3101 = arith.subi %add3A_3100, %select_n3A_3086 : vector<16xi32>
    %select_n3A_3102 = arith.select %ne3A_3098, %add3A_7, %sub3A_3101 : vector<16xi1>, vector<16xi32>
    tpu.vector_store_idx %arg7[%select_n3A_3095], %add3A_3022 : memref<560xi32, #tpu.memory_space<vmem>>[vector<16xi32>], vector<16xi32>,
    tpu.vector_store_idx %arg8[%select_n3A_3102], %add3A_3022 : memref<560xi32, #tpu.memory_space<vmem>>[vector<16xi32>], vector<16xi32>,
    %ne3A_3103 = arith.constant 0 : i32
    %ne3A_3104 = vector.broadcast %ne3A_3103 : i32 to vector<16xi32>
    %ne3A_3105 = arith.cmpi ne, %get3A_3018, %ne3A_3104 : vector<16xi32>
    %jit3A_3106 = arith.constant 528 : i32
    %broadcast_in_dim3A_3107 = vector.broadcast %jit3A_3106 : i32 to vector<16xi32>
    %select_n3A_3108 = arith.select %ne3A_3105, %broadcast_in_dim3A_3107, %add3A_7 : vector<16xi1>, vector<16xi32>
    tpu.vector_store_idx %arg7[%select_n3A_3108], %add3A_3022 : memref<560xi32, #tpu.memory_space<vmem>>[vector<16xi32>], vector<16xi32>,
    %ne3A_3109 = arith.constant 0 : i32
    %ne3A_3110 = vector.broadcast %ne3A_3109 : i32 to vector<16xi32>
    %ne3A_3111 = arith.cmpi ne, %get3A_3018, %ne3A_3110 : vector<16xi32>
    %jit3A_3112 = arith.constant 528 : i32
    %broadcast_in_dim3A_3113 = vector.broadcast %jit3A_3112 : i32 to vector<16xi32>
    %select_n3A_3114 = arith.select %ne3A_3111, %add3A_7, %broadcast_in_dim3A_3113 : vector<16xi1>, vector<16xi32>
    tpu.vector_store_idx %arg8[%select_n3A_3114], %add3A_3022 : memref<560xi32, #tpu.memory_space<vmem>>[vector<16xi32>], vector<16xi32>,
    %slice3A_3115 = vector.extract_strided_slice %select_n3A_3086 {offsets = [15], sizes = [1], strides = [1]} : vector<16xi32> to vector<1xi32>
    %squeeze3A_3116 = vector.extract %slice3A_3115[0] : i32 from vector<1xi32>
    %add3A_3117 = arith.addi %add3A_3013, %squeeze3A_3116 : i32
    %sub3A_3118 = arith.constant 16 : i32
    %sub3A_3119 = arith.subi %sub3A_3118, %squeeze3A_3116 : i32
    %add3A_3120 = arith.addi %add3A_3016, %sub3A_3119 : i32
    %get3A_3121 = arith.constant 480 : index
    %get3A_3122 = tpu.vector_load %arg6[%get3A_3121] {strides = array<i32>} : memref<512xi32, #tpu.memory_space<vmem>>, vector<16xi32>,
    %add3A_3123 = arith.constant 480 : i32
    %add3A_3124 = arith.addi %mul3A_2, %add3A_3123 : i32
    %add3A_3125 = vector.broadcast %add3A_3124 : i32 to vector<16xi32>
    %add3A_3126 = arith.addi %iota3A, %add3A_3125 : vector<16xi32>
    %ne3A_3127 = arith.constant 0 : i32
    %ne3A_3128 = vector.broadcast %ne3A_3127 : i32 to vector<16xi32>
    %ne3A_3129 = arith.cmpi ne, %get3A_3122, %ne3A_3128 : vector<16xi32>
    %jit3A_3130 = arith.constant 1 : i32
    %jit3A_3131 = arith.constant 0 : i32
    %broadcast_in_dim3A_3132 = vector.broadcast %jit3A_3130 : i32 to vector<16xi32>
    %broadcast_in_dim3A_3133 = vector.broadcast %jit3A_3131 : i32 to vector<16xi32>
    %select_n3A_3134 = arith.select %ne3A_3129, %broadcast_in_dim3A_3132, %broadcast_in_dim3A_3133 : vector<16xi1>, vector<16xi32>
    %sub3A_3135 = arith.constant 1 : i32
    %sub3A_3136 = vector.broadcast %sub3A_3135 : i32 to vector<16xi32>
    %sub3A_3137 = arith.subi %iota3A, %sub3A_3136 : vector<16xi32>
    %max3A_3138 = arith.constant 0 : i32
    %max3A_3139 = vector.broadcast %max3A_3138 : i32 to vector<16xi32>
    %max3A_3140 = arith.maxsi %sub3A_3137, %max3A_3139 : vector<16xi32>
    %broadcast_in_dim3A_3141 = vector.shape_cast %max3A_3140 : vector<16xi32> to vector<16x1xi32>
    %gather3A_3142 = vector.shape_cast %broadcast_in_dim3A_3141 : vector<16x1xi32> to vector<16xi32>
    %gather3A_3143 = tpu.dynamic_gather %select_n3A_3134[%gather3A_3142] in [0] : vector<16xi32>, vector<16xi32> -> vector<16xi32>
    %ge3A_3144 = arith.constant 1 : i32
    %ge3A_3145 = vector.broadcast %ge3A_3144 : i32 to vector<16xi32>
    %ge3A_3146 = arith.cmpi sge, %iota3A, %ge3A_3145 : vector<16xi32>
    %add3A_3147 = arith.addi %select_n3A_3134, %gather3A_3143 : vector<16xi32>
    %select_n3A_3148 = arith.select %ge3A_3146, %add3A_3147, %select_n3A_3134 : vector<16xi1>, vector<16xi32>
    %sub3A_3149 = arith.constant 2 : i32
    %sub3A_3150 = vector.broadcast %sub3A_3149 : i32 to vector<16xi32>
    %sub3A_3151 = arith.subi %iota3A, %sub3A_3150 : vector<16xi32>
    %max3A_3152 = arith.constant 0 : i32
    %max3A_3153 = vector.broadcast %max3A_3152 : i32 to vector<16xi32>
    %max3A_3154 = arith.maxsi %sub3A_3151, %max3A_3153 : vector<16xi32>
    %broadcast_in_dim3A_3155 = vector.shape_cast %max3A_3154 : vector<16xi32> to vector<16x1xi32>
    %gather3A_3156 = vector.shape_cast %broadcast_in_dim3A_3155 : vector<16x1xi32> to vector<16xi32>
    %gather3A_3157 = tpu.dynamic_gather %select_n3A_3148[%gather3A_3156] in [0] : vector<16xi32>, vector<16xi32> -> vector<16xi32>
    %ge3A_3158 = arith.constant 2 : i32
    %ge3A_3159 = vector.broadcast %ge3A_3158 : i32 to vector<16xi32>
    %ge3A_3160 = arith.cmpi sge, %iota3A, %ge3A_3159 : vector<16xi32>
    %add3A_3161 = arith.addi %select_n3A_3148, %gather3A_3157 : vector<16xi32>
    %select_n3A_3162 = arith.select %ge3A_3160, %add3A_3161, %select_n3A_3148 : vector<16xi1>, vector<16xi32>
    %sub3A_3163 = arith.constant 4 : i32
    %sub3A_3164 = vector.broadcast %sub3A_3163 : i32 to vector<16xi32>
    %sub3A_3165 = arith.subi %iota3A, %sub3A_3164 : vector<16xi32>
    %max3A_3166 = arith.constant 0 : i32
    %max3A_3167 = vector.broadcast %max3A_3166 : i32 to vector<16xi32>
    %max3A_3168 = arith.maxsi %sub3A_3165, %max3A_3167 : vector<16xi32>
    %broadcast_in_dim3A_3169 = vector.shape_cast %max3A_3168 : vector<16xi32> to vector<16x1xi32>
    %gather3A_3170 = vector.shape_cast %broadcast_in_dim3A_3169 : vector<16x1xi32> to vector<16xi32>
    %gather3A_3171 = tpu.dynamic_gather %select_n3A_3162[%gather3A_3170] in [0] : vector<16xi32>, vector<16xi32> -> vector<16xi32>
    %ge3A_3172 = arith.constant 4 : i32
    %ge3A_3173 = vector.broadcast %ge3A_3172 : i32 to vector<16xi32>
    %ge3A_3174 = arith.cmpi sge, %iota3A, %ge3A_3173 : vector<16xi32>
    %add3A_3175 = arith.addi %select_n3A_3162, %gather3A_3171 : vector<16xi32>
    %select_n3A_3176 = arith.select %ge3A_3174, %add3A_3175, %select_n3A_3162 : vector<16xi1>, vector<16xi32>
    %sub3A_3177 = arith.constant 8 : i32
    %sub3A_3178 = vector.broadcast %sub3A_3177 : i32 to vector<16xi32>
    %sub3A_3179 = arith.subi %iota3A, %sub3A_3178 : vector<16xi32>
    %max3A_3180 = arith.constant 0 : i32
    %max3A_3181 = vector.broadcast %max3A_3180 : i32 to vector<16xi32>
    %max3A_3182 = arith.maxsi %sub3A_3179, %max3A_3181 : vector<16xi32>
    %broadcast_in_dim3A_3183 = vector.shape_cast %max3A_3182 : vector<16xi32> to vector<16x1xi32>
    %gather3A_3184 = vector.shape_cast %broadcast_in_dim3A_3183 : vector<16x1xi32> to vector<16xi32>
    %gather3A_3185 = tpu.dynamic_gather %select_n3A_3176[%gather3A_3184] in [0] : vector<16xi32>, vector<16xi32> -> vector<16xi32>
    %ge3A_3186 = arith.constant 8 : i32
    %ge3A_3187 = vector.broadcast %ge3A_3186 : i32 to vector<16xi32>
    %ge3A_3188 = arith.cmpi sge, %iota3A, %ge3A_3187 : vector<16xi32>
    %add3A_3189 = arith.addi %select_n3A_3176, %gather3A_3185 : vector<16xi32>
    %select_n3A_3190 = arith.select %ge3A_3188, %add3A_3189, %select_n3A_3176 : vector<16xi1>, vector<16xi32>
    %ne3A_3191 = arith.constant 0 : i32
    %ne3A_3192 = vector.broadcast %ne3A_3191 : i32 to vector<16xi32>
    %ne3A_3193 = arith.cmpi ne, %get3A_3122, %ne3A_3192 : vector<16xi32>
    %add3A_3194 = vector.broadcast %add3A_3117 : i32 to vector<16xi32>
    %add3A_3195 = arith.addi %add3A_3194, %select_n3A_3190 : vector<16xi32>
    %sub3A_3196 = arith.constant 1 : i32
    %sub3A_3197 = vector.broadcast %sub3A_3196 : i32 to vector<16xi32>
    %sub3A_3198 = arith.subi %add3A_3195, %sub3A_3197 : vector<16xi32>
    %select_n3A_3199 = arith.select %ne3A_3193, %sub3A_3198, %add3A_7 : vector<16xi1>, vector<16xi32>
    %ne3A_3200 = arith.constant 0 : i32
    %ne3A_3201 = vector.broadcast %ne3A_3200 : i32 to vector<16xi32>
    %ne3A_3202 = arith.cmpi ne, %get3A_3122, %ne3A_3201 : vector<16xi32>
    %add3A_3203 = vector.broadcast %add3A_3120 : i32 to vector<16xi32>
    %add3A_3204 = arith.addi %add3A_3203, %iota3A : vector<16xi32>
    %sub3A_3205 = arith.subi %add3A_3204, %select_n3A_3190 : vector<16xi32>
    %select_n3A_3206 = arith.select %ne3A_3202, %add3A_7, %sub3A_3205 : vector<16xi1>, vector<16xi32>
    tpu.vector_store_idx %arg7[%select_n3A_3199], %add3A_3126 : memref<560xi32, #tpu.memory_space<vmem>>[vector<16xi32>], vector<16xi32>,
    tpu.vector_store_idx %arg8[%select_n3A_3206], %add3A_3126 : memref<560xi32, #tpu.memory_space<vmem>>[vector<16xi32>], vector<16xi32>,
    %ne3A_3207 = arith.constant 0 : i32
    %ne3A_3208 = vector.broadcast %ne3A_3207 : i32 to vector<16xi32>
    %ne3A_3209 = arith.cmpi ne, %get3A_3122, %ne3A_3208 : vector<16xi32>
    %jit3A_3210 = arith.constant 528 : i32
    %broadcast_in_dim3A_3211 = vector.broadcast %jit3A_3210 : i32 to vector<16xi32>
    %select_n3A_3212 = arith.select %ne3A_3209, %broadcast_in_dim3A_3211, %add3A_7 : vector<16xi1>, vector<16xi32>
    tpu.vector_store_idx %arg7[%select_n3A_3212], %add3A_3126 : memref<560xi32, #tpu.memory_space<vmem>>[vector<16xi32>], vector<16xi32>,
    %ne3A_3213 = arith.constant 0 : i32
    %ne3A_3214 = vector.broadcast %ne3A_3213 : i32 to vector<16xi32>
    %ne3A_3215 = arith.cmpi ne, %get3A_3122, %ne3A_3214 : vector<16xi32>
    %jit3A_3216 = arith.constant 528 : i32
    %broadcast_in_dim3A_3217 = vector.broadcast %jit3A_3216 : i32 to vector<16xi32>
    %select_n3A_3218 = arith.select %ne3A_3215, %add3A_7, %broadcast_in_dim3A_3217 : vector<16xi1>, vector<16xi32>
    tpu.vector_store_idx %arg8[%select_n3A_3218], %add3A_3126 : memref<560xi32, #tpu.memory_space<vmem>>[vector<16xi32>], vector<16xi32>,
    %slice3A_3219 = vector.extract_strided_slice %select_n3A_3190 {offsets = [15], sizes = [1], strides = [1]} : vector<16xi32> to vector<1xi32>
    %squeeze3A_3220 = vector.extract %slice3A_3219[0] : i32 from vector<1xi32>
    %add3A_3221 = arith.addi %add3A_3117, %squeeze3A_3220 : i32
    %sub3A_3222 = arith.constant 16 : i32
    %sub3A_3223 = arith.subi %sub3A_3222, %squeeze3A_3220 : i32
    %add3A_3224 = arith.addi %add3A_3120, %sub3A_3223 : i32
    %get3A_3225 = arith.constant 496 : index
    %get3A_3226 = tpu.vector_load %arg6[%get3A_3225] {strides = array<i32>} : memref<512xi32, #tpu.memory_space<vmem>>, vector<16xi32>,
    %add3A_3227 = arith.constant 496 : i32
    %add3A_3228 = arith.addi %mul3A_2, %add3A_3227 : i32
    %add3A_3229 = vector.broadcast %add3A_3228 : i32 to vector<16xi32>
    %add3A_3230 = arith.addi %iota3A, %add3A_3229 : vector<16xi32>
    %ne3A_3231 = arith.constant 0 : i32
    %ne3A_3232 = vector.broadcast %ne3A_3231 : i32 to vector<16xi32>
    %ne3A_3233 = arith.cmpi ne, %get3A_3226, %ne3A_3232 : vector<16xi32>
    %jit3A_3234 = arith.constant 1 : i32
    %jit3A_3235 = arith.constant 0 : i32
    %broadcast_in_dim3A_3236 = vector.broadcast %jit3A_3234 : i32 to vector<16xi32>
    %broadcast_in_dim3A_3237 = vector.broadcast %jit3A_3235 : i32 to vector<16xi32>
    %select_n3A_3238 = arith.select %ne3A_3233, %broadcast_in_dim3A_3236, %broadcast_in_dim3A_3237 : vector<16xi1>, vector<16xi32>
    %sub3A_3239 = arith.constant 1 : i32
    %sub3A_3240 = vector.broadcast %sub3A_3239 : i32 to vector<16xi32>
    %sub3A_3241 = arith.subi %iota3A, %sub3A_3240 : vector<16xi32>
    %max3A_3242 = arith.constant 0 : i32
    %max3A_3243 = vector.broadcast %max3A_3242 : i32 to vector<16xi32>
    %max3A_3244 = arith.maxsi %sub3A_3241, %max3A_3243 : vector<16xi32>
    %broadcast_in_dim3A_3245 = vector.shape_cast %max3A_3244 : vector<16xi32> to vector<16x1xi32>
    %gather3A_3246 = vector.shape_cast %broadcast_in_dim3A_3245 : vector<16x1xi32> to vector<16xi32>
    %gather3A_3247 = tpu.dynamic_gather %select_n3A_3238[%gather3A_3246] in [0] : vector<16xi32>, vector<16xi32> -> vector<16xi32>
    %ge3A_3248 = arith.constant 1 : i32
    %ge3A_3249 = vector.broadcast %ge3A_3248 : i32 to vector<16xi32>
    %ge3A_3250 = arith.cmpi sge, %iota3A, %ge3A_3249 : vector<16xi32>
    %add3A_3251 = arith.addi %select_n3A_3238, %gather3A_3247 : vector<16xi32>
    %select_n3A_3252 = arith.select %ge3A_3250, %add3A_3251, %select_n3A_3238 : vector<16xi1>, vector<16xi32>
    %sub3A_3253 = arith.constant 2 : i32
    %sub3A_3254 = vector.broadcast %sub3A_3253 : i32 to vector<16xi32>
    %sub3A_3255 = arith.subi %iota3A, %sub3A_3254 : vector<16xi32>
    %max3A_3256 = arith.constant 0 : i32
    %max3A_3257 = vector.broadcast %max3A_3256 : i32 to vector<16xi32>
    %max3A_3258 = arith.maxsi %sub3A_3255, %max3A_3257 : vector<16xi32>
    %broadcast_in_dim3A_3259 = vector.shape_cast %max3A_3258 : vector<16xi32> to vector<16x1xi32>
    %gather3A_3260 = vector.shape_cast %broadcast_in_dim3A_3259 : vector<16x1xi32> to vector<16xi32>
    %gather3A_3261 = tpu.dynamic_gather %select_n3A_3252[%gather3A_3260] in [0] : vector<16xi32>, vector<16xi32> -> vector<16xi32>
    %ge3A_3262 = arith.constant 2 : i32
    %ge3A_3263 = vector.broadcast %ge3A_3262 : i32 to vector<16xi32>
    %ge3A_3264 = arith.cmpi sge, %iota3A, %ge3A_3263 : vector<16xi32>
    %add3A_3265 = arith.addi %select_n3A_3252, %gather3A_3261 : vector<16xi32>
    %select_n3A_3266 = arith.select %ge3A_3264, %add3A_3265, %select_n3A_3252 : vector<16xi1>, vector<16xi32>
    %sub3A_3267 = arith.constant 4 : i32
    %sub3A_3268 = vector.broadcast %sub3A_3267 : i32 to vector<16xi32>
    %sub3A_3269 = arith.subi %iota3A, %sub3A_3268 : vector<16xi32>
    %max3A_3270 = arith.constant 0 : i32
    %max3A_3271 = vector.broadcast %max3A_3270 : i32 to vector<16xi32>
    %max3A_3272 = arith.maxsi %sub3A_3269, %max3A_3271 : vector<16xi32>
    %broadcast_in_dim3A_3273 = vector.shape_cast %max3A_3272 : vector<16xi32> to vector<16x1xi32>
    %gather3A_3274 = vector.shape_cast %broadcast_in_dim3A_3273 : vector<16x1xi32> to vector<16xi32>
    %gather3A_3275 = tpu.dynamic_gather %select_n3A_3266[%gather3A_3274] in [0] : vector<16xi32>, vector<16xi32> -> vector<16xi32>
    %ge3A_3276 = arith.constant 4 : i32
    %ge3A_3277 = vector.broadcast %ge3A_3276 : i32 to vector<16xi32>
    %ge3A_3278 = arith.cmpi sge, %iota3A, %ge3A_3277 : vector<16xi32>
    %add3A_3279 = arith.addi %select_n3A_3266, %gather3A_3275 : vector<16xi32>
    %select_n3A_3280 = arith.select %ge3A_3278, %add3A_3279, %select_n3A_3266 : vector<16xi1>, vector<16xi32>
    %sub3A_3281 = arith.constant 8 : i32
    %sub3A_3282 = vector.broadcast %sub3A_3281 : i32 to vector<16xi32>
    %sub3A_3283 = arith.subi %iota3A, %sub3A_3282 : vector<16xi32>
    %max3A_3284 = arith.constant 0 : i32
    %max3A_3285 = vector.broadcast %max3A_3284 : i32 to vector<16xi32>
    %max3A_3286 = arith.maxsi %sub3A_3283, %max3A_3285 : vector<16xi32>
    %broadcast_in_dim3A_3287 = vector.shape_cast %max3A_3286 : vector<16xi32> to vector<16x1xi32>
    %gather3A_3288 = vector.shape_cast %broadcast_in_dim3A_3287 : vector<16x1xi32> to vector<16xi32>
    %gather3A_3289 = tpu.dynamic_gather %select_n3A_3280[%gather3A_3288] in [0] : vector<16xi32>, vector<16xi32> -> vector<16xi32>
    %ge3A_3290 = arith.constant 8 : i32
    %ge3A_3291 = vector.broadcast %ge3A_3290 : i32 to vector<16xi32>
    %ge3A_3292 = arith.cmpi sge, %iota3A, %ge3A_3291 : vector<16xi32>
    %add3A_3293 = arith.addi %select_n3A_3280, %gather3A_3289 : vector<16xi32>
    %select_n3A_3294 = arith.select %ge3A_3292, %add3A_3293, %select_n3A_3280 : vector<16xi1>, vector<16xi32>
    %ne3A_3295 = arith.constant 0 : i32
    %ne3A_3296 = vector.broadcast %ne3A_3295 : i32 to vector<16xi32>
    %ne3A_3297 = arith.cmpi ne, %get3A_3226, %ne3A_3296 : vector<16xi32>
    %add3A_3298 = vector.broadcast %add3A_3221 : i32 to vector<16xi32>
    %add3A_3299 = arith.addi %add3A_3298, %select_n3A_3294 : vector<16xi32>
    %sub3A_3300 = arith.constant 1 : i32
    %sub3A_3301 = vector.broadcast %sub3A_3300 : i32 to vector<16xi32>
    %sub3A_3302 = arith.subi %add3A_3299, %sub3A_3301 : vector<16xi32>
    %select_n3A_3303 = arith.select %ne3A_3297, %sub3A_3302, %add3A_7 : vector<16xi1>, vector<16xi32>
    %ne3A_3304 = arith.constant 0 : i32
    %ne3A_3305 = vector.broadcast %ne3A_3304 : i32 to vector<16xi32>
    %ne3A_3306 = arith.cmpi ne, %get3A_3226, %ne3A_3305 : vector<16xi32>
    %add3A_3307 = vector.broadcast %add3A_3224 : i32 to vector<16xi32>
    %add3A_3308 = arith.addi %add3A_3307, %iota3A : vector<16xi32>
    %sub3A_3309 = arith.subi %add3A_3308, %select_n3A_3294 : vector<16xi32>
    %select_n3A_3310 = arith.select %ne3A_3306, %add3A_7, %sub3A_3309 : vector<16xi1>, vector<16xi32>
    tpu.vector_store_idx %arg7[%select_n3A_3303], %add3A_3230 : memref<560xi32, #tpu.memory_space<vmem>>[vector<16xi32>], vector<16xi32>,
    tpu.vector_store_idx %arg8[%select_n3A_3310], %add3A_3230 : memref<560xi32, #tpu.memory_space<vmem>>[vector<16xi32>], vector<16xi32>,
    %ne3A_3311 = arith.constant 0 : i32
    %ne3A_3312 = vector.broadcast %ne3A_3311 : i32 to vector<16xi32>
    %ne3A_3313 = arith.cmpi ne, %get3A_3226, %ne3A_3312 : vector<16xi32>
    %jit3A_3314 = arith.constant 528 : i32
    %broadcast_in_dim3A_3315 = vector.broadcast %jit3A_3314 : i32 to vector<16xi32>
    %select_n3A_3316 = arith.select %ne3A_3313, %broadcast_in_dim3A_3315, %add3A_7 : vector<16xi1>, vector<16xi32>
    tpu.vector_store_idx %arg7[%select_n3A_3316], %add3A_3230 : memref<560xi32, #tpu.memory_space<vmem>>[vector<16xi32>], vector<16xi32>,
    %ne3A_3317 = arith.constant 0 : i32
    %ne3A_3318 = vector.broadcast %ne3A_3317 : i32 to vector<16xi32>
    %ne3A_3319 = arith.cmpi ne, %get3A_3226, %ne3A_3318 : vector<16xi32>
    %jit3A_3320 = arith.constant 528 : i32
    %broadcast_in_dim3A_3321 = vector.broadcast %jit3A_3320 : i32 to vector<16xi32>
    %select_n3A_3322 = arith.select %ne3A_3319, %add3A_7, %broadcast_in_dim3A_3321 : vector<16xi1>, vector<16xi32>
    tpu.vector_store_idx %arg8[%select_n3A_3322], %add3A_3230 : memref<560xi32, #tpu.memory_space<vmem>>[vector<16xi32>], vector<16xi32>,
    %slice3A_3323 = vector.extract_strided_slice %select_n3A_3294 {offsets = [15], sizes = [1], strides = [1]} : vector<16xi32> to vector<1xi32>
    %squeeze3A_3324 = vector.extract %slice3A_3323[0] : i32 from vector<1xi32>
    %add3A_3325 = arith.addi %add3A_3221, %squeeze3A_3324 : i32
    %sub3A_3326 = arith.constant 16 : i32
    %sub3A_3327 = arith.subi %sub3A_3326, %squeeze3A_3324 : i32
    %add3A_3328 = arith.addi %add3A_3224, %sub3A_3327 : i32
    %get3A_3329 = arith.constant 528 : index
    %get3A_3330 = tpu.vector_load %arg7[%get3A_3329] {strides = array<i32>} : memref<560xi32, #tpu.memory_space<vmem>>, vector<16xi32>,
    %slice3A_3331 = vector.extract_strided_slice %get3A_3330 {offsets = [0], sizes = [1], strides = [1]} : vector<16xi32> to vector<1xi32>
    %squeeze3A_3332 = vector.extract %slice3A_3331[0] : i32 from vector<1xi32>
    %broadcast_in_dim3A_3333 = vector.broadcast %squeeze3A_3332 : i32 to vector<16xi32>
    %get3A_3334 = arith.constant 528 : index
    %get3A_3335 = tpu.vector_load %arg8[%get3A_3334] {strides = array<i32>} : memref<560xi32, #tpu.memory_space<vmem>>, vector<16xi32>,
    %slice3A_3336 = vector.extract_strided_slice %get3A_3335 {offsets = [0], sizes = [1], strides = [1]} : vector<16xi32> to vector<1xi32>
    %squeeze3A_3337 = vector.extract %slice3A_3336[0] : i32 from vector<1xi32>
    %broadcast_in_dim3A_3338 = vector.broadcast %squeeze3A_3337 : i32 to vector<16xi32>
    %swap3A = arith.index_cast %add3A_3325 : i32 to index
    %swap3A_3339 = tpu.vector_load %arg7[%swap3A] {strides = array<i32>} : memref<560xi32, #tpu.memory_space<vmem>>, vector<16xi32>,
    tpu.vector_store %arg7[%swap3A], %broadcast_in_dim3A_3333 {strides = array<i32>} : memref<560xi32, #tpu.memory_space<vmem>>, vector<16xi32>,
    %swap3A_3340 = arith.index_cast %add3A_3328 : i32 to index
    %swap3A_3341 = tpu.vector_load %arg8[%swap3A_3340] {strides = array<i32>} : memref<560xi32, #tpu.memory_space<vmem>>, vector<16xi32>,
    tpu.vector_store %arg8[%swap3A_3340], %broadcast_in_dim3A_3338 {strides = array<i32>} : memref<560xi32, #tpu.memory_space<vmem>>, vector<16xi32>,
    %add3A_3342 = arith.constant 15 : i32
    %add3A_3343 = arith.addi %add3A_3325, %add3A_3342 : i32
    %shift_right_arithmetic3A = arith.constant 4 : i32
    %shift_right_arithmetic3A_3344 = arith.shrsi %add3A_3343, %shift_right_arithmetic3A : i32
    %shift_left3A = arith.constant 4 : i32
    %shift_left3A_3345 = arith.shli %shift_right_arithmetic3A_3344, %shift_left3A : i32
    %add3A_3346 = arith.constant 15 : i32
    %add3A_3347 = arith.addi %add3A_3328, %add3A_3346 : i32
    %shift_right_arithmetic3A_3348 = arith.constant 4 : i32
    %shift_right_arithmetic3A_3349 = arith.shrsi %add3A_3347, %shift_right_arithmetic3A_3348 : i32
    %shift_left3A_3350 = arith.constant 4 : i32
    %shift_left3A_3351 = arith.shli %shift_right_arithmetic3A_3349, %shift_left3A_3350 : i32
    %shift_right_arithmetic3A_3352 = arith.constant 4 : i32
    %shift_right_arithmetic3A_3353 = arith.shrsi %shift_left3A_3345, %shift_right_arithmetic3A_3352 : i32
    %while3A = arith.constant 0 : i32
    %while3A_3354 = arith.constant 0 : i32
    %while3A_3355 = arith.subi %shift_right_arithmetic3A_3353, %while3A_3354 : i32
    %while3A_3356 = arith.addi %while3A_3354, %while3A_3355 : i32
    %while3A_3357 = arith.constant 1 : i32
    %while3A_3358 = arith.divsi %while3A_3355, %while3A_3357 : i32
    %while3A_3359 = arith.muli %while3A_3358, %while3A_3357 : i32
    %while3A_3360 = arith.addi %while3A_3354, %while3A_3359 : i32
    %while3A_3361 = arith.constant 1 : i32
    scf.for %while3A_3554 = %while3A_3354 to %while3A_3360 step %while3A_3361  : i32 {
      %mul3A_3555 = arith.constant 16 : i32
      %mul3A_3556 = arith.muli %while3A_3554, %mul3A_3555 : i32
      %get3A_3557 = arith.index_cast %mul3A_3556 : i32 to index
      %get3A_3558 = tpu.vector_load %arg7[%get3A_3557] {strides = array<i32>} : memref<560xi32, #tpu.memory_space<vmem>>, vector<16xi32>,
      %add3A_3559 = arith.constant 0 : i32
      %add3A_3560 = vector.broadcast %add3A_3559 : i32 to vector<16xi32>
      %add3A_3561 = arith.addi %get3A_3558, %add3A_3560 : vector<16xi32>
      %mul3A_3562 = arith.constant 0 : i32
      %mul3A_3563 = arith.muli %mul3A_3562, %shift_left3A_3345 : i32
      %mul3A_3564 = arith.constant 16 : i32
      %mul3A_3565 = arith.muli %while3A_3554, %mul3A_3564 : i32
      %add3A_3566 = arith.addi %mul3A_3563, %mul3A_3565 : i32
      %swap3A_3567 = arith.index_cast %add3A_3566 : i32 to index
      %swap3A_3568 = tpu.vector_load %arg9[%swap3A_3567] {strides = array<i32>} : memref<13872xi32, #tpu.memory_space<vmem>>, vector<16xi32>,
      tpu.vector_store %arg9[%swap3A_3567], %add3A_3561 {strides = array<i32>} : memref<13872xi32, #tpu.memory_space<vmem>>, vector<16xi32>,
      %add3A_3569 = arith.constant 16384 : i32
      %add3A_3570 = vector.broadcast %add3A_3569 : i32 to vector<16xi32>
      %add3A_3571 = arith.addi %get3A_3558, %add3A_3570 : vector<16xi32>
      %mul3A_3572 = arith.constant 1 : i32
      %mul3A_3573 = arith.muli %mul3A_3572, %shift_left3A_3345 : i32
      %mul3A_3574 = arith.constant 16 : i32
      %mul3A_3575 = arith.muli %while3A_3554, %mul3A_3574 : i32
      %add3A_3576 = arith.addi %mul3A_3573, %mul3A_3575 : i32
      %swap3A_3577 = arith.index_cast %add3A_3576 : i32 to index
      %swap3A_3578 = tpu.vector_load %arg9[%swap3A_3577] {strides = array<i32>} : memref<13872xi32, #tpu.memory_space<vmem>>, vector<16xi32>,
      tpu.vector_store %arg9[%swap3A_3577], %add3A_3571 {strides = array<i32>} : memref<13872xi32, #tpu.memory_space<vmem>>, vector<16xi32>,
      %add3A_3579 = arith.constant 32768 : i32
      %add3A_3580 = vector.broadcast %add3A_3579 : i32 to vector<16xi32>
      %add3A_3581 = arith.addi %get3A_3558, %add3A_3580 : vector<16xi32>
      %mul3A_3582 = arith.constant 2 : i32
      %mul3A_3583 = arith.muli %mul3A_3582, %shift_left3A_3345 : i32
      %mul3A_3584 = arith.constant 16 : i32
      %mul3A_3585 = arith.muli %while3A_3554, %mul3A_3584 : i32
      %add3A_3586 = arith.addi %mul3A_3583, %mul3A_3585 : i32
      %swap3A_3587 = arith.index_cast %add3A_3586 : i32 to index
      %swap3A_3588 = tpu.vector_load %arg9[%swap3A_3587] {strides = array<i32>} : memref<13872xi32, #tpu.memory_space<vmem>>, vector<16xi32>,
      tpu.vector_store %arg9[%swap3A_3587], %add3A_3581 {strides = array<i32>} : memref<13872xi32, #tpu.memory_space<vmem>>, vector<16xi32>,
      %add3A_3589 = arith.constant 49152 : i32
      %add3A_3590 = vector.broadcast %add3A_3589 : i32 to vector<16xi32>
      %add3A_3591 = arith.addi %get3A_3558, %add3A_3590 : vector<16xi32>
      %mul3A_3592 = arith.constant 3 : i32
      %mul3A_3593 = arith.muli %mul3A_3592, %shift_left3A_3345 : i32
      %mul3A_3594 = arith.constant 16 : i32
      %mul3A_3595 = arith.muli %while3A_3554, %mul3A_3594 : i32
      %add3A_3596 = arith.addi %mul3A_3593, %mul3A_3595 : i32
      %swap3A_3597 = arith.index_cast %add3A_3596 : i32 to index
      %swap3A_3598 = tpu.vector_load %arg9[%swap3A_3597] {strides = array<i32>} : memref<13872xi32, #tpu.memory_space<vmem>>, vector<16xi32>,
      tpu.vector_store %arg9[%swap3A_3597], %add3A_3591 {strides = array<i32>} : memref<13872xi32, #tpu.memory_space<vmem>>, vector<16xi32>,
      %add3A_3599 = arith.constant 65536 : i32
      %add3A_3600 = vector.broadcast %add3A_3599 : i32 to vector<16xi32>
      %add3A_3601 = arith.addi %get3A_3558, %add3A_3600 : vector<16xi32>
      %mul3A_3602 = arith.constant 4 : i32
      %mul3A_3603 = arith.muli %mul3A_3602, %shift_left3A_3345 : i32
      %mul3A_3604 = arith.constant 16 : i32
      %mul3A_3605 = arith.muli %while3A_3554, %mul3A_3604 : i32
      %add3A_3606 = arith.addi %mul3A_3603, %mul3A_3605 : i32
      %swap3A_3607 = arith.index_cast %add3A_3606 : i32 to index
      %swap3A_3608 = tpu.vector_load %arg9[%swap3A_3607] {strides = array<i32>} : memref<13872xi32, #tpu.memory_space<vmem>>, vector<16xi32>,
      tpu.vector_store %arg9[%swap3A_3607], %add3A_3601 {strides = array<i32>} : memref<13872xi32, #tpu.memory_space<vmem>>, vector<16xi32>,
      %add3A_3609 = arith.constant 81920 : i32
      %add3A_3610 = vector.broadcast %add3A_3609 : i32 to vector<16xi32>
      %add3A_3611 = arith.addi %get3A_3558, %add3A_3610 : vector<16xi32>
      %mul3A_3612 = arith.constant 5 : i32
      %mul3A_3613 = arith.muli %mul3A_3612, %shift_left3A_3345 : i32
      %mul3A_3614 = arith.constant 16 : i32
      %mul3A_3615 = arith.muli %while3A_3554, %mul3A_3614 : i32
      %add3A_3616 = arith.addi %mul3A_3613, %mul3A_3615 : i32
      %swap3A_3617 = arith.index_cast %add3A_3616 : i32 to index
      %swap3A_3618 = tpu.vector_load %arg9[%swap3A_3617] {strides = array<i32>} : memref<13872xi32, #tpu.memory_space<vmem>>, vector<16xi32>,
      tpu.vector_store %arg9[%swap3A_3617], %add3A_3611 {strides = array<i32>} : memref<13872xi32, #tpu.memory_space<vmem>>, vector<16xi32>,
      %add3A_3619 = arith.constant 98304 : i32
      %add3A_3620 = vector.broadcast %add3A_3619 : i32 to vector<16xi32>
      %add3A_3621 = arith.addi %get3A_3558, %add3A_3620 : vector<16xi32>
      %mul3A_3622 = arith.constant 6 : i32
      %mul3A_3623 = arith.muli %mul3A_3622, %shift_left3A_3345 : i32
      %mul3A_3624 = arith.constant 16 : i32
      %mul3A_3625 = arith.muli %while3A_3554, %mul3A_3624 : i32
      %add3A_3626 = arith.addi %mul3A_3623, %mul3A_3625 : i32
      %swap3A_3627 = arith.index_cast %add3A_3626 : i32 to index
      %swap3A_3628 = tpu.vector_load %arg9[%swap3A_3627] {strides = array<i32>} : memref<13872xi32, #tpu.memory_space<vmem>>, vector<16xi32>,
      tpu.vector_store %arg9[%swap3A_3627], %add3A_3621 {strides = array<i32>} : memref<13872xi32, #tpu.memory_space<vmem>>, vector<16xi32>,
      %add3A_3629 = arith.constant 114688 : i32
      %add3A_3630 = vector.broadcast %add3A_3629 : i32 to vector<16xi32>
      %add3A_3631 = arith.addi %get3A_3558, %add3A_3630 : vector<16xi32>
      %mul3A_3632 = arith.constant 7 : i32
      %mul3A_3633 = arith.muli %mul3A_3632, %shift_left3A_3345 : i32
      %mul3A_3634 = arith.constant 16 : i32
      %mul3A_3635 = arith.muli %while3A_3554, %mul3A_3634 : i32
      %add3A_3636 = arith.addi %mul3A_3633, %mul3A_3635 : i32
      %swap3A_3637 = arith.index_cast %add3A_3636 : i32 to index
      %swap3A_3638 = tpu.vector_load %arg9[%swap3A_3637] {strides = array<i32>} : memref<13872xi32, #tpu.memory_space<vmem>>, vector<16xi32>,
      tpu.vector_store %arg9[%swap3A_3637], %add3A_3631 {strides = array<i32>} : memref<13872xi32, #tpu.memory_space<vmem>>, vector<16xi32>,
      %add3A_3639 = arith.constant 131072 : i32
      %add3A_3640 = vector.broadcast %add3A_3639 : i32 to vector<16xi32>
      %add3A_3641 = arith.addi %get3A_3558, %add3A_3640 : vector<16xi32>
      %mul3A_3642 = arith.constant 8 : i32
      %mul3A_3643 = arith.muli %mul3A_3642, %shift_left3A_3345 : i32
      %mul3A_3644 = arith.constant 16 : i32
      %mul3A_3645 = arith.muli %while3A_3554, %mul3A_3644 : i32
      %add3A_3646 = arith.addi %mul3A_3643, %mul3A_3645 : i32
      %swap3A_3647 = arith.index_cast %add3A_3646 : i32 to index
      %swap3A_3648 = tpu.vector_load %arg9[%swap3A_3647] {strides = array<i32>} : memref<13872xi32, #tpu.memory_space<vmem>>, vector<16xi32>,
      tpu.vector_store %arg9[%swap3A_3647], %add3A_3641 {strides = array<i32>} : memref<13872xi32, #tpu.memory_space<vmem>>, vector<16xi32>,
      %add3A_3649 = arith.constant 147456 : i32
      %add3A_3650 = vector.broadcast %add3A_3649 : i32 to vector<16xi32>
      %add3A_3651 = arith.addi %get3A_3558, %add3A_3650 : vector<16xi32>
      %mul3A_3652 = arith.constant 9 : i32
      %mul3A_3653 = arith.muli %mul3A_3652, %shift_left3A_3345 : i32
      %mul3A_3654 = arith.constant 16 : i32
      %mul3A_3655 = arith.muli %while3A_3554, %mul3A_3654 : i32
      %add3A_3656 = arith.addi %mul3A_3653, %mul3A_3655 : i32
      %swap3A_3657 = arith.index_cast %add3A_3656 : i32 to index
      %swap3A_3658 = tpu.vector_load %arg9[%swap3A_3657] {strides = array<i32>} : memref<13872xi32, #tpu.memory_space<vmem>>, vector<16xi32>,
      tpu.vector_store %arg9[%swap3A_3657], %add3A_3651 {strides = array<i32>} : memref<13872xi32, #tpu.memory_space<vmem>>, vector<16xi32>,
      %add3A_3659 = arith.constant 163840 : i32
      %add3A_3660 = vector.broadcast %add3A_3659 : i32 to vector<16xi32>
      %add3A_3661 = arith.addi %get3A_3558, %add3A_3660 : vector<16xi32>
      %mul3A_3662 = arith.constant 10 : i32
      %mul3A_3663 = arith.muli %mul3A_3662, %shift_left3A_3345 : i32
      %mul3A_3664 = arith.constant 16 : i32
      %mul3A_3665 = arith.muli %while3A_3554, %mul3A_3664 : i32
      %add3A_3666 = arith.addi %mul3A_3663, %mul3A_3665 : i32
      %swap3A_3667 = arith.index_cast %add3A_3666 : i32 to index
      %swap3A_3668 = tpu.vector_load %arg9[%swap3A_3667] {strides = array<i32>} : memref<13872xi32, #tpu.memory_space<vmem>>, vector<16xi32>,
      tpu.vector_store %arg9[%swap3A_3667], %add3A_3661 {strides = array<i32>} : memref<13872xi32, #tpu.memory_space<vmem>>, vector<16xi32>,
      %add3A_3669 = arith.constant 180224 : i32
      %add3A_3670 = vector.broadcast %add3A_3669 : i32 to vector<16xi32>
      %add3A_3671 = arith.addi %get3A_3558, %add3A_3670 : vector<16xi32>
      %mul3A_3672 = arith.constant 11 : i32
      %mul3A_3673 = arith.muli %mul3A_3672, %shift_left3A_3345 : i32
      %mul3A_3674 = arith.constant 16 : i32
      %mul3A_3675 = arith.muli %while3A_3554, %mul3A_3674 : i32
      %add3A_3676 = arith.addi %mul3A_3673, %mul3A_3675 : i32
      %swap3A_3677 = arith.index_cast %add3A_3676 : i32 to index
      %swap3A_3678 = tpu.vector_load %arg9[%swap3A_3677] {strides = array<i32>} : memref<13872xi32, #tpu.memory_space<vmem>>, vector<16xi32>,
      tpu.vector_store %arg9[%swap3A_3677], %add3A_3671 {strides = array<i32>} : memref<13872xi32, #tpu.memory_space<vmem>>, vector<16xi32>,
      %add3A_3679 = arith.constant 196608 : i32
      %add3A_3680 = vector.broadcast %add3A_3679 : i32 to vector<16xi32>
      %add3A_3681 = arith.addi %get3A_3558, %add3A_3680 : vector<16xi32>
      %mul3A_3682 = arith.constant 12 : i32
      %mul3A_3683 = arith.muli %mul3A_3682, %shift_left3A_3345 : i32
      %mul3A_3684 = arith.constant 16 : i32
      %mul3A_3685 = arith.muli %while3A_3554, %mul3A_3684 : i32
      %add3A_3686 = arith.addi %mul3A_3683, %mul3A_3685 : i32
      %swap3A_3687 = arith.index_cast %add3A_3686 : i32 to index
      %swap3A_3688 = tpu.vector_load %arg9[%swap3A_3687] {strides = array<i32>} : memref<13872xi32, #tpu.memory_space<vmem>>, vector<16xi32>,
      tpu.vector_store %arg9[%swap3A_3687], %add3A_3681 {strides = array<i32>} : memref<13872xi32, #tpu.memory_space<vmem>>, vector<16xi32>,
      %add3A_3689 = arith.constant 212992 : i32
      %add3A_3690 = vector.broadcast %add3A_3689 : i32 to vector<16xi32>
      %add3A_3691 = arith.addi %get3A_3558, %add3A_3690 : vector<16xi32>
      %mul3A_3692 = arith.constant 13 : i32
      %mul3A_3693 = arith.muli %mul3A_3692, %shift_left3A_3345 : i32
      %mul3A_3694 = arith.constant 16 : i32
      %mul3A_3695 = arith.muli %while3A_3554, %mul3A_3694 : i32
      %add3A_3696 = arith.addi %mul3A_3693, %mul3A_3695 : i32
      %swap3A_3697 = arith.index_cast %add3A_3696 : i32 to index
      %swap3A_3698 = tpu.vector_load %arg9[%swap3A_3697] {strides = array<i32>} : memref<13872xi32, #tpu.memory_space<vmem>>, vector<16xi32>,
      tpu.vector_store %arg9[%swap3A_3697], %add3A_3691 {strides = array<i32>} : memref<13872xi32, #tpu.memory_space<vmem>>, vector<16xi32>,
      %add3A_3699 = arith.constant 229376 : i32
      %add3A_3700 = vector.broadcast %add3A_3699 : i32 to vector<16xi32>
      %add3A_3701 = arith.addi %get3A_3558, %add3A_3700 : vector<16xi32>
      %mul3A_3702 = arith.constant 14 : i32
      %mul3A_3703 = arith.muli %mul3A_3702, %shift_left3A_3345 : i32
      %mul3A_3704 = arith.constant 16 : i32
      %mul3A_3705 = arith.muli %while3A_3554, %mul3A_3704 : i32
      %add3A_3706 = arith.addi %mul3A_3703, %mul3A_3705 : i32
      %swap3A_3707 = arith.index_cast %add3A_3706 : i32 to index
      %swap3A_3708 = tpu.vector_load %arg9[%swap3A_3707] {strides = array<i32>} : memref<13872xi32, #tpu.memory_space<vmem>>, vector<16xi32>,
      tpu.vector_store %arg9[%swap3A_3707], %add3A_3701 {strides = array<i32>} : memref<13872xi32, #tpu.memory_space<vmem>>, vector<16xi32>,
      %add3A_3709 = arith.constant 245760 : i32
      %add3A_3710 = vector.broadcast %add3A_3709 : i32 to vector<16xi32>
      %add3A_3711 = arith.addi %get3A_3558, %add3A_3710 : vector<16xi32>
      %mul3A_3712 = arith.constant 15 : i32
      %mul3A_3713 = arith.muli %mul3A_3712, %shift_left3A_3345 : i32
      %mul3A_3714 = arith.constant 16 : i32
      %mul3A_3715 = arith.muli %while3A_3554, %mul3A_3714 : i32
      %add3A_3716 = arith.addi %mul3A_3713, %mul3A_3715 : i32
      %swap3A_3717 = arith.index_cast %add3A_3716 : i32 to index
      %swap3A_3718 = tpu.vector_load %arg9[%swap3A_3717] {strides = array<i32>} : memref<13872xi32, #tpu.memory_space<vmem>>, vector<16xi32>,
      tpu.vector_store %arg9[%swap3A_3717], %add3A_3711 {strides = array<i32>} : memref<13872xi32, #tpu.memory_space<vmem>>, vector<16xi32>,
      %add3A_3719 = arith.constant 262144 : i32
      %add3A_3720 = vector.broadcast %add3A_3719 : i32 to vector<16xi32>
      %add3A_3721 = arith.addi %get3A_3558, %add3A_3720 : vector<16xi32>
      %mul3A_3722 = arith.constant 16 : i32
      %mul3A_3723 = arith.muli %mul3A_3722, %shift_left3A_3345 : i32
      %mul3A_3724 = arith.constant 16 : i32
      %mul3A_3725 = arith.muli %while3A_3554, %mul3A_3724 : i32
      %add3A_3726 = arith.addi %mul3A_3723, %mul3A_3725 : i32
      %swap3A_3727 = arith.index_cast %add3A_3726 : i32 to index
      %swap3A_3728 = tpu.vector_load %arg9[%swap3A_3727] {strides = array<i32>} : memref<13872xi32, #tpu.memory_space<vmem>>, vector<16xi32>,
      tpu.vector_store %arg9[%swap3A_3727], %add3A_3721 {strides = array<i32>} : memref<13872xi32, #tpu.memory_space<vmem>>, vector<16xi32>,
      %add3A_3729 = arith.constant 278528 : i32
      %add3A_3730 = vector.broadcast %add3A_3729 : i32 to vector<16xi32>
      %add3A_3731 = arith.addi %get3A_3558, %add3A_3730 : vector<16xi32>
      %mul3A_3732 = arith.constant 17 : i32
      %mul3A_3733 = arith.muli %mul3A_3732, %shift_left3A_3345 : i32
      %mul3A_3734 = arith.constant 16 : i32
      %mul3A_3735 = arith.muli %while3A_3554, %mul3A_3734 : i32
      %add3A_3736 = arith.addi %mul3A_3733, %mul3A_3735 : i32
      %swap3A_3737 = arith.index_cast %add3A_3736 : i32 to index
      %swap3A_3738 = tpu.vector_load %arg9[%swap3A_3737] {strides = array<i32>} : memref<13872xi32, #tpu.memory_space<vmem>>, vector<16xi32>,
      tpu.vector_store %arg9[%swap3A_3737], %add3A_3731 {strides = array<i32>} : memref<13872xi32, #tpu.memory_space<vmem>>, vector<16xi32>,
      %add3A_3739 = arith.constant 294912 : i32
      %add3A_3740 = vector.broadcast %add3A_3739 : i32 to vector<16xi32>
      %add3A_3741 = arith.addi %get3A_3558, %add3A_3740 : vector<16xi32>
      %mul3A_3742 = arith.constant 18 : i32
      %mul3A_3743 = arith.muli %mul3A_3742, %shift_left3A_3345 : i32
      %mul3A_3744 = arith.constant 16 : i32
      %mul3A_3745 = arith.muli %while3A_3554, %mul3A_3744 : i32
      %add3A_3746 = arith.addi %mul3A_3743, %mul3A_3745 : i32
      %swap3A_3747 = arith.index_cast %add3A_3746 : i32 to index
      %swap3A_3748 = tpu.vector_load %arg9[%swap3A_3747] {strides = array<i32>} : memref<13872xi32, #tpu.memory_space<vmem>>, vector<16xi32>,
      tpu.vector_store %arg9[%swap3A_3747], %add3A_3741 {strides = array<i32>} : memref<13872xi32, #tpu.memory_space<vmem>>, vector<16xi32>,
      %add3A_3749 = arith.constant 311296 : i32
      %add3A_3750 = vector.broadcast %add3A_3749 : i32 to vector<16xi32>
      %add3A_3751 = arith.addi %get3A_3558, %add3A_3750 : vector<16xi32>
      %mul3A_3752 = arith.constant 19 : i32
      %mul3A_3753 = arith.muli %mul3A_3752, %shift_left3A_3345 : i32
      %mul3A_3754 = arith.constant 16 : i32
      %mul3A_3755 = arith.muli %while3A_3554, %mul3A_3754 : i32
      %add3A_3756 = arith.addi %mul3A_3753, %mul3A_3755 : i32
      %swap3A_3757 = arith.index_cast %add3A_3756 : i32 to index
      %swap3A_3758 = tpu.vector_load %arg9[%swap3A_3757] {strides = array<i32>} : memref<13872xi32, #tpu.memory_space<vmem>>, vector<16xi32>,
      tpu.vector_store %arg9[%swap3A_3757], %add3A_3751 {strides = array<i32>} : memref<13872xi32, #tpu.memory_space<vmem>>, vector<16xi32>,
      %add3A_3759 = arith.constant 327680 : i32
      %add3A_3760 = vector.broadcast %add3A_3759 : i32 to vector<16xi32>
      %add3A_3761 = arith.addi %get3A_3558, %add3A_3760 : vector<16xi32>
      %mul3A_3762 = arith.constant 20 : i32
      %mul3A_3763 = arith.muli %mul3A_3762, %shift_left3A_3345 : i32
      %mul3A_3764 = arith.constant 16 : i32
      %mul3A_3765 = arith.muli %while3A_3554, %mul3A_3764 : i32
      %add3A_3766 = arith.addi %mul3A_3763, %mul3A_3765 : i32
      %swap3A_3767 = arith.index_cast %add3A_3766 : i32 to index
      %swap3A_3768 = tpu.vector_load %arg9[%swap3A_3767] {strides = array<i32>} : memref<13872xi32, #tpu.memory_space<vmem>>, vector<16xi32>,
      tpu.vector_store %arg9[%swap3A_3767], %add3A_3761 {strides = array<i32>} : memref<13872xi32, #tpu.memory_space<vmem>>, vector<16xi32>,
      %add3A_3769 = arith.constant 344064 : i32
      %add3A_3770 = vector.broadcast %add3A_3769 : i32 to vector<16xi32>
      %add3A_3771 = arith.addi %get3A_3558, %add3A_3770 : vector<16xi32>
      %mul3A_3772 = arith.constant 21 : i32
      %mul3A_3773 = arith.muli %mul3A_3772, %shift_left3A_3345 : i32
      %mul3A_3774 = arith.constant 16 : i32
      %mul3A_3775 = arith.muli %while3A_3554, %mul3A_3774 : i32
      %add3A_3776 = arith.addi %mul3A_3773, %mul3A_3775 : i32
      %swap3A_3777 = arith.index_cast %add3A_3776 : i32 to index
      %swap3A_3778 = tpu.vector_load %arg9[%swap3A_3777] {strides = array<i32>} : memref<13872xi32, #tpu.memory_space<vmem>>, vector<16xi32>,
      tpu.vector_store %arg9[%swap3A_3777], %add3A_3771 {strides = array<i32>} : memref<13872xi32, #tpu.memory_space<vmem>>, vector<16xi32>,
      %add3A_3779 = arith.constant 360448 : i32
      %add3A_3780 = vector.broadcast %add3A_3779 : i32 to vector<16xi32>
      %add3A_3781 = arith.addi %get3A_3558, %add3A_3780 : vector<16xi32>
      %mul3A_3782 = arith.constant 22 : i32
      %mul3A_3783 = arith.muli %mul3A_3782, %shift_left3A_3345 : i32
      %mul3A_3784 = arith.constant 16 : i32
      %mul3A_3785 = arith.muli %while3A_3554, %mul3A_3784 : i32
      %add3A_3786 = arith.addi %mul3A_3783, %mul3A_3785 : i32
      %swap3A_3787 = arith.index_cast %add3A_3786 : i32 to index
      %swap3A_3788 = tpu.vector_load %arg9[%swap3A_3787] {strides = array<i32>} : memref<13872xi32, #tpu.memory_space<vmem>>, vector<16xi32>,
      tpu.vector_store %arg9[%swap3A_3787], %add3A_3781 {strides = array<i32>} : memref<13872xi32, #tpu.memory_space<vmem>>, vector<16xi32>,
      %add3A_3789 = arith.constant 376832 : i32
      %add3A_3790 = vector.broadcast %add3A_3789 : i32 to vector<16xi32>
      %add3A_3791 = arith.addi %get3A_3558, %add3A_3790 : vector<16xi32>
      %mul3A_3792 = arith.constant 23 : i32
      %mul3A_3793 = arith.muli %mul3A_3792, %shift_left3A_3345 : i32
      %mul3A_3794 = arith.constant 16 : i32
      %mul3A_3795 = arith.muli %while3A_3554, %mul3A_3794 : i32
      %add3A_3796 = arith.addi %mul3A_3793, %mul3A_3795 : i32
      %swap3A_3797 = arith.index_cast %add3A_3796 : i32 to index
      %swap3A_3798 = tpu.vector_load %arg9[%swap3A_3797] {strides = array<i32>} : memref<13872xi32, #tpu.memory_space<vmem>>, vector<16xi32>,
      tpu.vector_store %arg9[%swap3A_3797], %add3A_3791 {strides = array<i32>} : memref<13872xi32, #tpu.memory_space<vmem>>, vector<16xi32>,
      %add3A_3799 = arith.constant 393216 : i32
      %add3A_3800 = vector.broadcast %add3A_3799 : i32 to vector<16xi32>
      %add3A_3801 = arith.addi %get3A_3558, %add3A_3800 : vector<16xi32>
      %mul3A_3802 = arith.constant 24 : i32
      %mul3A_3803 = arith.muli %mul3A_3802, %shift_left3A_3345 : i32
      %mul3A_3804 = arith.constant 16 : i32
      %mul3A_3805 = arith.muli %while3A_3554, %mul3A_3804 : i32
      %add3A_3806 = arith.addi %mul3A_3803, %mul3A_3805 : i32
      %swap3A_3807 = arith.index_cast %add3A_3806 : i32 to index
      %swap3A_3808 = tpu.vector_load %arg9[%swap3A_3807] {strides = array<i32>} : memref<13872xi32, #tpu.memory_space<vmem>>, vector<16xi32>,
      tpu.vector_store %arg9[%swap3A_3807], %add3A_3801 {strides = array<i32>} : memref<13872xi32, #tpu.memory_space<vmem>>, vector<16xi32>,
      %add3A_3809 = arith.constant 409600 : i32
      %add3A_3810 = vector.broadcast %add3A_3809 : i32 to vector<16xi32>
      %add3A_3811 = arith.addi %get3A_3558, %add3A_3810 : vector<16xi32>
      %mul3A_3812 = arith.constant 25 : i32
      %mul3A_3813 = arith.muli %mul3A_3812, %shift_left3A_3345 : i32
      %mul3A_3814 = arith.constant 16 : i32
      %mul3A_3815 = arith.muli %while3A_3554, %mul3A_3814 : i32
      %add3A_3816 = arith.addi %mul3A_3813, %mul3A_3815 : i32
      %swap3A_3817 = arith.index_cast %add3A_3816 : i32 to index
      %swap3A_3818 = tpu.vector_load %arg9[%swap3A_3817] {strides = array<i32>} : memref<13872xi32, #tpu.memory_space<vmem>>, vector<16xi32>,
      tpu.vector_store %arg9[%swap3A_3817], %add3A_3811 {strides = array<i32>} : memref<13872xi32, #tpu.memory_space<vmem>>, vector<16xi32>,
    }
    %while3A_3362 = arith.constant 1 : i32
    scf.for %while3A_3554 = %while3A_3360 to %while3A_3356 step %while3A_3362  : i32 {
      %mul3A_3555 = arith.constant 16 : i32
      %mul3A_3556 = arith.muli %while3A_3554, %mul3A_3555 : i32
      %get3A_3557 = arith.index_cast %mul3A_3556 : i32 to index
      %get3A_3558 = tpu.vector_load %arg7[%get3A_3557] {strides = array<i32>} : memref<560xi32, #tpu.memory_space<vmem>>, vector<16xi32>,
      %add3A_3559 = arith.constant 0 : i32
      %add3A_3560 = vector.broadcast %add3A_3559 : i32 to vector<16xi32>
      %add3A_3561 = arith.addi %get3A_3558, %add3A_3560 : vector<16xi32>
      %mul3A_3562 = arith.constant 0 : i32
      %mul3A_3563 = arith.muli %mul3A_3562, %shift_left3A_3345 : i32
      %mul3A_3564 = arith.constant 16 : i32
      %mul3A_3565 = arith.muli %while3A_3554, %mul3A_3564 : i32
      %add3A_3566 = arith.addi %mul3A_3563, %mul3A_3565 : i32
      %swap3A_3567 = arith.index_cast %add3A_3566 : i32 to index
      %swap3A_3568 = tpu.vector_load %arg9[%swap3A_3567] {strides = array<i32>} : memref<13872xi32, #tpu.memory_space<vmem>>, vector<16xi32>,
      tpu.vector_store %arg9[%swap3A_3567], %add3A_3561 {strides = array<i32>} : memref<13872xi32, #tpu.memory_space<vmem>>, vector<16xi32>,
      %add3A_3569 = arith.constant 16384 : i32
      %add3A_3570 = vector.broadcast %add3A_3569 : i32 to vector<16xi32>
      %add3A_3571 = arith.addi %get3A_3558, %add3A_3570 : vector<16xi32>
      %mul3A_3572 = arith.constant 1 : i32
      %mul3A_3573 = arith.muli %mul3A_3572, %shift_left3A_3345 : i32
      %mul3A_3574 = arith.constant 16 : i32
      %mul3A_3575 = arith.muli %while3A_3554, %mul3A_3574 : i32
      %add3A_3576 = arith.addi %mul3A_3573, %mul3A_3575 : i32
      %swap3A_3577 = arith.index_cast %add3A_3576 : i32 to index
      %swap3A_3578 = tpu.vector_load %arg9[%swap3A_3577] {strides = array<i32>} : memref<13872xi32, #tpu.memory_space<vmem>>, vector<16xi32>,
      tpu.vector_store %arg9[%swap3A_3577], %add3A_3571 {strides = array<i32>} : memref<13872xi32, #tpu.memory_space<vmem>>, vector<16xi32>,
      %add3A_3579 = arith.constant 32768 : i32
      %add3A_3580 = vector.broadcast %add3A_3579 : i32 to vector<16xi32>
      %add3A_3581 = arith.addi %get3A_3558, %add3A_3580 : vector<16xi32>
      %mul3A_3582 = arith.constant 2 : i32
      %mul3A_3583 = arith.muli %mul3A_3582, %shift_left3A_3345 : i32
      %mul3A_3584 = arith.constant 16 : i32
      %mul3A_3585 = arith.muli %while3A_3554, %mul3A_3584 : i32
      %add3A_3586 = arith.addi %mul3A_3583, %mul3A_3585 : i32
      %swap3A_3587 = arith.index_cast %add3A_3586 : i32 to index
      %swap3A_3588 = tpu.vector_load %arg9[%swap3A_3587] {strides = array<i32>} : memref<13872xi32, #tpu.memory_space<vmem>>, vector<16xi32>,
      tpu.vector_store %arg9[%swap3A_3587], %add3A_3581 {strides = array<i32>} : memref<13872xi32, #tpu.memory_space<vmem>>, vector<16xi32>,
      %add3A_3589 = arith.constant 49152 : i32
      %add3A_3590 = vector.broadcast %add3A_3589 : i32 to vector<16xi32>
      %add3A_3591 = arith.addi %get3A_3558, %add3A_3590 : vector<16xi32>
      %mul3A_3592 = arith.constant 3 : i32
      %mul3A_3593 = arith.muli %mul3A_3592, %shift_left3A_3345 : i32
      %mul3A_3594 = arith.constant 16 : i32
      %mul3A_3595 = arith.muli %while3A_3554, %mul3A_3594 : i32
      %add3A_3596 = arith.addi %mul3A_3593, %mul3A_3595 : i32
      %swap3A_3597 = arith.index_cast %add3A_3596 : i32 to index
      %swap3A_3598 = tpu.vector_load %arg9[%swap3A_3597] {strides = array<i32>} : memref<13872xi32, #tpu.memory_space<vmem>>, vector<16xi32>,
      tpu.vector_store %arg9[%swap3A_3597], %add3A_3591 {strides = array<i32>} : memref<13872xi32, #tpu.memory_space<vmem>>, vector<16xi32>,
      %add3A_3599 = arith.constant 65536 : i32
      %add3A_3600 = vector.broadcast %add3A_3599 : i32 to vector<16xi32>
      %add3A_3601 = arith.addi %get3A_3558, %add3A_3600 : vector<16xi32>
      %mul3A_3602 = arith.constant 4 : i32
      %mul3A_3603 = arith.muli %mul3A_3602, %shift_left3A_3345 : i32
      %mul3A_3604 = arith.constant 16 : i32
      %mul3A_3605 = arith.muli %while3A_3554, %mul3A_3604 : i32
      %add3A_3606 = arith.addi %mul3A_3603, %mul3A_3605 : i32
      %swap3A_3607 = arith.index_cast %add3A_3606 : i32 to index
      %swap3A_3608 = tpu.vector_load %arg9[%swap3A_3607] {strides = array<i32>} : memref<13872xi32, #tpu.memory_space<vmem>>, vector<16xi32>,
      tpu.vector_store %arg9[%swap3A_3607], %add3A_3601 {strides = array<i32>} : memref<13872xi32, #tpu.memory_space<vmem>>, vector<16xi32>,
      %add3A_3609 = arith.constant 81920 : i32
      %add3A_3610 = vector.broadcast %add3A_3609 : i32 to vector<16xi32>
      %add3A_3611 = arith.addi %get3A_3558, %add3A_3610 : vector<16xi32>
      %mul3A_3612 = arith.constant 5 : i32
      %mul3A_3613 = arith.muli %mul3A_3612, %shift_left3A_3345 : i32
      %mul3A_3614 = arith.constant 16 : i32
      %mul3A_3615 = arith.muli %while3A_3554, %mul3A_3614 : i32
      %add3A_3616 = arith.addi %mul3A_3613, %mul3A_3615 : i32
      %swap3A_3617 = arith.index_cast %add3A_3616 : i32 to index
      %swap3A_3618 = tpu.vector_load %arg9[%swap3A_3617] {strides = array<i32>} : memref<13872xi32, #tpu.memory_space<vmem>>, vector<16xi32>,
      tpu.vector_store %arg9[%swap3A_3617], %add3A_3611 {strides = array<i32>} : memref<13872xi32, #tpu.memory_space<vmem>>, vector<16xi32>,
      %add3A_3619 = arith.constant 98304 : i32
      %add3A_3620 = vector.broadcast %add3A_3619 : i32 to vector<16xi32>
      %add3A_3621 = arith.addi %get3A_3558, %add3A_3620 : vector<16xi32>
      %mul3A_3622 = arith.constant 6 : i32
      %mul3A_3623 = arith.muli %mul3A_3622, %shift_left3A_3345 : i32
      %mul3A_3624 = arith.constant 16 : i32
      %mul3A_3625 = arith.muli %while3A_3554, %mul3A_3624 : i32
      %add3A_3626 = arith.addi %mul3A_3623, %mul3A_3625 : i32
      %swap3A_3627 = arith.index_cast %add3A_3626 : i32 to index
      %swap3A_3628 = tpu.vector_load %arg9[%swap3A_3627] {strides = array<i32>} : memref<13872xi32, #tpu.memory_space<vmem>>, vector<16xi32>,
      tpu.vector_store %arg9[%swap3A_3627], %add3A_3621 {strides = array<i32>} : memref<13872xi32, #tpu.memory_space<vmem>>, vector<16xi32>,
      %add3A_3629 = arith.constant 114688 : i32
      %add3A_3630 = vector.broadcast %add3A_3629 : i32 to vector<16xi32>
      %add3A_3631 = arith.addi %get3A_3558, %add3A_3630 : vector<16xi32>
      %mul3A_3632 = arith.constant 7 : i32
      %mul3A_3633 = arith.muli %mul3A_3632, %shift_left3A_3345 : i32
      %mul3A_3634 = arith.constant 16 : i32
      %mul3A_3635 = arith.muli %while3A_3554, %mul3A_3634 : i32
      %add3A_3636 = arith.addi %mul3A_3633, %mul3A_3635 : i32
      %swap3A_3637 = arith.index_cast %add3A_3636 : i32 to index
      %swap3A_3638 = tpu.vector_load %arg9[%swap3A_3637] {strides = array<i32>} : memref<13872xi32, #tpu.memory_space<vmem>>, vector<16xi32>,
      tpu.vector_store %arg9[%swap3A_3637], %add3A_3631 {strides = array<i32>} : memref<13872xi32, #tpu.memory_space<vmem>>, vector<16xi32>,
      %add3A_3639 = arith.constant 131072 : i32
      %add3A_3640 = vector.broadcast %add3A_3639 : i32 to vector<16xi32>
      %add3A_3641 = arith.addi %get3A_3558, %add3A_3640 : vector<16xi32>
      %mul3A_3642 = arith.constant 8 : i32
      %mul3A_3643 = arith.muli %mul3A_3642, %shift_left3A_3345 : i32
      %mul3A_3644 = arith.constant 16 : i32
      %mul3A_3645 = arith.muli %while3A_3554, %mul3A_3644 : i32
      %add3A_3646 = arith.addi %mul3A_3643, %mul3A_3645 : i32
      %swap3A_3647 = arith.index_cast %add3A_3646 : i32 to index
      %swap3A_3648 = tpu.vector_load %arg9[%swap3A_3647] {strides = array<i32>} : memref<13872xi32, #tpu.memory_space<vmem>>, vector<16xi32>,
      tpu.vector_store %arg9[%swap3A_3647], %add3A_3641 {strides = array<i32>} : memref<13872xi32, #tpu.memory_space<vmem>>, vector<16xi32>,
      %add3A_3649 = arith.constant 147456 : i32
      %add3A_3650 = vector.broadcast %add3A_3649 : i32 to vector<16xi32>
      %add3A_3651 = arith.addi %get3A_3558, %add3A_3650 : vector<16xi32>
      %mul3A_3652 = arith.constant 9 : i32
      %mul3A_3653 = arith.muli %mul3A_3652, %shift_left3A_3345 : i32
      %mul3A_3654 = arith.constant 16 : i32
      %mul3A_3655 = arith.muli %while3A_3554, %mul3A_3654 : i32
      %add3A_3656 = arith.addi %mul3A_3653, %mul3A_3655 : i32
      %swap3A_3657 = arith.index_cast %add3A_3656 : i32 to index
      %swap3A_3658 = tpu.vector_load %arg9[%swap3A_3657] {strides = array<i32>} : memref<13872xi32, #tpu.memory_space<vmem>>, vector<16xi32>,
      tpu.vector_store %arg9[%swap3A_3657], %add3A_3651 {strides = array<i32>} : memref<13872xi32, #tpu.memory_space<vmem>>, vector<16xi32>,
      %add3A_3659 = arith.constant 163840 : i32
      %add3A_3660 = vector.broadcast %add3A_3659 : i32 to vector<16xi32>
      %add3A_3661 = arith.addi %get3A_3558, %add3A_3660 : vector<16xi32>
      %mul3A_3662 = arith.constant 10 : i32
      %mul3A_3663 = arith.muli %mul3A_3662, %shift_left3A_3345 : i32
      %mul3A_3664 = arith.constant 16 : i32
      %mul3A_3665 = arith.muli %while3A_3554, %mul3A_3664 : i32
      %add3A_3666 = arith.addi %mul3A_3663, %mul3A_3665 : i32
      %swap3A_3667 = arith.index_cast %add3A_3666 : i32 to index
      %swap3A_3668 = tpu.vector_load %arg9[%swap3A_3667] {strides = array<i32>} : memref<13872xi32, #tpu.memory_space<vmem>>, vector<16xi32>,
      tpu.vector_store %arg9[%swap3A_3667], %add3A_3661 {strides = array<i32>} : memref<13872xi32, #tpu.memory_space<vmem>>, vector<16xi32>,
      %add3A_3669 = arith.constant 180224 : i32
      %add3A_3670 = vector.broadcast %add3A_3669 : i32 to vector<16xi32>
      %add3A_3671 = arith.addi %get3A_3558, %add3A_3670 : vector<16xi32>
      %mul3A_3672 = arith.constant 11 : i32
      %mul3A_3673 = arith.muli %mul3A_3672, %shift_left3A_3345 : i32
      %mul3A_3674 = arith.constant 16 : i32
      %mul3A_3675 = arith.muli %while3A_3554, %mul3A_3674 : i32
      %add3A_3676 = arith.addi %mul3A_3673, %mul3A_3675 : i32
      %swap3A_3677 = arith.index_cast %add3A_3676 : i32 to index
      %swap3A_3678 = tpu.vector_load %arg9[%swap3A_3677] {strides = array<i32>} : memref<13872xi32, #tpu.memory_space<vmem>>, vector<16xi32>,
      tpu.vector_store %arg9[%swap3A_3677], %add3A_3671 {strides = array<i32>} : memref<13872xi32, #tpu.memory_space<vmem>>, vector<16xi32>,
      %add3A_3679 = arith.constant 196608 : i32
      %add3A_3680 = vector.broadcast %add3A_3679 : i32 to vector<16xi32>
      %add3A_3681 = arith.addi %get3A_3558, %add3A_3680 : vector<16xi32>
      %mul3A_3682 = arith.constant 12 : i32
      %mul3A_3683 = arith.muli %mul3A_3682, %shift_left3A_3345 : i32
      %mul3A_3684 = arith.constant 16 : i32
      %mul3A_3685 = arith.muli %while3A_3554, %mul3A_3684 : i32
      %add3A_3686 = arith.addi %mul3A_3683, %mul3A_3685 : i32
      %swap3A_3687 = arith.index_cast %add3A_3686 : i32 to index
      %swap3A_3688 = tpu.vector_load %arg9[%swap3A_3687] {strides = array<i32>} : memref<13872xi32, #tpu.memory_space<vmem>>, vector<16xi32>,
      tpu.vector_store %arg9[%swap3A_3687], %add3A_3681 {strides = array<i32>} : memref<13872xi32, #tpu.memory_space<vmem>>, vector<16xi32>,
      %add3A_3689 = arith.constant 212992 : i32
      %add3A_3690 = vector.broadcast %add3A_3689 : i32 to vector<16xi32>
      %add3A_3691 = arith.addi %get3A_3558, %add3A_3690 : vector<16xi32>
      %mul3A_3692 = arith.constant 13 : i32
      %mul3A_3693 = arith.muli %mul3A_3692, %shift_left3A_3345 : i32
      %mul3A_3694 = arith.constant 16 : i32
      %mul3A_3695 = arith.muli %while3A_3554, %mul3A_3694 : i32
      %add3A_3696 = arith.addi %mul3A_3693, %mul3A_3695 : i32
      %swap3A_3697 = arith.index_cast %add3A_3696 : i32 to index
      %swap3A_3698 = tpu.vector_load %arg9[%swap3A_3697] {strides = array<i32>} : memref<13872xi32, #tpu.memory_space<vmem>>, vector<16xi32>,
      tpu.vector_store %arg9[%swap3A_3697], %add3A_3691 {strides = array<i32>} : memref<13872xi32, #tpu.memory_space<vmem>>, vector<16xi32>,
      %add3A_3699 = arith.constant 229376 : i32
      %add3A_3700 = vector.broadcast %add3A_3699 : i32 to vector<16xi32>
      %add3A_3701 = arith.addi %get3A_3558, %add3A_3700 : vector<16xi32>
      %mul3A_3702 = arith.constant 14 : i32
      %mul3A_3703 = arith.muli %mul3A_3702, %shift_left3A_3345 : i32
      %mul3A_3704 = arith.constant 16 : i32
      %mul3A_3705 = arith.muli %while3A_3554, %mul3A_3704 : i32
      %add3A_3706 = arith.addi %mul3A_3703, %mul3A_3705 : i32
      %swap3A_3707 = arith.index_cast %add3A_3706 : i32 to index
      %swap3A_3708 = tpu.vector_load %arg9[%swap3A_3707] {strides = array<i32>} : memref<13872xi32, #tpu.memory_space<vmem>>, vector<16xi32>,
      tpu.vector_store %arg9[%swap3A_3707], %add3A_3701 {strides = array<i32>} : memref<13872xi32, #tpu.memory_space<vmem>>, vector<16xi32>,
      %add3A_3709 = arith.constant 245760 : i32
      %add3A_3710 = vector.broadcast %add3A_3709 : i32 to vector<16xi32>
      %add3A_3711 = arith.addi %get3A_3558, %add3A_3710 : vector<16xi32>
      %mul3A_3712 = arith.constant 15 : i32
      %mul3A_3713 = arith.muli %mul3A_3712, %shift_left3A_3345 : i32
      %mul3A_3714 = arith.constant 16 : i32
      %mul3A_3715 = arith.muli %while3A_3554, %mul3A_3714 : i32
      %add3A_3716 = arith.addi %mul3A_3713, %mul3A_3715 : i32
      %swap3A_3717 = arith.index_cast %add3A_3716 : i32 to index
      %swap3A_3718 = tpu.vector_load %arg9[%swap3A_3717] {strides = array<i32>} : memref<13872xi32, #tpu.memory_space<vmem>>, vector<16xi32>,
      tpu.vector_store %arg9[%swap3A_3717], %add3A_3711 {strides = array<i32>} : memref<13872xi32, #tpu.memory_space<vmem>>, vector<16xi32>,
      %add3A_3719 = arith.constant 262144 : i32
      %add3A_3720 = vector.broadcast %add3A_3719 : i32 to vector<16xi32>
      %add3A_3721 = arith.addi %get3A_3558, %add3A_3720 : vector<16xi32>
      %mul3A_3722 = arith.constant 16 : i32
      %mul3A_3723 = arith.muli %mul3A_3722, %shift_left3A_3345 : i32
      %mul3A_3724 = arith.constant 16 : i32
      %mul3A_3725 = arith.muli %while3A_3554, %mul3A_3724 : i32
      %add3A_3726 = arith.addi %mul3A_3723, %mul3A_3725 : i32
      %swap3A_3727 = arith.index_cast %add3A_3726 : i32 to index
      %swap3A_3728 = tpu.vector_load %arg9[%swap3A_3727] {strides = array<i32>} : memref<13872xi32, #tpu.memory_space<vmem>>, vector<16xi32>,
      tpu.vector_store %arg9[%swap3A_3727], %add3A_3721 {strides = array<i32>} : memref<13872xi32, #tpu.memory_space<vmem>>, vector<16xi32>,
      %add3A_3729 = arith.constant 278528 : i32
      %add3A_3730 = vector.broadcast %add3A_3729 : i32 to vector<16xi32>
      %add3A_3731 = arith.addi %get3A_3558, %add3A_3730 : vector<16xi32>
      %mul3A_3732 = arith.constant 17 : i32
      %mul3A_3733 = arith.muli %mul3A_3732, %shift_left3A_3345 : i32
      %mul3A_3734 = arith.constant 16 : i32
      %mul3A_3735 = arith.muli %while3A_3554, %mul3A_3734 : i32
      %add3A_3736 = arith.addi %mul3A_3733, %mul3A_3735 : i32
      %swap3A_3737 = arith.index_cast %add3A_3736 : i32 to index
      %swap3A_3738 = tpu.vector_load %arg9[%swap3A_3737] {strides = array<i32>} : memref<13872xi32, #tpu.memory_space<vmem>>, vector<16xi32>,
      tpu.vector_store %arg9[%swap3A_3737], %add3A_3731 {strides = array<i32>} : memref<13872xi32, #tpu.memory_space<vmem>>, vector<16xi32>,
      %add3A_3739 = arith.constant 294912 : i32
      %add3A_3740 = vector.broadcast %add3A_3739 : i32 to vector<16xi32>
      %add3A_3741 = arith.addi %get3A_3558, %add3A_3740 : vector<16xi32>
      %mul3A_3742 = arith.constant 18 : i32
      %mul3A_3743 = arith.muli %mul3A_3742, %shift_left3A_3345 : i32
      %mul3A_3744 = arith.constant 16 : i32
      %mul3A_3745 = arith.muli %while3A_3554, %mul3A_3744 : i32
      %add3A_3746 = arith.addi %mul3A_3743, %mul3A_3745 : i32
      %swap3A_3747 = arith.index_cast %add3A_3746 : i32 to index
      %swap3A_3748 = tpu.vector_load %arg9[%swap3A_3747] {strides = array<i32>} : memref<13872xi32, #tpu.memory_space<vmem>>, vector<16xi32>,
      tpu.vector_store %arg9[%swap3A_3747], %add3A_3741 {strides = array<i32>} : memref<13872xi32, #tpu.memory_space<vmem>>, vector<16xi32>,
      %add3A_3749 = arith.constant 311296 : i32
      %add3A_3750 = vector.broadcast %add3A_3749 : i32 to vector<16xi32>
      %add3A_3751 = arith.addi %get3A_3558, %add3A_3750 : vector<16xi32>
      %mul3A_3752 = arith.constant 19 : i32
      %mul3A_3753 = arith.muli %mul3A_3752, %shift_left3A_3345 : i32
      %mul3A_3754 = arith.constant 16 : i32
      %mul3A_3755 = arith.muli %while3A_3554, %mul3A_3754 : i32
      %add3A_3756 = arith.addi %mul3A_3753, %mul3A_3755 : i32
      %swap3A_3757 = arith.index_cast %add3A_3756 : i32 to index
      %swap3A_3758 = tpu.vector_load %arg9[%swap3A_3757] {strides = array<i32>} : memref<13872xi32, #tpu.memory_space<vmem>>, vector<16xi32>,
      tpu.vector_store %arg9[%swap3A_3757], %add3A_3751 {strides = array<i32>} : memref<13872xi32, #tpu.memory_space<vmem>>, vector<16xi32>,
      %add3A_3759 = arith.constant 327680 : i32
      %add3A_3760 = vector.broadcast %add3A_3759 : i32 to vector<16xi32>
      %add3A_3761 = arith.addi %get3A_3558, %add3A_3760 : vector<16xi32>
      %mul3A_3762 = arith.constant 20 : i32
      %mul3A_3763 = arith.muli %mul3A_3762, %shift_left3A_3345 : i32
      %mul3A_3764 = arith.constant 16 : i32
      %mul3A_3765 = arith.muli %while3A_3554, %mul3A_3764 : i32
      %add3A_3766 = arith.addi %mul3A_3763, %mul3A_3765 : i32
      %swap3A_3767 = arith.index_cast %add3A_3766 : i32 to index
      %swap3A_3768 = tpu.vector_load %arg9[%swap3A_3767] {strides = array<i32>} : memref<13872xi32, #tpu.memory_space<vmem>>, vector<16xi32>,
      tpu.vector_store %arg9[%swap3A_3767], %add3A_3761 {strides = array<i32>} : memref<13872xi32, #tpu.memory_space<vmem>>, vector<16xi32>,
      %add3A_3769 = arith.constant 344064 : i32
      %add3A_3770 = vector.broadcast %add3A_3769 : i32 to vector<16xi32>
      %add3A_3771 = arith.addi %get3A_3558, %add3A_3770 : vector<16xi32>
      %mul3A_3772 = arith.constant 21 : i32
      %mul3A_3773 = arith.muli %mul3A_3772, %shift_left3A_3345 : i32
      %mul3A_3774 = arith.constant 16 : i32
      %mul3A_3775 = arith.muli %while3A_3554, %mul3A_3774 : i32
      %add3A_3776 = arith.addi %mul3A_3773, %mul3A_3775 : i32
      %swap3A_3777 = arith.index_cast %add3A_3776 : i32 to index
      %swap3A_3778 = tpu.vector_load %arg9[%swap3A_3777] {strides = array<i32>} : memref<13872xi32, #tpu.memory_space<vmem>>, vector<16xi32>,
      tpu.vector_store %arg9[%swap3A_3777], %add3A_3771 {strides = array<i32>} : memref<13872xi32, #tpu.memory_space<vmem>>, vector<16xi32>,
      %add3A_3779 = arith.constant 360448 : i32
      %add3A_3780 = vector.broadcast %add3A_3779 : i32 to vector<16xi32>
      %add3A_3781 = arith.addi %get3A_3558, %add3A_3780 : vector<16xi32>
      %mul3A_3782 = arith.constant 22 : i32
      %mul3A_3783 = arith.muli %mul3A_3782, %shift_left3A_3345 : i32
      %mul3A_3784 = arith.constant 16 : i32
      %mul3A_3785 = arith.muli %while3A_3554, %mul3A_3784 : i32
      %add3A_3786 = arith.addi %mul3A_3783, %mul3A_3785 : i32
      %swap3A_3787 = arith.index_cast %add3A_3786 : i32 to index
      %swap3A_3788 = tpu.vector_load %arg9[%swap3A_3787] {strides = array<i32>} : memref<13872xi32, #tpu.memory_space<vmem>>, vector<16xi32>,
      tpu.vector_store %arg9[%swap3A_3787], %add3A_3781 {strides = array<i32>} : memref<13872xi32, #tpu.memory_space<vmem>>, vector<16xi32>,
      %add3A_3789 = arith.constant 376832 : i32
      %add3A_3790 = vector.broadcast %add3A_3789 : i32 to vector<16xi32>
      %add3A_3791 = arith.addi %get3A_3558, %add3A_3790 : vector<16xi32>
      %mul3A_3792 = arith.constant 23 : i32
      %mul3A_3793 = arith.muli %mul3A_3792, %shift_left3A_3345 : i32
      %mul3A_3794 = arith.constant 16 : i32
      %mul3A_3795 = arith.muli %while3A_3554, %mul3A_3794 : i32
      %add3A_3796 = arith.addi %mul3A_3793, %mul3A_3795 : i32
      %swap3A_3797 = arith.index_cast %add3A_3796 : i32 to index
      %swap3A_3798 = tpu.vector_load %arg9[%swap3A_3797] {strides = array<i32>} : memref<13872xi32, #tpu.memory_space<vmem>>, vector<16xi32>,
      tpu.vector_store %arg9[%swap3A_3797], %add3A_3791 {strides = array<i32>} : memref<13872xi32, #tpu.memory_space<vmem>>, vector<16xi32>,
      %add3A_3799 = arith.constant 393216 : i32
      %add3A_3800 = vector.broadcast %add3A_3799 : i32 to vector<16xi32>
      %add3A_3801 = arith.addi %get3A_3558, %add3A_3800 : vector<16xi32>
      %mul3A_3802 = arith.constant 24 : i32
      %mul3A_3803 = arith.muli %mul3A_3802, %shift_left3A_3345 : i32
      %mul3A_3804 = arith.constant 16 : i32
      %mul3A_3805 = arith.muli %while3A_3554, %mul3A_3804 : i32
      %add3A_3806 = arith.addi %mul3A_3803, %mul3A_3805 : i32
      %swap3A_3807 = arith.index_cast %add3A_3806 : i32 to index
      %swap3A_3808 = tpu.vector_load %arg9[%swap3A_3807] {strides = array<i32>} : memref<13872xi32, #tpu.memory_space<vmem>>, vector<16xi32>,
      tpu.vector_store %arg9[%swap3A_3807], %add3A_3801 {strides = array<i32>} : memref<13872xi32, #tpu.memory_space<vmem>>, vector<16xi32>,
      %add3A_3809 = arith.constant 409600 : i32
      %add3A_3810 = vector.broadcast %add3A_3809 : i32 to vector<16xi32>
      %add3A_3811 = arith.addi %get3A_3558, %add3A_3810 : vector<16xi32>
      %mul3A_3812 = arith.constant 25 : i32
      %mul3A_3813 = arith.muli %mul3A_3812, %shift_left3A_3345 : i32
      %mul3A_3814 = arith.constant 16 : i32
      %mul3A_3815 = arith.muli %while3A_3554, %mul3A_3814 : i32
      %add3A_3816 = arith.addi %mul3A_3813, %mul3A_3815 : i32
      %swap3A_3817 = arith.index_cast %add3A_3816 : i32 to index
      %swap3A_3818 = tpu.vector_load %arg9[%swap3A_3817] {strides = array<i32>} : memref<13872xi32, #tpu.memory_space<vmem>>, vector<16xi32>,
      tpu.vector_store %arg9[%swap3A_3817], %add3A_3811 {strides = array<i32>} : memref<13872xi32, #tpu.memory_space<vmem>>, vector<16xi32>,
    }
    %shift_right_arithmetic3A_3363 = arith.constant 4 : i32
    %shift_right_arithmetic3A_3364 = arith.shrsi %shift_left3A_3351, %shift_right_arithmetic3A_3363 : i32
    %while3A_3365 = arith.constant 0 : i32
    %while3A_3366 = arith.constant 0 : i32
    %while3A_3367 = arith.subi %shift_right_arithmetic3A_3364, %while3A_3366 : i32
    %while3A_3368 = arith.addi %while3A_3366, %while3A_3367 : i32
    %while3A_3369 = arith.constant 1 : i32
    %while3A_3370 = arith.divsi %while3A_3367, %while3A_3369 : i32
    %while3A_3371 = arith.muli %while3A_3370, %while3A_3369 : i32
    %while3A_3372 = arith.addi %while3A_3366, %while3A_3371 : i32
    %while3A_3373 = arith.constant 1 : i32
    scf.for %while3A_3554 = %while3A_3366 to %while3A_3372 step %while3A_3373  : i32 {
      %mul3A_3555 = arith.constant 16 : i32
      %mul3A_3556 = arith.muli %while3A_3554, %mul3A_3555 : i32
      %get3A_3557 = arith.index_cast %mul3A_3556 : i32 to index
      %get3A_3558 = tpu.vector_load %arg8[%get3A_3557] {strides = array<i32>} : memref<560xi32, #tpu.memory_space<vmem>>, vector<16xi32>,
      %add3A_3559 = arith.constant 0 : i32
      %add3A_3560 = vector.broadcast %add3A_3559 : i32 to vector<16xi32>
      %add3A_3561 = arith.addi %get3A_3558, %add3A_3560 : vector<16xi32>
      %mul3A_3562 = arith.constant 0 : i32
      %mul3A_3563 = arith.muli %mul3A_3562, %shift_left3A_3351 : i32
      %mul3A_3564 = arith.constant 16 : i32
      %mul3A_3565 = arith.muli %while3A_3554, %mul3A_3564 : i32
      %add3A_3566 = arith.addi %mul3A_3563, %mul3A_3565 : i32
      %swap3A_3567 = arith.index_cast %add3A_3566 : i32 to index
      %swap3A_3568 = tpu.vector_load %arg10[%swap3A_3567] {strides = array<i32>} : memref<13872xi32, #tpu.memory_space<vmem>>, vector<16xi32>,
      tpu.vector_store %arg10[%swap3A_3567], %add3A_3561 {strides = array<i32>} : memref<13872xi32, #tpu.memory_space<vmem>>, vector<16xi32>,
      %add3A_3569 = arith.constant 16384 : i32
      %add3A_3570 = vector.broadcast %add3A_3569 : i32 to vector<16xi32>
      %add3A_3571 = arith.addi %get3A_3558, %add3A_3570 : vector<16xi32>
      %mul3A_3572 = arith.constant 1 : i32
      %mul3A_3573 = arith.muli %mul3A_3572, %shift_left3A_3351 : i32
      %mul3A_3574 = arith.constant 16 : i32
      %mul3A_3575 = arith.muli %while3A_3554, %mul3A_3574 : i32
      %add3A_3576 = arith.addi %mul3A_3573, %mul3A_3575 : i32
      %swap3A_3577 = arith.index_cast %add3A_3576 : i32 to index
      %swap3A_3578 = tpu.vector_load %arg10[%swap3A_3577] {strides = array<i32>} : memref<13872xi32, #tpu.memory_space<vmem>>, vector<16xi32>,
      tpu.vector_store %arg10[%swap3A_3577], %add3A_3571 {strides = array<i32>} : memref<13872xi32, #tpu.memory_space<vmem>>, vector<16xi32>,
      %add3A_3579 = arith.constant 32768 : i32
      %add3A_3580 = vector.broadcast %add3A_3579 : i32 to vector<16xi32>
      %add3A_3581 = arith.addi %get3A_3558, %add3A_3580 : vector<16xi32>
      %mul3A_3582 = arith.constant 2 : i32
      %mul3A_3583 = arith.muli %mul3A_3582, %shift_left3A_3351 : i32
      %mul3A_3584 = arith.constant 16 : i32
      %mul3A_3585 = arith.muli %while3A_3554, %mul3A_3584 : i32
      %add3A_3586 = arith.addi %mul3A_3583, %mul3A_3585 : i32
      %swap3A_3587 = arith.index_cast %add3A_3586 : i32 to index
      %swap3A_3588 = tpu.vector_load %arg10[%swap3A_3587] {strides = array<i32>} : memref<13872xi32, #tpu.memory_space<vmem>>, vector<16xi32>,
      tpu.vector_store %arg10[%swap3A_3587], %add3A_3581 {strides = array<i32>} : memref<13872xi32, #tpu.memory_space<vmem>>, vector<16xi32>,
      %add3A_3589 = arith.constant 49152 : i32
      %add3A_3590 = vector.broadcast %add3A_3589 : i32 to vector<16xi32>
      %add3A_3591 = arith.addi %get3A_3558, %add3A_3590 : vector<16xi32>
      %mul3A_3592 = arith.constant 3 : i32
      %mul3A_3593 = arith.muli %mul3A_3592, %shift_left3A_3351 : i32
      %mul3A_3594 = arith.constant 16 : i32
      %mul3A_3595 = arith.muli %while3A_3554, %mul3A_3594 : i32
      %add3A_3596 = arith.addi %mul3A_3593, %mul3A_3595 : i32
      %swap3A_3597 = arith.index_cast %add3A_3596 : i32 to index
      %swap3A_3598 = tpu.vector_load %arg10[%swap3A_3597] {strides = array<i32>} : memref<13872xi32, #tpu.memory_space<vmem>>, vector<16xi32>,
      tpu.vector_store %arg10[%swap3A_3597], %add3A_3591 {strides = array<i32>} : memref<13872xi32, #tpu.memory_space<vmem>>, vector<16xi32>,
      %add3A_3599 = arith.constant 65536 : i32
      %add3A_3600 = vector.broadcast %add3A_3599 : i32 to vector<16xi32>
      %add3A_3601 = arith.addi %get3A_3558, %add3A_3600 : vector<16xi32>
      %mul3A_3602 = arith.constant 4 : i32
      %mul3A_3603 = arith.muli %mul3A_3602, %shift_left3A_3351 : i32
      %mul3A_3604 = arith.constant 16 : i32
      %mul3A_3605 = arith.muli %while3A_3554, %mul3A_3604 : i32
      %add3A_3606 = arith.addi %mul3A_3603, %mul3A_3605 : i32
      %swap3A_3607 = arith.index_cast %add3A_3606 : i32 to index
      %swap3A_3608 = tpu.vector_load %arg10[%swap3A_3607] {strides = array<i32>} : memref<13872xi32, #tpu.memory_space<vmem>>, vector<16xi32>,
      tpu.vector_store %arg10[%swap3A_3607], %add3A_3601 {strides = array<i32>} : memref<13872xi32, #tpu.memory_space<vmem>>, vector<16xi32>,
      %add3A_3609 = arith.constant 81920 : i32
      %add3A_3610 = vector.broadcast %add3A_3609 : i32 to vector<16xi32>
      %add3A_3611 = arith.addi %get3A_3558, %add3A_3610 : vector<16xi32>
      %mul3A_3612 = arith.constant 5 : i32
      %mul3A_3613 = arith.muli %mul3A_3612, %shift_left3A_3351 : i32
      %mul3A_3614 = arith.constant 16 : i32
      %mul3A_3615 = arith.muli %while3A_3554, %mul3A_3614 : i32
      %add3A_3616 = arith.addi %mul3A_3613, %mul3A_3615 : i32
      %swap3A_3617 = arith.index_cast %add3A_3616 : i32 to index
      %swap3A_3618 = tpu.vector_load %arg10[%swap3A_3617] {strides = array<i32>} : memref<13872xi32, #tpu.memory_space<vmem>>, vector<16xi32>,
      tpu.vector_store %arg10[%swap3A_3617], %add3A_3611 {strides = array<i32>} : memref<13872xi32, #tpu.memory_space<vmem>>, vector<16xi32>,
      %add3A_3619 = arith.constant 98304 : i32
      %add3A_3620 = vector.broadcast %add3A_3619 : i32 to vector<16xi32>
      %add3A_3621 = arith.addi %get3A_3558, %add3A_3620 : vector<16xi32>
      %mul3A_3622 = arith.constant 6 : i32
      %mul3A_3623 = arith.muli %mul3A_3622, %shift_left3A_3351 : i32
      %mul3A_3624 = arith.constant 16 : i32
      %mul3A_3625 = arith.muli %while3A_3554, %mul3A_3624 : i32
      %add3A_3626 = arith.addi %mul3A_3623, %mul3A_3625 : i32
      %swap3A_3627 = arith.index_cast %add3A_3626 : i32 to index
      %swap3A_3628 = tpu.vector_load %arg10[%swap3A_3627] {strides = array<i32>} : memref<13872xi32, #tpu.memory_space<vmem>>, vector<16xi32>,
      tpu.vector_store %arg10[%swap3A_3627], %add3A_3621 {strides = array<i32>} : memref<13872xi32, #tpu.memory_space<vmem>>, vector<16xi32>,
      %add3A_3629 = arith.constant 114688 : i32
      %add3A_3630 = vector.broadcast %add3A_3629 : i32 to vector<16xi32>
      %add3A_3631 = arith.addi %get3A_3558, %add3A_3630 : vector<16xi32>
      %mul3A_3632 = arith.constant 7 : i32
      %mul3A_3633 = arith.muli %mul3A_3632, %shift_left3A_3351 : i32
      %mul3A_3634 = arith.constant 16 : i32
      %mul3A_3635 = arith.muli %while3A_3554, %mul3A_3634 : i32
      %add3A_3636 = arith.addi %mul3A_3633, %mul3A_3635 : i32
      %swap3A_3637 = arith.index_cast %add3A_3636 : i32 to index
      %swap3A_3638 = tpu.vector_load %arg10[%swap3A_3637] {strides = array<i32>} : memref<13872xi32, #tpu.memory_space<vmem>>, vector<16xi32>,
      tpu.vector_store %arg10[%swap3A_3637], %add3A_3631 {strides = array<i32>} : memref<13872xi32, #tpu.memory_space<vmem>>, vector<16xi32>,
      %add3A_3639 = arith.constant 131072 : i32
      %add3A_3640 = vector.broadcast %add3A_3639 : i32 to vector<16xi32>
      %add3A_3641 = arith.addi %get3A_3558, %add3A_3640 : vector<16xi32>
      %mul3A_3642 = arith.constant 8 : i32
      %mul3A_3643 = arith.muli %mul3A_3642, %shift_left3A_3351 : i32
      %mul3A_3644 = arith.constant 16 : i32
      %mul3A_3645 = arith.muli %while3A_3554, %mul3A_3644 : i32
      %add3A_3646 = arith.addi %mul3A_3643, %mul3A_3645 : i32
      %swap3A_3647 = arith.index_cast %add3A_3646 : i32 to index
      %swap3A_3648 = tpu.vector_load %arg10[%swap3A_3647] {strides = array<i32>} : memref<13872xi32, #tpu.memory_space<vmem>>, vector<16xi32>,
      tpu.vector_store %arg10[%swap3A_3647], %add3A_3641 {strides = array<i32>} : memref<13872xi32, #tpu.memory_space<vmem>>, vector<16xi32>,
      %add3A_3649 = arith.constant 147456 : i32
      %add3A_3650 = vector.broadcast %add3A_3649 : i32 to vector<16xi32>
      %add3A_3651 = arith.addi %get3A_3558, %add3A_3650 : vector<16xi32>
      %mul3A_3652 = arith.constant 9 : i32
      %mul3A_3653 = arith.muli %mul3A_3652, %shift_left3A_3351 : i32
      %mul3A_3654 = arith.constant 16 : i32
      %mul3A_3655 = arith.muli %while3A_3554, %mul3A_3654 : i32
      %add3A_3656 = arith.addi %mul3A_3653, %mul3A_3655 : i32
      %swap3A_3657 = arith.index_cast %add3A_3656 : i32 to index
      %swap3A_3658 = tpu.vector_load %arg10[%swap3A_3657] {strides = array<i32>} : memref<13872xi32, #tpu.memory_space<vmem>>, vector<16xi32>,
      tpu.vector_store %arg10[%swap3A_3657], %add3A_3651 {strides = array<i32>} : memref<13872xi32, #tpu.memory_space<vmem>>, vector<16xi32>,
      %add3A_3659 = arith.constant 163840 : i32
      %add3A_3660 = vector.broadcast %add3A_3659 : i32 to vector<16xi32>
      %add3A_3661 = arith.addi %get3A_3558, %add3A_3660 : vector<16xi32>
      %mul3A_3662 = arith.constant 10 : i32
      %mul3A_3663 = arith.muli %mul3A_3662, %shift_left3A_3351 : i32
      %mul3A_3664 = arith.constant 16 : i32
      %mul3A_3665 = arith.muli %while3A_3554, %mul3A_3664 : i32
      %add3A_3666 = arith.addi %mul3A_3663, %mul3A_3665 : i32
      %swap3A_3667 = arith.index_cast %add3A_3666 : i32 to index
      %swap3A_3668 = tpu.vector_load %arg10[%swap3A_3667] {strides = array<i32>} : memref<13872xi32, #tpu.memory_space<vmem>>, vector<16xi32>,
      tpu.vector_store %arg10[%swap3A_3667], %add3A_3661 {strides = array<i32>} : memref<13872xi32, #tpu.memory_space<vmem>>, vector<16xi32>,
      %add3A_3669 = arith.constant 180224 : i32
      %add3A_3670 = vector.broadcast %add3A_3669 : i32 to vector<16xi32>
      %add3A_3671 = arith.addi %get3A_3558, %add3A_3670 : vector<16xi32>
      %mul3A_3672 = arith.constant 11 : i32
      %mul3A_3673 = arith.muli %mul3A_3672, %shift_left3A_3351 : i32
      %mul3A_3674 = arith.constant 16 : i32
      %mul3A_3675 = arith.muli %while3A_3554, %mul3A_3674 : i32
      %add3A_3676 = arith.addi %mul3A_3673, %mul3A_3675 : i32
      %swap3A_3677 = arith.index_cast %add3A_3676 : i32 to index
      %swap3A_3678 = tpu.vector_load %arg10[%swap3A_3677] {strides = array<i32>} : memref<13872xi32, #tpu.memory_space<vmem>>, vector<16xi32>,
      tpu.vector_store %arg10[%swap3A_3677], %add3A_3671 {strides = array<i32>} : memref<13872xi32, #tpu.memory_space<vmem>>, vector<16xi32>,
      %add3A_3679 = arith.constant 196608 : i32
      %add3A_3680 = vector.broadcast %add3A_3679 : i32 to vector<16xi32>
      %add3A_3681 = arith.addi %get3A_3558, %add3A_3680 : vector<16xi32>
      %mul3A_3682 = arith.constant 12 : i32
      %mul3A_3683 = arith.muli %mul3A_3682, %shift_left3A_3351 : i32
      %mul3A_3684 = arith.constant 16 : i32
      %mul3A_3685 = arith.muli %while3A_3554, %mul3A_3684 : i32
      %add3A_3686 = arith.addi %mul3A_3683, %mul3A_3685 : i32
      %swap3A_3687 = arith.index_cast %add3A_3686 : i32 to index
      %swap3A_3688 = tpu.vector_load %arg10[%swap3A_3687] {strides = array<i32>} : memref<13872xi32, #tpu.memory_space<vmem>>, vector<16xi32>,
      tpu.vector_store %arg10[%swap3A_3687], %add3A_3681 {strides = array<i32>} : memref<13872xi32, #tpu.memory_space<vmem>>, vector<16xi32>,
      %add3A_3689 = arith.constant 212992 : i32
      %add3A_3690 = vector.broadcast %add3A_3689 : i32 to vector<16xi32>
      %add3A_3691 = arith.addi %get3A_3558, %add3A_3690 : vector<16xi32>
      %mul3A_3692 = arith.constant 13 : i32
      %mul3A_3693 = arith.muli %mul3A_3692, %shift_left3A_3351 : i32
      %mul3A_3694 = arith.constant 16 : i32
      %mul3A_3695 = arith.muli %while3A_3554, %mul3A_3694 : i32
      %add3A_3696 = arith.addi %mul3A_3693, %mul3A_3695 : i32
      %swap3A_3697 = arith.index_cast %add3A_3696 : i32 to index
      %swap3A_3698 = tpu.vector_load %arg10[%swap3A_3697] {strides = array<i32>} : memref<13872xi32, #tpu.memory_space<vmem>>, vector<16xi32>,
      tpu.vector_store %arg10[%swap3A_3697], %add3A_3691 {strides = array<i32>} : memref<13872xi32, #tpu.memory_space<vmem>>, vector<16xi32>,
      %add3A_3699 = arith.constant 229376 : i32
      %add3A_3700 = vector.broadcast %add3A_3699 : i32 to vector<16xi32>
      %add3A_3701 = arith.addi %get3A_3558, %add3A_3700 : vector<16xi32>
      %mul3A_3702 = arith.constant 14 : i32
      %mul3A_3703 = arith.muli %mul3A_3702, %shift_left3A_3351 : i32
      %mul3A_3704 = arith.constant 16 : i32
      %mul3A_3705 = arith.muli %while3A_3554, %mul3A_3704 : i32
      %add3A_3706 = arith.addi %mul3A_3703, %mul3A_3705 : i32
      %swap3A_3707 = arith.index_cast %add3A_3706 : i32 to index
      %swap3A_3708 = tpu.vector_load %arg10[%swap3A_3707] {strides = array<i32>} : memref<13872xi32, #tpu.memory_space<vmem>>, vector<16xi32>,
      tpu.vector_store %arg10[%swap3A_3707], %add3A_3701 {strides = array<i32>} : memref<13872xi32, #tpu.memory_space<vmem>>, vector<16xi32>,
      %add3A_3709 = arith.constant 245760 : i32
      %add3A_3710 = vector.broadcast %add3A_3709 : i32 to vector<16xi32>
      %add3A_3711 = arith.addi %get3A_3558, %add3A_3710 : vector<16xi32>
      %mul3A_3712 = arith.constant 15 : i32
      %mul3A_3713 = arith.muli %mul3A_3712, %shift_left3A_3351 : i32
      %mul3A_3714 = arith.constant 16 : i32
      %mul3A_3715 = arith.muli %while3A_3554, %mul3A_3714 : i32
      %add3A_3716 = arith.addi %mul3A_3713, %mul3A_3715 : i32
      %swap3A_3717 = arith.index_cast %add3A_3716 : i32 to index
      %swap3A_3718 = tpu.vector_load %arg10[%swap3A_3717] {strides = array<i32>} : memref<13872xi32, #tpu.memory_space<vmem>>, vector<16xi32>,
      tpu.vector_store %arg10[%swap3A_3717], %add3A_3711 {strides = array<i32>} : memref<13872xi32, #tpu.memory_space<vmem>>, vector<16xi32>,
      %add3A_3719 = arith.constant 262144 : i32
      %add3A_3720 = vector.broadcast %add3A_3719 : i32 to vector<16xi32>
      %add3A_3721 = arith.addi %get3A_3558, %add3A_3720 : vector<16xi32>
      %mul3A_3722 = arith.constant 16 : i32
      %mul3A_3723 = arith.muli %mul3A_3722, %shift_left3A_3351 : i32
      %mul3A_3724 = arith.constant 16 : i32
      %mul3A_3725 = arith.muli %while3A_3554, %mul3A_3724 : i32
      %add3A_3726 = arith.addi %mul3A_3723, %mul3A_3725 : i32
      %swap3A_3727 = arith.index_cast %add3A_3726 : i32 to index
      %swap3A_3728 = tpu.vector_load %arg10[%swap3A_3727] {strides = array<i32>} : memref<13872xi32, #tpu.memory_space<vmem>>, vector<16xi32>,
      tpu.vector_store %arg10[%swap3A_3727], %add3A_3721 {strides = array<i32>} : memref<13872xi32, #tpu.memory_space<vmem>>, vector<16xi32>,
      %add3A_3729 = arith.constant 278528 : i32
      %add3A_3730 = vector.broadcast %add3A_3729 : i32 to vector<16xi32>
      %add3A_3731 = arith.addi %get3A_3558, %add3A_3730 : vector<16xi32>
      %mul3A_3732 = arith.constant 17 : i32
      %mul3A_3733 = arith.muli %mul3A_3732, %shift_left3A_3351 : i32
      %mul3A_3734 = arith.constant 16 : i32
      %mul3A_3735 = arith.muli %while3A_3554, %mul3A_3734 : i32
      %add3A_3736 = arith.addi %mul3A_3733, %mul3A_3735 : i32
      %swap3A_3737 = arith.index_cast %add3A_3736 : i32 to index
      %swap3A_3738 = tpu.vector_load %arg10[%swap3A_3737] {strides = array<i32>} : memref<13872xi32, #tpu.memory_space<vmem>>, vector<16xi32>,
      tpu.vector_store %arg10[%swap3A_3737], %add3A_3731 {strides = array<i32>} : memref<13872xi32, #tpu.memory_space<vmem>>, vector<16xi32>,
      %add3A_3739 = arith.constant 294912 : i32
      %add3A_3740 = vector.broadcast %add3A_3739 : i32 to vector<16xi32>
      %add3A_3741 = arith.addi %get3A_3558, %add3A_3740 : vector<16xi32>
      %mul3A_3742 = arith.constant 18 : i32
      %mul3A_3743 = arith.muli %mul3A_3742, %shift_left3A_3351 : i32
      %mul3A_3744 = arith.constant 16 : i32
      %mul3A_3745 = arith.muli %while3A_3554, %mul3A_3744 : i32
      %add3A_3746 = arith.addi %mul3A_3743, %mul3A_3745 : i32
      %swap3A_3747 = arith.index_cast %add3A_3746 : i32 to index
      %swap3A_3748 = tpu.vector_load %arg10[%swap3A_3747] {strides = array<i32>} : memref<13872xi32, #tpu.memory_space<vmem>>, vector<16xi32>,
      tpu.vector_store %arg10[%swap3A_3747], %add3A_3741 {strides = array<i32>} : memref<13872xi32, #tpu.memory_space<vmem>>, vector<16xi32>,
      %add3A_3749 = arith.constant 311296 : i32
      %add3A_3750 = vector.broadcast %add3A_3749 : i32 to vector<16xi32>
      %add3A_3751 = arith.addi %get3A_3558, %add3A_3750 : vector<16xi32>
      %mul3A_3752 = arith.constant 19 : i32
      %mul3A_3753 = arith.muli %mul3A_3752, %shift_left3A_3351 : i32
      %mul3A_3754 = arith.constant 16 : i32
      %mul3A_3755 = arith.muli %while3A_3554, %mul3A_3754 : i32
      %add3A_3756 = arith.addi %mul3A_3753, %mul3A_3755 : i32
      %swap3A_3757 = arith.index_cast %add3A_3756 : i32 to index
      %swap3A_3758 = tpu.vector_load %arg10[%swap3A_3757] {strides = array<i32>} : memref<13872xi32, #tpu.memory_space<vmem>>, vector<16xi32>,
      tpu.vector_store %arg10[%swap3A_3757], %add3A_3751 {strides = array<i32>} : memref<13872xi32, #tpu.memory_space<vmem>>, vector<16xi32>,
      %add3A_3759 = arith.constant 327680 : i32
      %add3A_3760 = vector.broadcast %add3A_3759 : i32 to vector<16xi32>
      %add3A_3761 = arith.addi %get3A_3558, %add3A_3760 : vector<16xi32>
      %mul3A_3762 = arith.constant 20 : i32
      %mul3A_3763 = arith.muli %mul3A_3762, %shift_left3A_3351 : i32
      %mul3A_3764 = arith.constant 16 : i32
      %mul3A_3765 = arith.muli %while3A_3554, %mul3A_3764 : i32
      %add3A_3766 = arith.addi %mul3A_3763, %mul3A_3765 : i32
      %swap3A_3767 = arith.index_cast %add3A_3766 : i32 to index
      %swap3A_3768 = tpu.vector_load %arg10[%swap3A_3767] {strides = array<i32>} : memref<13872xi32, #tpu.memory_space<vmem>>, vector<16xi32>,
      tpu.vector_store %arg10[%swap3A_3767], %add3A_3761 {strides = array<i32>} : memref<13872xi32, #tpu.memory_space<vmem>>, vector<16xi32>,
      %add3A_3769 = arith.constant 344064 : i32
      %add3A_3770 = vector.broadcast %add3A_3769 : i32 to vector<16xi32>
      %add3A_3771 = arith.addi %get3A_3558, %add3A_3770 : vector<16xi32>
      %mul3A_3772 = arith.constant 21 : i32
      %mul3A_3773 = arith.muli %mul3A_3772, %shift_left3A_3351 : i32
      %mul3A_3774 = arith.constant 16 : i32
      %mul3A_3775 = arith.muli %while3A_3554, %mul3A_3774 : i32
      %add3A_3776 = arith.addi %mul3A_3773, %mul3A_3775 : i32
      %swap3A_3777 = arith.index_cast %add3A_3776 : i32 to index
      %swap3A_3778 = tpu.vector_load %arg10[%swap3A_3777] {strides = array<i32>} : memref<13872xi32, #tpu.memory_space<vmem>>, vector<16xi32>,
      tpu.vector_store %arg10[%swap3A_3777], %add3A_3771 {strides = array<i32>} : memref<13872xi32, #tpu.memory_space<vmem>>, vector<16xi32>,
      %add3A_3779 = arith.constant 360448 : i32
      %add3A_3780 = vector.broadcast %add3A_3779 : i32 to vector<16xi32>
      %add3A_3781 = arith.addi %get3A_3558, %add3A_3780 : vector<16xi32>
      %mul3A_3782 = arith.constant 22 : i32
      %mul3A_3783 = arith.muli %mul3A_3782, %shift_left3A_3351 : i32
      %mul3A_3784 = arith.constant 16 : i32
      %mul3A_3785 = arith.muli %while3A_3554, %mul3A_3784 : i32
      %add3A_3786 = arith.addi %mul3A_3783, %mul3A_3785 : i32
      %swap3A_3787 = arith.index_cast %add3A_3786 : i32 to index
      %swap3A_3788 = tpu.vector_load %arg10[%swap3A_3787] {strides = array<i32>} : memref<13872xi32, #tpu.memory_space<vmem>>, vector<16xi32>,
      tpu.vector_store %arg10[%swap3A_3787], %add3A_3781 {strides = array<i32>} : memref<13872xi32, #tpu.memory_space<vmem>>, vector<16xi32>,
      %add3A_3789 = arith.constant 376832 : i32
      %add3A_3790 = vector.broadcast %add3A_3789 : i32 to vector<16xi32>
      %add3A_3791 = arith.addi %get3A_3558, %add3A_3790 : vector<16xi32>
      %mul3A_3792 = arith.constant 23 : i32
      %mul3A_3793 = arith.muli %mul3A_3792, %shift_left3A_3351 : i32
      %mul3A_3794 = arith.constant 16 : i32
      %mul3A_3795 = arith.muli %while3A_3554, %mul3A_3794 : i32
      %add3A_3796 = arith.addi %mul3A_3793, %mul3A_3795 : i32
      %swap3A_3797 = arith.index_cast %add3A_3796 : i32 to index
      %swap3A_3798 = tpu.vector_load %arg10[%swap3A_3797] {strides = array<i32>} : memref<13872xi32, #tpu.memory_space<vmem>>, vector<16xi32>,
      tpu.vector_store %arg10[%swap3A_3797], %add3A_3791 {strides = array<i32>} : memref<13872xi32, #tpu.memory_space<vmem>>, vector<16xi32>,
      %add3A_3799 = arith.constant 393216 : i32
      %add3A_3800 = vector.broadcast %add3A_3799 : i32 to vector<16xi32>
      %add3A_3801 = arith.addi %get3A_3558, %add3A_3800 : vector<16xi32>
      %mul3A_3802 = arith.constant 24 : i32
      %mul3A_3803 = arith.muli %mul3A_3802, %shift_left3A_3351 : i32
      %mul3A_3804 = arith.constant 16 : i32
      %mul3A_3805 = arith.muli %while3A_3554, %mul3A_3804 : i32
      %add3A_3806 = arith.addi %mul3A_3803, %mul3A_3805 : i32
      %swap3A_3807 = arith.index_cast %add3A_3806 : i32 to index
      %swap3A_3808 = tpu.vector_load %arg10[%swap3A_3807] {strides = array<i32>} : memref<13872xi32, #tpu.memory_space<vmem>>, vector<16xi32>,
      tpu.vector_store %arg10[%swap3A_3807], %add3A_3801 {strides = array<i32>} : memref<13872xi32, #tpu.memory_space<vmem>>, vector<16xi32>,
      %add3A_3809 = arith.constant 409600 : i32
      %add3A_3810 = vector.broadcast %add3A_3809 : i32 to vector<16xi32>
      %add3A_3811 = arith.addi %get3A_3558, %add3A_3810 : vector<16xi32>
      %mul3A_3812 = arith.constant 25 : i32
      %mul3A_3813 = arith.muli %mul3A_3812, %shift_left3A_3351 : i32
      %mul3A_3814 = arith.constant 16 : i32
      %mul3A_3815 = arith.muli %while3A_3554, %mul3A_3814 : i32
      %add3A_3816 = arith.addi %mul3A_3813, %mul3A_3815 : i32
      %swap3A_3817 = arith.index_cast %add3A_3816 : i32 to index
      %swap3A_3818 = tpu.vector_load %arg10[%swap3A_3817] {strides = array<i32>} : memref<13872xi32, #tpu.memory_space<vmem>>, vector<16xi32>,
      tpu.vector_store %arg10[%swap3A_3817], %add3A_3811 {strides = array<i32>} : memref<13872xi32, #tpu.memory_space<vmem>>, vector<16xi32>,
    }
    %while3A_3374 = arith.constant 1 : i32
    scf.for %while3A_3554 = %while3A_3372 to %while3A_3368 step %while3A_3374  : i32 {
      %mul3A_3555 = arith.constant 16 : i32
      %mul3A_3556 = arith.muli %while3A_3554, %mul3A_3555 : i32
      %get3A_3557 = arith.index_cast %mul3A_3556 : i32 to index
      %get3A_3558 = tpu.vector_load %arg8[%get3A_3557] {strides = array<i32>} : memref<560xi32, #tpu.memory_space<vmem>>, vector<16xi32>,
      %add3A_3559 = arith.constant 0 : i32
      %add3A_3560 = vector.broadcast %add3A_3559 : i32 to vector<16xi32>
      %add3A_3561 = arith.addi %get3A_3558, %add3A_3560 : vector<16xi32>
      %mul3A_3562 = arith.constant 0 : i32
      %mul3A_3563 = arith.muli %mul3A_3562, %shift_left3A_3351 : i32
      %mul3A_3564 = arith.constant 16 : i32
      %mul3A_3565 = arith.muli %while3A_3554, %mul3A_3564 : i32
      %add3A_3566 = arith.addi %mul3A_3563, %mul3A_3565 : i32
      %swap3A_3567 = arith.index_cast %add3A_3566 : i32 to index
      %swap3A_3568 = tpu.vector_load %arg10[%swap3A_3567] {strides = array<i32>} : memref<13872xi32, #tpu.memory_space<vmem>>, vector<16xi32>,
      tpu.vector_store %arg10[%swap3A_3567], %add3A_3561 {strides = array<i32>} : memref<13872xi32, #tpu.memory_space<vmem>>, vector<16xi32>,
      %add3A_3569 = arith.constant 16384 : i32
      %add3A_3570 = vector.broadcast %add3A_3569 : i32 to vector<16xi32>
      %add3A_3571 = arith.addi %get3A_3558, %add3A_3570 : vector<16xi32>
      %mul3A_3572 = arith.constant 1 : i32
      %mul3A_3573 = arith.muli %mul3A_3572, %shift_left3A_3351 : i32
      %mul3A_3574 = arith.constant 16 : i32
      %mul3A_3575 = arith.muli %while3A_3554, %mul3A_3574 : i32
      %add3A_3576 = arith.addi %mul3A_3573, %mul3A_3575 : i32
      %swap3A_3577 = arith.index_cast %add3A_3576 : i32 to index
      %swap3A_3578 = tpu.vector_load %arg10[%swap3A_3577] {strides = array<i32>} : memref<13872xi32, #tpu.memory_space<vmem>>, vector<16xi32>,
      tpu.vector_store %arg10[%swap3A_3577], %add3A_3571 {strides = array<i32>} : memref<13872xi32, #tpu.memory_space<vmem>>, vector<16xi32>,
      %add3A_3579 = arith.constant 32768 : i32
      %add3A_3580 = vector.broadcast %add3A_3579 : i32 to vector<16xi32>
      %add3A_3581 = arith.addi %get3A_3558, %add3A_3580 : vector<16xi32>
      %mul3A_3582 = arith.constant 2 : i32
      %mul3A_3583 = arith.muli %mul3A_3582, %shift_left3A_3351 : i32
      %mul3A_3584 = arith.constant 16 : i32
      %mul3A_3585 = arith.muli %while3A_3554, %mul3A_3584 : i32
      %add3A_3586 = arith.addi %mul3A_3583, %mul3A_3585 : i32
      %swap3A_3587 = arith.index_cast %add3A_3586 : i32 to index
      %swap3A_3588 = tpu.vector_load %arg10[%swap3A_3587] {strides = array<i32>} : memref<13872xi32, #tpu.memory_space<vmem>>, vector<16xi32>,
      tpu.vector_store %arg10[%swap3A_3587], %add3A_3581 {strides = array<i32>} : memref<13872xi32, #tpu.memory_space<vmem>>, vector<16xi32>,
      %add3A_3589 = arith.constant 49152 : i32
      %add3A_3590 = vector.broadcast %add3A_3589 : i32 to vector<16xi32>
      %add3A_3591 = arith.addi %get3A_3558, %add3A_3590 : vector<16xi32>
      %mul3A_3592 = arith.constant 3 : i32
      %mul3A_3593 = arith.muli %mul3A_3592, %shift_left3A_3351 : i32
      %mul3A_3594 = arith.constant 16 : i32
      %mul3A_3595 = arith.muli %while3A_3554, %mul3A_3594 : i32
      %add3A_3596 = arith.addi %mul3A_3593, %mul3A_3595 : i32
      %swap3A_3597 = arith.index_cast %add3A_3596 : i32 to index
      %swap3A_3598 = tpu.vector_load %arg10[%swap3A_3597] {strides = array<i32>} : memref<13872xi32, #tpu.memory_space<vmem>>, vector<16xi32>,
      tpu.vector_store %arg10[%swap3A_3597], %add3A_3591 {strides = array<i32>} : memref<13872xi32, #tpu.memory_space<vmem>>, vector<16xi32>,
      %add3A_3599 = arith.constant 65536 : i32
      %add3A_3600 = vector.broadcast %add3A_3599 : i32 to vector<16xi32>
      %add3A_3601 = arith.addi %get3A_3558, %add3A_3600 : vector<16xi32>
      %mul3A_3602 = arith.constant 4 : i32
      %mul3A_3603 = arith.muli %mul3A_3602, %shift_left3A_3351 : i32
      %mul3A_3604 = arith.constant 16 : i32
      %mul3A_3605 = arith.muli %while3A_3554, %mul3A_3604 : i32
      %add3A_3606 = arith.addi %mul3A_3603, %mul3A_3605 : i32
      %swap3A_3607 = arith.index_cast %add3A_3606 : i32 to index
      %swap3A_3608 = tpu.vector_load %arg10[%swap3A_3607] {strides = array<i32>} : memref<13872xi32, #tpu.memory_space<vmem>>, vector<16xi32>,
      tpu.vector_store %arg10[%swap3A_3607], %add3A_3601 {strides = array<i32>} : memref<13872xi32, #tpu.memory_space<vmem>>, vector<16xi32>,
      %add3A_3609 = arith.constant 81920 : i32
      %add3A_3610 = vector.broadcast %add3A_3609 : i32 to vector<16xi32>
      %add3A_3611 = arith.addi %get3A_3558, %add3A_3610 : vector<16xi32>
      %mul3A_3612 = arith.constant 5 : i32
      %mul3A_3613 = arith.muli %mul3A_3612, %shift_left3A_3351 : i32
      %mul3A_3614 = arith.constant 16 : i32
      %mul3A_3615 = arith.muli %while3A_3554, %mul3A_3614 : i32
      %add3A_3616 = arith.addi %mul3A_3613, %mul3A_3615 : i32
      %swap3A_3617 = arith.index_cast %add3A_3616 : i32 to index
      %swap3A_3618 = tpu.vector_load %arg10[%swap3A_3617] {strides = array<i32>} : memref<13872xi32, #tpu.memory_space<vmem>>, vector<16xi32>,
      tpu.vector_store %arg10[%swap3A_3617], %add3A_3611 {strides = array<i32>} : memref<13872xi32, #tpu.memory_space<vmem>>, vector<16xi32>,
      %add3A_3619 = arith.constant 98304 : i32
      %add3A_3620 = vector.broadcast %add3A_3619 : i32 to vector<16xi32>
      %add3A_3621 = arith.addi %get3A_3558, %add3A_3620 : vector<16xi32>
      %mul3A_3622 = arith.constant 6 : i32
      %mul3A_3623 = arith.muli %mul3A_3622, %shift_left3A_3351 : i32
      %mul3A_3624 = arith.constant 16 : i32
      %mul3A_3625 = arith.muli %while3A_3554, %mul3A_3624 : i32
      %add3A_3626 = arith.addi %mul3A_3623, %mul3A_3625 : i32
      %swap3A_3627 = arith.index_cast %add3A_3626 : i32 to index
      %swap3A_3628 = tpu.vector_load %arg10[%swap3A_3627] {strides = array<i32>} : memref<13872xi32, #tpu.memory_space<vmem>>, vector<16xi32>,
      tpu.vector_store %arg10[%swap3A_3627], %add3A_3621 {strides = array<i32>} : memref<13872xi32, #tpu.memory_space<vmem>>, vector<16xi32>,
      %add3A_3629 = arith.constant 114688 : i32
      %add3A_3630 = vector.broadcast %add3A_3629 : i32 to vector<16xi32>
      %add3A_3631 = arith.addi %get3A_3558, %add3A_3630 : vector<16xi32>
      %mul3A_3632 = arith.constant 7 : i32
      %mul3A_3633 = arith.muli %mul3A_3632, %shift_left3A_3351 : i32
      %mul3A_3634 = arith.constant 16 : i32
      %mul3A_3635 = arith.muli %while3A_3554, %mul3A_3634 : i32
      %add3A_3636 = arith.addi %mul3A_3633, %mul3A_3635 : i32
      %swap3A_3637 = arith.index_cast %add3A_3636 : i32 to index
      %swap3A_3638 = tpu.vector_load %arg10[%swap3A_3637] {strides = array<i32>} : memref<13872xi32, #tpu.memory_space<vmem>>, vector<16xi32>,
      tpu.vector_store %arg10[%swap3A_3637], %add3A_3631 {strides = array<i32>} : memref<13872xi32, #tpu.memory_space<vmem>>, vector<16xi32>,
      %add3A_3639 = arith.constant 131072 : i32
      %add3A_3640 = vector.broadcast %add3A_3639 : i32 to vector<16xi32>
      %add3A_3641 = arith.addi %get3A_3558, %add3A_3640 : vector<16xi32>
      %mul3A_3642 = arith.constant 8 : i32
      %mul3A_3643 = arith.muli %mul3A_3642, %shift_left3A_3351 : i32
      %mul3A_3644 = arith.constant 16 : i32
      %mul3A_3645 = arith.muli %while3A_3554, %mul3A_3644 : i32
      %add3A_3646 = arith.addi %mul3A_3643, %mul3A_3645 : i32
      %swap3A_3647 = arith.index_cast %add3A_3646 : i32 to index
      %swap3A_3648 = tpu.vector_load %arg10[%swap3A_3647] {strides = array<i32>} : memref<13872xi32, #tpu.memory_space<vmem>>, vector<16xi32>,
      tpu.vector_store %arg10[%swap3A_3647], %add3A_3641 {strides = array<i32>} : memref<13872xi32, #tpu.memory_space<vmem>>, vector<16xi32>,
      %add3A_3649 = arith.constant 147456 : i32
      %add3A_3650 = vector.broadcast %add3A_3649 : i32 to vector<16xi32>
      %add3A_3651 = arith.addi %get3A_3558, %add3A_3650 : vector<16xi32>
      %mul3A_3652 = arith.constant 9 : i32
      %mul3A_3653 = arith.muli %mul3A_3652, %shift_left3A_3351 : i32
      %mul3A_3654 = arith.constant 16 : i32
      %mul3A_3655 = arith.muli %while3A_3554, %mul3A_3654 : i32
      %add3A_3656 = arith.addi %mul3A_3653, %mul3A_3655 : i32
      %swap3A_3657 = arith.index_cast %add3A_3656 : i32 to index
      %swap3A_3658 = tpu.vector_load %arg10[%swap3A_3657] {strides = array<i32>} : memref<13872xi32, #tpu.memory_space<vmem>>, vector<16xi32>,
      tpu.vector_store %arg10[%swap3A_3657], %add3A_3651 {strides = array<i32>} : memref<13872xi32, #tpu.memory_space<vmem>>, vector<16xi32>,
      %add3A_3659 = arith.constant 163840 : i32
      %add3A_3660 = vector.broadcast %add3A_3659 : i32 to vector<16xi32>
      %add3A_3661 = arith.addi %get3A_3558, %add3A_3660 : vector<16xi32>
      %mul3A_3662 = arith.constant 10 : i32
      %mul3A_3663 = arith.muli %mul3A_3662, %shift_left3A_3351 : i32
      %mul3A_3664 = arith.constant 16 : i32
      %mul3A_3665 = arith.muli %while3A_3554, %mul3A_3664 : i32
      %add3A_3666 = arith.addi %mul3A_3663, %mul3A_3665 : i32
      %swap3A_3667 = arith.index_cast %add3A_3666 : i32 to index
      %swap3A_3668 = tpu.vector_load %arg10[%swap3A_3667] {strides = array<i32>} : memref<13872xi32, #tpu.memory_space<vmem>>, vector<16xi32>,
      tpu.vector_store %arg10[%swap3A_3667], %add3A_3661 {strides = array<i32>} : memref<13872xi32, #tpu.memory_space<vmem>>, vector<16xi32>,
      %add3A_3669 = arith.constant 180224 : i32
      %add3A_3670 = vector.broadcast %add3A_3669 : i32 to vector<16xi32>
      %add3A_3671 = arith.addi %get3A_3558, %add3A_3670 : vector<16xi32>
      %mul3A_3672 = arith.constant 11 : i32
      %mul3A_3673 = arith.muli %mul3A_3672, %shift_left3A_3351 : i32
      %mul3A_3674 = arith.constant 16 : i32
      %mul3A_3675 = arith.muli %while3A_3554, %mul3A_3674 : i32
      %add3A_3676 = arith.addi %mul3A_3673, %mul3A_3675 : i32
      %swap3A_3677 = arith.index_cast %add3A_3676 : i32 to index
      %swap3A_3678 = tpu.vector_load %arg10[%swap3A_3677] {strides = array<i32>} : memref<13872xi32, #tpu.memory_space<vmem>>, vector<16xi32>,
      tpu.vector_store %arg10[%swap3A_3677], %add3A_3671 {strides = array<i32>} : memref<13872xi32, #tpu.memory_space<vmem>>, vector<16xi32>,
      %add3A_3679 = arith.constant 196608 : i32
      %add3A_3680 = vector.broadcast %add3A_3679 : i32 to vector<16xi32>
      %add3A_3681 = arith.addi %get3A_3558, %add3A_3680 : vector<16xi32>
      %mul3A_3682 = arith.constant 12 : i32
      %mul3A_3683 = arith.muli %mul3A_3682, %shift_left3A_3351 : i32
      %mul3A_3684 = arith.constant 16 : i32
      %mul3A_3685 = arith.muli %while3A_3554, %mul3A_3684 : i32
      %add3A_3686 = arith.addi %mul3A_3683, %mul3A_3685 : i32
      %swap3A_3687 = arith.index_cast %add3A_3686 : i32 to index
      %swap3A_3688 = tpu.vector_load %arg10[%swap3A_3687] {strides = array<i32>} : memref<13872xi32, #tpu.memory_space<vmem>>, vector<16xi32>,
      tpu.vector_store %arg10[%swap3A_3687], %add3A_3681 {strides = array<i32>} : memref<13872xi32, #tpu.memory_space<vmem>>, vector<16xi32>,
      %add3A_3689 = arith.constant 212992 : i32
      %add3A_3690 = vector.broadcast %add3A_3689 : i32 to vector<16xi32>
      %add3A_3691 = arith.addi %get3A_3558, %add3A_3690 : vector<16xi32>
      %mul3A_3692 = arith.constant 13 : i32
      %mul3A_3693 = arith.muli %mul3A_3692, %shift_left3A_3351 : i32
      %mul3A_3694 = arith.constant 16 : i32
      %mul3A_3695 = arith.muli %while3A_3554, %mul3A_3694 : i32
      %add3A_3696 = arith.addi %mul3A_3693, %mul3A_3695 : i32
      %swap3A_3697 = arith.index_cast %add3A_3696 : i32 to index
      %swap3A_3698 = tpu.vector_load %arg10[%swap3A_3697] {strides = array<i32>} : memref<13872xi32, #tpu.memory_space<vmem>>, vector<16xi32>,
      tpu.vector_store %arg10[%swap3A_3697], %add3A_3691 {strides = array<i32>} : memref<13872xi32, #tpu.memory_space<vmem>>, vector<16xi32>,
      %add3A_3699 = arith.constant 229376 : i32
      %add3A_3700 = vector.broadcast %add3A_3699 : i32 to vector<16xi32>
      %add3A_3701 = arith.addi %get3A_3558, %add3A_3700 : vector<16xi32>
      %mul3A_3702 = arith.constant 14 : i32
      %mul3A_3703 = arith.muli %mul3A_3702, %shift_left3A_3351 : i32
      %mul3A_3704 = arith.constant 16 : i32
      %mul3A_3705 = arith.muli %while3A_3554, %mul3A_3704 : i32
      %add3A_3706 = arith.addi %mul3A_3703, %mul3A_3705 : i32
      %swap3A_3707 = arith.index_cast %add3A_3706 : i32 to index
      %swap3A_3708 = tpu.vector_load %arg10[%swap3A_3707] {strides = array<i32>} : memref<13872xi32, #tpu.memory_space<vmem>>, vector<16xi32>,
      tpu.vector_store %arg10[%swap3A_3707], %add3A_3701 {strides = array<i32>} : memref<13872xi32, #tpu.memory_space<vmem>>, vector<16xi32>,
      %add3A_3709 = arith.constant 245760 : i32
      %add3A_3710 = vector.broadcast %add3A_3709 : i32 to vector<16xi32>
      %add3A_3711 = arith.addi %get3A_3558, %add3A_3710 : vector<16xi32>
      %mul3A_3712 = arith.constant 15 : i32
      %mul3A_3713 = arith.muli %mul3A_3712, %shift_left3A_3351 : i32
      %mul3A_3714 = arith.constant 16 : i32
      %mul3A_3715 = arith.muli %while3A_3554, %mul3A_3714 : i32
      %add3A_3716 = arith.addi %mul3A_3713, %mul3A_3715 : i32
      %swap3A_3717 = arith.index_cast %add3A_3716 : i32 to index
      %swap3A_3718 = tpu.vector_load %arg10[%swap3A_3717] {strides = array<i32>} : memref<13872xi32, #tpu.memory_space<vmem>>, vector<16xi32>,
      tpu.vector_store %arg10[%swap3A_3717], %add3A_3711 {strides = array<i32>} : memref<13872xi32, #tpu.memory_space<vmem>>, vector<16xi32>,
      %add3A_3719 = arith.constant 262144 : i32
      %add3A_3720 = vector.broadcast %add3A_3719 : i32 to vector<16xi32>
      %add3A_3721 = arith.addi %get3A_3558, %add3A_3720 : vector<16xi32>
      %mul3A_3722 = arith.constant 16 : i32
      %mul3A_3723 = arith.muli %mul3A_3722, %shift_left3A_3351 : i32
      %mul3A_3724 = arith.constant 16 : i32
      %mul3A_3725 = arith.muli %while3A_3554, %mul3A_3724 : i32
      %add3A_3726 = arith.addi %mul3A_3723, %mul3A_3725 : i32
      %swap3A_3727 = arith.index_cast %add3A_3726 : i32 to index
      %swap3A_3728 = tpu.vector_load %arg10[%swap3A_3727] {strides = array<i32>} : memref<13872xi32, #tpu.memory_space<vmem>>, vector<16xi32>,
      tpu.vector_store %arg10[%swap3A_3727], %add3A_3721 {strides = array<i32>} : memref<13872xi32, #tpu.memory_space<vmem>>, vector<16xi32>,
      %add3A_3729 = arith.constant 278528 : i32
      %add3A_3730 = vector.broadcast %add3A_3729 : i32 to vector<16xi32>
      %add3A_3731 = arith.addi %get3A_3558, %add3A_3730 : vector<16xi32>
      %mul3A_3732 = arith.constant 17 : i32
      %mul3A_3733 = arith.muli %mul3A_3732, %shift_left3A_3351 : i32
      %mul3A_3734 = arith.constant 16 : i32
      %mul3A_3735 = arith.muli %while3A_3554, %mul3A_3734 : i32
      %add3A_3736 = arith.addi %mul3A_3733, %mul3A_3735 : i32
      %swap3A_3737 = arith.index_cast %add3A_3736 : i32 to index
      %swap3A_3738 = tpu.vector_load %arg10[%swap3A_3737] {strides = array<i32>} : memref<13872xi32, #tpu.memory_space<vmem>>, vector<16xi32>,
      tpu.vector_store %arg10[%swap3A_3737], %add3A_3731 {strides = array<i32>} : memref<13872xi32, #tpu.memory_space<vmem>>, vector<16xi32>,
      %add3A_3739 = arith.constant 294912 : i32
      %add3A_3740 = vector.broadcast %add3A_3739 : i32 to vector<16xi32>
      %add3A_3741 = arith.addi %get3A_3558, %add3A_3740 : vector<16xi32>
      %mul3A_3742 = arith.constant 18 : i32
      %mul3A_3743 = arith.muli %mul3A_3742, %shift_left3A_3351 : i32
      %mul3A_3744 = arith.constant 16 : i32
      %mul3A_3745 = arith.muli %while3A_3554, %mul3A_3744 : i32
      %add3A_3746 = arith.addi %mul3A_3743, %mul3A_3745 : i32
      %swap3A_3747 = arith.index_cast %add3A_3746 : i32 to index
      %swap3A_3748 = tpu.vector_load %arg10[%swap3A_3747] {strides = array<i32>} : memref<13872xi32, #tpu.memory_space<vmem>>, vector<16xi32>,
      tpu.vector_store %arg10[%swap3A_3747], %add3A_3741 {strides = array<i32>} : memref<13872xi32, #tpu.memory_space<vmem>>, vector<16xi32>,
      %add3A_3749 = arith.constant 311296 : i32
      %add3A_3750 = vector.broadcast %add3A_3749 : i32 to vector<16xi32>
      %add3A_3751 = arith.addi %get3A_3558, %add3A_3750 : vector<16xi32>
      %mul3A_3752 = arith.constant 19 : i32
      %mul3A_3753 = arith.muli %mul3A_3752, %shift_left3A_3351 : i32
      %mul3A_3754 = arith.constant 16 : i32
      %mul3A_3755 = arith.muli %while3A_3554, %mul3A_3754 : i32
      %add3A_3756 = arith.addi %mul3A_3753, %mul3A_3755 : i32
      %swap3A_3757 = arith.index_cast %add3A_3756 : i32 to index
      %swap3A_3758 = tpu.vector_load %arg10[%swap3A_3757] {strides = array<i32>} : memref<13872xi32, #tpu.memory_space<vmem>>, vector<16xi32>,
      tpu.vector_store %arg10[%swap3A_3757], %add3A_3751 {strides = array<i32>} : memref<13872xi32, #tpu.memory_space<vmem>>, vector<16xi32>,
      %add3A_3759 = arith.constant 327680 : i32
      %add3A_3760 = vector.broadcast %add3A_3759 : i32 to vector<16xi32>
      %add3A_3761 = arith.addi %get3A_3558, %add3A_3760 : vector<16xi32>
      %mul3A_3762 = arith.constant 20 : i32
      %mul3A_3763 = arith.muli %mul3A_3762, %shift_left3A_3351 : i32
      %mul3A_3764 = arith.constant 16 : i32
      %mul3A_3765 = arith.muli %while3A_3554, %mul3A_3764 : i32
      %add3A_3766 = arith.addi %mul3A_3763, %mul3A_3765 : i32
      %swap3A_3767 = arith.index_cast %add3A_3766 : i32 to index
      %swap3A_3768 = tpu.vector_load %arg10[%swap3A_3767] {strides = array<i32>} : memref<13872xi32, #tpu.memory_space<vmem>>, vector<16xi32>,
      tpu.vector_store %arg10[%swap3A_3767], %add3A_3761 {strides = array<i32>} : memref<13872xi32, #tpu.memory_space<vmem>>, vector<16xi32>,
      %add3A_3769 = arith.constant 344064 : i32
      %add3A_3770 = vector.broadcast %add3A_3769 : i32 to vector<16xi32>
      %add3A_3771 = arith.addi %get3A_3558, %add3A_3770 : vector<16xi32>
      %mul3A_3772 = arith.constant 21 : i32
      %mul3A_3773 = arith.muli %mul3A_3772, %shift_left3A_3351 : i32
      %mul3A_3774 = arith.constant 16 : i32
      %mul3A_3775 = arith.muli %while3A_3554, %mul3A_3774 : i32
      %add3A_3776 = arith.addi %mul3A_3773, %mul3A_3775 : i32
      %swap3A_3777 = arith.index_cast %add3A_3776 : i32 to index
      %swap3A_3778 = tpu.vector_load %arg10[%swap3A_3777] {strides = array<i32>} : memref<13872xi32, #tpu.memory_space<vmem>>, vector<16xi32>,
      tpu.vector_store %arg10[%swap3A_3777], %add3A_3771 {strides = array<i32>} : memref<13872xi32, #tpu.memory_space<vmem>>, vector<16xi32>,
      %add3A_3779 = arith.constant 360448 : i32
      %add3A_3780 = vector.broadcast %add3A_3779 : i32 to vector<16xi32>
      %add3A_3781 = arith.addi %get3A_3558, %add3A_3780 : vector<16xi32>
      %mul3A_3782 = arith.constant 22 : i32
      %mul3A_3783 = arith.muli %mul3A_3782, %shift_left3A_3351 : i32
      %mul3A_3784 = arith.constant 16 : i32
      %mul3A_3785 = arith.muli %while3A_3554, %mul3A_3784 : i32
      %add3A_3786 = arith.addi %mul3A_3783, %mul3A_3785 : i32
      %swap3A_3787 = arith.index_cast %add3A_3786 : i32 to index
      %swap3A_3788 = tpu.vector_load %arg10[%swap3A_3787] {strides = array<i32>} : memref<13872xi32, #tpu.memory_space<vmem>>, vector<16xi32>,
      tpu.vector_store %arg10[%swap3A_3787], %add3A_3781 {strides = array<i32>} : memref<13872xi32, #tpu.memory_space<vmem>>, vector<16xi32>,
      %add3A_3789 = arith.constant 376832 : i32
      %add3A_3790 = vector.broadcast %add3A_3789 : i32 to vector<16xi32>
      %add3A_3791 = arith.addi %get3A_3558, %add3A_3790 : vector<16xi32>
      %mul3A_3792 = arith.constant 23 : i32
      %mul3A_3793 = arith.muli %mul3A_3792, %shift_left3A_3351 : i32
      %mul3A_3794 = arith.constant 16 : i32
      %mul3A_3795 = arith.muli %while3A_3554, %mul3A_3794 : i32
      %add3A_3796 = arith.addi %mul3A_3793, %mul3A_3795 : i32
      %swap3A_3797 = arith.index_cast %add3A_3796 : i32 to index
      %swap3A_3798 = tpu.vector_load %arg10[%swap3A_3797] {strides = array<i32>} : memref<13872xi32, #tpu.memory_space<vmem>>, vector<16xi32>,
      tpu.vector_store %arg10[%swap3A_3797], %add3A_3791 {strides = array<i32>} : memref<13872xi32, #tpu.memory_space<vmem>>, vector<16xi32>,
      %add3A_3799 = arith.constant 393216 : i32
      %add3A_3800 = vector.broadcast %add3A_3799 : i32 to vector<16xi32>
      %add3A_3801 = arith.addi %get3A_3558, %add3A_3800 : vector<16xi32>
      %mul3A_3802 = arith.constant 24 : i32
      %mul3A_3803 = arith.muli %mul3A_3802, %shift_left3A_3351 : i32
      %mul3A_3804 = arith.constant 16 : i32
      %mul3A_3805 = arith.muli %while3A_3554, %mul3A_3804 : i32
      %add3A_3806 = arith.addi %mul3A_3803, %mul3A_3805 : i32
      %swap3A_3807 = arith.index_cast %add3A_3806 : i32 to index
      %swap3A_3808 = tpu.vector_load %arg10[%swap3A_3807] {strides = array<i32>} : memref<13872xi32, #tpu.memory_space<vmem>>, vector<16xi32>,
      tpu.vector_store %arg10[%swap3A_3807], %add3A_3801 {strides = array<i32>} : memref<13872xi32, #tpu.memory_space<vmem>>, vector<16xi32>,
      %add3A_3809 = arith.constant 409600 : i32
      %add3A_3810 = vector.broadcast %add3A_3809 : i32 to vector<16xi32>
      %add3A_3811 = arith.addi %get3A_3558, %add3A_3810 : vector<16xi32>
      %mul3A_3812 = arith.constant 25 : i32
      %mul3A_3813 = arith.muli %mul3A_3812, %shift_left3A_3351 : i32
      %mul3A_3814 = arith.constant 16 : i32
      %mul3A_3815 = arith.muli %while3A_3554, %mul3A_3814 : i32
      %add3A_3816 = arith.addi %mul3A_3813, %mul3A_3815 : i32
      %swap3A_3817 = arith.index_cast %add3A_3816 : i32 to index
      %swap3A_3818 = tpu.vector_load %arg10[%swap3A_3817] {strides = array<i32>} : memref<13872xi32, #tpu.memory_space<vmem>>, vector<16xi32>,
      tpu.vector_store %arg10[%swap3A_3817], %add3A_3811 {strides = array<i32>} : memref<13872xi32, #tpu.memory_space<vmem>>, vector<16xi32>,
    }
    %mul3A_3375 = arith.constant 26 : i32
    %mul3A_3376 = arith.muli %mul3A_3375, %shift_left3A_3345 : i32
    %mul3A_3377 = arith.constant 26 : i32
    %mul3A_3378 = arith.muli %mul3A_3377, %shift_left3A_3351 : i32
    %add3A_3379 = arith.constant 0 : i32
    %add3A_3380 = arith.addi %mul3A_3376, %add3A_3379 : i32
    %swap3A_3381 = arith.index_cast %add3A_3380 : i32 to index
    %swap3A_3382 = tpu.vector_load %arg9[%swap3A_3381] {strides = array<i32>} : memref<13872xi32, #tpu.memory_space<vmem>>, vector<16xi32>,
    tpu.vector_store %arg9[%swap3A_3381], %broadcast_in_dim3A_3333 {strides = array<i32>} : memref<13872xi32, #tpu.memory_space<vmem>>, vector<16xi32>,
    %add3A_3383 = arith.constant 0 : i32
    %add3A_3384 = arith.addi %mul3A_3378, %add3A_3383 : i32
    %swap3A_3385 = arith.index_cast %add3A_3384 : i32 to index
    %swap3A_3386 = tpu.vector_load %arg10[%swap3A_3385] {strides = array<i32>} : memref<13872xi32, #tpu.memory_space<vmem>>, vector<16xi32>,
    tpu.vector_store %arg10[%swap3A_3385], %broadcast_in_dim3A_3338 {strides = array<i32>} : memref<13872xi32, #tpu.memory_space<vmem>>, vector<16xi32>,
    %add3A_3387 = arith.constant 16 : i32
    %add3A_3388 = arith.addi %mul3A_3376, %add3A_3387 : i32
    %swap3A_3389 = arith.index_cast %add3A_3388 : i32 to index
    %swap3A_3390 = tpu.vector_load %arg9[%swap3A_3389] {strides = array<i32>} : memref<13872xi32, #tpu.memory_space<vmem>>, vector<16xi32>,
    tpu.vector_store %arg9[%swap3A_3389], %broadcast_in_dim3A_3333 {strides = array<i32>} : memref<13872xi32, #tpu.memory_space<vmem>>, vector<16xi32>,
    %add3A_3391 = arith.constant 16 : i32
    %add3A_3392 = arith.addi %mul3A_3378, %add3A_3391 : i32
    %swap3A_3393 = arith.index_cast %add3A_3392 : i32 to index
    %swap3A_3394 = tpu.vector_load %arg10[%swap3A_3393] {strides = array<i32>} : memref<13872xi32, #tpu.memory_space<vmem>>, vector<16xi32>,
    tpu.vector_store %arg10[%swap3A_3393], %broadcast_in_dim3A_3338 {strides = array<i32>} : memref<13872xi32, #tpu.memory_space<vmem>>, vector<16xi32>,
    %add3A_3395 = arith.constant 32 : i32
    %add3A_3396 = arith.addi %mul3A_3376, %add3A_3395 : i32
    %swap3A_3397 = arith.index_cast %add3A_3396 : i32 to index
    %swap3A_3398 = tpu.vector_load %arg9[%swap3A_3397] {strides = array<i32>} : memref<13872xi32, #tpu.memory_space<vmem>>, vector<16xi32>,
    tpu.vector_store %arg9[%swap3A_3397], %broadcast_in_dim3A_3333 {strides = array<i32>} : memref<13872xi32, #tpu.memory_space<vmem>>, vector<16xi32>,
    %add3A_3399 = arith.constant 32 : i32
    %add3A_3400 = arith.addi %mul3A_3378, %add3A_3399 : i32
    %swap3A_3401 = arith.index_cast %add3A_3400 : i32 to index
    %swap3A_3402 = tpu.vector_load %arg10[%swap3A_3401] {strides = array<i32>} : memref<13872xi32, #tpu.memory_space<vmem>>, vector<16xi32>,
    tpu.vector_store %arg10[%swap3A_3401], %broadcast_in_dim3A_3338 {strides = array<i32>} : memref<13872xi32, #tpu.memory_space<vmem>>, vector<16xi32>,
    %add3A_3403 = arith.constant 48 : i32
    %add3A_3404 = arith.addi %mul3A_3376, %add3A_3403 : i32
    %swap3A_3405 = arith.index_cast %add3A_3404 : i32 to index
    %swap3A_3406 = tpu.vector_load %arg9[%swap3A_3405] {strides = array<i32>} : memref<13872xi32, #tpu.memory_space<vmem>>, vector<16xi32>,
    tpu.vector_store %arg9[%swap3A_3405], %broadcast_in_dim3A_3333 {strides = array<i32>} : memref<13872xi32, #tpu.memory_space<vmem>>, vector<16xi32>,
    %add3A_3407 = arith.constant 48 : i32
    %add3A_3408 = arith.addi %mul3A_3378, %add3A_3407 : i32
    %swap3A_3409 = arith.index_cast %add3A_3408 : i32 to index
    %swap3A_3410 = tpu.vector_load %arg10[%swap3A_3409] {strides = array<i32>} : memref<13872xi32, #tpu.memory_space<vmem>>, vector<16xi32>,
    tpu.vector_store %arg10[%swap3A_3409], %broadcast_in_dim3A_3338 {strides = array<i32>} : memref<13872xi32, #tpu.memory_space<vmem>>, vector<16xi32>,
    %add3A_3411 = arith.constant 64 : i32
    %add3A_3412 = arith.addi %mul3A_3376, %add3A_3411 : i32
    %swap3A_3413 = arith.index_cast %add3A_3412 : i32 to index
    %swap3A_3414 = tpu.vector_load %arg9[%swap3A_3413] {strides = array<i32>} : memref<13872xi32, #tpu.memory_space<vmem>>, vector<16xi32>,
    tpu.vector_store %arg9[%swap3A_3413], %broadcast_in_dim3A_3333 {strides = array<i32>} : memref<13872xi32, #tpu.memory_space<vmem>>, vector<16xi32>,
    %add3A_3415 = arith.constant 64 : i32
    %add3A_3416 = arith.addi %mul3A_3378, %add3A_3415 : i32
    %swap3A_3417 = arith.index_cast %add3A_3416 : i32 to index
    %swap3A_3418 = tpu.vector_load %arg10[%swap3A_3417] {strides = array<i32>} : memref<13872xi32, #tpu.memory_space<vmem>>, vector<16xi32>,
    tpu.vector_store %arg10[%swap3A_3417], %broadcast_in_dim3A_3338 {strides = array<i32>} : memref<13872xi32, #tpu.memory_space<vmem>>, vector<16xi32>,
    %add3A_3419 = arith.constant 80 : i32
    %add3A_3420 = arith.addi %mul3A_3376, %add3A_3419 : i32
    %swap3A_3421 = arith.index_cast %add3A_3420 : i32 to index
    %swap3A_3422 = tpu.vector_load %arg9[%swap3A_3421] {strides = array<i32>} : memref<13872xi32, #tpu.memory_space<vmem>>, vector<16xi32>,
    tpu.vector_store %arg9[%swap3A_3421], %broadcast_in_dim3A_3333 {strides = array<i32>} : memref<13872xi32, #tpu.memory_space<vmem>>, vector<16xi32>,
    %add3A_3423 = arith.constant 80 : i32
    %add3A_3424 = arith.addi %mul3A_3378, %add3A_3423 : i32
    %swap3A_3425 = arith.index_cast %add3A_3424 : i32 to index
    %swap3A_3426 = tpu.vector_load %arg10[%swap3A_3425] {strides = array<i32>} : memref<13872xi32, #tpu.memory_space<vmem>>, vector<16xi32>,
    tpu.vector_store %arg10[%swap3A_3425], %broadcast_in_dim3A_3338 {strides = array<i32>} : memref<13872xi32, #tpu.memory_space<vmem>>, vector<16xi32>,
    %add3A_3427 = arith.constant 96 : i32
    %add3A_3428 = arith.addi %mul3A_3376, %add3A_3427 : i32
    %swap3A_3429 = arith.index_cast %add3A_3428 : i32 to index
    %swap3A_3430 = tpu.vector_load %arg9[%swap3A_3429] {strides = array<i32>} : memref<13872xi32, #tpu.memory_space<vmem>>, vector<16xi32>,
    tpu.vector_store %arg9[%swap3A_3429], %broadcast_in_dim3A_3333 {strides = array<i32>} : memref<13872xi32, #tpu.memory_space<vmem>>, vector<16xi32>,
    %add3A_3431 = arith.constant 96 : i32
    %add3A_3432 = arith.addi %mul3A_3378, %add3A_3431 : i32
    %swap3A_3433 = arith.index_cast %add3A_3432 : i32 to index
    %swap3A_3434 = tpu.vector_load %arg10[%swap3A_3433] {strides = array<i32>} : memref<13872xi32, #tpu.memory_space<vmem>>, vector<16xi32>,
    tpu.vector_store %arg10[%swap3A_3433], %broadcast_in_dim3A_3338 {strides = array<i32>} : memref<13872xi32, #tpu.memory_space<vmem>>, vector<16xi32>,
    %add3A_3435 = arith.constant 112 : i32
    %add3A_3436 = arith.addi %mul3A_3376, %add3A_3435 : i32
    %swap3A_3437 = arith.index_cast %add3A_3436 : i32 to index
    %swap3A_3438 = tpu.vector_load %arg9[%swap3A_3437] {strides = array<i32>} : memref<13872xi32, #tpu.memory_space<vmem>>, vector<16xi32>,
    tpu.vector_store %arg9[%swap3A_3437], %broadcast_in_dim3A_3333 {strides = array<i32>} : memref<13872xi32, #tpu.memory_space<vmem>>, vector<16xi32>,
    %add3A_3439 = arith.constant 112 : i32
    %add3A_3440 = arith.addi %mul3A_3378, %add3A_3439 : i32
    %swap3A_3441 = arith.index_cast %add3A_3440 : i32 to index
    %swap3A_3442 = tpu.vector_load %arg10[%swap3A_3441] {strides = array<i32>} : memref<13872xi32, #tpu.memory_space<vmem>>, vector<16xi32>,
    tpu.vector_store %arg10[%swap3A_3441], %broadcast_in_dim3A_3338 {strides = array<i32>} : memref<13872xi32, #tpu.memory_space<vmem>>, vector<16xi32>,
    %add3A_3443 = arith.constant 127 : i32
    %add3A_3444 = arith.addi %mul3A_3376, %add3A_3443 : i32
    %jit3A_3445 = arith.constant 128 : i32
    %div3A = arith.divsi %add3A_3444, %jit3A_3445 : i32
    %sign3A = arith.constant 0 : i32
    %sign3A_3446 = arith.cmpi sgt, %add3A_3444, %sign3A : i32
    %sign3A_3447 = arith.extui %sign3A_3446 : i1 to i32
    %sign3A_3448 = arith.constant 0 : i32
    %sign3A_3449 = arith.cmpi slt, %add3A_3444, %sign3A_3448 : i32
    %sign3A_3450 = arith.extui %sign3A_3449 : i1 to i32
    %sign3A_3451 = arith.subi %sign3A_3447, %sign3A_3450 : i32
    %sign3A_3452 = arith.constant 0 : i32
    %sign3A_3453 = arith.cmpi sgt, %jit3A_3445, %sign3A_3452 : i32
    %sign3A_3454 = arith.extui %sign3A_3453 : i1 to i32
    %sign3A_3455 = arith.constant 0 : i32
    %sign3A_3456 = arith.cmpi slt, %jit3A_3445, %sign3A_3455 : i32
    %sign3A_3457 = arith.extui %sign3A_3456 : i1 to i32
    %sign3A_3458 = arith.subi %sign3A_3454, %sign3A_3457 : i32
    %ne3A_3459 = arith.cmpi ne, %sign3A_3451, %sign3A_3458 : i32
    %rem3A = arith.remsi %add3A_3444, %jit3A_3445 : i32
    %ne3A_3460 = arith.constant 0 : i32
    %ne3A_3461 = arith.cmpi ne, %rem3A, %ne3A_3460 : i32
    %and3A = arith.andi %ne3A_3459, %ne3A_3461 : i1
    %sub3A_3462 = arith.constant 1 : i32
    %sub3A_3463 = arith.subi %div3A, %sub3A_3462 : i32
    %select_n3A_3464 = arith.select %and3A, %sub3A_3463, %div3A : i32
    %add3A_3465 = arith.constant 127 : i32
    %add3A_3466 = arith.addi %mul3A_3378, %add3A_3465 : i32
    %jit3A_3467 = arith.constant 128 : i32
    %div3A_3468 = arith.divsi %add3A_3466, %jit3A_3467 : i32
    %sign3A_3469 = arith.constant 0 : i32
    %sign3A_3470 = arith.cmpi sgt, %add3A_3466, %sign3A_3469 : i32
    %sign3A_3471 = arith.extui %sign3A_3470 : i1 to i32
    %sign3A_3472 = arith.constant 0 : i32
    %sign3A_3473 = arith.cmpi slt, %add3A_3466, %sign3A_3472 : i32
    %sign3A_3474 = arith.extui %sign3A_3473 : i1 to i32
    %sign3A_3475 = arith.subi %sign3A_3471, %sign3A_3474 : i32
    %sign3A_3476 = arith.constant 0 : i32
    %sign3A_3477 = arith.cmpi sgt, %jit3A_3467, %sign3A_3476 : i32
    %sign3A_3478 = arith.extui %sign3A_3477 : i1 to i32
    %sign3A_3479 = arith.constant 0 : i32
    %sign3A_3480 = arith.cmpi slt, %jit3A_3467, %sign3A_3479 : i32
    %sign3A_3481 = arith.extui %sign3A_3480 : i1 to i32
    %sign3A_3482 = arith.subi %sign3A_3478, %sign3A_3481 : i32
    %ne3A_3483 = arith.cmpi ne, %sign3A_3475, %sign3A_3482 : i32
    %rem3A_3484 = arith.remsi %add3A_3466, %jit3A_3467 : i32
    %ne3A_3485 = arith.constant 0 : i32
    %ne3A_3486 = arith.cmpi ne, %rem3A_3484, %ne3A_3485 : i32
    %and3A_3487 = arith.andi %ne3A_3483, %ne3A_3486 : i1
    %sub3A_3488 = arith.constant 1 : i32
    %sub3A_3489 = arith.subi %div3A_3468, %sub3A_3488 : i32
    %select_n3A_3490 = arith.select %and3A_3487, %sub3A_3489, %div3A_3468 : i32
    tpu.wait_dma2 semaphore(%arg21 : memref<!tpu.dma_semaphore, #tpu.memory_space<semaphore_mem>>) src(%arg4 : memref<128x128xf32, #tpu.memory_space<hbm>>) dst(%arg14 : memref<128x128xf32, #tpu.memory_space<vmem>>)
    %add3A_3491 = arith.constant 1 : i32
    %add3A_3492 = arith.addi %select_n3A_3464, %add3A_3491 : i32
    %jit3A_3493 = arith.constant 2 : i32
    %div3A_3494 = arith.divsi %add3A_3492, %jit3A_3493 : i32
    %sign3A_3495 = arith.constant 0 : i32
    %sign3A_3496 = arith.cmpi sgt, %add3A_3492, %sign3A_3495 : i32
    %sign3A_3497 = arith.extui %sign3A_3496 : i1 to i32
    %sign3A_3498 = arith.constant 0 : i32
    %sign3A_3499 = arith.cmpi slt, %add3A_3492, %sign3A_3498 : i32
    %sign3A_3500 = arith.extui %sign3A_3499 : i1 to i32
    %sign3A_3501 = arith.subi %sign3A_3497, %sign3A_3500 : i32
    %sign3A_3502 = arith.constant 0 : i32
    %sign3A_3503 = arith.cmpi sgt, %jit3A_3493, %sign3A_3502 : i32
    %sign3A_3504 = arith.extui %sign3A_3503 : i1 to i32
    %sign3A_3505 = arith.constant 0 : i32
    %sign3A_3506 = arith.cmpi slt, %jit3A_3493, %sign3A_3505 : i32
    %sign3A_3507 = arith.extui %sign3A_3506 : i1 to i32
    %sign3A_3508 = arith.subi %sign3A_3504, %sign3A_3507 : i32
    %ne3A_3509 = arith.cmpi ne, %sign3A_3501, %sign3A_3508 : i32
    %rem3A_3510 = arith.remsi %add3A_3492, %jit3A_3493 : i32
    %ne3A_3511 = arith.constant 0 : i32
    %ne3A_3512 = arith.cmpi ne, %rem3A_3510, %ne3A_3511 : i32
    %and3A_3513 = arith.andi %ne3A_3509, %ne3A_3512 : i1
    %sub3A_3514 = arith.constant 1 : i32
    %sub3A_3515 = arith.subi %div3A_3494, %sub3A_3514 : i32
    %select_n3A_3516 = arith.select %and3A_3513, %sub3A_3515, %div3A_3494 : i32
    %add3A_3517 = arith.constant 1 : i32
    %add3A_3518 = arith.addi %select_n3A_3490, %add3A_3517 : i32
    %jit3A_3519 = arith.constant 2 : i32
    %div3A_3520 = arith.divsi %add3A_3518, %jit3A_3519 : i32
    %sign3A_3521 = arith.constant 0 : i32
    %sign3A_3522 = arith.cmpi sgt, %add3A_3518, %sign3A_3521 : i32
    %sign3A_3523 = arith.extui %sign3A_3522 : i1 to i32
    %sign3A_3524 = arith.constant 0 : i32
    %sign3A_3525 = arith.cmpi slt, %add3A_3518, %sign3A_3524 : i32
    %sign3A_3526 = arith.extui %sign3A_3525 : i1 to i32
    %sign3A_3527 = arith.subi %sign3A_3523, %sign3A_3526 : i32
    %sign3A_3528 = arith.constant 0 : i32
    %sign3A_3529 = arith.cmpi sgt, %jit3A_3519, %sign3A_3528 : i32
    %sign3A_3530 = arith.extui %sign3A_3529 : i1 to i32
    %sign3A_3531 = arith.constant 0 : i32
    %sign3A_3532 = arith.cmpi slt, %jit3A_3519, %sign3A_3531 : i32
    %sign3A_3533 = arith.extui %sign3A_3532 : i1 to i32
    %sign3A_3534 = arith.subi %sign3A_3530, %sign3A_3533 : i32
    %ne3A_3535 = arith.cmpi ne, %sign3A_3527, %sign3A_3534 : i32
    %rem3A_3536 = arith.remsi %add3A_3518, %jit3A_3519 : i32
    %ne3A_3537 = arith.constant 0 : i32
    %ne3A_3538 = arith.cmpi ne, %rem3A_3536, %ne3A_3537 : i32
    %and3A_3539 = arith.andi %ne3A_3535, %ne3A_3538 : i1
    %sub3A_3540 = arith.constant 1 : i32
    %sub3A_3541 = arith.subi %div3A_3520, %sub3A_3540 : i32
    %select_n3A_3542 = arith.select %and3A_3539, %sub3A_3541, %div3A_3520 : i32
    %max3A_3543 = arith.maxsi %select_n3A_3516, %select_n3A_3542 : i32
    %while3A_3544 = arith.constant 0 : i32
    %while3A_3545 = arith.constant 0 : i32
    %while3A_3546 = arith.subi %max3A_3543, %while3A_3545 : i32
    %while3A_3547 = arith.addi %while3A_3545, %while3A_3546 : i32
    %while3A_3548 = arith.constant 1 : i32
    %while3A_3549 = arith.divsi %while3A_3546, %while3A_3548 : i32
    %while3A_3550 = arith.muli %while3A_3549, %while3A_3548 : i32
    %while3A_3551 = arith.addi %while3A_3545, %while3A_3550 : i32
    %while3A_3552 = arith.constant 1 : i32
    scf.for %while3A_3554 = %while3A_3545 to %while3A_3551 step %while3A_3552  : i32 {
      %mul3A_3555 = arith.constant 2 : i32
      %mul3A_3556 = arith.muli %mul3A_3555, %while3A_3554 : i32
      %add3A_3557 = arith.constant 1 : i32
      %add3A_3558 = arith.addi %mul3A_3556, %add3A_3557 : i32
      %lt3A = arith.cmpi slt, %mul3A_3556, %select_n3A_3464 : i32
      %convert_element_type3A = arith.extui %lt3A : i1 to i32
      %cond3A = arith.constant 0 : i32
      %cond3A_3559 = arith.cmpi ne, %convert_element_type3A, %cond3A : i32
      scf.if %cond3A_3559 {
        %mul3A_3596 = arith.constant 128 : i32
        %mul3A_3597 = arith.muli %mul3A_3556, %mul3A_3596 : i32
        %dma_start3A_3598 = tpu.memref_slice %arg9[%mul3A_3597] : memref<13872xi32, #tpu.memory_space<vmem>> -> memref<128xi32, #tpu.memory_space<vmem>>
        %dma_start3A_3599 = arith.constant 0 : i32
        %dma_start3A_3600 = arith.constant 0 : i32
        %dma_start3A_3601 = tpu.memref_slice %arg2[%dma_start3A_3599, %dma_start3A_3600] : memref<425984x128xf32, #tpu.memory_space<hbm>> -> memref<425984x128xf32, #tpu.memory_space<hbm>>
        tpu.enqueue_indirect_dma source(%dma_start3A_3601 : memref<425984x128xf32, #tpu.memory_space<hbm>>) target(%arg11 : memref<128x128xf32, #tpu.memory_space<vmem>>) offsets(%dma_start3A_3598 : memref<128xi32, #tpu.memory_space<vmem>>) semaphore(%arg15 : memref<!tpu.dma_semaphore, #tpu.memory_space<semaphore_mem>>)
      } else {
      }
      %lt3A_3560 = arith.cmpi slt, %add3A_3558, %select_n3A_3464 : i32
      %convert_element_type3A_3561 = arith.extui %lt3A_3560 : i1 to i32
      %cond3A_3562 = arith.constant 0 : i32
      %cond3A_3563 = arith.cmpi ne, %convert_element_type3A_3561, %cond3A_3562 : i32
      scf.if %cond3A_3563 {
        %mul3A_3596 = arith.constant 128 : i32
        %mul3A_3597 = arith.muli %add3A_3558, %mul3A_3596 : i32
        %dma_start3A_3598 = tpu.memref_slice %arg9[%mul3A_3597] : memref<13872xi32, #tpu.memory_space<vmem>> -> memref<128xi32, #tpu.memory_space<vmem>>
        %dma_start3A_3599 = arith.constant 0 : i32
        %dma_start3A_3600 = arith.constant 0 : i32
        %dma_start3A_3601 = tpu.memref_slice %arg2[%dma_start3A_3599, %dma_start3A_3600] : memref<425984x128xf32, #tpu.memory_space<hbm>> -> memref<425984x128xf32, #tpu.memory_space<hbm>>
        tpu.enqueue_indirect_dma source(%dma_start3A_3601 : memref<425984x128xf32, #tpu.memory_space<hbm>>) target(%arg12 : memref<128x128xf32, #tpu.memory_space<vmem>>) offsets(%dma_start3A_3598 : memref<128xi32, #tpu.memory_space<vmem>>) semaphore(%arg16 : memref<!tpu.dma_semaphore, #tpu.memory_space<semaphore_mem>>)
      } else {
      }
      %lt3A_3564 = arith.cmpi slt, %mul3A_3556, %select_n3A_3490 : i32
      %convert_element_type3A_3565 = arith.extui %lt3A_3564 : i1 to i32
      %cond3A_3566 = arith.constant 0 : i32
      %cond3A_3567 = arith.cmpi ne, %convert_element_type3A_3565, %cond3A_3566 : i32
      scf.if %cond3A_3567 {
        %mul3A_3596 = arith.constant 128 : i32
        %mul3A_3597 = arith.muli %mul3A_3556, %mul3A_3596 : i32
        %dma_start3A_3598 = tpu.memref_slice %arg10[%mul3A_3597] : memref<13872xi32, #tpu.memory_space<vmem>> -> memref<128xi32, #tpu.memory_space<vmem>>
        %dma_start3A_3599 = arith.constant 0 : i32
        %dma_start3A_3600 = arith.constant 0 : i32
        %dma_start3A_3601 = tpu.memref_slice %arg5[%dma_start3A_3599, %dma_start3A_3600] : memref<425984x128xf32, #tpu.memory_space<hbm>> -> memref<425984x128xf32, #tpu.memory_space<hbm>>
        tpu.enqueue_indirect_dma source(%arg14 : memref<128x128xf32, #tpu.memory_space<vmem>>) target(%dma_start3A_3601 : memref<425984x128xf32, #tpu.memory_space<hbm>>) offsets(%dma_start3A_3598 : memref<128xi32, #tpu.memory_space<vmem>>) semaphore(%arg17 : memref<!tpu.dma_semaphore, #tpu.memory_space<semaphore_mem>>)
      } else {
      }
      %lt3A_3568 = arith.cmpi slt, %add3A_3558, %select_n3A_3490 : i32
      %convert_element_type3A_3569 = arith.extui %lt3A_3568 : i1 to i32
      %cond3A_3570 = arith.constant 0 : i32
      %cond3A_3571 = arith.cmpi ne, %convert_element_type3A_3569, %cond3A_3570 : i32
      scf.if %cond3A_3571 {
        %mul3A_3596 = arith.constant 128 : i32
        %mul3A_3597 = arith.muli %add3A_3558, %mul3A_3596 : i32
        %dma_start3A_3598 = tpu.memref_slice %arg10[%mul3A_3597] : memref<13872xi32, #tpu.memory_space<vmem>> -> memref<128xi32, #tpu.memory_space<vmem>>
        %dma_start3A_3599 = arith.constant 0 : i32
        %dma_start3A_3600 = arith.constant 0 : i32
        %dma_start3A_3601 = tpu.memref_slice %arg5[%dma_start3A_3599, %dma_start3A_3600] : memref<425984x128xf32, #tpu.memory_space<hbm>> -> memref<425984x128xf32, #tpu.memory_space<hbm>>
        tpu.enqueue_indirect_dma source(%arg14 : memref<128x128xf32, #tpu.memory_space<vmem>>) target(%dma_start3A_3601 : memref<425984x128xf32, #tpu.memory_space<hbm>>) offsets(%dma_start3A_3598 : memref<128xi32, #tpu.memory_space<vmem>>) semaphore(%arg20 : memref<!tpu.dma_semaphore, #tpu.memory_space<semaphore_mem>>)
      } else {
      }
      %lt3A_3572 = arith.cmpi slt, %mul3A_3556, %select_n3A_3464 : i32
      %convert_element_type3A_3573 = arith.extui %lt3A_3572 : i1 to i32
      %cond3A_3574 = arith.constant 0 : i32
      %cond3A_3575 = arith.cmpi ne, %convert_element_type3A_3573, %cond3A_3574 : i32
      scf.if %cond3A_3575 {
        %mul3A_3596 = arith.constant 128 : i32
        %mul3A_3597 = arith.muli %mul3A_3556, %mul3A_3596 : i32
        %dma_wait3A_3598 = tpu.memref_slice %arg9[%mul3A_3597] : memref<13872xi32, #tpu.memory_space<vmem>> -> memref<128xi32, #tpu.memory_space<vmem>>
        %dma_wait3A_3599 = arith.constant 0 : i32
        %dma_wait3A_3600 = arith.constant 0 : i32
        %dma_wait3A_3601 = tpu.memref_slice %arg2[%dma_wait3A_3599, %dma_wait3A_3600] : memref<425984x128xf32, #tpu.memory_space<hbm>> -> memref<425984x128xf32, #tpu.memory_space<hbm>>
        tpu.wait_indirect_dma semaphore(%arg15 : memref<!tpu.dma_semaphore, #tpu.memory_space<semaphore_mem>>) src(%dma_wait3A_3601 : memref<425984x128xf32, #tpu.memory_space<hbm>>) dst(%arg11 : memref<128x128xf32, #tpu.memory_space<vmem>>)
        %mul3A_3602 = arith.constant 128 : i32
        %mul3A_3603 = arith.muli %mul3A_3556, %mul3A_3602 : i32
        %dma_start3A_3604 = tpu.memref_slice %arg9[%mul3A_3603] : memref<13872xi32, #tpu.memory_space<vmem>> -> memref<128xi32, #tpu.memory_space<vmem>>
        %dma_start3A_3605 = arith.constant 0 : i32
        %dma_start3A_3606 = arith.constant 0 : i32
        %dma_start3A_3607 = tpu.memref_slice %arg5[%dma_start3A_3605, %dma_start3A_3606] : memref<425984x128xf32, #tpu.memory_space<hbm>> -> memref<425984x128xf32, #tpu.memory_space<hbm>>
        tpu.enqueue_indirect_dma source(%arg11 : memref<128x128xf32, #tpu.memory_space<vmem>>) target(%dma_start3A_3607 : memref<425984x128xf32, #tpu.memory_space<hbm>>) offsets(%dma_start3A_3604 : memref<128xi32, #tpu.memory_space<vmem>>) semaphore(%arg18 : memref<!tpu.dma_semaphore, #tpu.memory_space<semaphore_mem>>)
      } else {
      }
      %lt3A_3576 = arith.cmpi slt, %add3A_3558, %select_n3A_3464 : i32
      %convert_element_type3A_3577 = arith.extui %lt3A_3576 : i1 to i32
      %cond3A_3578 = arith.constant 0 : i32
      %cond3A_3579 = arith.cmpi ne, %convert_element_type3A_3577, %cond3A_3578 : i32
      scf.if %cond3A_3579 {
        %mul3A_3596 = arith.constant 128 : i32
        %mul3A_3597 = arith.muli %add3A_3558, %mul3A_3596 : i32
        %dma_wait3A_3598 = tpu.memref_slice %arg9[%mul3A_3597] : memref<13872xi32, #tpu.memory_space<vmem>> -> memref<128xi32, #tpu.memory_space<vmem>>
        %dma_wait3A_3599 = arith.constant 0 : i32
        %dma_wait3A_3600 = arith.constant 0 : i32
        %dma_wait3A_3601 = tpu.memref_slice %arg2[%dma_wait3A_3599, %dma_wait3A_3600] : memref<425984x128xf32, #tpu.memory_space<hbm>> -> memref<425984x128xf32, #tpu.memory_space<hbm>>
        tpu.wait_indirect_dma semaphore(%arg16 : memref<!tpu.dma_semaphore, #tpu.memory_space<semaphore_mem>>) src(%dma_wait3A_3601 : memref<425984x128xf32, #tpu.memory_space<hbm>>) dst(%arg12 : memref<128x128xf32, #tpu.memory_space<vmem>>)
        %mul3A_3602 = arith.constant 128 : i32
        %mul3A_3603 = arith.muli %add3A_3558, %mul3A_3602 : i32
        %dma_start3A_3604 = tpu.memref_slice %arg9[%mul3A_3603] : memref<13872xi32, #tpu.memory_space<vmem>> -> memref<128xi32, #tpu.memory_space<vmem>>
        %dma_start3A_3605 = arith.constant 0 : i32
        %dma_start3A_3606 = arith.constant 0 : i32
        %dma_start3A_3607 = tpu.memref_slice %arg5[%dma_start3A_3605, %dma_start3A_3606] : memref<425984x128xf32, #tpu.memory_space<hbm>> -> memref<425984x128xf32, #tpu.memory_space<hbm>>
        tpu.enqueue_indirect_dma source(%arg12 : memref<128x128xf32, #tpu.memory_space<vmem>>) target(%dma_start3A_3607 : memref<425984x128xf32, #tpu.memory_space<hbm>>) offsets(%dma_start3A_3604 : memref<128xi32, #tpu.memory_space<vmem>>) semaphore(%arg19 : memref<!tpu.dma_semaphore, #tpu.memory_space<semaphore_mem>>)
      } else {
      }
      %lt3A_3580 = arith.cmpi slt, %mul3A_3556, %select_n3A_3464 : i32
      %convert_element_type3A_3581 = arith.extui %lt3A_3580 : i1 to i32
      %cond3A_3582 = arith.constant 0 : i32
      %cond3A_3583 = arith.cmpi ne, %convert_element_type3A_3581, %cond3A_3582 : i32
      scf.if %cond3A_3583 {
        %mul3A_3596 = arith.constant 128 : i32
        %mul3A_3597 = arith.muli %mul3A_3556, %mul3A_3596 : i32
        %dma_wait3A_3598 = tpu.memref_slice %arg9[%mul3A_3597] : memref<13872xi32, #tpu.memory_space<vmem>> -> memref<128xi32, #tpu.memory_space<vmem>>
        %dma_wait3A_3599 = arith.constant 0 : i32
        %dma_wait3A_3600 = arith.constant 0 : i32
        %dma_wait3A_3601 = tpu.memref_slice %arg5[%dma_wait3A_3599, %dma_wait3A_3600] : memref<425984x128xf32, #tpu.memory_space<hbm>> -> memref<425984x128xf32, #tpu.memory_space<hbm>>
        tpu.wait_indirect_dma semaphore(%arg18 : memref<!tpu.dma_semaphore, #tpu.memory_space<semaphore_mem>>) src(%arg11 : memref<128x128xf32, #tpu.memory_space<vmem>>) dst(%dma_wait3A_3601 : memref<425984x128xf32, #tpu.memory_space<hbm>>)
      } else {
      }
      %lt3A_3584 = arith.cmpi slt, %add3A_3558, %select_n3A_3464 : i32
      %convert_element_type3A_3585 = arith.extui %lt3A_3584 : i1 to i32
      %cond3A_3586 = arith.constant 0 : i32
      %cond3A_3587 = arith.cmpi ne, %convert_element_type3A_3585, %cond3A_3586 : i32
      scf.if %cond3A_3587 {
        %mul3A_3596 = arith.constant 128 : i32
        %mul3A_3597 = arith.muli %add3A_3558, %mul3A_3596 : i32
        %dma_wait3A_3598 = tpu.memref_slice %arg9[%mul3A_3597] : memref<13872xi32, #tpu.memory_space<vmem>> -> memref<128xi32, #tpu.memory_space<vmem>>
        %dma_wait3A_3599 = arith.constant 0 : i32
        %dma_wait3A_3600 = arith.constant 0 : i32
        %dma_wait3A_3601 = tpu.memref_slice %arg5[%dma_wait3A_3599, %dma_wait3A_3600] : memref<425984x128xf32, #tpu.memory_space<hbm>> -> memref<425984x128xf32, #tpu.memory_space<hbm>>
        tpu.wait_indirect_dma semaphore(%arg19 : memref<!tpu.dma_semaphore, #tpu.memory_space<semaphore_mem>>) src(%arg12 : memref<128x128xf32, #tpu.memory_space<vmem>>) dst(%dma_wait3A_3601 : memref<425984x128xf32, #tpu.memory_space<hbm>>)
      } else {
      }
      %lt3A_3588 = arith.cmpi slt, %mul3A_3556, %select_n3A_3490 : i32
      %convert_element_type3A_3589 = arith.extui %lt3A_3588 : i1 to i32
      %cond3A_3590 = arith.constant 0 : i32
      %cond3A_3591 = arith.cmpi ne, %convert_element_type3A_3589, %cond3A_3590 : i32
      scf.if %cond3A_3591 {
        %mul3A_3596 = arith.constant 128 : i32
        %mul3A_3597 = arith.muli %mul3A_3556, %mul3A_3596 : i32
        %dma_wait3A_3598 = tpu.memref_slice %arg10[%mul3A_3597] : memref<13872xi32, #tpu.memory_space<vmem>> -> memref<128xi32, #tpu.memory_space<vmem>>
        %dma_wait3A_3599 = arith.constant 0 : i32
        %dma_wait3A_3600 = arith.constant 0 : i32
        %dma_wait3A_3601 = tpu.memref_slice %arg5[%dma_wait3A_3599, %dma_wait3A_3600] : memref<425984x128xf32, #tpu.memory_space<hbm>> -> memref<425984x128xf32, #tpu.memory_space<hbm>>
        tpu.wait_indirect_dma semaphore(%arg17 : memref<!tpu.dma_semaphore, #tpu.memory_space<semaphore_mem>>) src(%arg14 : memref<128x128xf32, #tpu.memory_space<vmem>>) dst(%dma_wait3A_3601 : memref<425984x128xf32, #tpu.memory_space<hbm>>)
      } else {
      }
      %lt3A_3592 = arith.cmpi slt, %add3A_3558, %select_n3A_3490 : i32
      %convert_element_type3A_3593 = arith.extui %lt3A_3592 : i1 to i32
      %cond3A_3594 = arith.constant 0 : i32
      %cond3A_3595 = arith.cmpi ne, %convert_element_type3A_3593, %cond3A_3594 : i32
      scf.if %cond3A_3595 {
        %mul3A_3596 = arith.constant 128 : i32
        %mul3A_3597 = arith.muli %add3A_3558, %mul3A_3596 : i32
        %dma_wait3A_3598 = tpu.memref_slice %arg10[%mul3A_3597] : memref<13872xi32, #tpu.memory_space<vmem>> -> memref<128xi32, #tpu.memory_space<vmem>>
        %dma_wait3A_3599 = arith.constant 0 : i32
        %dma_wait3A_3600 = arith.constant 0 : i32
        %dma_wait3A_3601 = tpu.memref_slice %arg5[%dma_wait3A_3599, %dma_wait3A_3600] : memref<425984x128xf32, #tpu.memory_space<hbm>> -> memref<425984x128xf32, #tpu.memory_space<hbm>>
        tpu.wait_indirect_dma semaphore(%arg20 : memref<!tpu.dma_semaphore, #tpu.memory_space<semaphore_mem>>) src(%arg14 : memref<128x128xf32, #tpu.memory_space<vmem>>) dst(%dma_wait3A_3601 : memref<425984x128xf32, #tpu.memory_space<hbm>>)
      } else {
      }
    }
    %while3A_3553 = arith.constant 1 : i32
    scf.for %while3A_3554 = %while3A_3551 to %while3A_3547 step %while3A_3553  : i32 {
      %mul3A_3555 = arith.constant 2 : i32
      %mul3A_3556 = arith.muli %mul3A_3555, %while3A_3554 : i32
      %add3A_3557 = arith.constant 1 : i32
      %add3A_3558 = arith.addi %mul3A_3556, %add3A_3557 : i32
      %lt3A = arith.cmpi slt, %mul3A_3556, %select_n3A_3464 : i32
      %convert_element_type3A = arith.extui %lt3A : i1 to i32
      %cond3A = arith.constant 0 : i32
      %cond3A_3559 = arith.cmpi ne, %convert_element_type3A, %cond3A : i32
      scf.if %cond3A_3559 {
        %mul3A_3596 = arith.constant 128 : i32
        %mul3A_3597 = arith.muli %mul3A_3556, %mul3A_3596 : i32
        %dma_start3A_3598 = tpu.memref_slice %arg9[%mul3A_3597] : memref<13872xi32, #tpu.memory_space<vmem>> -> memref<128xi32, #tpu.memory_space<vmem>>
        %dma_start3A_3599 = arith.constant 0 : i32
        %dma_start3A_3600 = arith.constant 0 : i32
        %dma_start3A_3601 = tpu.memref_slice %arg2[%dma_start3A_3599, %dma_start3A_3600] : memref<425984x128xf32, #tpu.memory_space<hbm>> -> memref<425984x128xf32, #tpu.memory_space<hbm>>
        tpu.enqueue_indirect_dma source(%dma_start3A_3601 : memref<425984x128xf32, #tpu.memory_space<hbm>>) target(%arg11 : memref<128x128xf32, #tpu.memory_space<vmem>>) offsets(%dma_start3A_3598 : memref<128xi32, #tpu.memory_space<vmem>>) semaphore(%arg15 : memref<!tpu.dma_semaphore, #tpu.memory_space<semaphore_mem>>)
      } else {
      }
      %lt3A_3560 = arith.cmpi slt, %add3A_3558, %select_n3A_3464 : i32
      %convert_element_type3A_3561 = arith.extui %lt3A_3560 : i1 to i32
      %cond3A_3562 = arith.constant 0 : i32
      %cond3A_3563 = arith.cmpi ne, %convert_element_type3A_3561, %cond3A_3562 : i32
      scf.if %cond3A_3563 {
        %mul3A_3596 = arith.constant 128 : i32
        %mul3A_3597 = arith.muli %add3A_3558, %mul3A_3596 : i32
        %dma_start3A_3598 = tpu.memref_slice %arg9[%mul3A_3597] : memref<13872xi32, #tpu.memory_space<vmem>> -> memref<128xi32, #tpu.memory_space<vmem>>
        %dma_start3A_3599 = arith.constant 0 : i32
        %dma_start3A_3600 = arith.constant 0 : i32
        %dma_start3A_3601 = tpu.memref_slice %arg2[%dma_start3A_3599, %dma_start3A_3600] : memref<425984x128xf32, #tpu.memory_space<hbm>> -> memref<425984x128xf32, #tpu.memory_space<hbm>>
        tpu.enqueue_indirect_dma source(%dma_start3A_3601 : memref<425984x128xf32, #tpu.memory_space<hbm>>) target(%arg12 : memref<128x128xf32, #tpu.memory_space<vmem>>) offsets(%dma_start3A_3598 : memref<128xi32, #tpu.memory_space<vmem>>) semaphore(%arg16 : memref<!tpu.dma_semaphore, #tpu.memory_space<semaphore_mem>>)
      } else {
      }
      %lt3A_3564 = arith.cmpi slt, %mul3A_3556, %select_n3A_3490 : i32
      %convert_element_type3A_3565 = arith.extui %lt3A_3564 : i1 to i32
      %cond3A_3566 = arith.constant 0 : i32
      %cond3A_3567 = arith.cmpi ne, %convert_element_type3A_3565, %cond3A_3566 : i32
      scf.if %cond3A_3567 {
        %mul3A_3596 = arith.constant 128 : i32
        %mul3A_3597 = arith.muli %mul3A_3556, %mul3A_3596 : i32
        %dma_start3A_3598 = tpu.memref_slice %arg10[%mul3A_3597] : memref<13872xi32, #tpu.memory_space<vmem>> -> memref<128xi32, #tpu.memory_space<vmem>>
        %dma_start3A_3599 = arith.constant 0 : i32
        %dma_start3A_3600 = arith.constant 0 : i32
        %dma_start3A_3601 = tpu.memref_slice %arg5[%dma_start3A_3599, %dma_start3A_3600] : memref<425984x128xf32, #tpu.memory_space<hbm>> -> memref<425984x128xf32, #tpu.memory_space<hbm>>
        tpu.enqueue_indirect_dma source(%arg14 : memref<128x128xf32, #tpu.memory_space<vmem>>) target(%dma_start3A_3601 : memref<425984x128xf32, #tpu.memory_space<hbm>>) offsets(%dma_start3A_3598 : memref<128xi32, #tpu.memory_space<vmem>>) semaphore(%arg17 : memref<!tpu.dma_semaphore, #tpu.memory_space<semaphore_mem>>)
      } else {
      }
      %lt3A_3568 = arith.cmpi slt, %add3A_3558, %select_n3A_3490 : i32
      %convert_element_type3A_3569 = arith.extui %lt3A_3568 : i1 to i32
      %cond3A_3570 = arith.constant 0 : i32
      %cond3A_3571 = arith.cmpi ne, %convert_element_type3A_3569, %cond3A_3570 : i32
      scf.if %cond3A_3571 {
        %mul3A_3596 = arith.constant 128 : i32
        %mul3A_3597 = arith.muli %add3A_3558, %mul3A_3596 : i32
        %dma_start3A_3598 = tpu.memref_slice %arg10[%mul3A_3597] : memref<13872xi32, #tpu.memory_space<vmem>> -> memref<128xi32, #tpu.memory_space<vmem>>
        %dma_start3A_3599 = arith.constant 0 : i32
        %dma_start3A_3600 = arith.constant 0 : i32
        %dma_start3A_3601 = tpu.memref_slice %arg5[%dma_start3A_3599, %dma_start3A_3600] : memref<425984x128xf32, #tpu.memory_space<hbm>> -> memref<425984x128xf32, #tpu.memory_space<hbm>>
        tpu.enqueue_indirect_dma source(%arg14 : memref<128x128xf32, #tpu.memory_space<vmem>>) target(%dma_start3A_3601 : memref<425984x128xf32, #tpu.memory_space<hbm>>) offsets(%dma_start3A_3598 : memref<128xi32, #tpu.memory_space<vmem>>) semaphore(%arg20 : memref<!tpu.dma_semaphore, #tpu.memory_space<semaphore_mem>>)
      } else {
      }
      %lt3A_3572 = arith.cmpi slt, %mul3A_3556, %select_n3A_3464 : i32
      %convert_element_type3A_3573 = arith.extui %lt3A_3572 : i1 to i32
      %cond3A_3574 = arith.constant 0 : i32
      %cond3A_3575 = arith.cmpi ne, %convert_element_type3A_3573, %cond3A_3574 : i32
      scf.if %cond3A_3575 {
        %mul3A_3596 = arith.constant 128 : i32
        %mul3A_3597 = arith.muli %mul3A_3556, %mul3A_3596 : i32
        %dma_wait3A_3598 = tpu.memref_slice %arg9[%mul3A_3597] : memref<13872xi32, #tpu.memory_space<vmem>> -> memref<128xi32, #tpu.memory_space<vmem>>
        %dma_wait3A_3599 = arith.constant 0 : i32
        %dma_wait3A_3600 = arith.constant 0 : i32
        %dma_wait3A_3601 = tpu.memref_slice %arg2[%dma_wait3A_3599, %dma_wait3A_3600] : memref<425984x128xf32, #tpu.memory_space<hbm>> -> memref<425984x128xf32, #tpu.memory_space<hbm>>
        tpu.wait_indirect_dma semaphore(%arg15 : memref<!tpu.dma_semaphore, #tpu.memory_space<semaphore_mem>>) src(%dma_wait3A_3601 : memref<425984x128xf32, #tpu.memory_space<hbm>>) dst(%arg11 : memref<128x128xf32, #tpu.memory_space<vmem>>)
        %mul3A_3602 = arith.constant 128 : i32
        %mul3A_3603 = arith.muli %mul3A_3556, %mul3A_3602 : i32
        %dma_start3A_3604 = tpu.memref_slice %arg9[%mul3A_3603] : memref<13872xi32, #tpu.memory_space<vmem>> -> memref<128xi32, #tpu.memory_space<vmem>>
        %dma_start3A_3605 = arith.constant 0 : i32
        %dma_start3A_3606 = arith.constant 0 : i32
        %dma_start3A_3607 = tpu.memref_slice %arg5[%dma_start3A_3605, %dma_start3A_3606] : memref<425984x128xf32, #tpu.memory_space<hbm>> -> memref<425984x128xf32, #tpu.memory_space<hbm>>
        tpu.enqueue_indirect_dma source(%arg11 : memref<128x128xf32, #tpu.memory_space<vmem>>) target(%dma_start3A_3607 : memref<425984x128xf32, #tpu.memory_space<hbm>>) offsets(%dma_start3A_3604 : memref<128xi32, #tpu.memory_space<vmem>>) semaphore(%arg18 : memref<!tpu.dma_semaphore, #tpu.memory_space<semaphore_mem>>)
      } else {
      }
      %lt3A_3576 = arith.cmpi slt, %add3A_3558, %select_n3A_3464 : i32
      %convert_element_type3A_3577 = arith.extui %lt3A_3576 : i1 to i32
      %cond3A_3578 = arith.constant 0 : i32
      %cond3A_3579 = arith.cmpi ne, %convert_element_type3A_3577, %cond3A_3578 : i32
      scf.if %cond3A_3579 {
        %mul3A_3596 = arith.constant 128 : i32
        %mul3A_3597 = arith.muli %add3A_3558, %mul3A_3596 : i32
        %dma_wait3A_3598 = tpu.memref_slice %arg9[%mul3A_3597] : memref<13872xi32, #tpu.memory_space<vmem>> -> memref<128xi32, #tpu.memory_space<vmem>>
        %dma_wait3A_3599 = arith.constant 0 : i32
        %dma_wait3A_3600 = arith.constant 0 : i32
        %dma_wait3A_3601 = tpu.memref_slice %arg2[%dma_wait3A_3599, %dma_wait3A_3600] : memref<425984x128xf32, #tpu.memory_space<hbm>> -> memref<425984x128xf32, #tpu.memory_space<hbm>>
        tpu.wait_indirect_dma semaphore(%arg16 : memref<!tpu.dma_semaphore, #tpu.memory_space<semaphore_mem>>) src(%dma_wait3A_3601 : memref<425984x128xf32, #tpu.memory_space<hbm>>) dst(%arg12 : memref<128x128xf32, #tpu.memory_space<vmem>>)
        %mul3A_3602 = arith.constant 128 : i32
        %mul3A_3603 = arith.muli %add3A_3558, %mul3A_3602 : i32
        %dma_start3A_3604 = tpu.memref_slice %arg9[%mul3A_3603] : memref<13872xi32, #tpu.memory_space<vmem>> -> memref<128xi32, #tpu.memory_space<vmem>>
        %dma_start3A_3605 = arith.constant 0 : i32
        %dma_start3A_3606 = arith.constant 0 : i32
        %dma_start3A_3607 = tpu.memref_slice %arg5[%dma_start3A_3605, %dma_start3A_3606] : memref<425984x128xf32, #tpu.memory_space<hbm>> -> memref<425984x128xf32, #tpu.memory_space<hbm>>
        tpu.enqueue_indirect_dma source(%arg12 : memref<128x128xf32, #tpu.memory_space<vmem>>) target(%dma_start3A_3607 : memref<425984x128xf32, #tpu.memory_space<hbm>>) offsets(%dma_start3A_3604 : memref<128xi32, #tpu.memory_space<vmem>>) semaphore(%arg19 : memref<!tpu.dma_semaphore, #tpu.memory_space<semaphore_mem>>)
      } else {
      }
      %lt3A_3580 = arith.cmpi slt, %mul3A_3556, %select_n3A_3464 : i32
      %convert_element_type3A_3581 = arith.extui %lt3A_3580 : i1 to i32
      %cond3A_3582 = arith.constant 0 : i32
      %cond3A_3583 = arith.cmpi ne, %convert_element_type3A_3581, %cond3A_3582 : i32
      scf.if %cond3A_3583 {
        %mul3A_3596 = arith.constant 128 : i32
        %mul3A_3597 = arith.muli %mul3A_3556, %mul3A_3596 : i32
        %dma_wait3A_3598 = tpu.memref_slice %arg9[%mul3A_3597] : memref<13872xi32, #tpu.memory_space<vmem>> -> memref<128xi32, #tpu.memory_space<vmem>>
        %dma_wait3A_3599 = arith.constant 0 : i32
        %dma_wait3A_3600 = arith.constant 0 : i32
        %dma_wait3A_3601 = tpu.memref_slice %arg5[%dma_wait3A_3599, %dma_wait3A_3600] : memref<425984x128xf32, #tpu.memory_space<hbm>> -> memref<425984x128xf32, #tpu.memory_space<hbm>>
        tpu.wait_indirect_dma semaphore(%arg18 : memref<!tpu.dma_semaphore, #tpu.memory_space<semaphore_mem>>) src(%arg11 : memref<128x128xf32, #tpu.memory_space<vmem>>) dst(%dma_wait3A_3601 : memref<425984x128xf32, #tpu.memory_space<hbm>>)
      } else {
      }
      %lt3A_3584 = arith.cmpi slt, %add3A_3558, %select_n3A_3464 : i32
      %convert_element_type3A_3585 = arith.extui %lt3A_3584 : i1 to i32
      %cond3A_3586 = arith.constant 0 : i32
      %cond3A_3587 = arith.cmpi ne, %convert_element_type3A_3585, %cond3A_3586 : i32
      scf.if %cond3A_3587 {
        %mul3A_3596 = arith.constant 128 : i32
        %mul3A_3597 = arith.muli %add3A_3558, %mul3A_3596 : i32
        %dma_wait3A_3598 = tpu.memref_slice %arg9[%mul3A_3597] : memref<13872xi32, #tpu.memory_space<vmem>> -> memref<128xi32, #tpu.memory_space<vmem>>
        %dma_wait3A_3599 = arith.constant 0 : i32
        %dma_wait3A_3600 = arith.constant 0 : i32
        %dma_wait3A_3601 = tpu.memref_slice %arg5[%dma_wait3A_3599, %dma_wait3A_3600] : memref<425984x128xf32, #tpu.memory_space<hbm>> -> memref<425984x128xf32, #tpu.memory_space<hbm>>
        tpu.wait_indirect_dma semaphore(%arg19 : memref<!tpu.dma_semaphore, #tpu.memory_space<semaphore_mem>>) src(%arg12 : memref<128x128xf32, #tpu.memory_space<vmem>>) dst(%dma_wait3A_3601 : memref<425984x128xf32, #tpu.memory_space<hbm>>)
      } else {
      }
      %lt3A_3588 = arith.cmpi slt, %mul3A_3556, %select_n3A_3490 : i32
      %convert_element_type3A_3589 = arith.extui %lt3A_3588 : i1 to i32
      %cond3A_3590 = arith.constant 0 : i32
      %cond3A_3591 = arith.cmpi ne, %convert_element_type3A_3589, %cond3A_3590 : i32
      scf.if %cond3A_3591 {
        %mul3A_3596 = arith.constant 128 : i32
        %mul3A_3597 = arith.muli %mul3A_3556, %mul3A_3596 : i32
        %dma_wait3A_3598 = tpu.memref_slice %arg10[%mul3A_3597] : memref<13872xi32, #tpu.memory_space<vmem>> -> memref<128xi32, #tpu.memory_space<vmem>>
        %dma_wait3A_3599 = arith.constant 0 : i32
        %dma_wait3A_3600 = arith.constant 0 : i32
        %dma_wait3A_3601 = tpu.memref_slice %arg5[%dma_wait3A_3599, %dma_wait3A_3600] : memref<425984x128xf32, #tpu.memory_space<hbm>> -> memref<425984x128xf32, #tpu.memory_space<hbm>>
        tpu.wait_indirect_dma semaphore(%arg17 : memref<!tpu.dma_semaphore, #tpu.memory_space<semaphore_mem>>) src(%arg14 : memref<128x128xf32, #tpu.memory_space<vmem>>) dst(%dma_wait3A_3601 : memref<425984x128xf32, #tpu.memory_space<hbm>>)
      } else {
      }
      %lt3A_3592 = arith.cmpi slt, %add3A_3558, %select_n3A_3490 : i32
      %convert_element_type3A_3593 = arith.extui %lt3A_3592 : i1 to i32
      %cond3A_3594 = arith.constant 0 : i32
      %cond3A_3595 = arith.cmpi ne, %convert_element_type3A_3593, %cond3A_3594 : i32
      scf.if %cond3A_3595 {
        %mul3A_3596 = arith.constant 128 : i32
        %mul3A_3597 = arith.muli %add3A_3558, %mul3A_3596 : i32
        %dma_wait3A_3598 = tpu.memref_slice %arg10[%mul3A_3597] : memref<13872xi32, #tpu.memory_space<vmem>> -> memref<128xi32, #tpu.memory_space<vmem>>
        %dma_wait3A_3599 = arith.constant 0 : i32
        %dma_wait3A_3600 = arith.constant 0 : i32
        %dma_wait3A_3601 = tpu.memref_slice %arg5[%dma_wait3A_3599, %dma_wait3A_3600] : memref<425984x128xf32, #tpu.memory_space<hbm>> -> memref<425984x128xf32, #tpu.memory_space<hbm>>
        tpu.wait_indirect_dma semaphore(%arg20 : memref<!tpu.dma_semaphore, #tpu.memory_space<semaphore_mem>>) src(%arg14 : memref<128x128xf32, #tpu.memory_space<vmem>>) dst(%dma_wait3A_3601 : memref<425984x128xf32, #tpu.memory_space<hbm>>)
      } else {
      }
    }
    return
  }
}

</mosaic_0001>

<sc_bundles>
// kernel: kernel.3.cloned.1.call-start
scs
__scs_entry_jumppad:
0x0: {  	(pc) =	sbr.rel $0x88, $3  }
0x1: {  	(tag) =	ssettag $0x0;
	lr =	simm.s32 $0x1  }
0x2: {  	[smem:$0x3F9F] =	sst lr;
	_ =	strace $0xD0000000  }
0x3: {  	_ = 	snop  }
0x4: {  	_ = 	snop  }
0x5: {  	_ = 	snop  }
0x6: {  	_ = 	snop  }
0x7: {  	_ = 	snop  }
__scs_overlays_trampoline_lowered:
0x8: {  	[smem:$0x3FAE] =	sst s0  }
0x9: {  	[smem:$0x3FAF] =	sst s1  }
0xa: {  	[smem:$0x3FB0] =	sst s2  }
0xb: {  	[smem:$0x3FB1] =	sst s3  }
0xc: {  	[smem:$0x3FB2] =	sst s4  }
0xd: {  	[smem:$0x3FB3] =	sst s5  }
0xe: {  	[smem:$0x3FB4] =	sst s6  }
0xf: {  	[smem:$0x3FB5] =	sst s7  }
0x10: {  	[smem:$0x3FB6] =	sst s8  }
0x11: {  	[smem:$0x3FB7] =	sst s9;
	s0 =	simm.s32 @!p0 $0x0  }
0x12: {  	s1 =	sld [smem:$0x3F9D];
	s0 =	simm.s32 @p0 $0x1  }
0x13: {  	[smem:$0x3FB8] =	sst s0;
	s0 =	simm.s32 @!p1 $0x0  }
0x14: {  	s2 =	sld [smem:$0x3F9C];
	s0 =	simm.s32 @p1 $0x1  }
0x15: {  	[smem:$0x3FB9] =	sst s0;
	s0 =	simm.s32 @!p2 $0x0  }
0x16: {  	s3 =	sld [smem:$0x3FDB];
	s0 =	simm.s32 @p2 $0x1  }
0x17: {  	s4 =	simm.s32 $0x1BF5;
	[smem:$0x3FBB] =	sst s0  }
0x18: {  	s0 =	sld [smem:$0x3F9E];
	_ =	swait.ge [sflag:s4], $0x0  }
0x19: {  	s7 =	sld [smem:$0x3F9F]  }
0x1a: {  	s8 =	sadd.s32 $0xFFFFE003, lr  }
0x1b: {  	s9 =	sadd.s32 $0xFFFFFEF7, lr;
	s5 =	simm.s32 $0xFFFFFFFF;
	p2 =	slt.u32 s8, $0xFFFFF086  }
0x1c: {  	p1 =	slt.u32 s9, $0xF7A;
	s5 =	simm.s32 @!p2 $0x0  }
0x1d: {  	s5 =	simm.s32 @p1 $0x1;
	p0 =	seq.s32 s7, s2  }
0x1e: {  	s7 =	smul.u32 @!p0 $0xF7A, s2;
	p2 =	seq.s32 @!p0 s5, $0x0  }
0x1f: {  	s9 =	smul.u32 $0xF7A, s1;
	s8 =	simm.s32 @!p0 $0x1BF5;
	p2 =	por !p2, p0  }
0x20: {  	[sflag:s8] =	ssyncset.s32 @!p0 $0xFFFFF086;
	s6 =	sadd.s32 @!p0 s3, s7;
	s7 =	simm.s32 @!p0 $0x108  }
0x21: {  	s3 =	sadd.s32 s3, s9;
	s6 =	sadd.s32 @!p0 $0x88, s6;
	s7 =	simm.s32 @p2 $0x1082  }
0x22: {  	[simem:s7], [sflag:s8] =	dma.local @!p0 [hbm:s6], $0xF7A  }
0x23: {  	s9 =	sor.u32 $0xD0000000, s2;
	s6 =	simm.s32 $0x108;
	_ =	swait.ge @!p0 [sflag:s8], $0x0  }
0x24: {  	s3 =	sadd.s32 $0x88, s3;
	s6 =	simm.s32 @!p1 $0x1082;
	[sflag:s4] =	ssyncset.s32 $0xFFFFF086  }
0x25: {  	[simem:s6], [sflag:s4] =	dma.local [hbm:s3], $0xF7A  }
0x26: {  	[smem:$0x3F9F] =	sst s1;
	(tag) =	ssettag s2;
	_ =	strace s9  }
0x27: {  	s1 =	sld [smem:$0x3FAF]  }
0x28: {  	s2 =	sld [smem:$0x3FB0]  }
0x29: {  	s4 =	sld [smem:$0x3FB2]  }
0x2a: {  	p0 =	seq.s32 s5, $0x0;
	s5 =	sld [smem:$0x3FB3]  }
0x2b: {  	s6 =	sld [smem:$0x3FB4]  }
0x2c: {  	s7 =	sld [smem:$0x3FB5]  }
0x2d: {  	s3 =	simm.s32 $0x108;
	s8 =	sld [smem:$0x3FB6]  }
0x2e: {  	s3 =	simm.s32 @!p0 $0x1082;
	s9 =	sld [smem:$0x3FB7]  }
0x2f: {  	lr =	sadd.s32 s0, s3;
	s0 =	sld [smem:$0x3FAE]  }
0x30: {  	s3 =	sld [smem:$0x3FB1]  }
0x31: {  	[smem:$0x3FBA] =	sst s10  }
0x32: {  	s10 =	sld [smem:$0x3FB8];
	_ =	sdelay $0x3  }
0x33: {  	p0 =	seq.s32 s10, $0x1;
	s10 =	sld [smem:$0x3FBA];
	_ =	sdelay $0x3  }
0x34: {  	[smem:$0x3FBA] =	sst s10  }
0x35: {  	s10 =	sld [smem:$0x3FB9];
	_ =	sdelay $0x3  }
0x36: {  	p1 =	seq.s32 s10, $0x1;
	s10 =	sld [smem:$0x3FBA];
	_ =	sdelay $0x3  }
0x37: {  	[smem:$0x3FBA] =	sst s10  }
0x38: {  	s10 =	sld [smem:$0x3FBB]  }
0x39: {  	_ = 	snop;
	(pc) =	sbr.ind lr, $3  }
0x3a: {  	_ = 	snop  }
0x3b: {  	_ = 	snop  }
0x3c: {  	p2 =	seq.s32 s10, $0x1;
	s10 =	sld [smem:$0x3FBA]  }
0x3d: {  	_ =	shalt  }
0x3e: {  	_ =	shalt  }
0x3f: {  	_ =	shalt  }
0x40: {  	_ =	shalt  }
0x41: {  	_ =	shalt  }
0x42: {  	_ =	shalt  }
0x43: {  	_ =	shalt  }
0x44: {  	_ =	shalt  }
0x45: {  	_ =	shalt  }
0x46: {  	_ =	shalt  }
0x47: {  	_ =	shalt  }
0x48: {  	_ =	shalt  }
0x49: {  	_ =	shalt  }
0x4a: {  	_ =	shalt  }
0x4b: {  	_ =	shalt  }
0x4c: {  	_ =	shalt  }
0x4d: {  	_ =	shalt  }
0x4e: {  	_ =	shalt  }
0x4f: {  	_ =	shalt  }
0x50: {  	_ =	shalt  }
0x51: {  	_ =	shalt  }
0x52: {  	_ =	shalt  }
0x53: {  	_ =	shalt  }
0x54: {  	_ =	shalt  }
0x55: {  	_ =	shalt  }
0x56: {  	_ =	shalt  }
0x57: {  	_ =	shalt  }
0x58: {  	_ =	shalt  }
0x59: {  	_ =	shalt  }
0x5a: {  	_ =	shalt  }
0x5b: {  	_ =	shalt  }
0x5c: {  	_ =	shalt  }
0x5d: {  	_ =	shalt  }
0x5e: {  	_ =	shalt  }
0x5f: {  	_ =	shalt  }
0x60: {  	_ =	shalt  }
0x61: {  	_ =	shalt  }
0x62: {  	_ =	shalt  }
0x63: {  	_ =	shalt  }
0x64: {  	_ =	shalt  }
0x65: {  	_ =	shalt  }
0x66: {  	_ =	shalt  }
0x67: {  	_ =	shalt  }
0x68: {  	_ =	shalt  }
0x69: {  	_ =	shalt  }
0x6a: {  	_ =	shalt  }
0x6b: {  	_ =	shalt  }
0x6c: {  	_ =	shalt  }
0x6d: {  	_ =	shalt  }
0x6e: {  	_ =	shalt  }
0x6f: {  	_ =	shalt  }
0x70: {  	_ =	shalt  }
0x71: {  	_ =	shalt  }
0x72: {  	_ =	shalt  }
0x73: {  	_ =	shalt  }
0x74: {  	_ =	shalt  }
0x75: {  	_ =	shalt  }
0x76: {  	_ =	shalt  }
0x77: {  	_ =	shalt  }
0x78: {  	_ =	shalt  }
0x79: {  	_ =	shalt  }
0x7a: {  	_ =	shalt  }
0x7b: {  	_ =	shalt  }
0x7c: {  	_ =	shalt  }
0x7d: {  	_ =	shalt  }
0x7e: {  	_ =	shalt  }
0x7f: {  	_ =	shalt  }
0x80: {  	_ =	shalt  }
0x81: {  	_ =	shalt  }
0x82: {  	_ =	shalt  }
0x83: {  	_ =	shalt  }
0x84: {  	_ =	shalt  }
0x85: {  	_ =	shalt  }
0x86: {  	_ =	shalt  }
0x87: {  	_ =	shalt  }
.Lfunc_end0:
.L_simem_size_0:
called_computation_lowered:
.L_overlay_start_0:
0x88: {  	s2 =	sld [smem:$0x3FD9]  }
0x89: {  	s3 =	sld [smem:$0x3FFE];
	_ =	sdelay $0x1  }
0x8a: {  	s1 =	srdreg.scid  }
0x8b: {  	s0 =	sand.u32 $0x1, s1  }
0x8c: {  	s17 =	sshll.u32 s0, $0xA;
	s2 =	sadd.s32 s3, s2  }
0x8d: {  	s2 =	sadd.s32 s2, s17  }
0x8e: {  	[smem:$0x3FC6] =	sst s2  }
0x8f: {  	_ = 	snop  }
0x90: {  	s2 =	sld [smem:$0x3FC9]  }
0x91: {  	s18 =	sld [smem:$0x3FD0];
	(tm) =	ssettm $0x1  }
0x92: {  	s4 =	sld [smem:$0x3FFB];
	_ =	sdelay $0x3  }
0x93: {  	_ =	strace s4  }
0x94: {  	s4 =	sld [smem:$0x3FFC];
	_ =	sdelay $0x3  }
0x95: {  	_ =	strace s4  }
0x96: {  	s4 =	sld [smem:$0x3FFD];
	_ =	sdelay $0x3  }
0x97: {  	_ =	strace s4  }
0x98: {  	_ =	strace $0x8FFFFFFF  }
0x99: {  	s19 =	sld [smem:$0x3FDB];
	_ =	sdelay $0x1  }
0x9a: {  	s5 =	simm.s32 $_scs_section_size  }
0x9b: {  	s6 =	simm.s32 $_size__tile_overlayer_lowered;
	s7 =	simm.s32 $_tile_overlayer_lowered  }
0x9c: {  	s22 =	simm.s32 $0x1BFF;
	s21 =	sshll.u32 s7, $0x1;
	s4 =	sadd.s32 s5, s19  }
0x9d: {  	s8 =	simm.s32 $0x0;
	s20 =	sshll.u32 s6, $0x1;
	s6 =	sadd.s32 s21, s4  }
0x9e: {  	[timem:s8], [sflag:s22] =	dma.local [hbm:s6], s20  }
0x9f: {  	_ =	swait.ge [sflag:s22], s20  }
0xa0: {  	s5 =	ssub.s32 $0x0, s20;
	[sflag:s22] =	ssyncset.done $0x0  }
0xa1: {  	[sflag:s22] =	ssyncadd.s32 s5;
	_ =	sdelay $0x1  }
0xa2: {  	s23 =	simm.s32 $0x1B8B  }
0xa3: {  	_ =	swait.ge [sflag:s23], $0x1  }
0xa4: {  	[sflag:s23] =	ssyncset.done $0x0  }
0xa5: {  	s25 =	simm.s32 $0x1B8E;
	s24 =	sld [smem:$0x3FFE];
	[sflag:s23] =	ssyncadd.s32 $0xFFFFFFFF  }
0xa6: {  	s26 =	simm.s32 $execute0_lowered;
	[smem:$0x3FD2] =	sst s25  }
0xa7: {  	s6 =	sshll.u32 s26, $0x1;
	_ =	strace $0x80000046;
	[dreg:$0x1] =	wrdreg $0xFFFFFFFF  }
0xa8: {  	s28 =	simm.s32 $_size_execute0_lowered;
	s4 =	sadd.s32 s4, s6;
	[dreg:$0x0] =	wrdreg $0x0  }
0xa9: {  	s6 =	sshll.u32 s28, $0x1;
	[dreg:$0x2] =	wrdreg s4  }
0xaa: {  	[dreg:$0x3] =	wrdreg s6  }
0xab: {  	[dreg:$0x4] =	wrdreg $0xC0  }
0xac: {  	_ =	task [dreg:s8], $0x5FFFF  }
0xad: {  	[dreg:$0x1] =	wrdreg $0xFFFFFFFF  }
0xae: {  	[dreg:$0x0] =	wrdreg $0x60  }
0xaf: {  	[dreg:$0x2] =	wrdreg s2  }
0xb0: {  	[dreg:$0x3] =	wrdreg s24  }
0xb1: {  	[dreg:$0x4] =	wrdreg s18  }
0xb2: {  	[dreg:$0x5] =	wrdreg $0x9  }
0xb3: {  	_ =	task.clear_ibuf [dreg:s8], $0x6FFFF;
	_ =	strace $0x90000046  }
0xb4: {  	s29 =	simm.s32 $0x9;
	_ =	strace $0x80000048  }
0xb5: {  	_ =	swait.ge [sflag:s29], $0x1  }
0xb6: {  	[sflag:s29] =	ssyncadd.s32 $0xFFFFFFFF  }
0xb7: {  	_ =	strace $0x90000048  }
0xb8: {  	_ =	sfence  }
0xb9: {  	s30 =	sld [smem:$0x0];
	_ =	sdelay $0x2  }
0xba: {  	s31 =	sshll.u32 s1, $0xD;
	s1 =	sshrl.u32 s1, $0x2  }
0xbb: {  	s3 =	sand.u32 $0x4000, s31;
	s1 =	sadd.s32 s1, s30  }
0xbc: {  	s0 =	sor.u32 s3, s0;
	s1 =	sshll.u32 s1, $0x11  }
0xbd: {  	s0 =	sor.u32 s1, s0  }
0xbe: {  	s0 =	sadd.s32 $0x8F2B, s0  }
0xbf: {  	[sflag:s0] =	ssyncadd.remote.s32 $0x1  }
0xc0: {  	_ =	sfence.sel $0xFFFF  }
0xc1: {  	[dreg:$0x0] =	wrdreg $0xFFFFFFFF;
	(pc) =	sbr.abs _section_cstart, $3  }
0xc2: {  	[dreg:$0x1] =	wrdreg $0xFFFFFFFF  }
0xc3: {  	_ =	task.clear_ibuf [dreg:s8], $0x2FFFF;
	_ =	strace $0x9FFFFFFF  }
0xc4: {  	(tm) =	ssettm $0x7FFFFFFF  }
0xc5: {  	_ =	shalt  }
tec
execute0_lowered:
.L_overlay_start_1:
0x0: {  	(tag) =	ssettag $0x1  }
0x1: {  	v0 =	vlaneseq.u32;
	v24 =	vimm.s32 $0xEDCBA987;
	v26 =	vimm.s32 $0x65432100  }
0x2: {  	v58 =	vimm.s32 $0x54321000;
	v34 =	vimm.s32 $0xDCBA9876;
	v60 =	vimm.s32 $0xBA987654  }
0x3: {  	v36 =	vimm.s32 $0x32100000;
	v37 =	vimm.s32 $0xE40000;
	v63 =	vimm.s32 $0x7060504  }
0x4: {  	s0 =	srdreg.scid;
	vm0 =	vmmov $0x1;
	vm1 =	vmmov $0x3;
	vm2 =	vmmov $0xf  }
0x5: {  	s1 =	stileid.u32;
	vm3 =	vcmask $0x3F30;
	s2 =	sand.u32 $0x1, s0;
	v28 =	vunpack.c.l.s4.s8 v24;
	v30 =	vunpack.c.l.s4.s8 v26  }
0x6: {  	s24 =	sshll.u32 s1, $0xA;
	v35 =	vunpack.c.l.s4.s8 v58;
	v59 =	vunpack.c.l.s4.s8 v34;
	v34 =	vunpack.c.l.s4.s8 v60;
	s25 =	sshll.u32 s2, $0x9  }
0x7: {  	v36 =	vunpack.c.l.s4.s8 v36;
	v37 =	vunpack.c.l.s2.s4 v37;
	s2 =	ssub.s32 $0x2, s2;
	s0 =	sor.u32 s25, s24;
	v32 =	vunpack.c.0.s8.s32 v28  }
0x8: {  	v33 =	vunpack.c.0.s8.s32 v30;
	v38 =	vunpack.c.0.s8.s32 v59;
	v35 =	vunpack.c.0.s8.s32 v35;
	s1 =	sor.u32 $0x10, s0;
	s26 =	sor.u32 $0x20, s0;
	s3 =	sor.u32 $0x30, s0  }
0x9: {  	v39 =	vunpack.c.0.s8.s32 v34;
	v36 =	vunpack.c.0.s8.s32 v36;
	v37 =	vunpack.c.l.s4.s8 v37;
	s4 =	sor.u32 $0x40, s0;
	s28 =	sor.u32 $0x50, s0;
	s29 =	sor.u32 $0x60, s0  }
0xa: {  	v1 =	vor.u32 s0, v0;
	s31 =	sor.u32 $0x70, s0;
	s5 =	sor.u32 $0xA0, s0;
	s6 =	sor.u32 $0xB0, s0;
	v2 =	vor.u32 s1, v0;
	v3 =	vor.u32 s26, v0  }
0xb: {  	s7 =	sor.u32 $0xC0, s0;
	s8 =	sor.u32 $0xD0, s0;
	s9 =	sor.u32 $0xE0, s0;
	v4 =	vor.u32 s3, v0;
	v5 =	vor.u32 s4, v0;
	v6 =	vor.u32 s28, v0  }
0xc: {  	s10 =	sor.u32 $0xF0, s0;
	s11 =	sor.u32 $0x100, s0;
	s12 =	sor.u32 $0x110, s0;
	v7 =	vor.u32 s29, v0;
	v8 =	vor.u32 s31, v0;
	v11 =	vor.u32 s5, v0  }
0xd: {  	s13 =	sor.u32 $0x120, s0;
	s14 =	sor.u32 $0x130, s0;
	s15 =	sor.u32 $0x140, s0;
	v12 =	vor.u32 s6, v0;
	v13 =	vor.u32 s7, v0;
	v14 =	vor.u32 s8, v0  }
0xe: {  	s16 =	sor.u32 $0x150, s0;
	s17 =	sor.u32 $0x160, s0;
	s18 =	sor.u32 $0x170, s0;
	v15 =	vor.u32 s9, v0;
	v16 =	vor.u32 s10, v0;
	v17 =	vor.u32 s11, v0  }
0xf: {  	s19 =	sor.u32 $0x180, s0;
	s20 =	sor.u32 $0x190, s0;
	s21 =	sor.u32 $0x1A0, s0;
	v18 =	vor.u32 s12, v0;
	v19 =	vor.u32 s13, v0;
	v20 =	vor.u32 s14, v0  }
0x10: {  	s22 =	sor.u32 $0x1B0, s0;
	s23 =	sor.u32 $0x1C0, s0;
	s24 =	sor.u32 $0x1D0, s0;
	v21 =	vor.u32 s15, v0;
	v22 =	vor.u32 s16, v0;
	v23 =	vor.u32 s17, v0  }
0x11: {  	s25 =	sor.u32 $0x1E0, s0;
	s3 =	sor.u32 $0x80, s0;
	v24 =	vor.u32 s18, v0;
	v25 =	vor.u32 s19, v0;
	v26 =	vor.u32 s20, v0;
	s1 =	rddreg [dreg:$0x0]  }
0x12: {  	s4 =	sor.u32 $0x90, s0;
	v27 =	vor.u32 s21, v0;
	v28 =	vor.u32 s22, v0;
	v29 =	vor.u32 s23, v0;
	s26 =	rddreg [dreg:$0x1];
	s5 =	sor.u32 $0x1F0, s0  }
0x13: {  	v30 =	vor.u32 s24, v0;
	v31 =	vor.u32 s25, v0;
	s28 =	simm.s32 $0x0;
	s0 =	sshrl.u32 s0, $0x3;
	v9 =	vor.u32 s3, v0;
	s3 =	rddreg [dreg:$0x2]  }
.Ltmp0:
0x14: {  	v32 =	vand.u32 $0xF, v32;
	v61 =	vand.u32 $0xF, v38;
	s29 =	sshrl.u32 s2, $0x1;
	v62 =	vand.u32 $0xF, v39;
	[smem:$0x7FF] =	sst s28;
	(pc) =	sbr.rel .LBB2_1-.Ltmp0, $4  }
0x15: {  	[tilespmem:$0x1FFF0] =	vst v1;
	v37 =	vunpack.c.0.s8.s32 v37;
	v38 =	vunpack.c.0.s8.s32 v63;
	v10 =	vor.u32 s4, v0;
	s0 =	sadd.s32 s0, s26;
	s2 =	ssub.s32 s2, s29;
	s4 =	sadd.s32 $0xC00, s26  }
0x16: {  	v32 =	vcombine.low v33, v32;
	v33 =	vor.u32 s5, v0;
	v34 =	vcombine.low v35, v61;
	_ =	strace $0x80000047;
	[dreg:$0x4] =	wrdreg s4;
	s0 =	sadd.s32 $0x400, s0  }
0x17: {  	s30 =	simm.s32 $0x0;
	v35 =	vimm.s32 $0x0;
	v36 =	vcombine.low v36, v62;
	s31 =	smax.u32 s2, $0x1;
	v37 =	vand.u32 $0x3, v37;
	[dreg:$0x5] =	wrdreg s0  }
0x18: {  	s10 =	simm.s32 $0x200;
	s11 =	simm.s32 $0x480;
	[dreg:$0x6] =	wrdreg s31;
	v37 =	vsel vm3, v38, v37;
	vm3 =	vmmov $0xff;
	v38 =	vor.u32 $0x220, v0  }
.LBB2_15:
0x19: {  	_ = 	snop  }
.LBB2_18:
0x1a: {  	p2 =	por p2, !p4  }
0x1b: {  	p3 =	por p3, !p4;
	[sflag:s8] =	ssyncadd.s32 @!p2 $0xFFFFC000  }
0x1c: {  	s2 =	simm.s32 @!p1 $0x80;
	_ =	swait.ge @!p3 [sflag:s12], $0x4000  }
0x1d: {  	s7 =	simm.s32 @!p1 $0x7400;
	p4 =	sge.s32 s6, s0;
	[sflag:s12] =	ssyncset.done @!p3 $0x0  }
0x1e: {  	s6 =	sadd.s32 @!p0 $0x80, s4;
	s8 =	simm.s32 @!p0 $0xB400;
	[sflag:s12] =	ssyncadd.s32 @!p3 $0xFFFFC000  }
0x1f: {  	[tilespmem:s7], [sflag:$0x1] =	stream.indirect.gather @!p1 [hbm4b:s1+s2], $0x80, s4, s2, $0xb8;
	[tilespmem:$0x13400] =	vst v63  }
0x20: {  	p2 =	sge.s32 s9, s0;
	s0 =	simm.s32 @!p0 $0x80;
	s9 =	sadd.s32 @!p4 $0x80, s5  }
0x21: {  	[tilespmem:s8], [sflag:$0x2] =	stream.indirect.gather @!p0 [hbm4b:s1+s0], $0x80, s6, s0, $0xb8;
	[tilespmem:$0x13400] =	vst v63  }
0x22: {  	s13 =	simm.s32 @!p2 $0xF400;
	p3 =	por p4, p4;
	s12 =	simm.s32 @!p2 $0x80  }
0x23: {  	[hbm4b:s3+s12] =	stream.indirect.scatter @!p2 [tilespmem:s13], [sflag:$0x3], $0x80, s5, s12, $0xb8;
	[tilespmem:$0x13400] =	vst v63  }
0x24: {  	s5 =	simm.s32 @!p3 $0x80;
	s12 =	simm.s32 @!p3 $0xF400;
	s13 =	simm.s32 @!p1 $0x1  }
0x25: {  	[hbm4b:s3+s5] =	stream.indirect.scatter @!p3 [tilespmem:s12], [sflag:$0x6], $0x80, s9, s5, $0xb8;
	[tilespmem:$0x13400] =	vst v63  }
0x26: {  	_ =	swait.ge @!p1 [sflag:s13], $0x4000  }
0x27: {  	[sflag:s13] =	ssyncset.done @!p1 $0x0  }
0x28: {  	s5 =	simm.s32 @!p0 $0x2;
	[sflag:s13] =	ssyncadd.s32 @!p1 $0xFFFFC000  }
0x29: {  	[hbm4b:s3+s2] =	stream.indirect.scatter @!p1 [tilespmem:s7], [sflag:$0x4], $0x80, s4, s2, $0xb8;
	[tilespmem:$0x13400] =	vst v63  }
0x2a: {  	_ =	swait.ge @!p0 [sflag:s5], $0x4000  }
0x2b: {  	[sflag:s5] =	ssyncset.done @!p0 $0x0  }
0x2c: {  	s2 =	simm.s32 @!p1 $0x4;
	[sflag:s5] =	ssyncadd.s32 @!p0 $0xFFFFC000  }
0x2d: {  	[hbm4b:s3+s0] =	stream.indirect.scatter @!p0 [tilespmem:s8], [sflag:$0x5], $0x80, s6, s0, $0xb8;
	[tilespmem:$0x13400] =	vst v63  }
0x2e: {  	_ =	swait.ge @!p1 [sflag:s2], $0x4000  }
0x2f: {  	[sflag:s2] =	ssyncset.done @!p1 $0x0  }
0x30: {  	s0 =	simm.s32 @!p0 $0x5;
	[sflag:s2] =	ssyncadd.s32 @!p1 $0xFFFFC000  }
0x31: {  	_ =	swait.ge @!p0 [sflag:s0], $0x4000  }
0x32: {  	[sflag:s0] =	ssyncset.done @!p0 $0x0  }
0x33: {  	s2 =	simm.s32 @!p2 $0x3;
	[sflag:s0] =	ssyncadd.s32 @!p0 $0xFFFFC000  }
0x34: {  	_ =	swait.ge @!p2 [sflag:s2], $0x4000  }
0x35: {  	[sflag:s2] =	ssyncset.done @!p2 $0x0  }
0x36: {  	s0 =	simm.s32 @!p3 $0x6;
	[sflag:s2] =	ssyncadd.s32 @!p2 $0xFFFFC000  }
0x37: {  	_ =	swait.ge @!p3 [sflag:s0], $0x4000  }
0x38: {  	[sflag:s0] =	ssyncset.done @!p3 $0x0  }
0x39: {  	[sflag:s0] =	ssyncadd.s32 @!p3 $0xFFFFC000  }
.LBB2_19:
0x3a: {  	s30 =	sadd.s32 $0x1, s30;
	s0 =	rddreg [dreg:$0x6]  }
0x3b: {  	p0 =	sne.s32 s30, s0  }
.Ltmp1:
0x3c: {  	_ = 	snop;
	(pc) =	sbr.rel @!p0 .LBB2_20-.Ltmp1, $1  }
0x3d: {  	_ =	sdelay $0x3  }
.LBB2_1:
0x3e: {  	s0 =	simm.s32 $0x0;
	s2 =	rddreg [dreg:$0x5]  }
0x3f: {  	[tilespmem:s0], [sflag:$0x8] =	stream.linear.gather [hbm4b:s2+s0], $0x200, $0x38;
	[tilespmem:$0x13400] =	vst v63  }
0x40: {  	s18 =	rddreg [dreg:$0x4];
	s4 =	simm.s32 $0xF400;
	s19 =	simm.s32 $0x8  }
0x41: {  	[tilespmem:s4], [sflag:$0x7] =	stream.linear.gather [hbm4b:s18+s0], $0x4000, $0x38;
	[tilespmem:$0x13400] =	vst v63  }
0x42: {  	_ =	swait.ge [sflag:s19], $0x200  }
0x43: {  	[sflag:s19] =	ssyncset.done $0x0  }
0x44: {  	[sflag:s19] =	ssyncadd.s32 $0xFFFFFE00  }
0x45: {  	v39 =	vld [tilespmem:$0x0];
	_ =	sdelay $0x4  }
0x46: {  	vm4 =	vne.s32 v39, $0x0  }
0x47: {  	v39 =	vsel vm4, $0x1, v35  }
0x48: {  	v40 =	vperm.xlane v39, v32;
	_ =	sdelay $0x1  }
0x49: {  	v40 =	vadd.s32 v39, v40  }
0x4a: {  	v39 =	vsel vm0, v39, v40  }
0x4b: {  	v40 =	vperm.xlane v39, v34;
	_ =	sdelay $0x1  }
0x4c: {  	v40 =	vadd.s32 v40, v39  }
0x4d: {  	v39 =	vsel vm1, v39, v40  }
0x4e: {  	v41 =	vperm.xlane v39, v36;
	_ =	sdelay $0x1  }
0x4f: {  	v40 =	vadd.s32 v41, v40  }
0x50: {  	v39 =	vsel vm2, v39, v40  }
0x51: {  	v40 =	vperm.xlane v39, v37;
	_ =	sdelay $0x1  }
0x52: {  	v40 =	vadd.s32 v40, v39  }
0x53: {  	v39 =	vsel vm3, v39, v40  }
0x54: {  	v54 =	vadd.s32 $0xFFFFFFFF, v39  }
0x55: {  	v1 =	vld [tilespmem:$0x1FFF0];
	v39 =	vsub.s32 v0, v39;
	v41 =	vsel vm4, v54, v38  }
0x56: {  	v39 =	vsel vm4, v38, v39  }
0x57: {  	v42 =	vsel vm4, $0x210, v38  }
0x58: {  	v43 =	vnsel vm4, $0x210, v38;
	_ =	sdelay $0x1  }
0x59: {  	[tilespmem:v41+s10+$0x0] =	vst.idx.msk $0xffff, v1  }
0x5a: {  	[tilespmem:v39+s11+$0x0] =	vst.idx.msk $0xffff, v1  }
0x5b: {  	[tilespmem:v42+s10+$0x0] =	vst.idx.msk $0xffff, v1  }
0x5c: {  	[tilespmem:v43+s11+$0x0] =	vst.idx.msk $0xffff, v1  }
0x5d: {  	v39 =	vld [tilespmem:$0x10];
	_ =	sdelay $0x4  }
0x5e: {  	vm4 =	vne.s32 v39, $0x0  }
0x5f: {  	(v2sf) =	vpush v40, $0xF;
	v39 =	vsel vm4, $0x1, v35  }
0x60: {  	v55 =	vperm.xlane v39, v32;
	_ =	sdelay $0x1  }
0x61: {  	v41 =	vadd.s32 v39, v55  }
0x62: {  	v39 =	vsel vm0, v39, v41  }
0x63: {  	v41 =	vperm.xlane v39, v34;
	_ =	sdelay $0x1  }
0x64: {  	v41 =	vadd.s32 v41, v39  }
0x65: {  	v39 =	vsel vm1, v39, v41  }
0x66: {  	v56 =	vperm.xlane v39, v36;
	_ =	sdelay $0x1  }
0x67: {  	v41 =	vadd.s32 v56, v41  }
0x68: {  	v39 =	vsel vm2, v39, v41  }
0x69: {  	v41 =	vperm.xlane v39, v37  }
0x6a: {  	v40 =	vadd.s32 $0xFFFFFFFF, v40  }
0x6b: {  	v40 =	vbroadcast v40, $0xF;
	s29 =	spop (v2sf);
	v41 =	vadd.s32 v41, v39  }
0x6c: {  	s20 =	ssub.s32 $0x10, s29;
	v39 =	vsel vm3, v39, v41  }
0x6d: {  	v40 =	vadd.s32 v39, v40;
	v39 =	vsub.s32 s20, v39  }
0x6e: {  	v40 =	vsel vm4, v40, v38;
	v39 =	vadd.s32 v0, v39  }
0x6f: {  	v39 =	vsel vm4, v38, v39  }
0x70: {  	v57 =	vsel vm4, $0x210, v38  }
0x71: {  	v58 =	vnsel vm4, $0x210, v38;
	_ =	sdelay $0x1  }
0x72: {  	[tilespmem:v40+s10+$0x0] =	vst.idx.msk $0xffff, v2  }
0x73: {  	[tilespmem:v39+s11+$0x0] =	vst.idx.msk $0xffff, v2  }
0x74: {  	[tilespmem:v57+s10+$0x0] =	vst.idx.msk $0xffff, v2  }
0x75: {  	[tilespmem:v58+s11+$0x0] =	vst.idx.msk $0xffff, v2  }
0x76: {  	v39 =	vld [tilespmem:$0x20];
	_ =	sdelay $0x1  }
0x77: {  	(v2sf) =	vpush v41, $0xF;
	_ =	sdelay $0x2  }
0x78: {  	vm4 =	vne.s32 v39, $0x0  }
0x79: {  	v39 =	vsel vm4, $0x1, v35  }
0x7a: {  	v59 =	vperm.xlane v39, v32;
	_ =	sdelay $0x1  }
0x7b: {  	v40 =	vadd.s32 v39, v59  }
0x7c: {  	v39 =	vsel vm0, v39, v40  }
0x7d: {  	v40 =	vperm.xlane v39, v34;
	_ =	sdelay $0x1  }
0x7e: {  	v40 =	vadd.s32 v40, v39  }
0x7f: {  	v39 =	vsel vm1, v39, v40  }
0x80: {  	v60 =	vperm.xlane v39, v36;
	_ =	sdelay $0x1  }
0x81: {  	s8 =	spop (v2sf);
	v40 =	vadd.s32 v60, v40  }
0x82: {  	s21 =	sadd.s32 s29, s8;
	v39 =	vsel vm2, v39, v40  }
0x83: {  	v61 =	vmov s21;
	v40 =	vperm.xlane v39, v37  }
0x84: {  	v41 =	vadd.s32 $0xFFFFFFFF, v61  }
0x85: {  	s0 =	ssub.s32 s20, s8;
	v41 =	vbroadcast v41, $0x0;
	v40 =	vadd.s32 v40, v39  }
0x86: {  	s22 =	sadd.s32 $0x10, s0;
	v39 =	vsel vm3, v39, v40  }
0x87: {  	v41 =	vadd.s32 v39, v41;
	v39 =	vsub.s32 s22, v39  }
0x88: {  	v41 =	vsel vm4, v41, v38;
	v39 =	vadd.s32 v0, v39  }
0x89: {  	v39 =	vsel vm4, v38, v39  }
0x8a: {  	v62 =	vsel vm4, $0x210, v38  }
0x8b: {  	v63 =	vnsel vm4, $0x210, v38;
	_ =	sdelay $0x1  }
0x8c: {  	[tilespmem:v41+s10+$0x0] =	vst.idx.msk $0xffff, v3  }
0x8d: {  	[tilespmem:v39+s11+$0x0] =	vst.idx.msk $0xffff, v3  }
0x8e: {  	[tilespmem:v62+s10+$0x0] =	vst.idx.msk $0xffff, v3  }
0x8f: {  	[tilespmem:v63+s11+$0x0] =	vst.idx.msk $0xffff, v3  }
0x90: {  	v39 =	vld [tilespmem:$0x30];
	_ =	sdelay $0x1  }
0x91: {  	(v2sf) =	vpush v40, $0xF;
	_ =	sdelay $0x2  }
0x92: {  	vm4 =	vne.s32 v39, $0x0  }
0x93: {  	v39 =	vsel vm4, $0x1, v35  }
0x94: {  	v44 =	vperm.xlane v39, v32;
	_ =	sdelay $0x1  }
0x95: {  	v40 =	vadd.s32 v39, v44  }
0x96: {  	v39 =	vsel vm0, v39, v40  }
0x97: {  	v40 =	vperm.xlane v39, v34;
	_ =	sdelay $0x1  }
0x98: {  	v40 =	vadd.s32 v40, v39  }
0x99: {  	v39 =	vsel vm1, v39, v40  }
0x9a: {  	v45 =	vperm.xlane v39, v36;
	_ =	sdelay $0x1  }
0x9b: {  	s14 =	spop (v2sf);
	v40 =	vadd.s32 v45, v40  }
0x9c: {  	s2 =	sadd.s32 s21, s14;
	v39 =	vsel vm2, v39, v40  }
0x9d: {  	v46 =	vmov s2;
	v40 =	vperm.xlane v39, v37  }
0x9e: {  	v41 =	vadd.s32 $0xFFFFFFFF, v46  }
0x9f: {  	s0 =	ssub.s32 s0, s14;
	v41 =	vbroadcast v41, $0x0;
	v40 =	vadd.s32 v40, v39  }
0xa0: {  	s23 =	sadd.s32 $0x20, s0;
	v39 =	vsel vm3, v39, v40  }
0xa1: {  	v41 =	vadd.s32 v39, v41;
	v39 =	vsub.s32 s23, v39  }
0xa2: {  	v41 =	vsel vm4, v41, v38;
	v39 =	vadd.s32 v0, v39  }
0xa3: {  	v39 =	vsel vm4, v38, v39  }
0xa4: {  	v47 =	vsel vm4, $0x210, v38  }
0xa5: {  	v48 =	vnsel vm4, $0x210, v38;
	_ =	sdelay $0x1  }
0xa6: {  	[tilespmem:v41+s10+$0x0] =	vst.idx.msk $0xffff, v4  }
0xa7: {  	[tilespmem:v39+s11+$0x0] =	vst.idx.msk $0xffff, v4  }
0xa8: {  	[tilespmem:v47+s10+$0x0] =	vst.idx.msk $0xffff, v4  }
0xa9: {  	[tilespmem:v48+s11+$0x0] =	vst.idx.msk $0xffff, v4  }
0xaa: {  	v39 =	vld [tilespmem:$0x40];
	_ =	sdelay $0x1  }
0xab: {  	(v2sf) =	vpush v40, $0xF;
	_ =	sdelay $0x2  }
0xac: {  	vm4 =	vne.s32 v39, $0x0  }
0xad: {  	v39 =	vsel vm4, $0x1, v35  }
0xae: {  	v49 =	vperm.xlane v39, v32;
	_ =	sdelay $0x1  }
0xaf: {  	v40 =	vadd.s32 v39, v49  }
0xb0: {  	v39 =	vsel vm0, v39, v40  }
0xb1: {  	v40 =	vperm.xlane v39, v34;
	_ =	sdelay $0x1  }
0xb2: {  	v40 =	vadd.s32 v40, v39  }
0xb3: {  	v39 =	vsel vm1, v39, v40  }
0xb4: {  	v50 =	vperm.xlane v39, v36;
	_ =	sdelay $0x1  }
0xb5: {  	s15 =	spop (v2sf);
	v40 =	vadd.s32 v50, v40  }
0xb6: {  	s2 =	sadd.s32 s2, s15;
	v39 =	vsel vm2, v39, v40  }
0xb7: {  	v51 =	vmov s2;
	v40 =	vperm.xlane v39, v37  }
0xb8: {  	v41 =	vadd.s32 $0xFFFFFFFF, v51  }
0xb9: {  	s0 =	ssub.s32 s0, s15;
	v41 =	vbroadcast v41, $0x0;
	v40 =	vadd.s32 v40, v39  }
0xba: {  	s24 =	sadd.s32 $0x30, s0;
	v39 =	vsel vm3, v39, v40  }
0xbb: {  	v41 =	vadd.s32 v39, v41;
	v39 =	vsub.s32 s24, v39  }
0xbc: {  	v41 =	vsel vm4, v41, v38;
	v39 =	vadd.s32 v0, v39  }
0xbd: {  	v39 =	vsel vm4, v38, v39  }
0xbe: {  	v52 =	vsel vm4, $0x210, v38  }
0xbf: {  	v53 =	vnsel vm4, $0x210, v38;
	_ =	sdelay $0x1  }
0xc0: {  	[tilespmem:v41+s10+$0x0] =	vst.idx.msk $0xffff, v5  }
0xc1: {  	[tilespmem:v39+s11+$0x0] =	vst.idx.msk $0xffff, v5  }
0xc2: {  	[tilespmem:v52+s10+$0x0] =	vst.idx.msk $0xffff, v5  }
0xc3: {  	[tilespmem:v53+s11+$0x0] =	vst.idx.msk $0xffff, v5  }
0xc4: {  	v39 =	vld [tilespmem:$0x50];
	_ =	sdelay $0x1  }
0xc5: {  	(v2sf) =	vpush v40, $0xF;
	_ =	sdelay $0x2  }
0xc6: {  	vm4 =	vne.s32 v39, $0x0  }
0xc7: {  	v39 =	vsel vm4, $0x1, v35  }
0xc8: {  	v54 =	vperm.xlane v39, v32;
	_ =	sdelay $0x1  }
0xc9: {  	v40 =	vadd.s32 v39, v54  }
0xca: {  	v39 =	vsel vm0, v39, v40  }
0xcb: {  	v40 =	vperm.xlane v39, v34;
	_ =	sdelay $0x1  }
0xcc: {  	v40 =	vadd.s32 v40, v39  }
0xcd: {  	v39 =	vsel vm1, v39, v40  }
0xce: {  	v55 =	vperm.xlane v39, v36;
	_ =	sdelay $0x1  }
0xcf: {  	s16 =	spop (v2sf);
	v40 =	vadd.s32 v55, v40  }
0xd0: {  	s2 =	sadd.s32 s2, s16;
	v39 =	vsel vm2, v39, v40  }
0xd1: {  	v56 =	vmov s2;
	v40 =	vperm.xlane v39, v37  }
0xd2: {  	v41 =	vadd.s32 $0xFFFFFFFF, v56  }
0xd3: {  	s0 =	ssub.s32 s0, s16;
	v41 =	vbroadcast v41, $0x0;
	v40 =	vadd.s32 v40, v39  }
0xd4: {  	s25 =	sadd.s32 $0x40, s0;
	v39 =	vsel vm3, v39, v40  }
0xd5: {  	v41 =	vadd.s32 v39, v41;
	v39 =	vsub.s32 s25, v39  }
0xd6: {  	v41 =	vsel vm4, v41, v38;
	v39 =	vadd.s32 v0, v39  }
0xd7: {  	v39 =	vsel vm4, v38, v39  }
0xd8: {  	v57 =	vsel vm4, $0x210, v38  }
0xd9: {  	v58 =	vnsel vm4, $0x210, v38;
	_ =	sdelay $0x1  }
0xda: {  	[tilespmem:v41+s10+$0x0] =	vst.idx.msk $0xffff, v6  }
0xdb: {  	[tilespmem:v39+s11+$0x0] =	vst.idx.msk $0xffff, v6  }
0xdc: {  	[tilespmem:v57+s10+$0x0] =	vst.idx.msk $0xffff, v6  }
0xdd: {  	[tilespmem:v58+s11+$0x0] =	vst.idx.msk $0xffff, v6  }
0xde: {  	v39 =	vld [tilespmem:$0x60];
	_ =	sdelay $0x1  }
0xdf: {  	(v2sf) =	vpush v40, $0xF;
	_ =	sdelay $0x2  }
0xe0: {  	vm4 =	vne.s32 v39, $0x0  }
0xe1: {  	v39 =	vsel vm4, $0x1, v35  }
0xe2: {  	v59 =	vperm.xlane v39, v32;
	_ =	sdelay $0x1  }
0xe3: {  	v40 =	vadd.s32 v39, v59  }
0xe4: {  	v39 =	vsel vm0, v39, v40  }
0xe5: {  	v40 =	vperm.xlane v39, v34;
	_ =	sdelay $0x1  }
0xe6: {  	v40 =	vadd.s32 v40, v39  }
0xe7: {  	v39 =	vsel vm1, v39, v40  }
0xe8: {  	v60 =	vperm.xlane v39, v36;
	_ =	sdelay $0x1  }
0xe9: {  	s17 =	spop (v2sf);
	v40 =	vadd.s32 v60, v40  }
0xea: {  	s2 =	sadd.s32 s2, s17;
	v39 =	vsel vm2, v39, v40  }
0xeb: {  	v61 =	vmov s2;
	v40 =	vperm.xlane v39, v37  }
0xec: {  	v41 =	vadd.s32 $0xFFFFFFFF, v61  }
0xed: {  	s0 =	ssub.s32 s0, s17;
	v41 =	vbroadcast v41, $0x0;
	v40 =	vadd.s32 v40, v39  }
0xee: {  	s26 =	sadd.s32 $0x50, s0;
	v39 =	vsel vm3, v39, v40  }
0xef: {  	v41 =	vadd.s32 v39, v41;
	v39 =	vsub.s32 s26, v39  }
0xf0: {  	v41 =	vsel vm4, v41, v38;
	v39 =	vadd.s32 v0, v39  }
0xf1: {  	v39 =	vsel vm4, v38, v39  }
0xf2: {  	v62 =	vsel vm4, $0x210, v38  }
0xf3: {  	v63 =	vnsel vm4, $0x210, v38;
	_ =	sdelay $0x1  }
0xf4: {  	[tilespmem:v41+s10+$0x0] =	vst.idx.msk $0xffff, v7  }
0xf5: {  	[tilespmem:v39+s11+$0x0] =	vst.idx.msk $0xffff, v7  }
0xf6: {  	[tilespmem:v62+s10+$0x0] =	vst.idx.msk $0xffff, v7  }
0xf7: {  	[tilespmem:v63+s11+$0x0] =	vst.idx.msk $0xffff, v7  }
0xf8: {  	v39 =	vld [tilespmem:$0x70];
	_ =	sdelay $0x1  }
0xf9: {  	(v2sf) =	vpush v40, $0xF;
	_ =	sdelay $0x2  }
0xfa: {  	vm4 =	vne.s32 v39, $0x0  }
0xfb: {  	v39 =	vsel vm4, $0x1, v35  }
0xfc: {  	v44 =	vperm.xlane v39, v32;
	_ =	sdelay $0x1  }
0xfd: {  	v40 =	vadd.s32 v39, v44  }
0xfe: {  	v39 =	vsel vm0, v39, v40  }
0xff: {  	v40 =	vperm.xlane v39, v34;
	_ =	sdelay $0x1  }
0x100: {  	v40 =	vadd.s32 v40, v39  }
0x101: {  	v39 =	vsel vm1, v39, v40  }
0x102: {  	v45 =	vperm.xlane v39, v36;
	_ =	sdelay $0x1  }
0x103: {  	s18 =	spop (v2sf);
	v40 =	vadd.s32 v45, v40  }
0x104: {  	s2 =	sadd.s32 s2, s18;
	v39 =	vsel vm2, v39, v40  }
0x105: {  	v46 =	vmov s2;
	v40 =	vperm.xlane v39, v37  }
0x106: {  	v41 =	vadd.s32 $0xFFFFFFFF, v46  }
0x107: {  	s0 =	ssub.s32 s0, s18;
	v41 =	vbroadcast v41, $0x0;
	v40 =	vadd.s32 v40, v39  }
0x108: {  	s28 =	sadd.s32 $0x60, s0;
	v39 =	vsel vm3, v39, v40  }
0x109: {  	v41 =	vadd.s32 v39, v41;
	v39 =	vsub.s32 s28, v39  }
0x10a: {  	v41 =	vsel vm4, v41, v38;
	v39 =	vadd.s32 v0, v39  }
0x10b: {  	v39 =	vsel vm4, v38, v39  }
0x10c: {  	v47 =	vsel vm4, $0x210, v38  }
0x10d: {  	v48 =	vnsel vm4, $0x210, v38;
	_ =	sdelay $0x1  }
0x10e: {  	[tilespmem:v41+s10+$0x0] =	vst.idx.msk $0xffff, v8  }
0x10f: {  	[tilespmem:v39+s11+$0x0] =	vst.idx.msk $0xffff, v8  }
0x110: {  	[tilespmem:v47+s10+$0x0] =	vst.idx.msk $0xffff, v8  }
0x111: {  	[tilespmem:v48+s11+$0x0] =	vst.idx.msk $0xffff, v8  }
0x112: {  	v39 =	vld [tilespmem:$0x80];
	_ =	sdelay $0x1  }
0x113: {  	(v2sf) =	vpush v40, $0xF;
	_ =	sdelay $0x2  }
0x114: {  	vm4 =	vne.s32 v39, $0x0  }
0x115: {  	v39 =	vsel vm4, $0x1, v35  }
0x116: {  	v49 =	vperm.xlane v39, v32;
	_ =	sdelay $0x1  }
0x117: {  	v40 =	vadd.s32 v39, v49  }
0x118: {  	v39 =	vsel vm0, v39, v40  }
0x119: {  	v40 =	vperm.xlane v39, v34;
	_ =	sdelay $0x1  }
0x11a: {  	v40 =	vadd.s32 v40, v39  }
0x11b: {  	v39 =	vsel vm1, v39, v40  }
0x11c: {  	v50 =	vperm.xlane v39, v36;
	_ =	sdelay $0x1  }
0x11d: {  	s26 =	spop (v2sf);
	v40 =	vadd.s32 v50, v40  }
0x11e: {  	s2 =	sadd.s32 s2, s26;
	v39 =	vsel vm2, v39, v40  }
0x11f: {  	v51 =	vmov s2;
	v40 =	vperm.xlane v39, v37  }
0x120: {  	v41 =	vadd.s32 $0xFFFFFFFF, v51  }
0x121: {  	s0 =	ssub.s32 s0, s26;
	v41 =	vbroadcast v41, $0x0;
	v40 =	vadd.s32 v40, v39  }
0x122: {  	s31 =	sadd.s32 $0x70, s0;
	v39 =	vsel vm3, v39, v40  }
0x123: {  	v41 =	vadd.s32 v39, v41;
	v39 =	vsub.s32 s31, v39  }
0x124: {  	v41 =	vsel vm4, v41, v38;
	v39 =	vadd.s32 v0, v39  }
0x125: {  	v39 =	vsel vm4, v38, v39  }
0x126: {  	v52 =	vsel vm4, $0x210, v38  }
0x127: {  	v53 =	vnsel vm4, $0x210, v38;
	_ =	sdelay $0x1  }
0x128: {  	[tilespmem:v41+s10+$0x0] =	vst.idx.msk $0xffff, v9  }
0x129: {  	[tilespmem:v39+s11+$0x0] =	vst.idx.msk $0xffff, v9  }
0x12a: {  	[tilespmem:v52+s10+$0x0] =	vst.idx.msk $0xffff, v9  }
0x12b: {  	[tilespmem:v53+s11+$0x0] =	vst.idx.msk $0xffff, v9  }
0x12c: {  	v39 =	vld [tilespmem:$0x90];
	_ =	sdelay $0x1  }
0x12d: {  	(v2sf) =	vpush v40, $0xF;
	_ =	sdelay $0x2  }
0x12e: {  	vm4 =	vne.s32 v39, $0x0  }
0x12f: {  	v39 =	vsel vm4, $0x1, v35  }
0x130: {  	v54 =	vperm.xlane v39, v32;
	_ =	sdelay $0x1  }
0x131: {  	v40 =	vadd.s32 v39, v54  }
0x132: {  	v39 =	vsel vm0, v39, v40  }
0x133: {  	v40 =	vperm.xlane v39, v34;
	_ =	sdelay $0x1  }
0x134: {  	v40 =	vadd.s32 v40, v39  }
0x135: {  	v39 =	vsel vm1, v39, v40  }
0x136: {  	v55 =	vperm.xlane v39, v36;
	_ =	sdelay $0x1  }
0x137: {  	s5 =	spop (v2sf);
	v40 =	vadd.s32 v55, v40  }
0x138: {  	s2 =	sadd.s32 s2, s5;
	v39 =	vsel vm2, v39, v40  }
0x139: {  	v56 =	vmov s2;
	v40 =	vperm.xlane v39, v37  }
0x13a: {  	v41 =	vadd.s32 $0xFFFFFFFF, v56  }
0x13b: {  	s0 =	ssub.s32 s0, s5;
	v41 =	vbroadcast v41, $0x0;
	v40 =	vadd.s32 v40, v39  }
0x13c: {  	s4 =	sadd.s32 $0x80, s0;
	v39 =	vsel vm3, v39, v40  }
0x13d: {  	v41 =	vadd.s32 v39, v41;
	v39 =	vsub.s32 s4, v39  }
0x13e: {  	v41 =	vsel vm4, v41, v38;
	v39 =	vadd.s32 v0, v39  }
0x13f: {  	v39 =	vsel vm4, v38, v39  }
0x140: {  	v57 =	vsel vm4, $0x210, v38  }
0x141: {  	v58 =	vnsel vm4, $0x210, v38;
	_ =	sdelay $0x1  }
0x142: {  	[tilespmem:v41+s10+$0x0] =	vst.idx.msk $0xffff, v10  }
0x143: {  	[tilespmem:v39+s11+$0x0] =	vst.idx.msk $0xffff, v10  }
0x144: {  	[tilespmem:v57+s10+$0x0] =	vst.idx.msk $0xffff, v10  }
0x145: {  	[tilespmem:v58+s11+$0x0] =	vst.idx.msk $0xffff, v10  }
0x146: {  	v39 =	vld [tilespmem:$0xA0];
	_ =	sdelay $0x1  }
0x147: {  	(v2sf) =	vpush v40, $0xF;
	_ =	sdelay $0x2  }
0x148: {  	vm4 =	vne.s32 v39, $0x0  }
0x149: {  	v39 =	vsel vm4, $0x1, v35  }
0x14a: {  	v59 =	vperm.xlane v39, v32;
	_ =	sdelay $0x1  }
0x14b: {  	v40 =	vadd.s32 v39, v59  }
0x14c: {  	v39 =	vsel vm0, v39, v40  }
0x14d: {  	v40 =	vperm.xlane v39, v34;
	_ =	sdelay $0x1  }
0x14e: {  	v40 =	vadd.s32 v40, v39  }
0x14f: {  	v39 =	vsel vm1, v39, v40  }
0x150: {  	v60 =	vperm.xlane v39, v36;
	_ =	sdelay $0x1  }
0x151: {  	s6 =	spop (v2sf);
	v40 =	vadd.s32 v60, v40  }
0x152: {  	s2 =	sadd.s32 s2, s6;
	v39 =	vsel vm2, v39, v40  }
0x153: {  	v61 =	vmov s2;
	v40 =	vperm.xlane v39, v37  }
0x154: {  	v41 =	vadd.s32 $0xFFFFFFFF, v61  }
0x155: {  	s0 =	ssub.s32 s0, s6;
	v41 =	vbroadcast v41, $0x0;
	v40 =	vadd.s32 v40, v39  }
0x156: {  	s4 =	sadd.s32 $0x90, s0;
	v39 =	vsel vm3, v39, v40  }
0x157: {  	v41 =	vadd.s32 v39, v41;
	v39 =	vsub.s32 s4, v39  }
0x158: {  	v41 =	vsel vm4, v41, v38;
	v39 =	vadd.s32 v0, v39  }
0x159: {  	v39 =	vsel vm4, v38, v39  }
0x15a: {  	v62 =	vsel vm4, $0x210, v38  }
0x15b: {  	v63 =	vnsel vm4, $0x210, v38;
	_ =	sdelay $0x1  }
0x15c: {  	[tilespmem:v41+s10+$0x0] =	vst.idx.msk $0xffff, v11  }
0x15d: {  	[tilespmem:v39+s11+$0x0] =	vst.idx.msk $0xffff, v11  }
0x15e: {  	[tilespmem:v62+s10+$0x0] =	vst.idx.msk $0xffff, v11  }
0x15f: {  	[tilespmem:v63+s11+$0x0] =	vst.idx.msk $0xffff, v11  }
0x160: {  	v39 =	vld [tilespmem:$0xB0];
	_ =	sdelay $0x1  }
0x161: {  	(v2sf) =	vpush v40, $0xF;
	_ =	sdelay $0x2  }
0x162: {  	vm4 =	vne.s32 v39, $0x0  }
0x163: {  	v39 =	vsel vm4, $0x1, v35  }
0x164: {  	v44 =	vperm.xlane v39, v32;
	_ =	sdelay $0x1  }
0x165: {  	v40 =	vadd.s32 v39, v44  }
0x166: {  	v39 =	vsel vm0, v39, v40  }
0x167: {  	v40 =	vperm.xlane v39, v34;
	_ =	sdelay $0x1  }
0x168: {  	v40 =	vadd.s32 v40, v39  }
0x169: {  	v39 =	vsel vm1, v39, v40  }
0x16a: {  	v45 =	vperm.xlane v39, v36;
	_ =	sdelay $0x1  }
0x16b: {  	s7 =	spop (v2sf);
	v40 =	vadd.s32 v45, v40  }
0x16c: {  	s2 =	sadd.s32 s2, s7;
	v39 =	vsel vm2, v39, v40  }
0x16d: {  	v46 =	vmov s2;
	v40 =	vperm.xlane v39, v37  }
0x16e: {  	v41 =	vadd.s32 $0xFFFFFFFF, v46  }
0x16f: {  	s0 =	ssub.s32 s0, s7;
	v41 =	vbroadcast v41, $0x0;
	v40 =	vadd.s32 v40, v39  }
0x170: {  	s4 =	sadd.s32 $0xA0, s0;
	v39 =	vsel vm3, v39, v40  }
0x171: {  	v41 =	vadd.s32 v39, v41;
	v39 =	vsub.s32 s4, v39  }
0x172: {  	v41 =	vsel vm4, v41, v38;
	v39 =	vadd.s32 v0, v39  }
0x173: {  	v39 =	vsel vm4, v38, v39  }
0x174: {  	v47 =	vsel vm4, $0x210, v38  }
0x175: {  	v48 =	vnsel vm4, $0x210, v38;
	_ =	sdelay $0x1  }
0x176: {  	[tilespmem:v41+s10+$0x0] =	vst.idx.msk $0xffff, v12  }
0x177: {  	[tilespmem:v39+s11+$0x0] =	vst.idx.msk $0xffff, v12  }
0x178: {  	[tilespmem:v47+s10+$0x0] =	vst.idx.msk $0xffff, v12  }
0x179: {  	[tilespmem:v48+s11+$0x0] =	vst.idx.msk $0xffff, v12  }
0x17a: {  	v39 =	vld [tilespmem:$0xC0];
	_ =	sdelay $0x1  }
0x17b: {  	(v2sf) =	vpush v40, $0xF;
	_ =	sdelay $0x2  }
0x17c: {  	vm4 =	vne.s32 v39, $0x0  }
0x17d: {  	v39 =	vsel vm4, $0x1, v35  }
0x17e: {  	v49 =	vperm.xlane v39, v32;
	_ =	sdelay $0x1  }
0x17f: {  	v40 =	vadd.s32 v39, v49  }
0x180: {  	v39 =	vsel vm0, v39, v40  }
0x181: {  	v40 =	vperm.xlane v39, v34;
	_ =	sdelay $0x1  }
0x182: {  	v40 =	vadd.s32 v40, v39  }
0x183: {  	v39 =	vsel vm1, v39, v40  }
0x184: {  	v50 =	vperm.xlane v39, v36;
	_ =	sdelay $0x1  }
0x185: {  	s9 =	spop (v2sf);
	v40 =	vadd.s32 v50, v40  }
0x186: {  	s2 =	sadd.s32 s2, s9;
	v39 =	vsel vm2, v39, v40  }
0x187: {  	v51 =	vmov s2;
	v40 =	vperm.xlane v39, v37  }
0x188: {  	v41 =	vadd.s32 $0xFFFFFFFF, v51  }
0x189: {  	s0 =	ssub.s32 s0, s9;
	v41 =	vbroadcast v41, $0x0;
	v40 =	vadd.s32 v40, v39  }
0x18a: {  	s4 =	sadd.s32 $0xB0, s0;
	v39 =	vsel vm3, v39, v40  }
0x18b: {  	v41 =	vadd.s32 v39, v41;
	v39 =	vsub.s32 s4, v39  }
0x18c: {  	v41 =	vsel vm4, v41, v38;
	v39 =	vadd.s32 v0, v39  }
0x18d: {  	v39 =	vsel vm4, v38, v39  }
0x18e: {  	v52 =	vsel vm4, $0x210, v38  }
0x18f: {  	v53 =	vnsel vm4, $0x210, v38;
	_ =	sdelay $0x1  }
0x190: {  	[tilespmem:v41+s10+$0x0] =	vst.idx.msk $0xffff, v13  }
0x191: {  	[tilespmem:v39+s11+$0x0] =	vst.idx.msk $0xffff, v13  }
0x192: {  	[tilespmem:v52+s10+$0x0] =	vst.idx.msk $0xffff, v13  }
0x193: {  	[tilespmem:v53+s11+$0x0] =	vst.idx.msk $0xffff, v13  }
0x194: {  	v39 =	vld [tilespmem:$0xD0];
	_ =	sdelay $0x1  }
0x195: {  	(v2sf) =	vpush v40, $0xF;
	_ =	sdelay $0x2  }
0x196: {  	vm4 =	vne.s32 v39, $0x0  }
0x197: {  	v39 =	vsel vm4, $0x1, v35  }
0x198: {  	v54 =	vperm.xlane v39, v32;
	_ =	sdelay $0x1  }
0x199: {  	v40 =	vadd.s32 v39, v54  }
0x19a: {  	v39 =	vsel vm0, v39, v40  }
0x19b: {  	v40 =	vperm.xlane v39, v34;
	_ =	sdelay $0x1  }
0x19c: {  	v40 =	vadd.s32 v40, v39  }
0x19d: {  	v39 =	vsel vm1, v39, v40  }
0x19e: {  	v55 =	vperm.xlane v39, v36;
	_ =	sdelay $0x1  }
0x19f: {  	s12 =	spop (v2sf);
	v40 =	vadd.s32 v55, v40  }
0x1a0: {  	s2 =	sadd.s32 s2, s12;
	v39 =	vsel vm2, v39, v40  }
0x1a1: {  	v56 =	vmov s2;
	v40 =	vperm.xlane v39, v37  }
0x1a2: {  	v41 =	vadd.s32 $0xFFFFFFFF, v56  }
0x1a3: {  	s0 =	ssub.s32 s0, s12;
	v41 =	vbroadcast v41, $0x0;
	v40 =	vadd.s32 v40, v39  }
0x1a4: {  	s4 =	sadd.s32 $0xC0, s0;
	v39 =	vsel vm3, v39, v40  }
0x1a5: {  	v41 =	vadd.s32 v39, v41;
	v39 =	vsub.s32 s4, v39  }
0x1a6: {  	v41 =	vsel vm4, v41, v38;
	v39 =	vadd.s32 v0, v39  }
0x1a7: {  	v39 =	vsel vm4, v38, v39  }
0x1a8: {  	v57 =	vsel vm4, $0x210, v38  }
0x1a9: {  	v58 =	vnsel vm4, $0x210, v38;
	_ =	sdelay $0x1  }
0x1aa: {  	[tilespmem:v41+s10+$0x0] =	vst.idx.msk $0xffff, v14  }
0x1ab: {  	[tilespmem:v39+s11+$0x0] =	vst.idx.msk $0xffff, v14  }
0x1ac: {  	[tilespmem:v57+s10+$0x0] =	vst.idx.msk $0xffff, v14  }
0x1ad: {  	[tilespmem:v58+s11+$0x0] =	vst.idx.msk $0xffff, v14  }
0x1ae: {  	v39 =	vld [tilespmem:$0xE0];
	_ =	sdelay $0x1  }
0x1af: {  	(v2sf) =	vpush v40, $0xF;
	_ =	sdelay $0x2  }
0x1b0: {  	vm4 =	vne.s32 v39, $0x0  }
0x1b1: {  	v39 =	vsel vm4, $0x1, v35  }
0x1b2: {  	v59 =	vperm.xlane v39, v32;
	_ =	sdelay $0x1  }
0x1b3: {  	v40 =	vadd.s32 v39, v59  }
0x1b4: {  	v39 =	vsel vm0, v39, v40  }
0x1b5: {  	v40 =	vperm.xlane v39, v34;
	_ =	sdelay $0x1  }
0x1b6: {  	v40 =	vadd.s32 v40, v39  }
0x1b7: {  	v39 =	vsel vm1, v39, v40  }
0x1b8: {  	v60 =	vperm.xlane v39, v36;
	_ =	sdelay $0x1  }
0x1b9: {  	s13 =	spop (v2sf);
	v40 =	vadd.s32 v60, v40  }
0x1ba: {  	s2 =	sadd.s32 s2, s13;
	v39 =	vsel vm2, v39, v40  }
0x1bb: {  	v61 =	vmov s2;
	v40 =	vperm.xlane v39, v37  }
0x1bc: {  	v41 =	vadd.s32 $0xFFFFFFFF, v61  }
0x1bd: {  	s0 =	ssub.s32 s0, s13;
	v41 =	vbroadcast v41, $0x0;
	v40 =	vadd.s32 v40, v39  }
0x1be: {  	s4 =	sadd.s32 $0xD0, s0;
	v39 =	vsel vm3, v39, v40  }
0x1bf: {  	v41 =	vadd.s32 v39, v41;
	v39 =	vsub.s32 s4, v39  }
0x1c0: {  	v41 =	vsel vm4, v41, v38;
	v39 =	vadd.s32 v0, v39  }
0x1c1: {  	v39 =	vsel vm4, v38, v39  }
0x1c2: {  	v62 =	vsel vm4, $0x210, v38  }
0x1c3: {  	v63 =	vnsel vm4, $0x210, v38;
	_ =	sdelay $0x1  }
0x1c4: {  	[tilespmem:v41+s10+$0x0] =	vst.idx.msk $0xffff, v15  }
0x1c5: {  	[tilespmem:v39+s11+$0x0] =	vst.idx.msk $0xffff, v15  }
0x1c6: {  	[tilespmem:v62+s10+$0x0] =	vst.idx.msk $0xffff, v15  }
0x1c7: {  	[tilespmem:v63+s11+$0x0] =	vst.idx.msk $0xffff, v15  }
0x1c8: {  	v39 =	vld [tilespmem:$0xF0];
	_ =	sdelay $0x1  }
0x1c9: {  	(v2sf) =	vpush v40, $0xF;
	_ =	sdelay $0x2  }
0x1ca: {  	vm4 =	vne.s32 v39, $0x0  }
0x1cb: {  	v39 =	vsel vm4, $0x1, v35  }
0x1cc: {  	v44 =	vperm.xlane v39, v32;
	_ =	sdelay $0x1  }
0x1cd: {  	v40 =	vadd.s32 v39, v44  }
0x1ce: {  	v39 =	vsel vm0, v39, v40  }
0x1cf: {  	v40 =	vperm.xlane v39, v34;
	_ =	sdelay $0x1  }
0x1d0: {  	v40 =	vadd.s32 v40, v39  }
0x1d1: {  	v39 =	vsel vm1, v39, v40  }
0x1d2: {  	v45 =	vperm.xlane v39, v36;
	_ =	sdelay $0x1  }
0x1d3: {  	s19 =	spop (v2sf);
	v40 =	vadd.s32 v45, v40  }
0x1d4: {  	s2 =	sadd.s32 s2, s19;
	v39 =	vsel vm2, v39, v40  }
0x1d5: {  	v46 =	vmov s2;
	v40 =	vperm.xlane v39, v37  }
0x1d6: {  	v41 =	vadd.s32 $0xFFFFFFFF, v46  }
0x1d7: {  	s0 =	ssub.s32 s0, s19;
	v41 =	vbroadcast v41, $0x0;
	v40 =	vadd.s32 v40, v39  }
0x1d8: {  	s4 =	sadd.s32 $0xE0, s0;
	v39 =	vsel vm3, v39, v40  }
0x1d9: {  	v41 =	vadd.s32 v39, v41;
	v39 =	vsub.s32 s4, v39  }
0x1da: {  	v41 =	vsel vm4, v41, v38;
	v39 =	vadd.s32 v0, v39  }
0x1db: {  	v39 =	vsel vm4, v38, v39  }
0x1dc: {  	v47 =	vsel vm4, $0x210, v38  }
0x1dd: {  	v48 =	vnsel vm4, $0x210, v38;
	_ =	sdelay $0x1  }
0x1de: {  	[tilespmem:v41+s10+$0x0] =	vst.idx.msk $0xffff, v16  }
0x1df: {  	[tilespmem:v39+s11+$0x0] =	vst.idx.msk $0xffff, v16  }
0x1e0: {  	[tilespmem:v47+s10+$0x0] =	vst.idx.msk $0xffff, v16  }
0x1e1: {  	[tilespmem:v48+s11+$0x0] =	vst.idx.msk $0xffff, v16  }
0x1e2: {  	v39 =	vld [tilespmem:$0x100];
	_ =	sdelay $0x1  }
0x1e3: {  	(v2sf) =	vpush v40, $0xF;
	_ =	sdelay $0x2  }
0x1e4: {  	vm4 =	vne.s32 v39, $0x0  }
0x1e5: {  	v39 =	vsel vm4, $0x1, v35  }
0x1e6: {  	v49 =	vperm.xlane v39, v32;
	_ =	sdelay $0x1  }
0x1e7: {  	v40 =	vadd.s32 v39, v49  }
0x1e8: {  	v39 =	vsel vm0, v39, v40  }
0x1e9: {  	v40 =	vperm.xlane v39, v34;
	_ =	sdelay $0x1  }
0x1ea: {  	v40 =	vadd.s32 v40, v39  }
0x1eb: {  	v39 =	vsel vm1, v39, v40  }
0x1ec: {  	v50 =	vperm.xlane v39, v36;
	_ =	sdelay $0x1  }
0x1ed: {  	s20 =	spop (v2sf);
	v40 =	vadd.s32 v50, v40  }
0x1ee: {  	s2 =	sadd.s32 s2, s20;
	v39 =	vsel vm2, v39, v40  }
0x1ef: {  	v51 =	vmov s2;
	v40 =	vperm.xlane v39, v37  }
0x1f0: {  	v41 =	vadd.s32 $0xFFFFFFFF, v51  }
0x1f1: {  	s0 =	ssub.s32 s0, s20;
	v41 =	vbroadcast v41, $0x0;
	v40 =	vadd.s32 v40, v39  }
0x1f2: {  	s4 =	sadd.s32 $0xF0, s0;
	v39 =	vsel vm3, v39, v40  }
0x1f3: {  	v41 =	vadd.s32 v39, v41;
	v39 =	vsub.s32 s4, v39  }
0x1f4: {  	v41 =	vsel vm4, v41, v38;
	v39 =	vadd.s32 v0, v39  }
0x1f5: {  	v39 =	vsel vm4, v38, v39  }
0x1f6: {  	v52 =	vsel vm4, $0x210, v38  }
0x1f7: {  	v53 =	vnsel vm4, $0x210, v38;
	_ =	sdelay $0x1  }
0x1f8: {  	[tilespmem:v41+s10+$0x0] =	vst.idx.msk $0xffff, v17  }
0x1f9: {  	[tilespmem:v39+s11+$0x0] =	vst.idx.msk $0xffff, v17  }
0x1fa: {  	[tilespmem:v52+s10+$0x0] =	vst.idx.msk $0xffff, v17  }
0x1fb: {  	[tilespmem:v53+s11+$0x0] =	vst.idx.msk $0xffff, v17  }
0x1fc: {  	v39 =	vld [tilespmem:$0x110];
	_ =	sdelay $0x1  }
0x1fd: {  	(v2sf) =	vpush v40, $0xF;
	_ =	sdelay $0x2  }
0x1fe: {  	vm4 =	vne.s32 v39, $0x0  }
0x1ff: {  	v39 =	vsel vm4, $0x1, v35  }
0x200: {  	v54 =	vperm.xlane v39, v32;
	_ =	sdelay $0x1  }
0x201: {  	v40 =	vadd.s32 v39, v54  }
0x202: {  	v39 =	vsel vm0, v39, v40  }
0x203: {  	v40 =	vperm.xlane v39, v34;
	_ =	sdelay $0x1  }
0x204: {  	v40 =	vadd.s32 v40, v39  }
0x205: {  	v39 =	vsel vm1, v39, v40  }
0x206: {  	v55 =	vperm.xlane v39, v36;
	_ =	sdelay $0x1  }
0x207: {  	s21 =	spop (v2sf);
	v40 =	vadd.s32 v55, v40  }
0x208: {  	s2 =	sadd.s32 s2, s21;
	v39 =	vsel vm2, v39, v40  }
0x209: {  	v56 =	vmov s2;
	v40 =	vperm.xlane v39, v37  }
0x20a: {  	v41 =	vadd.s32 $0xFFFFFFFF, v56  }
0x20b: {  	s0 =	ssub.s32 s0, s21;
	v41 =	vbroadcast v41, $0x0;
	v40 =	vadd.s32 v40, v39  }
0x20c: {  	s4 =	sadd.s32 $0x100, s0;
	v39 =	vsel vm3, v39, v40  }
0x20d: {  	v41 =	vadd.s32 v39, v41;
	v39 =	vsub.s32 s4, v39  }
0x20e: {  	v41 =	vsel vm4, v41, v38;
	v39 =	vadd.s32 v0, v39  }
0x20f: {  	v39 =	vsel vm4, v38, v39  }
0x210: {  	v57 =	vsel vm4, $0x210, v38  }
0x211: {  	v58 =	vnsel vm4, $0x210, v38;
	_ =	sdelay $0x1  }
0x212: {  	[tilespmem:v41+s10+$0x0] =	vst.idx.msk $0xffff, v18  }
0x213: {  	[tilespmem:v39+s11+$0x0] =	vst.idx.msk $0xffff, v18  }
0x214: {  	[tilespmem:v57+s10+$0x0] =	vst.idx.msk $0xffff, v18  }
0x215: {  	[tilespmem:v58+s11+$0x0] =	vst.idx.msk $0xffff, v18  }
0x216: {  	v39 =	vld [tilespmem:$0x120];
	_ =	sdelay $0x1  }
0x217: {  	(v2sf) =	vpush v40, $0xF;
	_ =	sdelay $0x2  }
0x218: {  	vm4 =	vne.s32 v39, $0x0  }
0x219: {  	v39 =	vsel vm4, $0x1, v35  }
0x21a: {  	v59 =	vperm.xlane v39, v32;
	_ =	sdelay $0x1  }
0x21b: {  	v40 =	vadd.s32 v39, v59  }
0x21c: {  	v39 =	vsel vm0, v39, v40  }
0x21d: {  	v40 =	vperm.xlane v39, v34;
	_ =	sdelay $0x1  }
0x21e: {  	v40 =	vadd.s32 v40, v39  }
0x21f: {  	v39 =	vsel vm1, v39, v40  }
0x220: {  	v60 =	vperm.xlane v39, v36;
	_ =	sdelay $0x1  }
0x221: {  	s22 =	spop (v2sf);
	v40 =	vadd.s32 v60, v40  }
0x222: {  	s2 =	sadd.s32 s2, s22;
	v39 =	vsel vm2, v39, v40  }
0x223: {  	v61 =	vmov s2;
	v40 =	vperm.xlane v39, v37  }
0x224: {  	v41 =	vadd.s32 $0xFFFFFFFF, v61  }
0x225: {  	s4 =	ssub.s32 s0, s22;
	v41 =	vbroadcast v41, $0x0;
	v40 =	vadd.s32 v40, v39  }
0x226: {  	s0 =	sadd.s32 $0x110, s4;
	v39 =	vsel vm3, v39, v40  }
0x227: {  	v41 =	vadd.s32 v39, v41;
	v39 =	vsub.s32 s0, v39  }
0x228: {  	v41 =	vsel vm4, v41, v38;
	v39 =	vadd.s32 v0, v39  }
0x229: {  	v39 =	vsel vm4, v38, v39  }
0x22a: {  	v62 =	vsel vm4, $0x210, v38  }
0x22b: {  	v63 =	vnsel vm4, $0x210, v38;
	_ =	sdelay $0x1  }
0x22c: {  	[tilespmem:v41+s10+$0x0] =	vst.idx.msk $0xffff, v19  }
0x22d: {  	[tilespmem:v39+s11+$0x0] =	vst.idx.msk $0xffff, v19  }
0x22e: {  	[tilespmem:v62+s10+$0x0] =	vst.idx.msk $0xffff, v19  }
0x22f: {  	[tilespmem:v63+s11+$0x0] =	vst.idx.msk $0xffff, v19  }
0x230: {  	v39 =	vld [tilespmem:$0x130];
	_ =	sdelay $0x1  }
0x231: {  	(v2sf) =	vpush v40, $0xF;
	_ =	sdelay $0x2  }
0x232: {  	vm4 =	vne.s32 v39, $0x0  }
0x233: {  	v39 =	vsel vm4, $0x1, v35  }
0x234: {  	v44 =	vperm.xlane v39, v32;
	_ =	sdelay $0x1  }
0x235: {  	v40 =	vadd.s32 v39, v44  }
0x236: {  	v39 =	vsel vm0, v39, v40  }
0x237: {  	v40 =	vperm.xlane v39, v34;
	_ =	sdelay $0x1  }
0x238: {  	v40 =	vadd.s32 v40, v39  }
0x239: {  	v39 =	vsel vm1, v39, v40  }
0x23a: {  	v45 =	vperm.xlane v39, v36;
	_ =	sdelay $0x1  }
0x23b: {  	s23 =	spop (v2sf);
	v40 =	vadd.s32 v45, v40  }
0x23c: {  	s2 =	sadd.s32 s2, s23;
	v39 =	vsel vm2, v39, v40  }
0x23d: {  	v46 =	vmov s2;
	v40 =	vperm.xlane v39, v37  }
0x23e: {  	v41 =	vadd.s32 $0xFFFFFFFF, v46  }
0x23f: {  	s4 =	ssub.s32 s4, s23;
	v41 =	vbroadcast v41, $0x0;
	v40 =	vadd.s32 v40, v39  }
0x240: {  	[dreg:$0xf] =	wrdreg s5;
	s5 =	sadd.s32 $0x120, s4;
	v39 =	vsel vm3, v39, v40  }
0x241: {  	v41 =	vadd.s32 v39, v41;
	v39 =	vsub.s32 s5, v39  }
0x242: {  	v41 =	vsel vm4, v41, v38;
	v39 =	vadd.s32 v0, v39  }
0x243: {  	v39 =	vsel vm4, v38, v39  }
0x244: {  	v47 =	vsel vm4, $0x210, v38  }
0x245: {  	v48 =	vnsel vm4, $0x210, v38;
	_ =	sdelay $0x1  }
0x246: {  	[tilespmem:v41+s10+$0x0] =	vst.idx.msk $0xffff, v20  }
0x247: {  	[tilespmem:v39+s11+$0x0] =	vst.idx.msk $0xffff, v20  }
0x248: {  	[tilespmem:v47+s10+$0x0] =	vst.idx.msk $0xffff, v20  }
0x249: {  	[tilespmem:v48+s11+$0x0] =	vst.idx.msk $0xffff, v20  }
0x24a: {  	v39 =	vld [tilespmem:$0x140];
	_ =	sdelay $0x1  }
0x24b: {  	(v2sf) =	vpush v40, $0xF;
	_ =	sdelay $0x2  }
0x24c: {  	vm4 =	vne.s32 v39, $0x0  }
0x24d: {  	v39 =	vsel vm4, $0x1, v35  }
0x24e: {  	v49 =	vperm.xlane v39, v32;
	_ =	sdelay $0x1  }
0x24f: {  	v40 =	vadd.s32 v39, v49  }
0x250: {  	v39 =	vsel vm0, v39, v40  }
0x251: {  	v40 =	vperm.xlane v39, v34;
	_ =	sdelay $0x1  }
0x252: {  	v40 =	vadd.s32 v40, v39  }
0x253: {  	v39 =	vsel vm1, v39, v40  }
0x254: {  	v50 =	vperm.xlane v39, v36;
	_ =	sdelay $0x1  }
0x255: {  	s24 =	spop (v2sf);
	v40 =	vadd.s32 v50, v40  }
0x256: {  	s2 =	sadd.s32 s2, s24;
	v39 =	vsel vm2, v39, v40  }
0x257: {  	v51 =	vmov s2;
	v40 =	vperm.xlane v39, v37  }
0x258: {  	v41 =	vadd.s32 $0xFFFFFFFF, v51  }
0x259: {  	s25 =	ssub.s32 s4, s24;
	v41 =	vbroadcast v41, $0x0;
	v40 =	vadd.s32 v40, v39  }
0x25a: {  	s4 =	sadd.s32 $0x130, s25;
	v39 =	vsel vm3, v39, v40  }
0x25b: {  	v41 =	vadd.s32 v39, v41;
	v39 =	vsub.s32 s4, v39  }
0x25c: {  	v41 =	vsel vm4, v41, v38;
	v39 =	vadd.s32 v0, v39  }
0x25d: {  	v39 =	vsel vm4, v38, v39  }
0x25e: {  	v52 =	vsel vm4, $0x210, v38  }
0x25f: {  	v53 =	vnsel vm4, $0x210, v38;
	_ =	sdelay $0x1  }
0x260: {  	[tilespmem:v41+s10+$0x0] =	vst.idx.msk $0xffff, v21  }
0x261: {  	[tilespmem:v39+s11+$0x0] =	vst.idx.msk $0xffff, v21  }
0x262: {  	[tilespmem:v52+s10+$0x0] =	vst.idx.msk $0xffff, v21  }
0x263: {  	[tilespmem:v53+s11+$0x0] =	vst.idx.msk $0xffff, v21  }
0x264: {  	v39 =	vld [tilespmem:$0x150];
	_ =	sdelay $0x1  }
0x265: {  	(v2sf) =	vpush v40, $0xF;
	_ =	sdelay $0x2  }
0x266: {  	vm4 =	vne.s32 v39, $0x0  }
0x267: {  	v39 =	vsel vm4, $0x1, v35  }
0x268: {  	v54 =	vperm.xlane v39, v32;
	_ =	sdelay $0x1  }
0x269: {  	v40 =	vadd.s32 v39, v54  }
0x26a: {  	v39 =	vsel vm0, v39, v40  }
0x26b: {  	v40 =	vperm.xlane v39, v34;
	_ =	sdelay $0x1  }
0x26c: {  	v40 =	vadd.s32 v40, v39  }
0x26d: {  	v39 =	vsel vm1, v39, v40  }
0x26e: {  	v55 =	vperm.xlane v39, v36;
	_ =	sdelay $0x1  }
0x26f: {  	s28 =	spop (v2sf);
	v40 =	vadd.s32 v55, v40  }
0x270: {  	s2 =	sadd.s32 s2, s28;
	v39 =	vsel vm2, v39, v40  }
0x271: {  	v56 =	vmov s2;
	v40 =	vperm.xlane v39, v37  }
0x272: {  	v41 =	vadd.s32 $0xFFFFFFFF, v56  }
0x273: {  	[dreg:$0x10] =	wrdreg s6;
	s6 =	ssub.s32 s25, s28;
	v41 =	vbroadcast v41, $0x0;
	v40 =	vadd.s32 v40, v39  }
0x274: {  	s5 =	sadd.s32 $0x140, s6;
	v39 =	vsel vm3, v39, v40  }
0x275: {  	v41 =	vadd.s32 v39, v41;
	v39 =	vsub.s32 s5, v39  }
0x276: {  	v41 =	vsel vm4, v41, v38;
	v39 =	vadd.s32 v0, v39  }
0x277: {  	v39 =	vsel vm4, v38, v39  }
0x278: {  	v57 =	vsel vm4, $0x210, v38  }
0x279: {  	v58 =	vnsel vm4, $0x210, v38;
	_ =	sdelay $0x1  }
0x27a: {  	[tilespmem:v41+s10+$0x0] =	vst.idx.msk $0xffff, v22  }
0x27b: {  	[tilespmem:v39+s11+$0x0] =	vst.idx.msk $0xffff, v22  }
0x27c: {  	[tilespmem:v57+s10+$0x0] =	vst.idx.msk $0xffff, v22  }
0x27d: {  	[tilespmem:v58+s11+$0x0] =	vst.idx.msk $0xffff, v22  }
0x27e: {  	v39 =	vld [tilespmem:$0x160];
	_ =	sdelay $0x1  }
0x27f: {  	(v2sf) =	vpush v40, $0xF;
	_ =	sdelay $0x2  }
0x280: {  	vm4 =	vne.s32 v39, $0x0  }
0x281: {  	v39 =	vsel vm4, $0x1, v35  }
0x282: {  	v59 =	vperm.xlane v39, v32;
	_ =	sdelay $0x1  }
0x283: {  	v40 =	vadd.s32 v39, v59  }
0x284: {  	v39 =	vsel vm0, v39, v40  }
0x285: {  	v40 =	vperm.xlane v39, v34;
	_ =	sdelay $0x1  }
0x286: {  	v40 =	vadd.s32 v40, v39  }
0x287: {  	v39 =	vsel vm1, v39, v40  }
0x288: {  	v60 =	vperm.xlane v39, v36;
	_ =	sdelay $0x1  }
0x289: {  	s31 =	spop (v2sf);
	v40 =	vadd.s32 v60, v40  }
0x28a: {  	s2 =	sadd.s32 s2, s31;
	v39 =	vsel vm2, v39, v40  }
0x28b: {  	v61 =	vmov s2;
	v40 =	vperm.xlane v39, v37  }
0x28c: {  	v41 =	vadd.s32 $0xFFFFFFFF, v61  }
0x28d: {  	s6 =	ssub.s32 s6, s31;
	v41 =	vbroadcast v41, $0x0;
	v40 =	vadd.s32 v40, v39  }
0x28e: {  	[dreg:$0x11] =	wrdreg s7;
	s7 =	sadd.s32 $0x150, s6;
	v39 =	vsel vm3, v39, v40  }
0x28f: {  	v41 =	vadd.s32 v39, v41;
	v39 =	vsub.s32 s7, v39  }
0x290: {  	v41 =	vsel vm4, v41, v38;
	v39 =	vadd.s32 v0, v39  }
0x291: {  	v39 =	vsel vm4, v38, v39  }
0x292: {  	v62 =	vsel vm4, $0x210, v38  }
0x293: {  	v63 =	vnsel vm4, $0x210, v38;
	_ =	sdelay $0x1  }
0x294: {  	[tilespmem:v41+s10+$0x0] =	vst.idx.msk $0xffff, v23  }
0x295: {  	[tilespmem:v39+s11+$0x0] =	vst.idx.msk $0xffff, v23  }
0x296: {  	[tilespmem:v62+s10+$0x0] =	vst.idx.msk $0xffff, v23  }
0x297: {  	[tilespmem:v63+s11+$0x0] =	vst.idx.msk $0xffff, v23  }
0x298: {  	v39 =	vld [tilespmem:$0x170];
	_ =	sdelay $0x1  }
0x299: {  	(v2sf) =	vpush v40, $0xF;
	_ =	sdelay $0x2  }
0x29a: {  	vm4 =	vne.s32 v39, $0x0  }
0x29b: {  	v39 =	vsel vm4, $0x1, v35  }
0x29c: {  	v44 =	vperm.xlane v39, v32;
	_ =	sdelay $0x1  }
0x29d: {  	v40 =	vadd.s32 v39, v44  }
0x29e: {  	v39 =	vsel vm0, v39, v40  }
0x29f: {  	v40 =	vperm.xlane v39, v34;
	_ =	sdelay $0x1  }
0x2a0: {  	v40 =	vadd.s32 v40, v39  }
0x2a1: {  	v39 =	vsel vm1, v39, v40  }
0x2a2: {  	v45 =	vperm.xlane v39, v36;
	_ =	sdelay $0x1  }
0x2a3: {  	s4 =	spop (v2sf);
	v40 =	vadd.s32 v45, v40  }
0x2a4: {  	s2 =	sadd.s32 s2, s4;
	v39 =	vsel vm2, v39, v40  }
0x2a5: {  	v46 =	vmov s2;
	v40 =	vperm.xlane v39, v37  }
0x2a6: {  	v41 =	vadd.s32 $0xFFFFFFFF, v46  }
0x2a7: {  	s6 =	ssub.s32 s6, s4;
	v41 =	vbroadcast v41, $0x0;
	v40 =	vadd.s32 v40, v39  }
0x2a8: {  	[dreg:$0x12] =	wrdreg s9;
	s9 =	sadd.s32 $0x160, s6;
	v39 =	vsel vm3, v39, v40  }
0x2a9: {  	v41 =	vadd.s32 v39, v41;
	v39 =	vsub.s32 s9, v39  }
0x2aa: {  	v41 =	vsel vm4, v41, v38;
	v39 =	vadd.s32 v0, v39  }
0x2ab: {  	v39 =	vsel vm4, v38, v39  }
0x2ac: {  	v47 =	vsel vm4, $0x210, v38  }
0x2ad: {  	v48 =	vnsel vm4, $0x210, v38;
	_ =	sdelay $0x1  }
0x2ae: {  	[tilespmem:v41+s10+$0x0] =	vst.idx.msk $0xffff, v24  }
0x2af: {  	[tilespmem:v39+s11+$0x0] =	vst.idx.msk $0xffff, v24  }
0x2b0: {  	[tilespmem:v47+s10+$0x0] =	vst.idx.msk $0xffff, v24  }
0x2b1: {  	[tilespmem:v48+s11+$0x0] =	vst.idx.msk $0xffff, v24  }
0x2b2: {  	v39 =	vld [tilespmem:$0x180];
	_ =	sdelay $0x1  }
0x2b3: {  	(v2sf) =	vpush v40, $0xF;
	_ =	sdelay $0x2  }
0x2b4: {  	vm4 =	vne.s32 v39, $0x0  }
0x2b5: {  	v39 =	vsel vm4, $0x1, v35  }
0x2b6: {  	v49 =	vperm.xlane v39, v32;
	_ =	sdelay $0x1  }
0x2b7: {  	v40 =	vadd.s32 v39, v49  }
0x2b8: {  	v39 =	vsel vm0, v39, v40  }
0x2b9: {  	v40 =	vperm.xlane v39, v34;
	_ =	sdelay $0x1  }
0x2ba: {  	v40 =	vadd.s32 v40, v39  }
0x2bb: {  	v39 =	vsel vm1, v39, v40  }
0x2bc: {  	v50 =	vperm.xlane v39, v36;
	_ =	sdelay $0x1  }
0x2bd: {  	s5 =	spop (v2sf);
	v40 =	vadd.s32 v50, v40  }
0x2be: {  	s2 =	sadd.s32 s2, s5;
	v39 =	vsel vm2, v39, v40  }
0x2bf: {  	v51 =	vmov s2;
	v40 =	vperm.xlane v39, v37  }
0x2c0: {  	v41 =	vadd.s32 $0xFFFFFFFF, v51  }
0x2c1: {  	s6 =	ssub.s32 s6, s5;
	v41 =	vbroadcast v41, $0x0;
	v40 =	vadd.s32 v40, v39  }
0x2c2: {  	[dreg:$0x13] =	wrdreg s12;
	s12 =	sadd.s32 $0x170, s6;
	v39 =	vsel vm3, v39, v40  }
0x2c3: {  	v52 =	vsub.s32 s12, v39;
	v39 =	vadd.s32 v39, v41  }
0x2c4: {  	v39 =	vsel vm4, v39, v38;
	v53 =	vadd.s32 v0, v52  }
0x2c5: {  	v41 =	vsel vm4, v38, v53  }
0x2c6: {  	v54 =	vsel vm4, $0x210, v38  }
0x2c7: {  	v55 =	vnsel vm4, $0x210, v38;
	_ =	sdelay $0x1  }
0x2c8: {  	[tilespmem:v39+s10+$0x0] =	vst.idx.msk $0xffff, v25  }
0x2c9: {  	[tilespmem:v41+s11+$0x0] =	vst.idx.msk $0xffff, v25  }
0x2ca: {  	[tilespmem:v54+s10+$0x0] =	vst.idx.msk $0xffff, v25  }
0x2cb: {  	[tilespmem:v55+s11+$0x0] =	vst.idx.msk $0xffff, v25  }
0x2cc: {  	v39 =	vld [tilespmem:$0x190];
	_ =	sdelay $0x1  }
0x2cd: {  	(v2sf) =	vpush v40, $0xF;
	_ =	sdelay $0x2  }
0x2ce: {  	vm4 =	vne.s32 v39, $0x0  }
0x2cf: {  	v39 =	vsel vm4, $0x1, v35  }
0x2d0: {  	v56 =	vperm.xlane v39, v32;
	_ =	sdelay $0x1  }
0x2d1: {  	v40 =	vadd.s32 v39, v56  }
0x2d2: {  	v39 =	vsel vm0, v39, v40  }
0x2d3: {  	v40 =	vperm.xlane v39, v34;
	_ =	sdelay $0x1  }
0x2d4: {  	v40 =	vadd.s32 v40, v39  }
0x2d5: {  	v39 =	vsel vm1, v39, v40  }
0x2d6: {  	v57 =	vperm.xlane v39, v36;
	_ =	sdelay $0x1  }
0x2d7: {  	s7 =	spop (v2sf);
	v40 =	vadd.s32 v57, v40  }
0x2d8: {  	s2 =	sadd.s32 s2, s7;
	v39 =	vsel vm2, v39, v40  }
0x2d9: {  	v58 =	vmov s2;
	v40 =	vperm.xlane v39, v37  }
0x2da: {  	v41 =	vadd.s32 $0xFFFFFFFF, v58  }
0x2db: {  	s6 =	ssub.s32 s6, s7;
	v41 =	vbroadcast v41, $0x0;
	v40 =	vadd.s32 v40, v39  }
0x2dc: {  	[dreg:$0x14] =	wrdreg s13;
	s13 =	sadd.s32 $0x180, s6;
	v39 =	vsel vm3, v39, v40  }
0x2dd: {  	v59 =	vsub.s32 s13, v39;
	v39 =	vadd.s32 v39, v41  }
0x2de: {  	v39 =	vsel vm4, v39, v38;
	v60 =	vadd.s32 v0, v59  }
0x2df: {  	v41 =	vsel vm4, v38, v60  }
0x2e0: {  	v61 =	vsel vm4, $0x210, v38  }
0x2e1: {  	v62 =	vnsel vm4, $0x210, v38;
	_ =	sdelay $0x1  }
0x2e2: {  	[tilespmem:v39+s10+$0x0] =	vst.idx.msk $0xffff, v26  }
0x2e3: {  	[tilespmem:v41+s11+$0x0] =	vst.idx.msk $0xffff, v26  }
0x2e4: {  	[tilespmem:v61+s10+$0x0] =	vst.idx.msk $0xffff, v26  }
0x2e5: {  	[tilespmem:v62+s11+$0x0] =	vst.idx.msk $0xffff, v26  }
0x2e6: {  	v39 =	vld [tilespmem:$0x1A0];
	_ =	sdelay $0x1  }
0x2e7: {  	(v2sf) =	vpush v40, $0xF;
	_ =	sdelay $0x2  }
0x2e8: {  	vm4 =	vne.s32 v39, $0x0  }
0x2e9: {  	v39 =	vsel vm4, $0x1, v35  }
0x2ea: {  	v63 =	vperm.xlane v39, v32;
	_ =	sdelay $0x1  }
0x2eb: {  	v40 =	vadd.s32 v39, v63  }
0x2ec: {  	v39 =	vsel vm0, v39, v40  }
0x2ed: {  	v40 =	vperm.xlane v39, v34;
	_ =	sdelay $0x1  }
0x2ee: {  	v40 =	vadd.s32 v40, v39  }
0x2ef: {  	v39 =	vsel vm1, v39, v40  }
0x2f0: {  	v44 =	vperm.xlane v39, v36;
	_ =	sdelay $0x1  }
0x2f1: {  	s9 =	spop (v2sf);
	v40 =	vadd.s32 v44, v40  }
0x2f2: {  	s2 =	sadd.s32 s2, s9;
	v39 =	vsel vm2, v39, v40  }
0x2f3: {  	v45 =	vmov s2;
	v40 =	vperm.xlane v39, v37  }
0x2f4: {  	v41 =	vadd.s32 $0xFFFFFFFF, v45  }
0x2f5: {  	s6 =	ssub.s32 s6, s9;
	v41 =	vbroadcast v41, $0x0;
	v40 =	vadd.s32 v40, v39  }
0x2f6: {  	s12 =	sadd.s32 $0x190, s6;
	v39 =	vsel vm3, v39, v40  }
0x2f7: {  	v46 =	vsub.s32 s12, v39;
	v39 =	vadd.s32 v39, v41  }
0x2f8: {  	v39 =	vsel vm4, v39, v38;
	v47 =	vadd.s32 v0, v46  }
0x2f9: {  	v41 =	vsel vm4, v38, v47  }
0x2fa: {  	v48 =	vsel vm4, $0x210, v38  }
0x2fb: {  	v49 =	vnsel vm4, $0x210, v38;
	_ =	sdelay $0x1  }
0x2fc: {  	[tilespmem:v39+s10+$0x0] =	vst.idx.msk $0xffff, v27  }
0x2fd: {  	[tilespmem:v41+s11+$0x0] =	vst.idx.msk $0xffff, v27  }
0x2fe: {  	[tilespmem:v48+s10+$0x0] =	vst.idx.msk $0xffff, v27  }
0x2ff: {  	[tilespmem:v49+s11+$0x0] =	vst.idx.msk $0xffff, v27  }
0x300: {  	v39 =	vld [tilespmem:$0x1B0];
	_ =	sdelay $0x1  }
0x301: {  	(v2sf) =	vpush v40, $0xF;
	_ =	sdelay $0x2  }
0x302: {  	vm4 =	vne.s32 v39, $0x0  }
0x303: {  	v39 =	vsel vm4, $0x1, v35  }
0x304: {  	v50 =	vperm.xlane v39, v32;
	_ =	sdelay $0x1  }
0x305: {  	v40 =	vadd.s32 v39, v50  }
0x306: {  	v39 =	vsel vm0, v39, v40  }
0x307: {  	v40 =	vperm.xlane v39, v34;
	_ =	sdelay $0x1  }
0x308: {  	v40 =	vadd.s32 v40, v39  }
0x309: {  	v39 =	vsel vm1, v39, v40  }
0x30a: {  	v51 =	vperm.xlane v39, v36;
	_ =	sdelay $0x1  }
0x30b: {  	s13 =	spop (v2sf);
	v40 =	vadd.s32 v51, v40  }
0x30c: {  	s2 =	sadd.s32 s2, s13;
	v39 =	vsel vm2, v39, v40  }
0x30d: {  	v52 =	vmov s2;
	v40 =	vperm.xlane v39, v37  }
0x30e: {  	v41 =	vadd.s32 $0xFFFFFFFF, v52  }
0x30f: {  	s6 =	ssub.s32 s6, s13;
	v41 =	vbroadcast v41, $0x0;
	v40 =	vadd.s32 v40, v39  }
0x310: {  	[dreg:$0x15] =	wrdreg s19;
	s19 =	sadd.s32 $0x1A0, s6;
	v39 =	vsel vm3, v39, v40  }
0x311: {  	v53 =	vsub.s32 s19, v39;
	v39 =	vadd.s32 v39, v41  }
0x312: {  	v39 =	vsel vm4, v39, v38;
	v54 =	vadd.s32 v0, v53  }
0x313: {  	v41 =	vsel vm4, v38, v54  }
0x314: {  	v55 =	vsel vm4, $0x210, v38  }
0x315: {  	v56 =	vnsel vm4, $0x210, v38;
	_ =	sdelay $0x1  }
0x316: {  	[tilespmem:v39+s10+$0x0] =	vst.idx.msk $0xffff, v28  }
0x317: {  	[tilespmem:v41+s11+$0x0] =	vst.idx.msk $0xffff, v28  }
0x318: {  	[tilespmem:v55+s10+$0x0] =	vst.idx.msk $0xffff, v28  }
0x319: {  	[tilespmem:v56+s11+$0x0] =	vst.idx.msk $0xffff, v28  }
0x31a: {  	v39 =	vld [tilespmem:$0x1C0];
	_ =	sdelay $0x1  }
0x31b: {  	(v2sf) =	vpush v40, $0xF;
	_ =	sdelay $0x2  }
0x31c: {  	vm4 =	vne.s32 v39, $0x0  }
0x31d: {  	v39 =	vsel vm4, $0x1, v35  }
0x31e: {  	v57 =	vperm.xlane v39, v32;
	_ =	sdelay $0x1  }
0x31f: {  	v40 =	vadd.s32 v39, v57  }
0x320: {  	v39 =	vsel vm0, v39, v40  }
0x321: {  	v40 =	vperm.xlane v39, v34;
	_ =	sdelay $0x1  }
0x322: {  	v40 =	vadd.s32 v40, v39  }
0x323: {  	v39 =	vsel vm1, v39, v40  }
0x324: {  	v58 =	vperm.xlane v39, v36;
	_ =	sdelay $0x1  }
0x325: {  	[dreg:$0x16] =	wrdreg s20;
	s20 =	spop (v2sf);
	v40 =	vadd.s32 v58, v40  }
0x326: {  	s2 =	sadd.s32 s2, s20;
	v39 =	vsel vm2, v39, v40  }
0x327: {  	v59 =	vmov s2;
	v40 =	vperm.xlane v39, v37  }
0x328: {  	v41 =	vadd.s32 $0xFFFFFFFF, v59  }
0x329: {  	s6 =	ssub.s32 s6, s20;
	v41 =	vbroadcast v41, $0x0;
	v40 =	vadd.s32 v40, v39  }
0x32a: {  	[dreg:$0x17] =	wrdreg s21;
	s21 =	sadd.s32 $0x1B0, s6;
	v39 =	vsel vm3, v39, v40  }
0x32b: {  	v60 =	vsub.s32 s21, v39;
	v39 =	vadd.s32 v39, v41  }
0x32c: {  	v39 =	vsel vm4, v39, v38;
	v61 =	vadd.s32 v0, v60  }
0x32d: {  	v41 =	vsel vm4, v38, v61  }
0x32e: {  	v62 =	vsel vm4, $0x210, v38  }
0x32f: {  	v63 =	vnsel vm4, $0x210, v38;
	_ =	sdelay $0x1  }
0x330: {  	[tilespmem:v39+s10+$0x0] =	vst.idx.msk $0xffff, v29  }
0x331: {  	[tilespmem:v41+s11+$0x0] =	vst.idx.msk $0xffff, v29  }
0x332: {  	[tilespmem:v62+s10+$0x0] =	vst.idx.msk $0xffff, v29  }
0x333: {  	[tilespmem:v63+s11+$0x0] =	vst.idx.msk $0xffff, v29  }
0x334: {  	v39 =	vld [tilespmem:$0x1D0];
	_ =	sdelay $0x1  }
0x335: {  	(v2sf) =	vpush v40, $0xF;
	_ =	sdelay $0x2  }
0x336: {  	vm4 =	vne.s32 v39, $0x0  }
0x337: {  	v39 =	vsel vm4, $0x1, v35  }
0x338: {  	v45 =	vperm.xlane v39, v32;
	_ =	sdelay $0x1  }
0x339: {  	v40 =	vadd.s32 v39, v45  }
0x33a: {  	v39 =	vsel vm0, v39, v40  }
0x33b: {  	v40 =	vperm.xlane v39, v34;
	_ =	sdelay $0x1  }
0x33c: {  	v40 =	vadd.s32 v40, v39  }
0x33d: {  	v39 =	vsel vm1, v39, v40  }
0x33e: {  	v46 =	vperm.xlane v39, v36;
	_ =	sdelay $0x1  }
0x33f: {  	[dreg:$0x18] =	wrdreg s22;
	s22 =	spop (v2sf);
	v40 =	vadd.s32 v46, v40  }
0x340: {  	s2 =	sadd.s32 s2, s22;
	v39 =	vsel vm2, v39, v40  }
0x341: {  	v47 =	vmov s2;
	v40 =	vperm.xlane v39, v37  }
0x342: {  	v41 =	vadd.s32 $0xFFFFFFFF, v47  }
0x343: {  	s6 =	ssub.s32 s6, s22;
	v41 =	vbroadcast v41, $0x0;
	v40 =	vadd.s32 v40, v39  }
0x344: {  	[dreg:$0x19] =	wrdreg s23;
	s23 =	sadd.s32 $0x1C0, s6;
	v39 =	vsel vm3, v39, v40  }
0x345: {  	v48 =	vsub.s32 s23, v39;
	v39 =	vadd.s32 v39, v41  }
0x346: {  	v39 =	vsel vm4, v39, v38;
	v49 =	vadd.s32 v0, v48  }
0x347: {  	v41 =	vsel vm4, v38, v49  }
0x348: {  	v50 =	vsel vm4, $0x210, v38  }
0x349: {  	v51 =	vnsel vm4, $0x210, v38;
	_ =	sdelay $0x1  }
0x34a: {  	[tilespmem:v39+s10+$0x0] =	vst.idx.msk $0xffff, v30  }
0x34b: {  	[tilespmem:v41+s11+$0x0] =	vst.idx.msk $0xffff, v30  }
0x34c: {  	[tilespmem:v50+s10+$0x0] =	vst.idx.msk $0xffff, v30  }
0x34d: {  	[tilespmem:v51+s11+$0x0] =	vst.idx.msk $0xffff, v30  }
0x34e: {  	v39 =	vld [tilespmem:$0x1E0];
	_ =	sdelay $0x1  }
0x34f: {  	(v2sf) =	vpush v40, $0xF;
	_ =	sdelay $0x2  }
0x350: {  	vm4 =	vne.s32 v39, $0x0  }
0x351: {  	v39 =	vsel vm4, $0x1, v35  }
0x352: {  	v52 =	vperm.xlane v39, v32;
	_ =	sdelay $0x1  }
0x353: {  	v40 =	vadd.s32 v39, v52  }
0x354: {  	v39 =	vsel vm0, v39, v40  }
0x355: {  	v40 =	vperm.xlane v39, v34;
	_ =	sdelay $0x1  }
0x356: {  	v40 =	vadd.s32 v40, v39  }
0x357: {  	v39 =	vsel vm1, v39, v40  }
0x358: {  	v53 =	vperm.xlane v39, v36;
	_ =	sdelay $0x1  }
0x359: {  	[dreg:$0x1a] =	wrdreg s24;
	s24 =	spop (v2sf);
	v40 =	vadd.s32 v53, v40  }
0x35a: {  	s2 =	sadd.s32 s2, s24;
	v39 =	vsel vm2, v39, v40  }
0x35b: {  	v54 =	vmov s2;
	v40 =	vperm.xlane v39, v37  }
0x35c: {  	v41 =	vadd.s32 $0xFFFFFFFF, v54  }
0x35d: {  	s6 =	ssub.s32 s6, s24;
	v41 =	vbroadcast v41, $0x0;
	v40 =	vadd.s32 v40, v39  }
0x35e: {  	s25 =	sadd.s32 $0x1D0, s6;
	v39 =	vsel vm3, v39, v40  }
0x35f: {  	v55 =	vsub.s32 s25, v39;
	v39 =	vadd.s32 v39, v41  }
0x360: {  	v39 =	vsel vm4, v39, v38;
	v56 =	vadd.s32 v0, v55  }
0x361: {  	v41 =	vsel vm4, v38, v56  }
0x362: {  	v57 =	vsel vm4, $0x210, v38  }
0x363: {  	v58 =	vnsel vm4, $0x210, v38;
	_ =	sdelay $0x1  }
0x364: {  	[tilespmem:v39+s10+$0x0] =	vst.idx.msk $0xffff, v31  }
0x365: {  	[tilespmem:v41+s11+$0x0] =	vst.idx.msk $0xffff, v31  }
0x366: {  	[tilespmem:v57+s10+$0x0] =	vst.idx.msk $0xffff, v31  }
0x367: {  	[tilespmem:v58+s11+$0x0] =	vst.idx.msk $0xffff, v31  }
0x368: {  	v39 =	vld [tilespmem:$0x1F0];
	_ =	sdelay $0x4  }
0x369: {  	vm4 =	vne.s32 v39, $0x0  }
0x36a: {  	v39 =	vsel vm4, $0x1, v35  }
0x36b: {  	(v2sf) =	vpush v40, $0xF;
	v59 =	vperm.xlane v39, v32;
	_ =	sdelay $0x1  }
0x36c: {  	v40 =	vadd.s32 v39, v59  }
0x36d: {  	v39 =	vsel vm0, v39, v40  }
0x36e: {  	v40 =	vperm.xlane v39, v34;
	_ =	sdelay $0x1  }
0x36f: {  	v40 =	vadd.s32 v40, v39  }
0x370: {  	v39 =	vsel vm1, v39, v40  }
0x371: {  	v60 =	vperm.xlane v39, v36;
	_ =	sdelay $0x1  }
0x372: {  	v40 =	vadd.s32 v60, v40  }
0x373: {  	v39 =	vsel vm2, v39, v40  }
0x374: {  	v40 =	vperm.xlane v39, v37;
	_ =	sdelay $0x1  }
0x375: {  	v40 =	vadd.s32 v40, v39  }
0x376: {  	s19 =	spop (v2sf);
	(v2sf) =	vpush v40, $0xF;
	_ =	sdelay $0x2  }
0x377: {  	s2 =	sadd.s32 s2, s19  }
0x378: {  	v61 =	vmov s2  }
0x379: {  	v41 =	vadd.s32 $0xFFFFFFFF, v61  }
0x37a: {  	s6 =	ssub.s32 s6, s19;
	v41 =	vbroadcast v41, $0x0  }
0x37b: {  	[dreg:$0x1b] =	wrdreg s28;
	s28 =	sadd.s32 $0x1E0, s6;
	v39 =	vsel vm3, v39, v40  }
0x37c: {  	v40 =	vsub.s32 s28, v39;
	v39 =	vadd.s32 v39, v41  }
0x37d: {  	v39 =	vsel vm4, v39, v38;
	v40 =	vadd.s32 v0, v40  }
0x37e: {  	v40 =	vsel vm4, v38, v40  }
0x37f: {  	v62 =	vsel vm4, $0x210, v38  }
0x380: {  	v63 =	vnsel vm4, $0x210, v38;
	_ =	sdelay $0x1  }
0x381: {  	[tilespmem:v39+s10+$0x0] =	vst.idx.msk $0xffff, v33  }
0x382: {  	[dreg:$0x1c] =	wrdreg s31;
	[tilespmem:v40+s11+$0x0] =	vst.idx.msk $0xffff, v33;
	s31 =	spop (v2sf)  }
0x383: {  	[dreg:$0x1d] =	wrdreg s4;
	[tilespmem:v62+s10+$0x0] =	vst.idx.msk $0xffff, v33;
	s2 =	sadd.s32 s2, s31  }
0x384: {  	[dreg:$0x1e] =	wrdreg s5;
	[tilespmem:v63+s11+$0x0] =	vst.idx.msk $0xffff, v33;
	s23 =	sadd.s32 $0xF, s2  }
0x385: {  	[dreg:$0x1f] =	wrdreg s7;
	v40 =	vld.msk [tilespmem:$0x410 ss:$0x0], $0xffff;
	s25 =	sshra.s32 s23, $0x4  }
0x386: {  	[smem:$0x7F8] =	sst s9;
	v39 =	vld.msk [tilespmem:$0x690 ss:$0x0], $0xffff;
	p0 =	slt.s32 s25, $0x1  }
.Ltmp2:
0x387: {  	[smem:$0x7F9] =	sst s13;
	(pc) =	sbr.rel @p0 .LBB2_7-.Ltmp2, $4  }
0x388: {  	[smem:$0x7FA] =	sst s20  }
0x389: {  	[smem:$0x7FB] =	sst s22  }
0x38a: {  	[smem:$0x7FC] =	sst s24;
	s0 =	ssub.s32 s6, s31;
	[tilespmem:s2+$0x200] =	vst v40  }
0x38b: {  	[smem:$0x7FD] =	sst s31;
	[tilespmem:s0+$0x670] =	vst v39;
	s6 =	sand.u32 $0xFFFFFFF0, s23  }
0x38c: {  	[smem:$0x7F6] =	sst s0  }
0x38d: {  	[dreg:$0x7] =	wrdreg s30  }
0x38e: {  	[dreg:$0x8] =	wrdreg s29  }
0x38f: {  	[dreg:$0x9] =	wrdreg s14  }
0x390: {  	[dreg:$0xa] =	wrdreg s15  }
0x391: {  	[dreg:$0xb] =	wrdreg s16  }
0x392: {  	[dreg:$0xc] =	wrdreg s17  }
0x393: {  	s22 =	sshll.u32 s6, $0x3;
	s2 =	smul.u32 $0xC, s6;
	[dreg:$0xd] =	wrdreg s18  }
0x394: {  	s5 =	sadd.s32 s14, s29;
	s29 =	smul.u32 $0x14, s6;
	[dreg:$0xe] =	wrdreg s26  }
0x395: {  	s9 =	sshll.u32 s6, $0x4;
	s14 =	smul.u32 $0x1C, s6;
	s4 =	rddreg [dreg:$0xf]  }
0x396: {  	s20 =	smul.u32 $0x28, s6;
	s23 =	sshll.u32 s23, $0x6;
	s21 =	sshra.s32 s22, $0x2  }
0x397: {  	s24 =	sadd.s32 $0x700, s21;
	s2 =	sshra.s32 s2, $0x2;
	s21 =	sadd.s32 s15, s5  }
0x398: {  	s15 =	sshra.s32 s14, $0x2;
	s5 =	rddreg [dreg:$0x12];
	s14 =	smul.u32 $0x34, s6  }
0x399: {  	s7 =	sadd.s32 $0x700, s2;
	s12 =	sadd.s32 s16, s21;
	s21 =	smul.u32 $0x18, s6  }
0x39a: {  	s2 =	sshra.s32 s9, $0x2;
	s16 =	smul.u32 $0x24, s6;
	s13 =	sadd.s32 s17, s12  }
0x39b: {  	[smem:$0x7F7] =	sst s7;
	s28 =	sadd.s32 $0x700, s2;
	s2 =	sadd.s32 s18, s13  }
0x39c: {  	s9 =	smul.u32 $0x2C, s6;
	s17 =	rddreg [dreg:$0x10];
	s2 =	sadd.s32 s26, s2  }
0x39d: {  	s7 =	rddreg [dreg:$0x11];
	s12 =	smul.u32 $0x30, s6;
	s2 =	sadd.s32 s4, s2  }
0x39e: {  	s31 =	sshra.s32 s21, $0x2;
	s18 =	sshra.s32 s16, $0x2;
	s0 =	sadd.s32 s17, s2  }
0x39f: {  	s13 =	rddreg [dreg:$0x14];
	s16 =	smul.u32 $0x38, s6;
	s0 =	sadd.s32 s7, s0  }
0x3a0: {  	s26 =	smov.u32 s8;
	s7 =	rddreg [dreg:$0x13];
	s0 =	sadd.s32 s5, s0  }
0x3a1: {  	s30 =	sadd.s32 $0x700, s31;
	s31 =	sadd.s32 $0x700, s15;
	s0 =	sadd.s32 s7, s0  }
0x3a2: {  	s4 =	sshra.s32 s9, $0x2;
	s9 =	rddreg [dreg:$0x15];
	s0 =	sadd.s32 s13, s0  }
0x3a3: {  	s8 =	sshra.s32 s20, $0x2;
	s15 =	rddreg [dreg:$0x16];
	s0 =	sadd.s32 s9, s0  }
0x3a4: {  	s5 =	sshra.s32 s12, $0x2;
	s12 =	rddreg [dreg:$0x17];
	s0 =	sadd.s32 s15, s0  }
0x3a5: {  	s2 =	sadd.s32 $0x700, s18;
	s18 =	rddreg [dreg:$0x18];
	s0 =	sadd.s32 s12, s0  }
0x3a6: {  	s20 =	smul.u32 $0x44, s6;
	s13 =	rddreg [dreg:$0x19];
	s0 =	sadd.s32 s18, s0  }
0x3a7: {  	s9 =	sshra.s32 s16, $0x2;
	s16 =	rddreg [dreg:$0x1a];
	s0 =	sadd.s32 s13, s0  }
0x3a8: {  	s7 =	sshra.s32 s14, $0x2;
	s18 =	rddreg [dreg:$0x1b];
	s0 =	sadd.s32 s16, s0  }
0x3a9: {  	s14 =	sshra.s32 s20, $0x2;
	s20 =	rddreg [dreg:$0x1c];
	s0 =	sadd.s32 s18, s0  }
0x3aa: {  	s13 =	smul.u32 $0x4C, s6;
	s18 =	rddreg [dreg:$0x1d];
	s0 =	sadd.s32 s20, s0  }
0x3ab: {  	p1 =	sne.s32 s25, $0x1;
	s20 =	rddreg [dreg:$0x1e];
	s0 =	sadd.s32 s18, s0  }
0x3ac: {  	s16 =	sshra.s32 s13, $0x2;
	s13 =	rddreg [dreg:$0x1f];
	s0 =	sadd.s32 s20, s0  }
0x3ad: {  	s29 =	sshra.s32 s29, $0x2;
	s0 =	sadd.s32 s13, s0;
	s13 =	sld [smem:$0x7F8]  }
0x3ae: {  	p0 =	por $0x0, $0x0;
	s23 =	sshra.s32 s23, $0x2;
	s29 =	sadd.s32 $0x700, s29  }
0x3af: {  	v58 =	vmov s24;
	s24 =	sld [smem:$0x7FB];
	v59 =	vmov s29;
	s29 =	sadd.s32 $0xFFFFFFFF, s25;
	v60 =	vmov s28;
	s28 =	simm.s32 $0x0  }
0x3b0: {  	s8 =	sadd.s32 $0x700, s8;
	s0 =	sadd.s32 s13, s0;
	s13 =	sld [smem:$0x7F9]  }
0x3b1: {  	v61 =	vmov s30;
	v57 =	vmov s31;
	s30 =	sand.u32 $0xFFFFFF00, s23;
	s31 =	sld [smem:$0x7FD];
	s17 =	smul.u32 $0x3C, s6  }
0x3b2: {  	s23 =	simm.s32 $0x0;
	s4 =	sadd.s32 $0x700, s4;
	v43 =	vmov s2;
	s2 =	smul.u32 $0x64, s6  }
0x3b3: {  	s5 =	sadd.s32 $0x700, s5;
	s0 =	sadd.s32 s13, s0;
	s13 =	sld [smem:$0x7FA]  }
0x3b4: {  	s2 =	sshra.s32 s2, $0x2;
	s12 =	sshra.s32 s17, $0x2;
	s17 =	smul.u32 $0x48, s6  }
0x3b5: {  	s7 =	sadd.s32 $0x700, s7;
	s14 =	sadd.s32 $0x700, s14;
	v44 =	vmov s5;
	s5 =	sadd.s32 $0x700, s30  }
0x3b6: {  	s2 =	sadd.s32 $0x700, s2;
	s15 =	sshra.s32 s17, $0x2;
	s0 =	sadd.s32 s13, s0  }
0x3b7: {  	s17 =	smul.u32 $0x50, s6;
	s0 =	sadd.s32 s24, s0;
	s24 =	sld [smem:$0x7F7]  }
0x3b8: {  	s9 =	sadd.s32 $0x700, s9;
	s18 =	smul.u32 $0x58, s6;
	s13 =	sld [smem:$0x7FC]  }
0x3b9: {  	s12 =	sadd.s32 $0x700, s12;
	s15 =	sadd.s32 $0x700, s15;
	s20 =	smul.u32 $0x54, s6  }
0x3ba: {  	s17 =	sshra.s32 s17, $0x2;
	s16 =	sadd.s32 $0x700, s16;
	v62 =	vmov s24;
	s24 =	smul.u32 $0x5C, s6  }
.Ltmp3:
0x3bb: {  	v53 =	vmov s8;
	v41 =	vmov s2;
	s17 =	sadd.s32 $0x700, s17;
	s0 =	sadd.s32 s13, s0;
	(pc) =	sbr.rel @!p1 .LBB2_6-.Ltmp3, $4  }
0x3bc: {  	v48 =	vmov s4;
	v54 =	vmov s7;
	v55 =	vmov s5;
	s18 =	sshra.s32 s18, $0x2;
	s20 =	sshra.s32 s20, $0x2;
	s0 =	sadd.s32 s19, s0  }
0x3bd: {  	v50 =	vmov s14;
	v49 =	vmov s9;
	v45 =	vmov s12;
	s18 =	sadd.s32 $0x700, s18;
	s0 =	sadd.s32 s31, s0;
	s24 =	sshra.s32 s24, $0x2  }
0x3be: {  	v46 =	vmov s15;
	v56 =	vmov s16;
	v51 =	vmov s17;
	s20 =	sadd.s32 $0x700, s20;
	s0 =	sadd.s32 s26, s0;
	s4 =	sadd.s32 $0x700, s24  }
0x3bf: {  	s8 =	smov.u32 s26;
	v52 =	vmov s18;
	v47 =	vmov s20;
	s26 =	simm.s32 $0x0;
	s24 =	sadd.s32 $0xF, s0;
	v42 =	vmov s4  }
0x3c0: {  	s25 =	simm.s32 $0x0  }
0x3c1: {  	v63 =	vld [tilespmem:s25+$0x200];
	_ =	sdelay $0x3  }
0x3c2: {  	s0 =	sadd.s32 $0x0, s24  }
0x3c3: {  	s0 =	sand.u32 $0xFFFFFFF0, s0;
	[tilespmem:s25+$0x700] =	vst v63;
	v1 =	vadd.s32 $0x4000, v63  }
0x3c4: {  	[tilespmem:s0+$0x700] =	vst v1;
	v1 =	vadd.s32 $0x8000, v63  }
0x3c5: {  	[tilespmem:v58+s25+$0x0 ss:$0x1] =	vst.idx.msk $0xffff, v1;
	v1 =	vadd.s32 $0xC000, v63  }
0x3c6: {  	[tilespmem:v62+s25+$0x0 ss:$0x1] =	vst.idx.msk $0xffff, v1;
	v1 =	vadd.s32 $0x10000, v63  }
0x3c7: {  	[tilespmem:v60+s25+$0x0 ss:$0x1] =	vst.idx.msk $0xffff, v1;
	v1 =	vadd.s32 $0x14000, v63  }
0x3c8: {  	s30 =	sadd.s32 $0x0, s22;
	[tilespmem:v59+s25+$0x0 ss:$0x1] =	vst.idx.msk $0xffff, v1;
	v1 =	vadd.s32 $0x18000, v63  }
0x3c9: {  	s2 =	sand.u32 $0x70, s23;
	s0 =	sand.u32 $0xFFFFFF80, s30;
	[tilespmem:v61+s25+$0x0 ss:$0x1] =	vst.idx.msk $0xffff, v1;
	v1 =	vadd.s32 $0x1C000, v63  }
0x3ca: {  	s0 =	sor.u32 s2, s0;
	[tilespmem:v57+s25+$0x0 ss:$0x1] =	vst.idx.msk $0xffff, v1;
	v1 =	vadd.s32 $0x20000, v63  }
0x3cb: {  	[tilespmem:s0+$0x700] =	vst v1;
	v1 =	vadd.s32 $0x24000, v63  }
0x3cc: {  	[tilespmem:v43+s25+$0x0 ss:$0x1] =	vst.idx.msk $0xffff, v1;
	v1 =	vadd.s32 $0x28000, v63  }
0x3cd: {  	[tilespmem:v53+s25+$0x0 ss:$0x1] =	vst.idx.msk $0xffff, v1;
	v1 =	vadd.s32 $0x2C000, v63  }
0x3ce: {  	[tilespmem:v48+s25+$0x0 ss:$0x1] =	vst.idx.msk $0xffff, v1;
	v1 =	vadd.s32 $0x30000, v63  }
0x3cf: {  	[tilespmem:v44+s25+$0x0 ss:$0x1] =	vst.idx.msk $0xffff, v1;
	v1 =	vadd.s32 $0x34000, v63  }
0x3d0: {  	[tilespmem:v54+s25+$0x0 ss:$0x1] =	vst.idx.msk $0xffff, v1;
	v1 =	vadd.s32 $0x38000, v63  }
0x3d1: {  	[tilespmem:v49+s25+$0x0 ss:$0x1] =	vst.idx.msk $0xffff, v1;
	v1 =	vadd.s32 $0x3C000, v63  }
0x3d2: {  	[tilespmem:v45+s25+$0x0 ss:$0x1] =	vst.idx.msk $0xffff, v1;
	v1 =	vadd.s32 $0x40000, v63  }
0x3d3: {  	[tilespmem:v55+s25+$0x0 ss:$0x1] =	vst.idx.msk $0xffff, v1;
	v1 =	vadd.s32 $0x44000, v63  }
0x3d4: {  	[tilespmem:v50+s25+$0x0 ss:$0x1] =	vst.idx.msk $0xffff, v1;
	v1 =	vadd.s32 $0x48000, v63  }
0x3d5: {  	[tilespmem:v46+s25+$0x0 ss:$0x1] =	vst.idx.msk $0xffff, v1;
	v1 =	vadd.s32 $0x4C000, v63  }
0x3d6: {  	p1 =	sne.s32 s29, $0x1;
	[tilespmem:v56+s25+$0x0 ss:$0x1] =	vst.idx.msk $0xffff, v1;
	v1 =	vadd.s32 $0x50000, v63  }
.Ltmp4:
0x3d7: {  	[tilespmem:v51+s25+$0x0 ss:$0x1] =	vst.idx.msk $0xffff, v1;
	v1 =	vadd.s32 $0x54000, v63;
	(pc) =	sbr.rel @!p1 .LBB2_4-.Ltmp4, $4  }
0x3d8: {  	s31 =	sadd.s32 $0x0, s21;
	[tilespmem:v47+s25+$0x0 ss:$0x1] =	vst.idx.msk $0xffff, v1;
	v1 =	vadd.s32 $0x58000, v63  }
0x3d9: {  	s0 =	sand.u32 $0xFFFFFF80, s31;
	[tilespmem:v52+s25+$0x0 ss:$0x1] =	vst.idx.msk $0xffff, v1;
	v1 =	vadd.s32 $0x5C000, v63  }
0x3da: {  	s29 =	sadd.s32 $0xFFFFFFFF, s29;
	s0 =	sor.u32 s2, s0;
	[tilespmem:v42+s25+$0x0 ss:$0x1] =	vst.idx.msk $0xffff, v1;
	v1 =	vadd.s32 $0x60000, v63  }
0x3db: {  	s26 =	simm.s32 $0x40;
	p0 =	por $0x1, $0x1;
	s28 =	simm.s32 $0x0;
	v63 =	vadd.s32 $0x64000, v63;
	[tilespmem:s0+$0x700] =	vst v1  }
.LBB2_5:
0x3dc: {  	p1 =	sne.s32 s29, $0x1;
	[tilespmem:v41+s25+$0x0 ss:$0x1] =	vst.idx.msk $0xffff, v63;
	s25 =	sshra.s32 s26, $0x2;
	s28 =	sadd.s32 $0x10, s28  }
0x3dd: {  	s29 =	sadd.s32 $0xFFFFFFFF, s29;
	v1 =	vld [tilespmem:s25+$0x200];
	_ =	sdelay $0x3  }
0x3de: {  	s0 =	sadd.s32 s28, s24  }
0x3df: {  	s0 =	sand.u32 $0xFFFFFFF0, s0;
	[tilespmem:s25+$0x700] =	vst v1;
	v63 =	vadd.s32 $0x4000, v1  }
0x3e0: {  	[tilespmem:s0+$0x700] =	vst v63;
	v63 =	vadd.s32 $0x8000, v1  }
0x3e1: {  	[tilespmem:v58+s25+$0x0 ss:$0x1] =	vst.idx.msk $0xffff, v63;
	v63 =	vadd.s32 $0xC000, v1  }
0x3e2: {  	[tilespmem:v62+s25+$0x0 ss:$0x1] =	vst.idx.msk $0xffff, v63;
	v63 =	vadd.s32 $0x10000, v1  }
0x3e3: {  	[tilespmem:v60+s25+$0x0 ss:$0x1] =	vst.idx.msk $0xffff, v63;
	v63 =	vadd.s32 $0x14000, v1  }
0x3e4: {  	s0 =	sadd.s32 s28, s22;
	[tilespmem:v59+s25+$0x0 ss:$0x1] =	vst.idx.msk $0xffff, v63;
	v63 =	vadd.s32 $0x18000, v1  }
0x3e5: {  	s2 =	sand.u32 $0x70, s28;
	s0 =	sand.u32 $0xFFFFFF80, s0;
	[tilespmem:v61+s25+$0x0 ss:$0x1] =	vst.idx.msk $0xffff, v63;
	v63 =	vadd.s32 $0x1C000, v1  }
0x3e6: {  	s0 =	sor.u32 s2, s0;
	[tilespmem:v57+s25+$0x0 ss:$0x1] =	vst.idx.msk $0xffff, v63;
	v63 =	vadd.s32 $0x20000, v1  }
0x3e7: {  	[tilespmem:s0+$0x700] =	vst v63;
	v63 =	vadd.s32 $0x24000, v1  }
0x3e8: {  	[tilespmem:v43+s25+$0x0 ss:$0x1] =	vst.idx.msk $0xffff, v63;
	v63 =	vadd.s32 $0x28000, v1  }
0x3e9: {  	[tilespmem:v53+s25+$0x0 ss:$0x1] =	vst.idx.msk $0xffff, v63;
	v63 =	vadd.s32 $0x2C000, v1  }
0x3ea: {  	[tilespmem:v48+s25+$0x0 ss:$0x1] =	vst.idx.msk $0xffff, v63;
	v63 =	vadd.s32 $0x30000, v1  }
0x3eb: {  	[tilespmem:v44+s25+$0x0 ss:$0x1] =	vst.idx.msk $0xffff, v63;
	v63 =	vadd.s32 $0x34000, v1  }
0x3ec: {  	[tilespmem:v54+s25+$0x0 ss:$0x1] =	vst.idx.msk $0xffff, v63;
	v63 =	vadd.s32 $0x38000, v1  }
0x3ed: {  	[tilespmem:v49+s25+$0x0 ss:$0x1] =	vst.idx.msk $0xffff, v63;
	v63 =	vadd.s32 $0x3C000, v1  }
0x3ee: {  	[tilespmem:v45+s25+$0x0 ss:$0x1] =	vst.idx.msk $0xffff, v63;
	v63 =	vadd.s32 $0x40000, v1  }
0x3ef: {  	[tilespmem:v55+s25+$0x0 ss:$0x1] =	vst.idx.msk $0xffff, v63;
	v63 =	vadd.s32 $0x44000, v1  }
0x3f0: {  	[tilespmem:v50+s25+$0x0 ss:$0x1] =	vst.idx.msk $0xffff, v63;
	v63 =	vadd.s32 $0x48000, v1  }
0x3f1: {  	[tilespmem:v46+s25+$0x0 ss:$0x1] =	vst.idx.msk $0xffff, v63;
	v63 =	vadd.s32 $0x4C000, v1  }
0x3f2: {  	[tilespmem:v56+s25+$0x0 ss:$0x1] =	vst.idx.msk $0xffff, v63;
	v63 =	vadd.s32 $0x50000, v1  }
.Ltmp5:
0x3f3: {  	[tilespmem:v51+s25+$0x0 ss:$0x1] =	vst.idx.msk $0xffff, v63;
	v63 =	vadd.s32 $0x54000, v1;
	(pc) =	sbr.rel @p1 .LBB2_5-.Ltmp5, $4  }
0x3f4: {  	s0 =	sadd.s32 s28, s21;
	[tilespmem:v47+s25+$0x0 ss:$0x1] =	vst.idx.msk $0xffff, v63;
	v63 =	vadd.s32 $0x58000, v1  }
0x3f5: {  	s0 =	sand.u32 $0xFFFFFF80, s0;
	[tilespmem:v52+s25+$0x0 ss:$0x1] =	vst.idx.msk $0xffff, v63;
	v63 =	vadd.s32 $0x5C000, v1  }
0x3f6: {  	s0 =	sor.u32 s2, s0;
	[tilespmem:v42+s25+$0x0 ss:$0x1] =	vst.idx.msk $0xffff, v63;
	v63 =	vadd.s32 $0x60000, v1  }
0x3f7: {  	s26 =	sadd.s32 $0x40, s26;
	[tilespmem:s0+$0x700] =	vst v63;
	v63 =	vadd.s32 $0x64000, v1  }
.LBB2_6:
0x3f8: {  	_ =	sdelay $0x3  }
0x3f9: {  	s26 =	sshra.s32 s26, $0x2;
	[tilespmem:v41+s25+$0x0 ss:$0x1] =	vst.idx.msk @p0 $0xffff, v63  }
0x3fa: {  	v1 =	vld [tilespmem:s26+$0x200];
	_ =	sdelay $0x1  }
0x3fb: {  	s0 =	sadd.s32 @p0 $0x10, s28  }
0x3fc: {  	s23 =	smov.u32 @p0 s0  }
0x3fd: {  	s0 =	sadd.s32 s23, s24  }
0x3fe: {  	s0 =	sand.u32 $0xFFFFFFF0, s0;
	[tilespmem:s26+$0x700] =	vst v1;
	v63 =	vadd.s32 $0x4000, v1  }
0x3ff: {  	[tilespmem:s0+$0x700] =	vst v63;
	v63 =	vadd.s32 $0x8000, v1  }
0x400: {  	[tilespmem:v58+s26+$0x0 ss:$0x1] =	vst.idx.msk $0xffff, v63;
	v63 =	vadd.s32 $0xC000, v1  }
0x401: {  	[tilespmem:v62+s26+$0x0 ss:$0x1] =	vst.idx.msk $0xffff, v63;
	v62 =	vadd.s32 $0x10000, v1  }
0x402: {  	v63 =	vadd.s32 $0x14000, v1;
	[tilespmem:v60+s26+$0x0 ss:$0x1] =	vst.idx.msk $0xffff, v62  }
0x403: {  	s28 =	sadd.s32 s23, s22;
	v60 =	vadd.s32 $0x18000, v1;
	[tilespmem:v59+s26+$0x0 ss:$0x1] =	vst.idx.msk $0xffff, v63  }
0x404: {  	s2 =	sand.u32 $0x70, s23;
	s0 =	sand.u32 $0xFFFFFF80, s28;
	[tilespmem:v61+s26+$0x0 ss:$0x1] =	vst.idx.msk $0xffff, v60;
	v61 =	vadd.s32 $0x1C000, v1  }
0x405: {  	s0 =	sor.u32 s2, s0;
	v62 =	vadd.s32 $0x20000, v1;
	[tilespmem:v57+s26+$0x0 ss:$0x1] =	vst.idx.msk $0xffff, v61  }
0x406: {  	v63 =	vadd.s32 $0x24000, v1;
	[tilespmem:s0+$0x700] =	vst v62  }
0x407: {  	v60 =	vadd.s32 $0x28000, v1;
	[tilespmem:v43+s26+$0x0 ss:$0x1] =	vst.idx.msk $0xffff, v63  }
0x408: {  	v61 =	vadd.s32 $0x2C000, v1;
	[tilespmem:v53+s26+$0x0 ss:$0x1] =	vst.idx.msk $0xffff, v60  }
0x409: {  	v62 =	vadd.s32 $0x30000, v1;
	[tilespmem:v48+s26+$0x0 ss:$0x1] =	vst.idx.msk $0xffff, v61  }
0x40a: {  	v63 =	vadd.s32 $0x34000, v1;
	[tilespmem:v44+s26+$0x0 ss:$0x1] =	vst.idx.msk $0xffff, v62  }
0x40b: {  	v48 =	vadd.s32 $0x38000, v1;
	[tilespmem:v54+s26+$0x0 ss:$0x1] =	vst.idx.msk $0xffff, v63  }
0x40c: {  	v53 =	vadd.s32 $0x3C000, v1;
	[tilespmem:v49+s26+$0x0 ss:$0x1] =	vst.idx.msk $0xffff, v48  }
0x40d: {  	v54 =	vadd.s32 $0x40000, v1;
	[tilespmem:v45+s26+$0x0 ss:$0x1] =	vst.idx.msk $0xffff, v53  }
0x40e: {  	[tilespmem:v55+s26+$0x0 ss:$0x1] =	vst.idx.msk $0xffff, v54;
	v55 =	vadd.s32 $0x44000, v1  }
0x40f: {  	s30 =	rddreg [dreg:$0x7];
	v57 =	vadd.s32 $0x48000, v1;
	[tilespmem:v50+s26+$0x0 ss:$0x1] =	vst.idx.msk $0xffff, v55  }
0x410: {  	s29 =	rddreg [dreg:$0x8];
	v58 =	vadd.s32 $0x4C000, v1;
	[tilespmem:v46+s26+$0x0 ss:$0x1] =	vst.idx.msk $0xffff, v57  }
0x411: {  	s14 =	rddreg [dreg:$0x9];
	v59 =	vadd.s32 $0x50000, v1;
	[tilespmem:v56+s26+$0x0 ss:$0x1] =	vst.idx.msk $0xffff, v58  }
0x412: {  	s15 =	rddreg [dreg:$0xa];
	v60 =	vadd.s32 $0x54000, v1;
	[tilespmem:v51+s26+$0x0 ss:$0x1] =	vst.idx.msk $0xffff, v59  }
0x413: {  	s16 =	rddreg [dreg:$0xb];
	s31 =	sadd.s32 s23, s21;
	v61 =	vadd.s32 $0x58000, v1;
	[tilespmem:v47+s26+$0x0 ss:$0x1] =	vst.idx.msk $0xffff, v60  }
0x414: {  	s17 =	rddreg [dreg:$0xc];
	s0 =	sand.u32 $0xFFFFFF80, s31;
	v62 =	vadd.s32 $0x5C000, v1;
	[tilespmem:v52+s26+$0x0 ss:$0x1] =	vst.idx.msk $0xffff, v61  }
0x415: {  	s18 =	rddreg [dreg:$0xd];
	s0 =	sor.u32 s2, s0;
	v63 =	vadd.s32 $0x60000, v1;
	[tilespmem:v42+s26+$0x0 ss:$0x1] =	vst.idx.msk $0xffff, v62  }
0x416: {  	v1 =	vadd.s32 $0x64000, v1;
	[tilespmem:s0+$0x700] =	vst v63;
	s0 =	sld [smem:$0x7F6]  }
0x417: {  	[tilespmem:v41+s26+$0x0 ss:$0x1] =	vst.idx.msk $0xffff, v1;
	s26 =	rddreg [dreg:$0xe]  }
.LBB2_7:
0x418: {  	_ = 	snop  }
0x419: {  	s23 =	sadd.s32 $0x1FF, s0  }
0x41a: {  	s22 =	sshra.s32 s23, $0x4  }
0x41b: {  	p0 =	slt.s32 s22, $0x1  }
.Ltmp6:
0x41c: {  	_ = 	snop;
	(pc) =	sbr.rel @p0 .LBB2_13-.Ltmp6, $2  }
0x41d: {  	_ =	sdelay $0x2  }
0x41e: {  	s20 =	sand.u32 $0xFFFFFFF0, s23  }
0x41f: {  	s2 =	rddreg [dreg:$0xf]  }
0x420: {  	s21 =	rddreg [dreg:$0x12]  }
0x421: {  	s24 =	rddreg [dreg:$0x13]  }
0x422: {  	s25 =	rddreg [dreg:$0x14]  }
0x423: {  	s0 =	sadd.s32 s14, s8;
	s4 =	rddreg [dreg:$0x15]  }
0x424: {  	s28 =	rddreg [dreg:$0x16];
	s5 =	sshll.u32 s20, $0x4;
	s0 =	sadd.s32 s15, s0  }
0x425: {  	s7 =	rddreg [dreg:$0x18];
	s8 =	smul.u32 $0x14, s20;
	s0 =	sadd.s32 s16, s0  }
0x426: {  	s9 =	smul.u32 $0x1C, s20;
	s12 =	rddreg [dreg:$0x1b];
	s0 =	sadd.s32 s17, s0  }
0x427: {  	s14 =	smul.u32 $0x24, s20;
	s23 =	sshll.u32 s23, $0x6;
	s0 =	sadd.s32 s18, s0  }
0x428: {  	p1 =	sne.s32 s22, $0x1;
	p0 =	por $0x0, $0x0;
	s0 =	sadd.s32 s26, s0  }
0x429: {  	s15 =	smul.u32 $0x28, s20;
	s17 =	rddreg [dreg:$0x10];
	s0 =	sadd.s32 s2, s0  }
0x42a: {  	s18 =	rddreg [dreg:$0x11];
	s26 =	smul.u32 $0xC, s20;
	s0 =	sadd.s32 s17, s0  }
0x42b: {  	s16 =	rddreg [dreg:$0x1e];
	s17 =	smul.u32 $0x2C, s20;
	s0 =	sadd.s32 s18, s0  }
0x42c: {  	s2 =	sshra.s32 s26, $0x2;
	s26 =	smul.u32 $0x30, s20;
	s0 =	sadd.s32 s21, s0  }
0x42d: {  	s18 =	rddreg [dreg:$0x1f];
	s21 =	sshll.u32 s20, $0x3;
	s0 =	sadd.s32 s24, s0  }
0x42e: {  	s31 =	sshra.s32 s21, $0x2;
	s24 =	sadd.s32 $0x3D80, s2;
	s2 =	sshra.s32 s5, $0x2  }
0x42f: {  	s5 =	rddreg [dreg:$0x19];
	s0 =	sadd.s32 s25, s0;
	s25 =	sadd.s32 $0x3D80, s31  }
0x430: {  	s2 =	sadd.s32 $0x3D80, s2;
	s31 =	sld [smem:$0x7F9];
	s0 =	sadd.s32 s4, s0  }
0x431: {  	s4 =	rddreg [dreg:$0x17];
	v61 =	vmov s25;
	s25 =	smul.u32 $0x58, s20;
	s0 =	sadd.s32 s28, s0  }
0x432: {  	s28 =	smul.u32 $0x34, s20;
	s0 =	sadd.s32 s4, s0;
	s4 =	sshra.s32 s8, $0x2  }
0x433: {  	v62 =	vmov s24;
	s24 =	sshra.s32 s25, $0x2;
	s25 =	smul.u32 $0x64, s20;
	s0 =	sadd.s32 s7, s0  }
0x434: {  	s7 =	rddreg [dreg:$0x1a];
	s5 =	sadd.s32 s5, s0;
	s0 =	smul.u32 $0x18, s20  }
0x435: {  	s4 =	sadd.s32 $0x3D80, s4;
	s5 =	sadd.s32 s7, s5;
	s7 =	sshra.s32 s9, $0x2  }
0x436: {  	s9 =	rddreg [dreg:$0x1c];
	s5 =	sadd.s32 s12, s5;
	s13 =	sshra.s32 s0, $0x2  }
0x437: {  	s7 =	sadd.s32 $0x3D80, s7;
	s12 =	rddreg [dreg:$0x1d];
	s5 =	sadd.s32 s9, s5  }
0x438: {  	s8 =	sadd.s32 $0x3D80, s13;
	s13 =	sld [smem:$0x7F8];
	s5 =	sadd.s32 s12, s5  }
0x439: {  	s9 =	sshra.s32 s14, $0x2;
	s14 =	sshra.s32 s17, $0x2;
	s5 =	sadd.s32 s16, s5  }
0x43a: {  	v57 =	vmov s7;
	s7 =	sadd.s32 $0x3D80, s24;
	s5 =	sadd.s32 s18, s5;
	s18 =	sld [smem:$0x7FA]  }
0x43b: {  	s16 =	sshra.s32 s28, $0x2;
	s28 =	sld [smem:$0x7FB];
	s5 =	sadd.s32 s13, s5  }
0x43c: {  	s9 =	sadd.s32 $0x3D80, s9;
	s12 =	sshra.s32 s15, $0x2;
	s5 =	sadd.s32 s31, s5  }
0x43d: {  	s15 =	sshra.s32 s26, $0x2;
	s26 =	smul.u32 $0x3C, s20;
	s5 =	sadd.s32 s18, s5  }
0x43e: {  	s31 =	smul.u32 $0x44, s20;
	s5 =	sadd.s32 s28, s5;
	s28 =	sld [smem:$0x7FC]  }
0x43f: {  	s14 =	sadd.s32 $0x3D80, s14;
	v60 =	vmov s8;
	s8 =	sshra.s32 s25, $0x2;
	v52 =	vmov s7;
	s7 =	simm.s32 $0x0  }
0x440: {  	s18 =	sshra.s32 s26, $0x2;
	s26 =	sshra.s32 s31, $0x2;
	s31 =	sld [smem:$0x7FD]  }
0x441: {  	s12 =	sadd.s32 $0x3D80, s12;
	s15 =	sadd.s32 $0x3D80, s15;
	s5 =	sadd.s32 s28, s5  }
0x442: {  	s8 =	sadd.s32 $0x3D80, s8;
	s13 =	smul.u32 $0x38, s20;
	s5 =	sadd.s32 s19, s5  }
0x443: {  	s16 =	sadd.s32 $0x3D80, s16;
	s5 =	sadd.s32 s31, s5;
	s31 =	smul.u32 $0x50, s20  }
0x444: {  	v41 =	vmov s8;
	s8 =	simm.s32 $0x0;
	s17 =	sshra.s32 s13, $0x2;
	s28 =	smul.u32 $0x48, s20  }
0x445: {  	s17 =	sadd.s32 $0x3D80, s17;
	s13 =	sshra.s32 s31, $0x2;
	s31 =	smul.u32 $0x54, s20  }
0x446: {  	s18 =	sadd.s32 $0x3D80, s18;
	s26 =	sadd.s32 $0x3D80, s26;
	s19 =	smul.u32 $0x4C, s20  }
0x447: {  	v58 =	vmov s2;
	s28 =	sshra.s32 s28, $0x2;
	s2 =	sshra.s32 s31, $0x2;
	s31 =	smul.u32 $0x5C, s20  }
.Ltmp7:
0x448: {  	v59 =	vmov s4;
	v47 =	vmov s9;
	v48 =	vmov s14;
	s5 =	sadd.s32 s29, s5;
	s29 =	sshra.s32 s23, $0x2;
	(pc) =	sbr.rel @!p1 .LBB2_12-.Ltmp7, $4  }
0x449: {  	v53 =	vmov s12;
	v43 =	vmov s15;
	v54 =	vmov s16;
	s28 =	sadd.s32 $0x3D80, s28;
	s19 =	sshra.s32 s19, $0x2;
	s9 =	sand.u32 $0xFFFFFF00, s29  }
0x44a: {  	v49 =	vmov s17;
	v44 =	vmov s18;
	v50 =	vmov s26;
	s19 =	sadd.s32 $0x3D80, s19;
	s9 =	sadd.s32 $0x3D80, s9;
	s4 =	sshra.s32 s31, $0x2  }
0x44b: {  	v45 =	vmov s28;
	s13 =	sadd.s32 $0x3D80, s13;
	v56 =	vmov s19;
	v55 =	vmov s9;
	s2 =	sadd.s32 $0x3D80, s2;
	s31 =	sadd.s32 $0x3D80, s4  }
0x44c: {  	v51 =	vmov s13;
	s9 =	sadd.s32 $0xFFFFFFFF, s22;
	v46 =	vmov s2;
	s2 =	simm.s32 $0x0;
	s4 =	ssub.s32 $0x20F, s5;
	v42 =	vmov s31  }
0x44d: {  	s5 =	simm.s32 $0x0  }
0x44e: {  	v1 =	vld [tilespmem:s5+$0x480];
	_ =	sdelay $0x3  }
0x44f: {  	s7 =	sadd.s32 $0x0, s4  }
0x450: {  	s7 =	sand.u32 $0xFFFFFFF0, s7;
	[tilespmem:s5+$0x3D80] =	vst v1;
	v63 =	vadd.s32 $0x4000, v1  }
0x451: {  	[tilespmem:s7+$0x3D80] =	vst v63;
	v63 =	vadd.s32 $0x8000, v1  }
0x452: {  	[tilespmem:v61+s5+$0x0 ss:$0x1] =	vst.idx.msk $0xffff, v63;
	v63 =	vadd.s32 $0xC000, v1  }
0x453: {  	[tilespmem:v62+s5+$0x0 ss:$0x1] =	vst.idx.msk $0xffff, v63;
	v63 =	vadd.s32 $0x10000, v1  }
0x454: {  	[tilespmem:v58+s5+$0x0 ss:$0x1] =	vst.idx.msk $0xffff, v63;
	v63 =	vadd.s32 $0x14000, v1  }
0x455: {  	s29 =	sadd.s32 $0x0, s21;
	[tilespmem:v59+s5+$0x0 ss:$0x1] =	vst.idx.msk $0xffff, v63;
	v63 =	vadd.s32 $0x18000, v1  }
0x456: {  	s8 =	sand.u32 $0x70, s2;
	s7 =	sand.u32 $0xFFFFFF80, s29;
	[tilespmem:v60+s5+$0x0 ss:$0x1] =	vst.idx.msk $0xffff, v63;
	v63 =	vadd.s32 $0x1C000, v1  }
0x457: {  	s7 =	sor.u32 s8, s7;
	[tilespmem:v57+s5+$0x0 ss:$0x1] =	vst.idx.msk $0xffff, v63;
	v63 =	vadd.s32 $0x20000, v1  }
0x458: {  	[tilespmem:s7+$0x3D80] =	vst v63;
	v63 =	vadd.s32 $0x24000, v1  }
0x459: {  	[tilespmem:v47+s5+$0x0 ss:$0x1] =	vst.idx.msk $0xffff, v63;
	v63 =	vadd.s32 $0x28000, v1  }
0x45a: {  	[tilespmem:v53+s5+$0x0 ss:$0x1] =	vst.idx.msk $0xffff, v63;
	v63 =	vadd.s32 $0x2C000, v1  }
0x45b: {  	[tilespmem:v48+s5+$0x0 ss:$0x1] =	vst.idx.msk $0xffff, v63;
	v63 =	vadd.s32 $0x30000, v1  }
0x45c: {  	[tilespmem:v43+s5+$0x0 ss:$0x1] =	vst.idx.msk $0xffff, v63;
	v63 =	vadd.s32 $0x34000, v1  }
0x45d: {  	[tilespmem:v54+s5+$0x0 ss:$0x1] =	vst.idx.msk $0xffff, v63;
	v63 =	vadd.s32 $0x38000, v1  }
0x45e: {  	[tilespmem:v49+s5+$0x0 ss:$0x1] =	vst.idx.msk $0xffff, v63;
	v63 =	vadd.s32 $0x3C000, v1  }
0x45f: {  	[tilespmem:v44+s5+$0x0 ss:$0x1] =	vst.idx.msk $0xffff, v63;
	v63 =	vadd.s32 $0x40000, v1  }
0x460: {  	[tilespmem:v55+s5+$0x0 ss:$0x1] =	vst.idx.msk $0xffff, v63;
	v63 =	vadd.s32 $0x44000, v1  }
0x461: {  	[tilespmem:v50+s5+$0x0 ss:$0x1] =	vst.idx.msk $0xffff, v63;
	v63 =	vadd.s32 $0x48000, v1  }
0x462: {  	[tilespmem:v45+s5+$0x0 ss:$0x1] =	vst.idx.msk $0xffff, v63;
	v63 =	vadd.s32 $0x4C000, v1  }
0x463: {  	p1 =	sne.s32 s9, $0x1;
	[tilespmem:v56+s5+$0x0 ss:$0x1] =	vst.idx.msk $0xffff, v63;
	v63 =	vadd.s32 $0x50000, v1  }
.Ltmp8:
0x464: {  	[tilespmem:v51+s5+$0x0 ss:$0x1] =	vst.idx.msk $0xffff, v63;
	v63 =	vadd.s32 $0x54000, v1;
	(pc) =	sbr.rel @!p1 .LBB2_10-.Ltmp8, $4  }
0x465: {  	s31 =	sadd.s32 $0x0, s0;
	[tilespmem:v46+s5+$0x0 ss:$0x1] =	vst.idx.msk $0xffff, v63;
	v63 =	vadd.s32 $0x58000, v1  }
0x466: {  	s7 =	sand.u32 $0xFFFFFF80, s31;
	[tilespmem:v52+s5+$0x0 ss:$0x1] =	vst.idx.msk $0xffff, v63;
	v63 =	vadd.s32 $0x5C000, v1  }
0x467: {  	s9 =	sadd.s32 $0xFFFFFFFF, s9;
	s7 =	sor.u32 s8, s7;
	[tilespmem:v42+s5+$0x0 ss:$0x1] =	vst.idx.msk $0xffff, v63;
	v63 =	vadd.s32 $0x60000, v1  }
0x468: {  	p0 =	por $0x1, $0x1;
	s8 =	simm.s32 $0x0;
	[tilespmem:s7+$0x3D80] =	vst v63;
	v63 =	vadd.s32 $0x64000, v1;
	s7 =	simm.s32 $0x40  }
.LBB2_11:
0x469: {  	p1 =	sne.s32 s9, $0x1;
	[tilespmem:v41+s5+$0x0 ss:$0x1] =	vst.idx.msk $0xffff, v63;
	s5 =	sshra.s32 s7, $0x2;
	s8 =	sadd.s32 $0x10, s8  }
0x46a: {  	s9 =	sadd.s32 $0xFFFFFFFF, s9;
	v1 =	vld [tilespmem:s5+$0x480];
	_ =	sdelay $0x3  }
0x46b: {  	s12 =	sadd.s32 s8, s4  }
0x46c: {  	s12 =	sand.u32 $0xFFFFFFF0, s12;
	[tilespmem:s5+$0x3D80] =	vst v1;
	v63 =	vadd.s32 $0x4000, v1  }
0x46d: {  	[tilespmem:s12+$0x3D80] =	vst v63;
	v63 =	vadd.s32 $0x8000, v1  }
0x46e: {  	[tilespmem:v61+s5+$0x0 ss:$0x1] =	vst.idx.msk $0xffff, v63;
	v63 =	vadd.s32 $0xC000, v1  }
0x46f: {  	[tilespmem:v62+s5+$0x0 ss:$0x1] =	vst.idx.msk $0xffff, v63;
	v63 =	vadd.s32 $0x10000, v1  }
0x470: {  	[tilespmem:v58+s5+$0x0 ss:$0x1] =	vst.idx.msk $0xffff, v63;
	v63 =	vadd.s32 $0x14000, v1  }
0x471: {  	s12 =	sadd.s32 s8, s21;
	[tilespmem:v59+s5+$0x0 ss:$0x1] =	vst.idx.msk $0xffff, v63;
	v63 =	vadd.s32 $0x18000, v1  }
0x472: {  	s13 =	sand.u32 $0x70, s8;
	s12 =	sand.u32 $0xFFFFFF80, s12;
	[tilespmem:v60+s5+$0x0 ss:$0x1] =	vst.idx.msk $0xffff, v63;
	v63 =	vadd.s32 $0x1C000, v1  }
0x473: {  	s12 =	sor.u32 s13, s12;
	[tilespmem:v57+s5+$0x0 ss:$0x1] =	vst.idx.msk $0xffff, v63;
	v63 =	vadd.s32 $0x20000, v1  }
0x474: {  	[tilespmem:s12+$0x3D80] =	vst v63;
	v63 =	vadd.s32 $0x24000, v1  }
0x475: {  	[tilespmem:v47+s5+$0x0 ss:$0x1] =	vst.idx.msk $0xffff, v63;
	v63 =	vadd.s32 $0x28000, v1  }
0x476: {  	[tilespmem:v53+s5+$0x0 ss:$0x1] =	vst.idx.msk $0xffff, v63;
	v63 =	vadd.s32 $0x2C000, v1  }
0x477: {  	[tilespmem:v48+s5+$0x0 ss:$0x1] =	vst.idx.msk $0xffff, v63;
	v63 =	vadd.s32 $0x30000, v1  }
0x478: {  	[tilespmem:v43+s5+$0x0 ss:$0x1] =	vst.idx.msk $0xffff, v63;
	v63 =	vadd.s32 $0x34000, v1  }
0x479: {  	[tilespmem:v54+s5+$0x0 ss:$0x1] =	vst.idx.msk $0xffff, v63;
	v63 =	vadd.s32 $0x38000, v1  }
0x47a: {  	[tilespmem:v49+s5+$0x0 ss:$0x1] =	vst.idx.msk $0xffff, v63;
	v63 =	vadd.s32 $0x3C000, v1  }
0x47b: {  	[tilespmem:v44+s5+$0x0 ss:$0x1] =	vst.idx.msk $0xffff, v63;
	v63 =	vadd.s32 $0x40000, v1  }
0x47c: {  	[tilespmem:v55+s5+$0x0 ss:$0x1] =	vst.idx.msk $0xffff, v63;
	v63 =	vadd.s32 $0x44000, v1  }
0x47d: {  	[tilespmem:v50+s5+$0x0 ss:$0x1] =	vst.idx.msk $0xffff, v63;
	v63 =	vadd.s32 $0x48000, v1  }
0x47e: {  	[tilespmem:v45+s5+$0x0 ss:$0x1] =	vst.idx.msk $0xffff, v63;
	v63 =	vadd.s32 $0x4C000, v1  }
0x47f: {  	[tilespmem:v56+s5+$0x0 ss:$0x1] =	vst.idx.msk $0xffff, v63;
	v63 =	vadd.s32 $0x50000, v1  }
.Ltmp9:
0x480: {  	[tilespmem:v51+s5+$0x0 ss:$0x1] =	vst.idx.msk $0xffff, v63;
	v63 =	vadd.s32 $0x54000, v1;
	(pc) =	sbr.rel @p1 .LBB2_11-.Ltmp9, $4  }
0x481: {  	s12 =	sadd.s32 s8, s0;
	[tilespmem:v46+s5+$0x0 ss:$0x1] =	vst.idx.msk $0xffff, v63;
	v63 =	vadd.s32 $0x58000, v1  }
0x482: {  	s12 =	sand.u32 $0xFFFFFF80, s12;
	[tilespmem:v52+s5+$0x0 ss:$0x1] =	vst.idx.msk $0xffff, v63;
	v63 =	vadd.s32 $0x5C000, v1  }
0x483: {  	s12 =	sor.u32 s13, s12;
	[tilespmem:v42+s5+$0x0 ss:$0x1] =	vst.idx.msk $0xffff, v63;
	v63 =	vadd.s32 $0x60000, v1  }
0x484: {  	s7 =	sadd.s32 $0x40, s7;
	[tilespmem:s12+$0x3D80] =	vst v63;
	v63 =	vadd.s32 $0x64000, v1  }
.LBB2_12:
0x485: {  	_ =	sdelay $0x3  }
0x486: {  	s7 =	sshra.s32 s7, $0x2;
	[tilespmem:v41+s5+$0x0 ss:$0x1] =	vst.idx.msk @p0 $0xffff, v63  }
0x487: {  	v1 =	vld [tilespmem:s7+$0x480];
	_ =	sdelay $0x1  }
0x488: {  	s5 =	sadd.s32 @p0 $0x10, s8  }
0x489: {  	s2 =	smov.u32 @p0 s5  }
0x48a: {  	s4 =	sadd.s32 s2, s4  }
0x48b: {  	s4 =	sand.u32 $0xFFFFFFF0, s4;
	[tilespmem:s7+$0x3D80] =	vst v1;
	v63 =	vadd.s32 $0x4000, v1  }
0x48c: {  	[tilespmem:s4+$0x3D80] =	vst v63;
	v63 =	vadd.s32 $0x8000, v1  }
0x48d: {  	[tilespmem:v61+s7+$0x0 ss:$0x1] =	vst.idx.msk $0xffff, v63;
	v61 =	vadd.s32 $0xC000, v1  }
0x48e: {  	[tilespmem:v62+s7+$0x0 ss:$0x1] =	vst.idx.msk $0xffff, v61;
	v61 =	vadd.s32 $0x10000, v1  }
0x48f: {  	v63 =	vadd.s32 $0x14000, v1;
	[tilespmem:v58+s7+$0x0 ss:$0x1] =	vst.idx.msk $0xffff, v61  }
0x490: {  	s31 =	sadd.s32 s2, s21;
	v61 =	vadd.s32 $0x18000, v1;
	[tilespmem:v59+s7+$0x0 ss:$0x1] =	vst.idx.msk $0xffff, v63  }
0x491: {  	s5 =	sand.u32 $0x70, s2;
	s4 =	sand.u32 $0xFFFFFF80, s31;
	v62 =	vadd.s32 $0x1C000, v1;
	[tilespmem:v60+s7+$0x0 ss:$0x1] =	vst.idx.msk $0xffff, v61  }
0x492: {  	s4 =	sor.u32 s5, s4;
	v63 =	vadd.s32 $0x20000, v1;
	[tilespmem:v57+s7+$0x0 ss:$0x1] =	vst.idx.msk $0xffff, v62  }
0x493: {  	v60 =	vadd.s32 $0x24000, v1;
	[tilespmem:s4+$0x3D80] =	vst v63  }
0x494: {  	v61 =	vadd.s32 $0x28000, v1;
	[tilespmem:v47+s7+$0x0 ss:$0x1] =	vst.idx.msk $0xffff, v60  }
0x495: {  	v62 =	vadd.s32 $0x2C000, v1;
	[tilespmem:v53+s7+$0x0 ss:$0x1] =	vst.idx.msk $0xffff, v61  }
0x496: {  	v63 =	vadd.s32 $0x30000, v1;
	[tilespmem:v48+s7+$0x0 ss:$0x1] =	vst.idx.msk $0xffff, v62  }
0x497: {  	v47 =	vadd.s32 $0x34000, v1;
	[tilespmem:v43+s7+$0x0 ss:$0x1] =	vst.idx.msk $0xffff, v63  }
0x498: {  	v48 =	vadd.s32 $0x38000, v1;
	[tilespmem:v54+s7+$0x0 ss:$0x1] =	vst.idx.msk $0xffff, v47  }
0x499: {  	v53 =	vadd.s32 $0x3C000, v1;
	[tilespmem:v49+s7+$0x0 ss:$0x1] =	vst.idx.msk $0xffff, v48  }
0x49a: {  	v54 =	vadd.s32 $0x40000, v1;
	[tilespmem:v44+s7+$0x0 ss:$0x1] =	vst.idx.msk $0xffff, v53  }
0x49b: {  	[tilespmem:v55+s7+$0x0 ss:$0x1] =	vst.idx.msk $0xffff, v54;
	v55 =	vadd.s32 $0x44000, v1  }
0x49c: {  	v57 =	vadd.s32 $0x48000, v1;
	[tilespmem:v50+s7+$0x0 ss:$0x1] =	vst.idx.msk $0xffff, v55  }
0x49d: {  	v58 =	vadd.s32 $0x4C000, v1;
	[tilespmem:v45+s7+$0x0 ss:$0x1] =	vst.idx.msk $0xffff, v57  }
0x49e: {  	v59 =	vadd.s32 $0x50000, v1;
	[tilespmem:v56+s7+$0x0 ss:$0x1] =	vst.idx.msk $0xffff, v58  }
0x49f: {  	v60 =	vadd.s32 $0x54000, v1;
	[tilespmem:v51+s7+$0x0 ss:$0x1] =	vst.idx.msk $0xffff, v59  }
0x4a0: {  	s0 =	sadd.s32 s2, s0;
	v61 =	vadd.s32 $0x58000, v1;
	[tilespmem:v46+s7+$0x0 ss:$0x1] =	vst.idx.msk $0xffff, v60  }
0x4a1: {  	s0 =	sand.u32 $0xFFFFFF80, s0;
	v62 =	vadd.s32 $0x5C000, v1;
	[tilespmem:v52+s7+$0x0 ss:$0x1] =	vst.idx.msk $0xffff, v61  }
0x4a2: {  	s0 =	sor.u32 s5, s0;
	v63 =	vadd.s32 $0x60000, v1;
	[tilespmem:v42+s7+$0x0 ss:$0x1] =	vst.idx.msk $0xffff, v62  }
0x4a3: {  	v1 =	vadd.s32 $0x64000, v1;
	[tilespmem:s0+$0x3D80] =	vst v63  }
0x4a4: {  	[tilespmem:v41+s7+$0x0 ss:$0x1] =	vst.idx.msk $0xffff, v1  }
.LBB2_13:
0x4a5: {  	s4 =	smul.u32 $0x1A, s6  }
0x4a6: {  	s5 =	smul.u32 $0x1A, s20  }
0x4a7: {  	s0 =	sadd.s32 $0x7F, s4;
	[tilespmem:s4+$0x700] =	vst v40  }
0x4a8: {  	s7 =	sadd.s32 $0x7F, s5;
	s2 =	sshra.s32 s0, $0x1F;
	[tilespmem:s5+$0x3D80] =	vst v39  }
0x4a9: {  	s23 =	sshra.s32 s7, $0x1F;
	s22 =	sshrl.u32 s2, $0x19;
	[tilespmem:s4+$0x710] =	vst v40  }
0x4aa: {  	s8 =	sshrl.u32 s23, $0x19;
	s0 =	sadd.s32 s22, s0;
	[tilespmem:s5+$0x3D90] =	vst v39  }
0x4ab: {  	s24 =	sadd.s32 s8, s7;
	s0 =	sshra.s32 s0, $0x7;
	[tilespmem:s4+$0x720] =	vst v40  }
0x4ac: {  	s2 =	sadd.s32 s2, s0;
	[tilespmem:s5+$0x3DA0] =	vst v39;
	s0 =	sshra.s32 s24, $0x7  }
0x4ad: {  	s25 =	sadd.s32 $0x1, s2;
	[tilespmem:s4+$0x730] =	vst v40;
	s0 =	sadd.s32 s23, s0  }
0x4ae: {  	p0 =	slt.s32 s2, $0x0;
	s26 =	sshrl.u32 s25, $0x1F;
	[tilespmem:s5+$0x3DB0] =	vst v39;
	s28 =	sadd.s32 $0x1, s0  }
0x4af: {  	s7 =	sand.u32 $0x1, s25;
	p2 =	slt.s32 s0, $0x0;
	s6 =	sadd.s32 s26, s25;
	[tilespmem:s4+$0x740] =	vst v40  }
0x4b0: {  	s9 =	sand.u32 $0x1, s28;
	p1 =	seq.s32 s7, $0x1;
	s7 =	simm.s32 $0x1;
	[tilespmem:s5+$0x3DC0] =	vst v39  }
0x4b1: {  	s29 =	sshrl.u32 s28, $0x1F;
	p3 =	seq.s32 s9, $0x1;
	p0 =	por !p0, !p1;
	[tilespmem:s4+$0x750] =	vst v40  }
0x4b2: {  	s6 =	sshra.s32 s6, $0x1;
	s8 =	sadd.s32 s29, s28;
	p6 =	por !p2, !p3;
	[tilespmem:s5+$0x3DD0] =	vst v39  }
0x4b3: {  	s9 =	simm.s32 $0x1;
	p0 =	por !p0, !p0;
	p1 =	por !p6, !p6;
	[tilespmem:s4+$0x760] =	vst v40  }
0x4b4: {  	s8 =	sshra.s32 s8, $0x1;
	s7 =	simm.s32 @!p0 $0x0;
	s9 =	simm.s32 @!p1 $0x0;
	[tilespmem:s5+$0x3DE0] =	vst v39  }
0x4b5: {  	s6 =	ssub.s32 s6, s7;
	[tilespmem:s4+$0x770] =	vst v40;
	s4 =	ssub.s32 s8, s9  }
0x4b6: {  	p0 =	sgt.s32 s6, s4  }
0x4b7: {  	s4 =	smov.u32 @p0 s6  }
0x4b8: {  	p0 =	slt.s32 s4, $0x1  }
.Ltmp10:
0x4b9: {  	_ = 	snop;
	(pc) =	sbr.rel @p0 .LBB2_19-.Ltmp10, $4  }
0x4ba: {  	s31 =	simm.s32 $0x7;
	[tilespmem:s5+$0x3DF0] =	vst v39  }
0x4bb: {  	_ =	swait.ge [sflag:s31], $0x4000  }
0x4bc: {  	[sflag:s31] =	ssyncset.done $0x0  }
0x4bd: {  	[sflag:s31] =	ssyncadd.s32 $0xFFFFC000  }
0x4be: {  	s6 =	ssub.s32 $0x0, s4  }
0x4bf: {  	s7 =	sadd.s32 $0x1, s6  }
0x4c0: {  	p2 =	seq.s32 s7, $0x0  }
.Ltmp11:
0x4c1: {  	_ = 	snop;
	(pc) =	sbr.rel @p2 .LBB2_15-.Ltmp11, $4  }
0x4c2: {  	_ = 	snop  }
0x4c3: {  	s4 =	simm.s32 $0x700  }
0x4c4: {  	s5 =	simm.s32 $0x3D80;
	s9 =	simm.s32 $0x0;
	p1 =	sle.s32 s2, $0x0  }
0x4c5: {  	p0 =	sle.s32 s2, $0x1;
	p4 =	por $0x0, $0x0;
	s6 =	simm.s32 $0x1  }
0x4c6: {  	s6 =	simm.s32 @!p1 $0x80;
	s8 =	simm.s32 @!p1 $0x7400  }
0x4c7: {  	s9 =	simm.s32 @!p0 $0xB400;
	p2 =	sle.s32 s0, $0x0;
	p3 =	sle.s32 s0, $0x1  }
0x4c8: {  	[tilespmem:s8], [sflag:$0x1] =	stream.indirect.gather @!p1 [hbm4b:s1+s6], $0x80, s4, s6, $0xb8;
	[tilespmem:$0x13400] =	vst v63  }
0x4c9: {  	s12 =	simm.s32 @!p0 $0x80;
	s13 =	simm.s32 @!p0 $0x780;
	s14 =	simm.s32 @!p3 $0x3E00  }
0x4ca: {  	[tilespmem:s9], [sflag:$0x2] =	stream.indirect.gather @!p0 [hbm4b:s1+s12], $0x80, s13, s12, $0xb8;
	[tilespmem:$0x13400] =	vst v63  }
0x4cb: {  	p3 =	por p3, p3;
	s15 =	simm.s32 @!p2 $0x80;
	s16 =	simm.s32 @!p2 $0xF400  }
0x4cc: {  	[hbm4b:s3+s15] =	stream.indirect.scatter @!p2 [tilespmem:s16], [sflag:$0x3], $0x80, s5, s15, $0xb8;
	[tilespmem:$0x13400] =	vst v63  }
0x4cd: {  	s5 =	simm.s32 @!p3 $0x80;
	s15 =	simm.s32 @!p3 $0xF400;
	s16 =	simm.s32 @!p1 $0x1  }
0x4ce: {  	[hbm4b:s3+s5] =	stream.indirect.scatter @!p3 [tilespmem:s15], [sflag:$0x6], $0x80, s14, s5, $0xb8;
	[tilespmem:$0x13400] =	vst v63  }
0x4cf: {  	_ =	swait.ge @!p1 [sflag:s16], $0x4000  }
0x4d0: {  	[sflag:s16] =	ssyncset.done @!p1 $0x0  }
0x4d1: {  	s5 =	simm.s32 @!p0 $0x2;
	[sflag:s16] =	ssyncadd.s32 @!p1 $0xFFFFC000  }
0x4d2: {  	[hbm4b:s3+s6] =	stream.indirect.scatter @!p1 [tilespmem:s8], [sflag:$0x4], $0x80, s4, s6, $0xb8;
	[tilespmem:$0x13400] =	vst v63  }
0x4d3: {  	_ =	swait.ge @!p0 [sflag:s5], $0x4000  }
0x4d4: {  	[sflag:s5] =	ssyncset.done @!p0 $0x0  }
0x4d5: {  	s4 =	simm.s32 @!p1 $0x4;
	[sflag:s5] =	ssyncadd.s32 @!p0 $0xFFFFC000  }
0x4d6: {  	[hbm4b:s3+s12] =	stream.indirect.scatter @!p0 [tilespmem:s9], [sflag:$0x5], $0x80, s13, s12, $0xb8;
	[tilespmem:$0x13400] =	vst v63  }
0x4d7: {  	_ =	swait.ge @!p1 [sflag:s4], $0x4000  }
0x4d8: {  	s7 =	sadd.s32 $0x1, s7;
	[sflag:s4] =	ssyncset.done @!p1 $0x0  }
0x4d9: {  	p5 =	seq.s32 s7, $0x0;
	s6 =	simm.s32 @!p0 $0x5;
	[sflag:s4] =	ssyncadd.s32 @!p1 $0xFFFFC000  }
.Ltmp12:
0x4da: {  	p4 =	por $0x1, $0x1;
	_ =	swait.ge @!p0 [sflag:s6], $0x4000;
	(pc) =	sbr.rel @p5 .LBB2_18-.Ltmp12, $4  }
0x4db: {  	s8 =	simm.s32 @!p2 $0x3;
	s5 =	simm.s32 $0x3E80;
	[sflag:s6] =	ssyncset.done @!p0 $0x0  }
0x4dc: {  	s9 =	simm.s32 $0x2;
	s12 =	simm.s32 @!p3 $0x6;
	[sflag:s6] =	ssyncadd.s32 @!p0 $0xFFFFC000  }
0x4dd: {  	s4 =	simm.s32 $0x800;
	p1 =	sle.s32 s2, $0x2;
	_ =	swait.ge @!p2 [sflag:s8], $0x4000  }
0x4de: {  	s6 =	simm.s32 $0x3;
	p0 =	sle.s32 s2, $0x3;
	[sflag:s8] =	ssyncset.done @!p2 $0x0  }
.LBB2_17:
0x4df: {  	s13 =	simm.s32 @!p1 $0x80;
	s14 =	simm.s32 @!p1 $0x7400;
	[sflag:s8] =	ssyncadd.s32 @!p2 $0xFFFFC000  }
0x4e0: {  	s8 =	simm.s32 @!p0 $0xB400;
	p2 =	sge.s32 s9, s0;
	_ =	swait.ge @!p3 [sflag:s12], $0x4000  }
0x4e1: {  	s9 =	simm.s32 @!p0 $0x80;
	p5 =	sge.s32 s6, s0;
	[sflag:s12] =	ssyncset.done @!p3 $0x0  }
0x4e2: {  	s15 =	sadd.s32 @!p0 $0x80, s4;
	s16 =	sadd.s32 @!p5 $0x80, s5;
	[sflag:s12] =	ssyncadd.s32 @!p3 $0xFFFFC000  }
0x4e3: {  	[tilespmem:s14], [sflag:$0x1] =	stream.indirect.gather @!p1 [hbm4b:s1+s13], $0x80, s4, s13, $0xb8;
	[tilespmem:$0x13400] =	vst v63  }
0x4e4: {  	s7 =	sadd.s32 $0x1, s7;
	p3 =	por p5, p5  }
0x4e5: {  	[tilespmem:s8], [sflag:$0x2] =	stream.indirect.gather @!p0 [hbm4b:s1+s9], $0x80, s15, s9, $0xb8;
	[tilespmem:$0x13400] =	vst v63  }
0x4e6: {  	s17 =	simm.s32 @!p2 $0xF400;
	s12 =	simm.s32 @!p2 $0x80;
	s18 =	simm.s32 @!p3 $0x80  }
0x4e7: {  	[hbm4b:s3+s12] =	stream.indirect.scatter @!p2 [tilespmem:s17], [sflag:$0x3], $0x80, s5, s12, $0xb8;
	[tilespmem:$0x13400] =	vst v63  }
0x4e8: {  	p5 =	seq.s32 s7, $0x0;
	s12 =	simm.s32 @!p3 $0xF400;
	s17 =	simm.s32 @!p1 $0x1  }
0x4e9: {  	[hbm4b:s3+s18] =	stream.indirect.scatter @!p3 [tilespmem:s12], [sflag:$0x6], $0x80, s16, s18, $0xb8;
	[tilespmem:$0x13400] =	vst v63  }
0x4ea: {  	s12 =	simm.s32 @!p0 $0x2;
	_ =	swait.ge @!p1 [sflag:s17], $0x4000  }
0x4eb: {  	[sflag:s17] =	ssyncset.done @!p1 $0x0  }
0x4ec: {  	[sflag:s17] =	ssyncadd.s32 @!p1 $0xFFFFC000  }
0x4ed: {  	[hbm4b:s3+s13] =	stream.indirect.scatter @!p1 [tilespmem:s14], [sflag:$0x4], $0x80, s4, s13, $0xb8;
	[tilespmem:$0x13400] =	vst v63  }
0x4ee: {  	_ =	swait.ge @!p0 [sflag:s12], $0x4000  }
0x4ef: {  	[sflag:s12] =	ssyncset.done @!p0 $0x0  }
0x4f0: {  	[sflag:s12] =	ssyncadd.s32 @!p0 $0xFFFFC000;
	s12 =	simm.s32 @!p1 $0x4  }
0x4f1: {  	[hbm4b:s3+s9] =	stream.indirect.scatter @!p0 [tilespmem:s8], [sflag:$0x5], $0x80, s15, s9, $0xb8;
	[tilespmem:$0x13400] =	vst v63  }
0x4f2: {  	s9 =	simm.s32 @!p0 $0x5;
	_ =	swait.ge @!p1 [sflag:s12], $0x4000  }
0x4f3: {  	[sflag:s12] =	ssyncset.done @!p1 $0x0  }
0x4f4: {  	s8 =	simm.s32 @!p2 $0x3;
	[sflag:s12] =	ssyncadd.s32 @!p1 $0xFFFFC000  }
.Ltmp13:
0x4f5: {  	_ =	swait.ge @!p0 [sflag:s9], $0x4000;
	(pc) =	sbr.rel @!p5 .LBB2_17-.Ltmp13, $4  }
0x4f6: {  	s5 =	sadd.s32 $0x100, s5;
	[sflag:s9] =	ssyncset.done @!p0 $0x0  }
0x4f7: {  	s6 =	sadd.s32 $0x2, s6;
	s4 =	sadd.s32 $0x100, s4;
	[sflag:s9] =	ssyncadd.s32 @!p0 $0xFFFFC000  }
0x4f8: {  	s12 =	simm.s32 @!p3 $0x6;
	s9 =	sadd.s32 $0xFFFFFFFF, s6;
	_ =	swait.ge @!p2 [sflag:s8], $0x4000  }
0x4f9: {  	p0 =	sge.s32 s6, s2;
	p1 =	sge.s32 s9, s2;
	[sflag:s8] =	ssyncset.done @!p2 $0x0  }
.Ltmp14:
0x4fa: {  	_ = 	snop;
	(pc) =	sbr.rel .LBB2_18-.Ltmp14, $1  }
0x4fb: {  	_ =	sdelay $0x3  }
.LBB2_4:
.Ltmp15:
0x4fc: {  	(pc) =	sbr.rel .LBB2_6-.Ltmp15, $2  }
0x4fd: {  	_ =	sdelay $0x2  }
0x4fe: {  	s28 =	simm.s32 $0x0  }
.LBB2_10:
.Ltmp16:
0x4ff: {  	(pc) =	sbr.rel .LBB2_12-.Ltmp16, $2  }
0x500: {  	_ =	sdelay $0x2  }
0x501: {  	s8 =	simm.s32 $0x0  }
.LBB2_20:
0x502: {  	_ =	sfence.sel $0x180000  }
0x503: {  	[bflag:$0x0] =	sbarrier.arrive $0xFFFF  }
0x504: {  	_ =	strace $0x90000047  }
0x505: {  	s0 =	stileid.u32;
	[bflag:$0x2] =	sbarrier.arrive $0xFFFF  }
0x506: {  	p0 =	sne.s32 s0, $0x0;
	s0 =	rddreg [dreg:$0x3]  }
0x507: {  	s0 =	sadd.s32 @!p0 $0x100000, s0  }
0x508: {  	[sflag:s0] =	ssyncadd.tile.s32 @!p0 $0x1;
	_ =	shalt  }
.Lfunc_end2:
_tile_overlayer_lowered:
.L_overlay_start_2:
0x509: {  	(tag) =	ssettag $0x2  }
0x50a: {  	s0 =	rddreg [dreg:$0x0];
	s2 =	stileid.u32  }
0x50b: {  	s1 =	rddreg [dreg:$0x1];
	p0 =	sne.s32 s2, $0x0  }
0x50c: {  	s3 =	rddreg [dreg:$0x2];
	[bflag:$0x3] =	sbarrier.arrive $0xFFFF;
	s2 =	simm.s32 @!p0 $0x1C09  }
0x50d: {  	[timem:s3], [sflag:s2] =	dma.local @!p0 [hbm:s0], s1  }
0x50e: {  	s0 =	simm.s32 @!p0 $0x9  }
0x50f: {  	_ =	swait.ge @!p0 [sflag:s0], s1  }
0x510: {  	s1 =	ssub.s32 @!p0 $0x0, s1;
	[sflag:s0] =	ssyncset.done @!p0 $0x0  }
0x511: {  	[sflag:s0] =	ssyncadd.s32 @!p0 s1  }
0x512: {  	[bflag:$0x3] =	sbarrier.arrive $0xFFFF  }
0x513: {  	_ =	shalt  }

</sc_bundles>
